<compile_context>
chip_gen: v7x
topology: tpu7x:2x2x1
jax: 0.10.2.dev20260603
libtpu: 0.0.44.dev20260713+nightly
codegen_flags: <defaults>
</compile_context>

<pallas_src>
import functools

import jax
import jax.numpy as jnp
from jax import lax
from jax.experimental import pallas as pl
from jax.experimental.pallas import tpu as pltpu
from jax.experimental.pallas import tpu_sc as plsc

H = 128
W = 128
P = H * W
C = 256
CK = 64
NCK = C // CK
PAD = P
WS = 1.0 / P
WR = 2.0 / P
NW = 32
PPT = P // NW
NB = 72
OFFS = [(dy, dx) for dy in (-1, 0, 1) for dx in (-1, 0, 1)]

_mesh = plsc.VectorSubcoreMesh(core_axis_name="c", subcore_axis_name="s")


@functools.partial(
    pl.kernel,
    mesh=_mesh,
    compiler_params=pltpu.CompilerParams(use_tc_tiling_on_sc=False),
    out_type=[
        jax.ShapeDtypeStruct((NCK, 2, P, CK), jnp.float32),
        jax.ShapeDtypeStruct((2, P, 16), jnp.float32),
    ],
    scratch_types=[
        pltpu.VMEM_SHARED((P, CK), jnp.float32),
        pltpu.VMEM_SHARED((P, 16), jnp.float32),
        pltpu.VMEM((PPT,), jnp.int32),
        pltpu.VMEM((PPT,), jnp.int32),
        pltpu.VMEM((PPT,), jnp.int32),
        pltpu.VMEM((PPT,), jnp.int32),
        pltpu.VMEM((NB * 128,), jnp.int32),
        pltpu.VMEM((NB, 128), jnp.int32),
        pltpu.VMEM((128,), jnp.int32),
        pltpu.VMEM((128, CK), jnp.float32),
        pltpu.VMEM((128, CK), jnp.float32),
        pltpu.VMEM((128, 16), jnp.float32),
        pltpu.VMEM((128, 16), jnp.float32),
    ],
)
def _sc_vote(ref8, n1y, n1x, n2y, n2x, zsrc, wtab, acc_out, w_out,
             guide_sp, w_sp, n1y_v, n1x_v, n2y_v, n2x_v, gbuf, tbuf, wibuf,
             rows_v, zrows_v, wrows_v, zw_v):
    cid = lax.axis_index("c")
    sid = lax.axis_index("s")
    wid = sid * 2 + cid
    base = wid * PPT

    pltpu.sync_copy(n1y.at[pl.ds(base, PPT)], n1y_v)
    pltpu.sync_copy(n1x.at[pl.ds(base, PPT)], n1x_v)
    pltpu.sync_copy(n2y.at[pl.ds(base, PPT)], n2y_v)
    pltpu.sync_copy(n2x.at[pl.ds(base, PPT)], n2x_v)
    pltpu.sync_copy(zsrc, zrows_v)

    zv16 = jnp.zeros((16,), jnp.float32)

    def zero_zw(i, carry):
        zw_v[i, pl.ds(0, 16)] = zv16
        return carry

    lax.fori_loop(0, 128, zero_zw, 0)

    iot = lax.iota(jnp.int32, 16)

    for d in range(2):
        ny, nx = (n1y_v, n1x_v) if d == 0 else (n2y_v, n2x_v)
        wv = WS if d == 0 else WR
        for oi, (dy, dx) in enumerate(OFFS):
            q = d * 9 + oi

            def build(j, carry, d=d, dy=dy, dx=dx, q=q, ny=ny, nx=nx, wv=wv):
                p = base + j * 16 + iot
                py = lax.shift_right_logical(p, 7)
                px = lax.bitwise_and(p, W - 1)
                my = ny[pl.ds(j * 16, 16)]
                mx = nx[pl.ds(j * 16, 16)]
                if d == 0:
                    ty = py + dy
                    tx = px + dx
                    gy = my + dy
                    gx = mx + dx
                else:
                    ty = my + dy
                    tx = mx + dx
                    gy = py + dy
                    gx = px + dx
                m = ((ty >= 0) & (ty < H) & (tx >= 0) & (tx < W)
                     & (gy >= 0) & (gy < H) & (gx >= 0) & (gx < W))
                t = jnp.where(m, ty * W + tx, 0)
                g = jnp.where(m, gy * W + gx, PAD)
                gbuf[pl.ds(q * PPT + j * 16, 16)] = g
                b = q * 4 + lax.shift_right_logical(j, 3)
                col = lax.bitwise_and(j, 7) * 16
                tbuf[b, pl.ds(col, 16)] = t
                return carry

            lax.fori_loop(0, PPT // 16, build, 0)

    def zero_slice(k, carry):
        pltpu.sync_copy(zrows_v, guide_sp.at[pl.ds(sid * 1024 + k * 128, 128)])
        return carry

    def zero_wslice(k, carry):
        pltpu.sync_copy(zw_v, w_sp.at[pl.ds(sid * 1024 + k * 128, 128)])
        return carry

    lax.fori_loop(0, 8, zero_slice, 0)
    lax.fori_loop(0, 8, zero_wslice, 0)

    for ck in range(NCK):
        plsc.subcore_barrier()
        if ck == 0:
            def wvote(b, carry, dbase=0):
                def mk(jj, c2):
                    g16 = gbuf[pl.ds(b * 128 + jj * 16, 16)]
                    wibuf[pl.ds(jj * 16, 16)] = jnp.where(
                        g16 == PAD, dbase + 1, dbase)
                    return c2

                lax.fori_loop(0, 8, mk, 0)
                pltpu.sync_copy(wtab.at[wibuf], wrows_v)
                pltpu.sync_copy(wrows_v, w_sp.at[tbuf.at[b]], add=True)
                return carry

            lax.fori_loop(0, NB // 2, wvote, 0)
            lax.fori_loop(NB // 2, NB,
                          functools.partial(wvote, dbase=2), 0)

        def vote(b, carry, ck=ck):
            pltpu.sync_copy(ref8.at[ck].at[gbuf.at[pl.ds(b * 128, 128)]], rows_v)
            pltpu.sync_copy(rows_v, guide_sp.at[tbuf.at[b]], add=True)
            return carry

        def vote2(b, carry, ck=ck):
            pltpu.sync_copy(
                ref8.at[NCK + ck].at[gbuf.at[pl.ds(b * 128, 128)]], rows_v)
            pltpu.sync_copy(rows_v, guide_sp.at[tbuf.at[b]], add=True)
            return carry

        lax.fori_loop(0, NB // 2, vote, 0)
        lax.fori_loop(NB // 2, NB, vote2, 0)
        plsc.subcore_barrier()

        def dump(k, carry, ck=ck):
            off = sid * 1024 + k * 128
            pltpu.sync_copy(guide_sp.at[pl.ds(off, 128)], rows_v)
            pltpu.sync_copy(rows_v, acc_out.at[ck, cid, pl.ds(off, 128)])
            return carry

        lax.fori_loop(0, 8, dump, 0)
        if ck == 0:
            def wdump(k, carry):
                off = sid * 1024 + k * 128
                pltpu.sync_copy(w_sp.at[pl.ds(off, 128)], wrows_v)
                pltpu.sync_copy(wrows_v, w_out.at[cid, pl.ds(off, 128)])
                return carry

            lax.fori_loop(0, 8, wdump, 0)
        if ck < NCK - 1:
            lax.fori_loop(0, 8, zero_slice, 0)


def _merge_body(acc_ref, w_ref, out_ref):
    w = w_ref[0, :, 0] + w_ref[1, :, 0]
    w = jnp.where(w == 0.0, 1.0, w)
    inv = (1.0 / w)[None, :]
    for ck in range(NCK):
        g = acc_ref[ck, 0] + acc_ref[ck, 1]
        out_ref[ck * CK:(ck + 1) * CK, :] = g.T * inv


_merge = pl.pallas_call(
    _merge_body,
    grid=(16,),
    in_specs=[
        pl.BlockSpec((NCK, 2, 1024, CK), lambda i: (0, 0, i, 0)),
        pl.BlockSpec((2, 1024, 16), lambda i: (0, i, 0)),
    ],
    out_specs=pl.BlockSpec((C, 1024), lambda i: (0, i)),
    out_shape=jax.ShapeDtypeStruct((C, P), jnp.float32),
)


def kernel(data_A, data_BP, nnf_sr, nnf_rs, curr_layer):
    refT = data_BP[0].reshape(C, P).T
    ref_pad = jnp.concatenate(
        [refT, jnp.zeros((1, C), jnp.float32)], axis=0)
    ref4 = ref_pad.reshape(P + 1, NCK, CK).transpose(1, 0, 2)
    ref8 = jnp.concatenate([WS * ref4, WR * ref4], axis=0)
    n1y = nnf_sr[..., 0].reshape(P).astype(jnp.int32)
    n1x = nnf_sr[..., 1].reshape(P).astype(jnp.int32)
    n2y = nnf_rs[..., 0].reshape(P).astype(jnp.int32)
    n2x = nnf_rs[..., 1].reshape(P).astype(jnp.int32)
    zsrc = jnp.zeros((128, CK), jnp.float32)
    wtab = jnp.zeros((4, 16), jnp.float32)
    wtab = wtab.at[0].set(WS).at[2].set(WR)

    acc, wparts = _sc_vote(ref8, n1y, n1x, n2y, n2x, zsrc, wtab)
    guide = _merge(acc, wparts).reshape(C, H, W)
    return guide, data_A, data_BP

# --- scband reference (transcript-rebuilt; emitter-appended) ---
"""Pipeline reference for scband-bidirect-nnf-53274774339720 (READ-ONLY COPY).

The authoritative reference and input builder live on the scoring server;
editing this copy changes nothing except your own understanding.
"""

import jax, jax.numpy as jnp
import numpy as np

WEIGHTS = [1.0, 0.8, 0.7, 0.6, 0.1, 0.0]


def normalize(fm):
    response = jnp.sum(fm * fm, axis=1, keepdims=True)
    normed = fm / jnp.sqrt(response)
    response = (response - jnp.min(response)) / (jnp.max(response) - jnp.min(response))
    return normed, response


def blend(response, f_a, r_bp, alpha=0.8, tau=0.05):
    w = (response > tau).astype(f_a.dtype) * alpha
    return f_a * w + r_bp * (1.0 - w)


def bds_vote(ref, nnf_sr, nnf_rs, patch_size=3):
    # Vectorized, mathematically equivalent form of the per-pixel loop:
    # offset (dy,dx) of the 3x3 patch contributes iff both the target pixel
    # (sy+dy, sx+dx) and the matched pixel (ry+dy, rx+dx) are in bounds,
    # which is exactly the dy0/dy1/dx0/dx1 clipping in the original code.
    C, rh, rw = ref.shape
    sh, sw = nnf_sr.shape[0], nnf_sr.shape[1]
    ws = 1.0 / (sh * sw)
    wr = 2.0 / (rh * rw)
    guide = jnp.zeros((C, sh, sw), dtype=ref.dtype)
    weight = jnp.zeros((sh, sw), dtype=ref.dtype)
    half = patch_size // 2

    sy, sx = jnp.meshgrid(jnp.arange(sh), jnp.arange(sw), indexing='ij')
    ry = nnf_sr[..., 0]
    rx = nnf_sr[..., 1]
    for dy in range(-half, half + 1):
        for dx in range(-half, half + 1):
            ty = sy + dy; tx = sx + dx
            gy = ry + dy; gx = rx + dx
            m = ((ty >= 0) & (ty < sh) & (tx >= 0) & (tx < sw)
                 & (gy >= 0) & (gy < rh) & (gx >= 0) & (gx < rw))
            mf = m.astype(ref.dtype)
            tyc = jnp.clip(ty, 0, sh - 1); txc = jnp.clip(tx, 0, sw - 1)
            gyc = jnp.clip(gy, 0, rh - 1); gxc = jnp.clip(gx, 0, rw - 1)
            vals = ref[:, gyc, gxc] * mf[None, :, :]
            guide = guide.at[:, tyc, txc].add(ws * vals)
            weight = weight.at[tyc, txc].add(ws * mf)

    ry2, rx2 = jnp.meshgrid(jnp.arange(rh), jnp.arange(rw), indexing='ij')
    sy2 = nnf_rs[..., 0]
    sx2 = nnf_rs[..., 1]
    for dy in range(-half, half + 1):
        for dx in range(-half, half + 1):
            ty = sy2 + dy; tx = sx2 + dx
            gy = ry2 + dy; gx = rx2 + dx
            m = ((ty >= 0) & (ty < sh) & (tx >= 0) & (tx < sw)
                 & (gy >= 0) & (gy < rh) & (gx >= 0) & (gx < rw))
            mf = m.astype(ref.dtype)
            tyc = jnp.clip(ty, 0, sh - 1); txc = jnp.clip(tx, 0, sw - 1)
            gyc = jnp.clip(gy, 0, rh - 1); gxc = jnp.clip(gx, 0, rw - 1)
            vals = ref[:, gyc, gxc] * mf[None, :, :]
            guide = guide.at[:, tyc, txc].add(wr * vals)
            weight = weight.at[tyc, txc].add(wr * mf)

    weight = jnp.where(weight == 0, jnp.ones_like(weight), weight)
    return guide / weight[None, :, :]


def setup_inputs(seed: int = 0) -> dict:
    key = jax.random.key(seed)
    k1, k2, k3, k4 = jax.random.split(key, 4)
    data_A = jax.random.normal(k1, (1, 256, 128, 128), dtype=jnp.float32)
    data_BP = jax.random.normal(k2, (1, 256, 128, 128), dtype=jnp.float32)
    nnf_sr = jax.random.randint(k3, (128, 128, 2), 0, 128)
    nnf_rs = jax.random.randint(k4, (128, 128, 2), 0, 128)
    return {'data_A': data_A, 'data_BP': data_BP, 'nnf_sr': nnf_sr,
            'nnf_rs': nnf_rs, 'curr_layer': 2}


def reference(data_A, data_BP, nnf_sr, nnf_rs, curr_layer):
    alpha = jnp.asarray(WEIGHTS, dtype=data_A.dtype)[curr_layer]
    Ndata_A, response_A = normalize(data_A)
    Ndata_BP, response_BP = normalize(data_BP)
    # data_AP starts as a deep copy of data_A, data_B as a copy of data_BP
    data_AP = blend(response_A, data_A, data_A, alpha)
    data_B = blend(response_BP, data_BP, data_BP, alpha)
    guide = bds_vote(data_BP[0], nnf_sr, nnf_rs, 3)
    return (guide, data_AP, data_B)

if __name__ == "__main__":
    import jax
    _d = setup_inputs()
    print(jax.jit(kernel)(*tuple(_d.values())))

</pallas_src>

<mosaic_0001>
#map = affine_map<(d0, d1) -> (0, 0, 0)>
#map1 = affine_map<(d0, d1) -> (0)>
#map2 = affine_map<(d0, d1) -> (0, 0)>
#map3 = affine_map<(d0, d1) -> (0, 0, 0, 0)>
module attributes {stable_mosaic.version = 14 : i64} {
  func.func @_sc_vote(%arg0: i32, %arg1: i32, %arg2: memref<8x16385x64xf32, #tpu.memory_space<hbm>>, %arg3: memref<16384xi32, #tpu.memory_space<hbm>>, %arg4: memref<16384xi32, #tpu.memory_space<hbm>>, %arg5: memref<16384xi32, #tpu.memory_space<hbm>>, %arg6: memref<16384xi32, #tpu.memory_space<hbm>>, %arg7: memref<128x64xf32, #tpu.memory_space<hbm>>, %arg8: memref<4x16xf32, #tpu.memory_space<hbm>>, %arg9: memref<4x2x16384x64xf32, #tpu.memory_space<hbm>>, %arg10: memref<2x16384x16xf32, #tpu.memory_space<hbm>>, %arg11: memref<16384x64xf32, #tpu.memory_space<vmem_shared>>, %arg12: memref<16384x16xf32, #tpu.memory_space<vmem_shared>>, %arg13: memref<512xi32, #tpu.memory_space<vmem>>, %arg14: memref<512xi32, #tpu.memory_space<vmem>>, %arg15: memref<512xi32, #tpu.memory_space<vmem>>, %arg16: memref<512xi32, #tpu.memory_space<vmem>>, %arg17: memref<9216xi32, #tpu.memory_space<vmem>>, %arg18: memref<72x128xi32, #tpu.memory_space<vmem>>, %arg19: memref<128xi32, #tpu.memory_space<vmem>>, %arg20: memref<128x64xf32, #tpu.memory_space<vmem>>, %arg21: memref<128x64xf32, #tpu.memory_space<vmem>>, %arg22: memref<128x16xf32, #tpu.memory_space<vmem>>, %arg23: memref<128x16xf32, #tpu.memory_space<vmem>>) attributes {dimension_semantics = [#tpu.dimension_semantics<core_parallel>, #tpu.dimension_semantics<subcore_parallel>], iteration_bounds = array<i64: 2, 16>, scalar_prefetch = 0 : i64, scratch_operands = 13 : i64, tpu.core_type = #tpu.core_type<sc_vector_subcore>, window_params = [{transform_indices = #map}, {transform_indices = #map1}, {transform_indices = #map1}, {transform_indices = #map1}, {transform_indices = #map1}, {transform_indices = #map2}, {transform_indices = #map2}, {transform_indices = #map3}, {transform_indices = #map}]} {
    %mul3A = arith.constant 2 : i32
    %mul3A_0 = arith.muli %arg1, %mul3A : i32
    %add3A = arith.addi %mul3A_0, %arg0 : i32
    %mul3A_1 = arith.constant 512 : i32
    %mul3A_2 = arith.muli %add3A, %mul3A_1 : i32
    "tpu.region"() ({
      %run_scoped3A = tpu.sem_alloc : memref<!tpu.dma_semaphore, #tpu.memory_space<semaphore_mem>>
      %dma_start3A = tpu.memref_slice %arg3[%mul3A_2] : memref<16384xi32, #tpu.memory_space<hbm>> -> memref<512xi32, #tpu.memory_space<hbm>>
      %dma_start3A_244 = tpu.memref_slice %arg3[%mul3A_2] : memref<16384xi32, #tpu.memory_space<hbm>> -> memref<512xi32, #tpu.memory_space<hbm>>
      tpu.enqueue_dma source(%dma_start3A_244 : memref<512xi32, #tpu.memory_space<hbm>>) target(%arg13 : memref<512xi32, #tpu.memory_space<vmem>>) target_semaphore(%run_scoped3A : memref<!tpu.dma_semaphore, #tpu.memory_space<semaphore_mem>>)
      %dma_wait3A = tpu.memref_slice %arg3[%mul3A_2] : memref<16384xi32, #tpu.memory_space<hbm>> -> memref<512xi32, #tpu.memory_space<hbm>>
      %dma_wait3A_245 = tpu.memref_slice %arg3[%mul3A_2] : memref<16384xi32, #tpu.memory_space<hbm>> -> memref<512xi32, #tpu.memory_space<hbm>>
      tpu.wait_dma2 semaphore(%run_scoped3A : memref<!tpu.dma_semaphore, #tpu.memory_space<semaphore_mem>>) src(%dma_wait3A_245 : memref<512xi32, #tpu.memory_space<hbm>>) dst(%arg13 : memref<512xi32, #tpu.memory_space<vmem>>)
      tpu.yield
    }) : () -> ()
    "tpu.region"() ({
      %run_scoped3A = tpu.sem_alloc : memref<!tpu.dma_semaphore, #tpu.memory_space<semaphore_mem>>
      %dma_start3A = tpu.memref_slice %arg4[%mul3A_2] : memref<16384xi32, #tpu.memory_space<hbm>> -> memref<512xi32, #tpu.memory_space<hbm>>
      %dma_start3A_244 = tpu.memref_slice %arg4[%mul3A_2] : memref<16384xi32, #tpu.memory_space<hbm>> -> memref<512xi32, #tpu.memory_space<hbm>>
      tpu.enqueue_dma source(%dma_start3A_244 : memref<512xi32, #tpu.memory_space<hbm>>) target(%arg14 : memref<512xi32, #tpu.memory_space<vmem>>) target_semaphore(%run_scoped3A : memref<!tpu.dma_semaphore, #tpu.memory_space<semaphore_mem>>)
      %dma_wait3A = tpu.memref_slice %arg4[%mul3A_2] : memref<16384xi32, #tpu.memory_space<hbm>> -> memref<512xi32, #tpu.memory_space<hbm>>
      %dma_wait3A_245 = tpu.memref_slice %arg4[%mul3A_2] : memref<16384xi32, #tpu.memory_space<hbm>> -> memref<512xi32, #tpu.memory_space<hbm>>
      tpu.wait_dma2 semaphore(%run_scoped3A : memref<!tpu.dma_semaphore, #tpu.memory_space<semaphore_mem>>) src(%dma_wait3A_245 : memref<512xi32, #tpu.memory_space<hbm>>) dst(%arg14 : memref<512xi32, #tpu.memory_space<vmem>>)
      tpu.yield
    }) : () -> ()
    "tpu.region"() ({
      %run_scoped3A = tpu.sem_alloc : memref<!tpu.dma_semaphore, #tpu.memory_space<semaphore_mem>>
      %dma_start3A = tpu.memref_slice %arg5[%mul3A_2] : memref<16384xi32, #tpu.memory_space<hbm>> -> memref<512xi32, #tpu.memory_space<hbm>>
      %dma_start3A_244 = tpu.memref_slice %arg5[%mul3A_2] : memref<16384xi32, #tpu.memory_space<hbm>> -> memref<512xi32, #tpu.memory_space<hbm>>
      tpu.enqueue_dma source(%dma_start3A_244 : memref<512xi32, #tpu.memory_space<hbm>>) target(%arg15 : memref<512xi32, #tpu.memory_space<vmem>>) target_semaphore(%run_scoped3A : memref<!tpu.dma_semaphore, #tpu.memory_space<semaphore_mem>>)
      %dma_wait3A = tpu.memref_slice %arg5[%mul3A_2] : memref<16384xi32, #tpu.memory_space<hbm>> -> memref<512xi32, #tpu.memory_space<hbm>>
      %dma_wait3A_245 = tpu.memref_slice %arg5[%mul3A_2] : memref<16384xi32, #tpu.memory_space<hbm>> -> memref<512xi32, #tpu.memory_space<hbm>>
      tpu.wait_dma2 semaphore(%run_scoped3A : memref<!tpu.dma_semaphore, #tpu.memory_space<semaphore_mem>>) src(%dma_wait3A_245 : memref<512xi32, #tpu.memory_space<hbm>>) dst(%arg15 : memref<512xi32, #tpu.memory_space<vmem>>)
      tpu.yield
    }) : () -> ()
    "tpu.region"() ({
      %run_scoped3A = tpu.sem_alloc : memref<!tpu.dma_semaphore, #tpu.memory_space<semaphore_mem>>
      %dma_start3A = tpu.memref_slice %arg6[%mul3A_2] : memref<16384xi32, #tpu.memory_space<hbm>> -> memref<512xi32, #tpu.memory_space<hbm>>
      %dma_start3A_244 = tpu.memref_slice %arg6[%mul3A_2] : memref<16384xi32, #tpu.memory_space<hbm>> -> memref<512xi32, #tpu.memory_space<hbm>>
      tpu.enqueue_dma source(%dma_start3A_244 : memref<512xi32, #tpu.memory_space<hbm>>) target(%arg16 : memref<512xi32, #tpu.memory_space<vmem>>) target_semaphore(%run_scoped3A : memref<!tpu.dma_semaphore, #tpu.memory_space<semaphore_mem>>)
      %dma_wait3A = tpu.memref_slice %arg6[%mul3A_2] : memref<16384xi32, #tpu.memory_space<hbm>> -> memref<512xi32, #tpu.memory_space<hbm>>
      %dma_wait3A_245 = tpu.memref_slice %arg6[%mul3A_2] : memref<16384xi32, #tpu.memory_space<hbm>> -> memref<512xi32, #tpu.memory_space<hbm>>
      tpu.wait_dma2 semaphore(%run_scoped3A : memref<!tpu.dma_semaphore, #tpu.memory_space<semaphore_mem>>) src(%dma_wait3A_245 : memref<512xi32, #tpu.memory_space<hbm>>) dst(%arg16 : memref<512xi32, #tpu.memory_space<vmem>>)
      tpu.yield
    }) : () -> ()
    "tpu.region"() ({
      %run_scoped3A = tpu.sem_alloc : memref<!tpu.dma_semaphore, #tpu.memory_space<semaphore_mem>>
      tpu.enqueue_dma source(%arg7 : memref<128x64xf32, #tpu.memory_space<hbm>>) target(%arg21 : memref<128x64xf32, #tpu.memory_space<vmem>>) target_semaphore(%run_scoped3A : memref<!tpu.dma_semaphore, #tpu.memory_space<semaphore_mem>>)
      tpu.wait_dma2 semaphore(%run_scoped3A : memref<!tpu.dma_semaphore, #tpu.memory_space<semaphore_mem>>) src(%arg7 : memref<128x64xf32, #tpu.memory_space<hbm>>) dst(%arg21 : memref<128x64xf32, #tpu.memory_space<vmem>>)
      tpu.yield
    }) : () -> ()
    %broadcast_in_dim3A = arith.constant 0.000000e+00 : f32
    %broadcast_in_dim3A_3 = vector.broadcast %broadcast_in_dim3A : f32 to vector<16xf32>
    %scan3A = arith.constant 0 : i32
    %scan3A_4 = arith.constant 0 : i32
    %scan3A_5 = arith.constant 128 : i32
    %scan3A_6 = arith.addi %scan3A_4, %scan3A_5 : i32
    %scan3A_7 = arith.constant 1 : i32
    scf.for %scan3A_244 = %scan3A_4 to %scan3A_6 step %scan3A_7  : i32 {
      %swap3A = arith.index_cast %scan3A_244 : i32 to index
      %swap3A_245 = arith.constant 0 : index
      %swap3A_246 = tpu.vector_load %arg23[%swap3A, %swap3A_245] {strides = array<i32>} : memref<128x16xf32, #tpu.memory_space<vmem>>, vector<1x16xf32>,
      %swap3A_247 = vector.shape_cast %swap3A_246 : vector<1x16xf32> to vector<16xf32>
      %swap3A_248 = vector.shape_cast %broadcast_in_dim3A_3 : vector<16xf32> to vector<1x16xf32>
      tpu.vector_store %arg23[%swap3A, %swap3A_245], %swap3A_248 {strides = array<i32>} : memref<128x16xf32, #tpu.memory_space<vmem>>, vector<1x16xf32>,
    }
    %scan3A_8 = arith.constant 128 : i32
    %iota3A = tpu.iota {dimensions = array<i32: 0>} : vector<16xi32>
    %scan3A_9 = arith.constant 0 : i32
    %scan3A_10 = arith.constant 0 : i32
    %scan3A_11 = arith.constant 32 : i32
    %scan3A_12 = arith.addi %scan3A_10, %scan3A_11 : i32
    %scan3A_13 = arith.constant 1 : i32
    scf.for %scan3A_244 = %scan3A_10 to %scan3A_12 step %scan3A_13  : i32 {
      %mul3A_245 = arith.constant 16 : i32
      %mul3A_246 = arith.muli %scan3A_244, %mul3A_245 : i32
      %add3A_247 = arith.addi %mul3A_2, %mul3A_246 : i32
      %add3A_248 = vector.broadcast %add3A_247 : i32 to vector<16xi32>
      %add3A_249 = arith.addi %add3A_248, %iota3A : vector<16xi32>
      %shift_right_logical3A = arith.constant 7 : i32
      %shift_right_logical3A_250 = vector.broadcast %shift_right_logical3A : i32 to vector<16xi32>
      %shift_right_logical3A_251 = arith.shrui %add3A_249, %shift_right_logical3A_250 : vector<16xi32>
      %and3A = arith.constant 127 : i32
      %and3A_252 = vector.broadcast %and3A : i32 to vector<16xi32>
      %and3A_253 = arith.andi %add3A_249, %and3A_252 : vector<16xi32>
      %mul3A_254 = arith.constant 16 : i32
      %mul3A_255 = arith.muli %scan3A_244, %mul3A_254 : i32
      %get3A = arith.index_cast %mul3A_255 : i32 to index
      %get3A_256 = tpu.vector_load %arg13[%get3A] {strides = array<i32>} : memref<512xi32, #tpu.memory_space<vmem>>, vector<16xi32>,
      %get3A_257 = vector.shape_cast %get3A_256 : vector<16xi32> to vector<16xi32>
      %mul3A_258 = arith.constant 16 : i32
      %mul3A_259 = arith.muli %scan3A_244, %mul3A_258 : i32
      %get3A_260 = arith.index_cast %mul3A_259 : i32 to index
      %get3A_261 = tpu.vector_load %arg14[%get3A_260] {strides = array<i32>} : memref<512xi32, #tpu.memory_space<vmem>>, vector<16xi32>,
      %get3A_262 = vector.shape_cast %get3A_261 : vector<16xi32> to vector<16xi32>
      %add3A_263 = arith.constant -1 : i32
      %add3A_264 = vector.broadcast %add3A_263 : i32 to vector<16xi32>
      %add3A_265 = arith.addi %shift_right_logical3A_251, %add3A_264 : vector<16xi32>
      %add3A_266 = arith.constant -1 : i32
      %add3A_267 = vector.broadcast %add3A_266 : i32 to vector<16xi32>
      %add3A_268 = arith.addi %and3A_253, %add3A_267 : vector<16xi32>
      %add3A_269 = arith.constant -1 : i32
      %add3A_270 = vector.broadcast %add3A_269 : i32 to vector<16xi32>
      %add3A_271 = arith.addi %get3A_257, %add3A_270 : vector<16xi32>
      %add3A_272 = arith.constant -1 : i32
      %add3A_273 = vector.broadcast %add3A_272 : i32 to vector<16xi32>
      %add3A_274 = arith.addi %get3A_262, %add3A_273 : vector<16xi32>
      %ge3A = arith.constant 0 : i32
      %ge3A_275 = vector.broadcast %ge3A : i32 to vector<16xi32>
      %ge3A_276 = arith.cmpi sge, %add3A_265, %ge3A_275 : vector<16xi32>
      %lt3A = arith.constant 128 : i32
      %lt3A_277 = vector.broadcast %lt3A : i32 to vector<16xi32>
      %lt3A_278 = arith.cmpi slt, %add3A_265, %lt3A_277 : vector<16xi32>
      %and3A_279 = arith.andi %ge3A_276, %lt3A_278 : vector<16xi1>
      %ge3A_280 = arith.constant 0 : i32
      %ge3A_281 = vector.broadcast %ge3A_280 : i32 to vector<16xi32>
      %ge3A_282 = arith.cmpi sge, %add3A_268, %ge3A_281 : vector<16xi32>
      %and3A_283 = arith.andi %and3A_279, %ge3A_282 : vector<16xi1>
      %lt3A_284 = arith.constant 128 : i32
      %lt3A_285 = vector.broadcast %lt3A_284 : i32 to vector<16xi32>
      %lt3A_286 = arith.cmpi slt, %add3A_268, %lt3A_285 : vector<16xi32>
      %and3A_287 = arith.andi %and3A_283, %lt3A_286 : vector<16xi1>
      %ge3A_288 = arith.constant 0 : i32
      %ge3A_289 = vector.broadcast %ge3A_288 : i32 to vector<16xi32>
      %ge3A_290 = arith.cmpi sge, %add3A_271, %ge3A_289 : vector<16xi32>
      %and3A_291 = arith.andi %and3A_287, %ge3A_290 : vector<16xi1>
      %lt3A_292 = arith.constant 128 : i32
      %lt3A_293 = vector.broadcast %lt3A_292 : i32 to vector<16xi32>
      %lt3A_294 = arith.cmpi slt, %add3A_271, %lt3A_293 : vector<16xi32>
      %and3A_295 = arith.andi %and3A_291, %lt3A_294 : vector<16xi1>
      %ge3A_296 = arith.constant 0 : i32
      %ge3A_297 = vector.broadcast %ge3A_296 : i32 to vector<16xi32>
      %ge3A_298 = arith.cmpi sge, %add3A_274, %ge3A_297 : vector<16xi32>
      %and3A_299 = arith.andi %and3A_295, %ge3A_298 : vector<16xi1>
      %lt3A_300 = arith.constant 128 : i32
      %lt3A_301 = vector.broadcast %lt3A_300 : i32 to vector<16xi32>
      %lt3A_302 = arith.cmpi slt, %add3A_274, %lt3A_301 : vector<16xi32>
      %and3A_303 = arith.andi %and3A_299, %lt3A_302 : vector<16xi1>
      %mul3A_304 = arith.constant 128 : i32
      %mul3A_305 = vector.broadcast %mul3A_304 : i32 to vector<16xi32>
      %mul3A_306 = arith.muli %add3A_265, %mul3A_305 : vector<16xi32>
      %add3A_307 = arith.addi %mul3A_306, %add3A_268 : vector<16xi32>
      %jit3A = arith.constant 0 : i32
      %broadcast_in_dim3A_308 = vector.broadcast %jit3A : i32 to vector<16xi32>
      %select_n3A = arith.select %and3A_303, %add3A_307, %broadcast_in_dim3A_308 : vector<16xi1>, vector<16xi32>
      %mul3A_309 = arith.constant 128 : i32
      %mul3A_310 = vector.broadcast %mul3A_309 : i32 to vector<16xi32>
      %mul3A_311 = arith.muli %add3A_271, %mul3A_310 : vector<16xi32>
      %add3A_312 = arith.addi %mul3A_311, %add3A_274 : vector<16xi32>
      %jit3A_313 = arith.constant 16384 : i32
      %broadcast_in_dim3A_314 = vector.broadcast %jit3A_313 : i32 to vector<16xi32>
      %select_n3A_315 = arith.select %and3A_303, %add3A_312, %broadcast_in_dim3A_314 : vector<16xi1>, vector<16xi32>
      %mul3A_316 = arith.constant 16 : i32
      %mul3A_317 = arith.muli %scan3A_244, %mul3A_316 : i32
      %add3A_318 = arith.constant 0 : i32
      %add3A_319 = arith.addi %add3A_318, %mul3A_317 : i32
      %swap3A = arith.index_cast %add3A_319 : i32 to index
      %swap3A_320 = tpu.vector_load %arg17[%swap3A] {strides = array<i32>} : memref<9216xi32, #tpu.memory_space<vmem>>, vector<16xi32>,
      %swap3A_321 = vector.shape_cast %swap3A_320 : vector<16xi32> to vector<16xi32>
      %swap3A_322 = vector.shape_cast %select_n3A_315 : vector<16xi32> to vector<16xi32>
      tpu.vector_store %arg17[%swap3A], %swap3A_322 {strides = array<i32>} : memref<9216xi32, #tpu.memory_space<vmem>>, vector<16xi32>,
      %shift_right_logical3A_323 = arith.constant 3 : i32
      %shift_right_logical3A_324 = arith.shrui %scan3A_244, %shift_right_logical3A_323 : i32
      %add3A_325 = arith.constant 0 : i32
      %add3A_326 = arith.addi %add3A_325, %shift_right_logical3A_324 : i32
      %and3A_327 = arith.constant 7 : i32
      %and3A_328 = arith.andi %scan3A_244, %and3A_327 : i32
      %mul3A_329 = arith.constant 16 : i32
      %mul3A_330 = arith.muli %and3A_328, %mul3A_329 : i32
      %swap3A_331 = arith.index_cast %add3A_326 : i32 to index
      %swap3A_332 = arith.index_cast %mul3A_330 : i32 to index
      %swap3A_333 = tpu.vector_load %arg18[%swap3A_331, %swap3A_332] {strides = array<i32>} : memref<72x128xi32, #tpu.memory_space<vmem>>, vector<1x16xi32>,
      %swap3A_334 = vector.shape_cast %swap3A_333 : vector<1x16xi32> to vector<16xi32>
      %swap3A_335 = vector.shape_cast %select_n3A : vector<16xi32> to vector<1x16xi32>
      tpu.vector_store %arg18[%swap3A_331, %swap3A_332], %swap3A_335 {strides = array<i32>} : memref<72x128xi32, #tpu.memory_space<vmem>>, vector<1x16xi32>,
    }
    %scan3A_14 = arith.constant 32 : i32
    %scan3A_15 = arith.constant 0 : i32
    %scan3A_16 = arith.constant 0 : i32
    %scan3A_17 = arith.constant 32 : i32
    %scan3A_18 = arith.addi %scan3A_16, %scan3A_17 : i32
    %scan3A_19 = arith.constant 1 : i32
    scf.for %scan3A_244 = %scan3A_16 to %scan3A_18 step %scan3A_19  : i32 {
      %mul3A_245 = arith.constant 16 : i32
      %mul3A_246 = arith.muli %scan3A_244, %mul3A_245 : i32
      %add3A_247 = arith.addi %mul3A_2, %mul3A_246 : i32
      %add3A_248 = vector.broadcast %add3A_247 : i32 to vector<16xi32>
      %add3A_249 = arith.addi %add3A_248, %iota3A : vector<16xi32>
      %shift_right_logical3A = arith.constant 7 : i32
      %shift_right_logical3A_250 = vector.broadcast %shift_right_logical3A : i32 to vector<16xi32>
      %shift_right_logical3A_251 = arith.shrui %add3A_249, %shift_right_logical3A_250 : vector<16xi32>
      %and3A = arith.constant 127 : i32
      %and3A_252 = vector.broadcast %and3A : i32 to vector<16xi32>
      %and3A_253 = arith.andi %add3A_249, %and3A_252 : vector<16xi32>
      %mul3A_254 = arith.constant 16 : i32
      %mul3A_255 = arith.muli %scan3A_244, %mul3A_254 : i32
      %get3A = arith.index_cast %mul3A_255 : i32 to index
      %get3A_256 = tpu.vector_load %arg13[%get3A] {strides = array<i32>} : memref<512xi32, #tpu.memory_space<vmem>>, vector<16xi32>,
      %get3A_257 = vector.shape_cast %get3A_256 : vector<16xi32> to vector<16xi32>
      %mul3A_258 = arith.constant 16 : i32
      %mul3A_259 = arith.muli %scan3A_244, %mul3A_258 : i32
      %get3A_260 = arith.index_cast %mul3A_259 : i32 to index
      %get3A_261 = tpu.vector_load %arg14[%get3A_260] {strides = array<i32>} : memref<512xi32, #tpu.memory_space<vmem>>, vector<16xi32>,
      %get3A_262 = vector.shape_cast %get3A_261 : vector<16xi32> to vector<16xi32>
      %add3A_263 = arith.constant -1 : i32
      %add3A_264 = vector.broadcast %add3A_263 : i32 to vector<16xi32>
      %add3A_265 = arith.addi %shift_right_logical3A_251, %add3A_264 : vector<16xi32>
      %add3A_266 = arith.constant 0 : i32
      %add3A_267 = vector.broadcast %add3A_266 : i32 to vector<16xi32>
      %add3A_268 = arith.addi %and3A_253, %add3A_267 : vector<16xi32>
      %add3A_269 = arith.constant -1 : i32
      %add3A_270 = vector.broadcast %add3A_269 : i32 to vector<16xi32>
      %add3A_271 = arith.addi %get3A_257, %add3A_270 : vector<16xi32>
      %add3A_272 = arith.constant 0 : i32
      %add3A_273 = vector.broadcast %add3A_272 : i32 to vector<16xi32>
      %add3A_274 = arith.addi %get3A_262, %add3A_273 : vector<16xi32>
      %ge3A = arith.constant 0 : i32
      %ge3A_275 = vector.broadcast %ge3A : i32 to vector<16xi32>
      %ge3A_276 = arith.cmpi sge, %add3A_265, %ge3A_275 : vector<16xi32>
      %lt3A = arith.constant 128 : i32
      %lt3A_277 = vector.broadcast %lt3A : i32 to vector<16xi32>
      %lt3A_278 = arith.cmpi slt, %add3A_265, %lt3A_277 : vector<16xi32>
      %and3A_279 = arith.andi %ge3A_276, %lt3A_278 : vector<16xi1>
      %ge3A_280 = arith.constant 0 : i32
      %ge3A_281 = vector.broadcast %ge3A_280 : i32 to vector<16xi32>
      %ge3A_282 = arith.cmpi sge, %add3A_268, %ge3A_281 : vector<16xi32>
      %and3A_283 = arith.andi %and3A_279, %ge3A_282 : vector<16xi1>
      %lt3A_284 = arith.constant 128 : i32
      %lt3A_285 = vector.broadcast %lt3A_284 : i32 to vector<16xi32>
      %lt3A_286 = arith.cmpi slt, %add3A_268, %lt3A_285 : vector<16xi32>
      %and3A_287 = arith.andi %and3A_283, %lt3A_286 : vector<16xi1>
      %ge3A_288 = arith.constant 0 : i32
      %ge3A_289 = vector.broadcast %ge3A_288 : i32 to vector<16xi32>
      %ge3A_290 = arith.cmpi sge, %add3A_271, %ge3A_289 : vector<16xi32>
      %and3A_291 = arith.andi %and3A_287, %ge3A_290 : vector<16xi1>
      %lt3A_292 = arith.constant 128 : i32
      %lt3A_293 = vector.broadcast %lt3A_292 : i32 to vector<16xi32>
      %lt3A_294 = arith.cmpi slt, %add3A_271, %lt3A_293 : vector<16xi32>
      %and3A_295 = arith.andi %and3A_291, %lt3A_294 : vector<16xi1>
      %ge3A_296 = arith.constant 0 : i32
      %ge3A_297 = vector.broadcast %ge3A_296 : i32 to vector<16xi32>
      %ge3A_298 = arith.cmpi sge, %add3A_274, %ge3A_297 : vector<16xi32>
      %and3A_299 = arith.andi %and3A_295, %ge3A_298 : vector<16xi1>
      %lt3A_300 = arith.constant 128 : i32
      %lt3A_301 = vector.broadcast %lt3A_300 : i32 to vector<16xi32>
      %lt3A_302 = arith.cmpi slt, %add3A_274, %lt3A_301 : vector<16xi32>
      %and3A_303 = arith.andi %and3A_299, %lt3A_302 : vector<16xi1>
      %mul3A_304 = arith.constant 128 : i32
      %mul3A_305 = vector.broadcast %mul3A_304 : i32 to vector<16xi32>
      %mul3A_306 = arith.muli %add3A_265, %mul3A_305 : vector<16xi32>
      %add3A_307 = arith.addi %mul3A_306, %add3A_268 : vector<16xi32>
      %jit3A = arith.constant 0 : i32
      %broadcast_in_dim3A_308 = vector.broadcast %jit3A : i32 to vector<16xi32>
      %select_n3A = arith.select %and3A_303, %add3A_307, %broadcast_in_dim3A_308 : vector<16xi1>, vector<16xi32>
      %mul3A_309 = arith.constant 128 : i32
      %mul3A_310 = vector.broadcast %mul3A_309 : i32 to vector<16xi32>
      %mul3A_311 = arith.muli %add3A_271, %mul3A_310 : vector<16xi32>
      %add3A_312 = arith.addi %mul3A_311, %add3A_274 : vector<16xi32>
      %jit3A_313 = arith.constant 16384 : i32
      %broadcast_in_dim3A_314 = vector.broadcast %jit3A_313 : i32 to vector<16xi32>
      %select_n3A_315 = arith.select %and3A_303, %add3A_312, %broadcast_in_dim3A_314 : vector<16xi1>, vector<16xi32>
      %mul3A_316 = arith.constant 16 : i32
      %mul3A_317 = arith.muli %scan3A_244, %mul3A_316 : i32
      %add3A_318 = arith.constant 512 : i32
      %add3A_319 = arith.addi %add3A_318, %mul3A_317 : i32
      %swap3A = arith.index_cast %add3A_319 : i32 to index
      %swap3A_320 = tpu.vector_load %arg17[%swap3A] {strides = array<i32>} : memref<9216xi32, #tpu.memory_space<vmem>>, vector<16xi32>,
      %swap3A_321 = vector.shape_cast %swap3A_320 : vector<16xi32> to vector<16xi32>
      %swap3A_322 = vector.shape_cast %select_n3A_315 : vector<16xi32> to vector<16xi32>
      tpu.vector_store %arg17[%swap3A], %swap3A_322 {strides = array<i32>} : memref<9216xi32, #tpu.memory_space<vmem>>, vector<16xi32>,
      %shift_right_logical3A_323 = arith.constant 3 : i32
      %shift_right_logical3A_324 = arith.shrui %scan3A_244, %shift_right_logical3A_323 : i32
      %add3A_325 = arith.constant 4 : i32
      %add3A_326 = arith.addi %add3A_325, %shift_right_logical3A_324 : i32
      %and3A_327 = arith.constant 7 : i32
      %and3A_328 = arith.andi %scan3A_244, %and3A_327 : i32
      %mul3A_329 = arith.constant 16 : i32
      %mul3A_330 = arith.muli %and3A_328, %mul3A_329 : i32
      %swap3A_331 = arith.index_cast %add3A_326 : i32 to index
      %swap3A_332 = arith.index_cast %mul3A_330 : i32 to index
      %swap3A_333 = tpu.vector_load %arg18[%swap3A_331, %swap3A_332] {strides = array<i32>} : memref<72x128xi32, #tpu.memory_space<vmem>>, vector<1x16xi32>,
      %swap3A_334 = vector.shape_cast %swap3A_333 : vector<1x16xi32> to vector<16xi32>
      %swap3A_335 = vector.shape_cast %select_n3A : vector<16xi32> to vector<1x16xi32>
      tpu.vector_store %arg18[%swap3A_331, %swap3A_332], %swap3A_335 {strides = array<i32>} : memref<72x128xi32, #tpu.memory_space<vmem>>, vector<1x16xi32>,
    }
    %scan3A_20 = arith.constant 32 : i32
    %scan3A_21 = arith.constant 0 : i32
    %scan3A_22 = arith.constant 0 : i32
    %scan3A_23 = arith.constant 32 : i32
    %scan3A_24 = arith.addi %scan3A_22, %scan3A_23 : i32
    %scan3A_25 = arith.constant 1 : i32
    scf.for %scan3A_244 = %scan3A_22 to %scan3A_24 step %scan3A_25  : i32 {
      %mul3A_245 = arith.constant 16 : i32
      %mul3A_246 = arith.muli %scan3A_244, %mul3A_245 : i32
      %add3A_247 = arith.addi %mul3A_2, %mul3A_246 : i32
      %add3A_248 = vector.broadcast %add3A_247 : i32 to vector<16xi32>
      %add3A_249 = arith.addi %add3A_248, %iota3A : vector<16xi32>
      %shift_right_logical3A = arith.constant 7 : i32
      %shift_right_logical3A_250 = vector.broadcast %shift_right_logical3A : i32 to vector<16xi32>
      %shift_right_logical3A_251 = arith.shrui %add3A_249, %shift_right_logical3A_250 : vector<16xi32>
      %and3A = arith.constant 127 : i32
      %and3A_252 = vector.broadcast %and3A : i32 to vector<16xi32>
      %and3A_253 = arith.andi %add3A_249, %and3A_252 : vector<16xi32>
      %mul3A_254 = arith.constant 16 : i32
      %mul3A_255 = arith.muli %scan3A_244, %mul3A_254 : i32
      %get3A = arith.index_cast %mul3A_255 : i32 to index
      %get3A_256 = tpu.vector_load %arg13[%get3A] {strides = array<i32>} : memref<512xi32, #tpu.memory_space<vmem>>, vector<16xi32>,
      %get3A_257 = vector.shape_cast %get3A_256 : vector<16xi32> to vector<16xi32>
      %mul3A_258 = arith.constant 16 : i32
      %mul3A_259 = arith.muli %scan3A_244, %mul3A_258 : i32
      %get3A_260 = arith.index_cast %mul3A_259 : i32 to index
      %get3A_261 = tpu.vector_load %arg14[%get3A_260] {strides = array<i32>} : memref<512xi32, #tpu.memory_space<vmem>>, vector<16xi32>,
      %get3A_262 = vector.shape_cast %get3A_261 : vector<16xi32> to vector<16xi32>
      %add3A_263 = arith.constant -1 : i32
      %add3A_264 = vector.broadcast %add3A_263 : i32 to vector<16xi32>
      %add3A_265 = arith.addi %shift_right_logical3A_251, %add3A_264 : vector<16xi32>
      %add3A_266 = arith.constant 1 : i32
      %add3A_267 = vector.broadcast %add3A_266 : i32 to vector<16xi32>
      %add3A_268 = arith.addi %and3A_253, %add3A_267 : vector<16xi32>
      %add3A_269 = arith.constant -1 : i32
      %add3A_270 = vector.broadcast %add3A_269 : i32 to vector<16xi32>
      %add3A_271 = arith.addi %get3A_257, %add3A_270 : vector<16xi32>
      %add3A_272 = arith.constant 1 : i32
      %add3A_273 = vector.broadcast %add3A_272 : i32 to vector<16xi32>
      %add3A_274 = arith.addi %get3A_262, %add3A_273 : vector<16xi32>
      %ge3A = arith.constant 0 : i32
      %ge3A_275 = vector.broadcast %ge3A : i32 to vector<16xi32>
      %ge3A_276 = arith.cmpi sge, %add3A_265, %ge3A_275 : vector<16xi32>
      %lt3A = arith.constant 128 : i32
      %lt3A_277 = vector.broadcast %lt3A : i32 to vector<16xi32>
      %lt3A_278 = arith.cmpi slt, %add3A_265, %lt3A_277 : vector<16xi32>
      %and3A_279 = arith.andi %ge3A_276, %lt3A_278 : vector<16xi1>
      %ge3A_280 = arith.constant 0 : i32
      %ge3A_281 = vector.broadcast %ge3A_280 : i32 to vector<16xi32>
      %ge3A_282 = arith.cmpi sge, %add3A_268, %ge3A_281 : vector<16xi32>
      %and3A_283 = arith.andi %and3A_279, %ge3A_282 : vector<16xi1>
      %lt3A_284 = arith.constant 128 : i32
      %lt3A_285 = vector.broadcast %lt3A_284 : i32 to vector<16xi32>
      %lt3A_286 = arith.cmpi slt, %add3A_268, %lt3A_285 : vector<16xi32>
      %and3A_287 = arith.andi %and3A_283, %lt3A_286 : vector<16xi1>
      %ge3A_288 = arith.constant 0 : i32
      %ge3A_289 = vector.broadcast %ge3A_288 : i32 to vector<16xi32>
      %ge3A_290 = arith.cmpi sge, %add3A_271, %ge3A_289 : vector<16xi32>
      %and3A_291 = arith.andi %and3A_287, %ge3A_290 : vector<16xi1>
      %lt3A_292 = arith.constant 128 : i32
      %lt3A_293 = vector.broadcast %lt3A_292 : i32 to vector<16xi32>
      %lt3A_294 = arith.cmpi slt, %add3A_271, %lt3A_293 : vector<16xi32>
      %and3A_295 = arith.andi %and3A_291, %lt3A_294 : vector<16xi1>
      %ge3A_296 = arith.constant 0 : i32
      %ge3A_297 = vector.broadcast %ge3A_296 : i32 to vector<16xi32>
      %ge3A_298 = arith.cmpi sge, %add3A_274, %ge3A_297 : vector<16xi32>
      %and3A_299 = arith.andi %and3A_295, %ge3A_298 : vector<16xi1>
      %lt3A_300 = arith.constant 128 : i32
      %lt3A_301 = vector.broadcast %lt3A_300 : i32 to vector<16xi32>
      %lt3A_302 = arith.cmpi slt, %add3A_274, %lt3A_301 : vector<16xi32>
      %and3A_303 = arith.andi %and3A_299, %lt3A_302 : vector<16xi1>
      %mul3A_304 = arith.constant 128 : i32
      %mul3A_305 = vector.broadcast %mul3A_304 : i32 to vector<16xi32>
      %mul3A_306 = arith.muli %add3A_265, %mul3A_305 : vector<16xi32>
      %add3A_307 = arith.addi %mul3A_306, %add3A_268 : vector<16xi32>
      %jit3A = arith.constant 0 : i32
      %broadcast_in_dim3A_308 = vector.broadcast %jit3A : i32 to vector<16xi32>
      %select_n3A = arith.select %and3A_303, %add3A_307, %broadcast_in_dim3A_308 : vector<16xi1>, vector<16xi32>
      %mul3A_309 = arith.constant 128 : i32
      %mul3A_310 = vector.broadcast %mul3A_309 : i32 to vector<16xi32>
      %mul3A_311 = arith.muli %add3A_271, %mul3A_310 : vector<16xi32>
      %add3A_312 = arith.addi %mul3A_311, %add3A_274 : vector<16xi32>
      %jit3A_313 = arith.constant 16384 : i32
      %broadcast_in_dim3A_314 = vector.broadcast %jit3A_313 : i32 to vector<16xi32>
      %select_n3A_315 = arith.select %and3A_303, %add3A_312, %broadcast_in_dim3A_314 : vector<16xi1>, vector<16xi32>
      %mul3A_316 = arith.constant 16 : i32
      %mul3A_317 = arith.muli %scan3A_244, %mul3A_316 : i32
      %add3A_318 = arith.constant 1024 : i32
      %add3A_319 = arith.addi %add3A_318, %mul3A_317 : i32
      %swap3A = arith.index_cast %add3A_319 : i32 to index
      %swap3A_320 = tpu.vector_load %arg17[%swap3A] {strides = array<i32>} : memref<9216xi32, #tpu.memory_space<vmem>>, vector<16xi32>,
      %swap3A_321 = vector.shape_cast %swap3A_320 : vector<16xi32> to vector<16xi32>
      %swap3A_322 = vector.shape_cast %select_n3A_315 : vector<16xi32> to vector<16xi32>
      tpu.vector_store %arg17[%swap3A], %swap3A_322 {strides = array<i32>} : memref<9216xi32, #tpu.memory_space<vmem>>, vector<16xi32>,
      %shift_right_logical3A_323 = arith.constant 3 : i32
      %shift_right_logical3A_324 = arith.shrui %scan3A_244, %shift_right_logical3A_323 : i32
      %add3A_325 = arith.constant 8 : i32
      %add3A_326 = arith.addi %add3A_325, %shift_right_logical3A_324 : i32
      %and3A_327 = arith.constant 7 : i32
      %and3A_328 = arith.andi %scan3A_244, %and3A_327 : i32
      %mul3A_329 = arith.constant 16 : i32
      %mul3A_330 = arith.muli %and3A_328, %mul3A_329 : i32
      %swap3A_331 = arith.index_cast %add3A_326 : i32 to index
      %swap3A_332 = arith.index_cast %mul3A_330 : i32 to index
      %swap3A_333 = tpu.vector_load %arg18[%swap3A_331, %swap3A_332] {strides = array<i32>} : memref<72x128xi32, #tpu.memory_space<vmem>>, vector<1x16xi32>,
      %swap3A_334 = vector.shape_cast %swap3A_333 : vector<1x16xi32> to vector<16xi32>
      %swap3A_335 = vector.shape_cast %select_n3A : vector<16xi32> to vector<1x16xi32>
      tpu.vector_store %arg18[%swap3A_331, %swap3A_332], %swap3A_335 {strides = array<i32>} : memref<72x128xi32, #tpu.memory_space<vmem>>, vector<1x16xi32>,
    }
    %scan3A_26 = arith.constant 32 : i32
    %scan3A_27 = arith.constant 0 : i32
    %scan3A_28 = arith.constant 0 : i32
    %scan3A_29 = arith.constant 32 : i32
    %scan3A_30 = arith.addi %scan3A_28, %scan3A_29 : i32
    %scan3A_31 = arith.constant 1 : i32
    scf.for %scan3A_244 = %scan3A_28 to %scan3A_30 step %scan3A_31  : i32 {
      %mul3A_245 = arith.constant 16 : i32
      %mul3A_246 = arith.muli %scan3A_244, %mul3A_245 : i32
      %add3A_247 = arith.addi %mul3A_2, %mul3A_246 : i32
      %add3A_248 = vector.broadcast %add3A_247 : i32 to vector<16xi32>
      %add3A_249 = arith.addi %add3A_248, %iota3A : vector<16xi32>
      %shift_right_logical3A = arith.constant 7 : i32
      %shift_right_logical3A_250 = vector.broadcast %shift_right_logical3A : i32 to vector<16xi32>
      %shift_right_logical3A_251 = arith.shrui %add3A_249, %shift_right_logical3A_250 : vector<16xi32>
      %and3A = arith.constant 127 : i32
      %and3A_252 = vector.broadcast %and3A : i32 to vector<16xi32>
      %and3A_253 = arith.andi %add3A_249, %and3A_252 : vector<16xi32>
      %mul3A_254 = arith.constant 16 : i32
      %mul3A_255 = arith.muli %scan3A_244, %mul3A_254 : i32
      %get3A = arith.index_cast %mul3A_255 : i32 to index
      %get3A_256 = tpu.vector_load %arg13[%get3A] {strides = array<i32>} : memref<512xi32, #tpu.memory_space<vmem>>, vector<16xi32>,
      %get3A_257 = vector.shape_cast %get3A_256 : vector<16xi32> to vector<16xi32>
      %mul3A_258 = arith.constant 16 : i32
      %mul3A_259 = arith.muli %scan3A_244, %mul3A_258 : i32
      %get3A_260 = arith.index_cast %mul3A_259 : i32 to index
      %get3A_261 = tpu.vector_load %arg14[%get3A_260] {strides = array<i32>} : memref<512xi32, #tpu.memory_space<vmem>>, vector<16xi32>,
      %get3A_262 = vector.shape_cast %get3A_261 : vector<16xi32> to vector<16xi32>
      %add3A_263 = arith.constant 0 : i32
      %add3A_264 = vector.broadcast %add3A_263 : i32 to vector<16xi32>
      %add3A_265 = arith.addi %shift_right_logical3A_251, %add3A_264 : vector<16xi32>
      %add3A_266 = arith.constant -1 : i32
      %add3A_267 = vector.broadcast %add3A_266 : i32 to vector<16xi32>
      %add3A_268 = arith.addi %and3A_253, %add3A_267 : vector<16xi32>
      %add3A_269 = arith.constant 0 : i32
      %add3A_270 = vector.broadcast %add3A_269 : i32 to vector<16xi32>
      %add3A_271 = arith.addi %get3A_257, %add3A_270 : vector<16xi32>
      %add3A_272 = arith.constant -1 : i32
      %add3A_273 = vector.broadcast %add3A_272 : i32 to vector<16xi32>
      %add3A_274 = arith.addi %get3A_262, %add3A_273 : vector<16xi32>
      %ge3A = arith.constant 0 : i32
      %ge3A_275 = vector.broadcast %ge3A : i32 to vector<16xi32>
      %ge3A_276 = arith.cmpi sge, %add3A_265, %ge3A_275 : vector<16xi32>
      %lt3A = arith.constant 128 : i32
      %lt3A_277 = vector.broadcast %lt3A : i32 to vector<16xi32>
      %lt3A_278 = arith.cmpi slt, %add3A_265, %lt3A_277 : vector<16xi32>
      %and3A_279 = arith.andi %ge3A_276, %lt3A_278 : vector<16xi1>
      %ge3A_280 = arith.constant 0 : i32
      %ge3A_281 = vector.broadcast %ge3A_280 : i32 to vector<16xi32>
      %ge3A_282 = arith.cmpi sge, %add3A_268, %ge3A_281 : vector<16xi32>
      %and3A_283 = arith.andi %and3A_279, %ge3A_282 : vector<16xi1>
      %lt3A_284 = arith.constant 128 : i32
      %lt3A_285 = vector.broadcast %lt3A_284 : i32 to vector<16xi32>
      %lt3A_286 = arith.cmpi slt, %add3A_268, %lt3A_285 : vector<16xi32>
      %and3A_287 = arith.andi %and3A_283, %lt3A_286 : vector<16xi1>
      %ge3A_288 = arith.constant 0 : i32
      %ge3A_289 = vector.broadcast %ge3A_288 : i32 to vector<16xi32>
      %ge3A_290 = arith.cmpi sge, %add3A_271, %ge3A_289 : vector<16xi32>
      %and3A_291 = arith.andi %and3A_287, %ge3A_290 : vector<16xi1>
      %lt3A_292 = arith.constant 128 : i32
      %lt3A_293 = vector.broadcast %lt3A_292 : i32 to vector<16xi32>
      %lt3A_294 = arith.cmpi slt, %add3A_271, %lt3A_293 : vector<16xi32>
      %and3A_295 = arith.andi %and3A_291, %lt3A_294 : vector<16xi1>
      %ge3A_296 = arith.constant 0 : i32
      %ge3A_297 = vector.broadcast %ge3A_296 : i32 to vector<16xi32>
      %ge3A_298 = arith.cmpi sge, %add3A_274, %ge3A_297 : vector<16xi32>
      %and3A_299 = arith.andi %and3A_295, %ge3A_298 : vector<16xi1>
      %lt3A_300 = arith.constant 128 : i32
      %lt3A_301 = vector.broadcast %lt3A_300 : i32 to vector<16xi32>
      %lt3A_302 = arith.cmpi slt, %add3A_274, %lt3A_301 : vector<16xi32>
      %and3A_303 = arith.andi %and3A_299, %lt3A_302 : vector<16xi1>
      %mul3A_304 = arith.constant 128 : i32
      %mul3A_305 = vector.broadcast %mul3A_304 : i32 to vector<16xi32>
      %mul3A_306 = arith.muli %add3A_265, %mul3A_305 : vector<16xi32>
      %add3A_307 = arith.addi %mul3A_306, %add3A_268 : vector<16xi32>
      %jit3A = arith.constant 0 : i32
      %broadcast_in_dim3A_308 = vector.broadcast %jit3A : i32 to vector<16xi32>
      %select_n3A = arith.select %and3A_303, %add3A_307, %broadcast_in_dim3A_308 : vector<16xi1>, vector<16xi32>
      %mul3A_309 = arith.constant 128 : i32
      %mul3A_310 = vector.broadcast %mul3A_309 : i32 to vector<16xi32>
      %mul3A_311 = arith.muli %add3A_271, %mul3A_310 : vector<16xi32>
      %add3A_312 = arith.addi %mul3A_311, %add3A_274 : vector<16xi32>
      %jit3A_313 = arith.constant 16384 : i32
      %broadcast_in_dim3A_314 = vector.broadcast %jit3A_313 : i32 to vector<16xi32>
      %select_n3A_315 = arith.select %and3A_303, %add3A_312, %broadcast_in_dim3A_314 : vector<16xi1>, vector<16xi32>
      %mul3A_316 = arith.constant 16 : i32
      %mul3A_317 = arith.muli %scan3A_244, %mul3A_316 : i32
      %add3A_318 = arith.constant 1536 : i32
      %add3A_319 = arith.addi %add3A_318, %mul3A_317 : i32
      %swap3A = arith.index_cast %add3A_319 : i32 to index
      %swap3A_320 = tpu.vector_load %arg17[%swap3A] {strides = array<i32>} : memref<9216xi32, #tpu.memory_space<vmem>>, vector<16xi32>,
      %swap3A_321 = vector.shape_cast %swap3A_320 : vector<16xi32> to vector<16xi32>
      %swap3A_322 = vector.shape_cast %select_n3A_315 : vector<16xi32> to vector<16xi32>
      tpu.vector_store %arg17[%swap3A], %swap3A_322 {strides = array<i32>} : memref<9216xi32, #tpu.memory_space<vmem>>, vector<16xi32>,
      %shift_right_logical3A_323 = arith.constant 3 : i32
      %shift_right_logical3A_324 = arith.shrui %scan3A_244, %shift_right_logical3A_323 : i32
      %add3A_325 = arith.constant 12 : i32
      %add3A_326 = arith.addi %add3A_325, %shift_right_logical3A_324 : i32
      %and3A_327 = arith.constant 7 : i32
      %and3A_328 = arith.andi %scan3A_244, %and3A_327 : i32
      %mul3A_329 = arith.constant 16 : i32
      %mul3A_330 = arith.muli %and3A_328, %mul3A_329 : i32
      %swap3A_331 = arith.index_cast %add3A_326 : i32 to index
      %swap3A_332 = arith.index_cast %mul3A_330 : i32 to index
      %swap3A_333 = tpu.vector_load %arg18[%swap3A_331, %swap3A_332] {strides = array<i32>} : memref<72x128xi32, #tpu.memory_space<vmem>>, vector<1x16xi32>,
      %swap3A_334 = vector.shape_cast %swap3A_333 : vector<1x16xi32> to vector<16xi32>
      %swap3A_335 = vector.shape_cast %select_n3A : vector<16xi32> to vector<1x16xi32>
      tpu.vector_store %arg18[%swap3A_331, %swap3A_332], %swap3A_335 {strides = array<i32>} : memref<72x128xi32, #tpu.memory_space<vmem>>, vector<1x16xi32>,
    }
    %scan3A_32 = arith.constant 32 : i32
    %scan3A_33 = arith.constant 0 : i32
    %scan3A_34 = arith.constant 0 : i32
    %scan3A_35 = arith.constant 32 : i32
    %scan3A_36 = arith.addi %scan3A_34, %scan3A_35 : i32
    %scan3A_37 = arith.constant 1 : i32
    scf.for %scan3A_244 = %scan3A_34 to %scan3A_36 step %scan3A_37  : i32 {
      %mul3A_245 = arith.constant 16 : i32
      %mul3A_246 = arith.muli %scan3A_244, %mul3A_245 : i32
      %add3A_247 = arith.addi %mul3A_2, %mul3A_246 : i32
      %add3A_248 = vector.broadcast %add3A_247 : i32 to vector<16xi32>
      %add3A_249 = arith.addi %add3A_248, %iota3A : vector<16xi32>
      %shift_right_logical3A = arith.constant 7 : i32
      %shift_right_logical3A_250 = vector.broadcast %shift_right_logical3A : i32 to vector<16xi32>
      %shift_right_logical3A_251 = arith.shrui %add3A_249, %shift_right_logical3A_250 : vector<16xi32>
      %and3A = arith.constant 127 : i32
      %and3A_252 = vector.broadcast %and3A : i32 to vector<16xi32>
      %and3A_253 = arith.andi %add3A_249, %and3A_252 : vector<16xi32>
      %mul3A_254 = arith.constant 16 : i32
      %mul3A_255 = arith.muli %scan3A_244, %mul3A_254 : i32
      %get3A = arith.index_cast %mul3A_255 : i32 to index
      %get3A_256 = tpu.vector_load %arg13[%get3A] {strides = array<i32>} : memref<512xi32, #tpu.memory_space<vmem>>, vector<16xi32>,
      %get3A_257 = vector.shape_cast %get3A_256 : vector<16xi32> to vector<16xi32>
      %mul3A_258 = arith.constant 16 : i32
      %mul3A_259 = arith.muli %scan3A_244, %mul3A_258 : i32
      %get3A_260 = arith.index_cast %mul3A_259 : i32 to index
      %get3A_261 = tpu.vector_load %arg14[%get3A_260] {strides = array<i32>} : memref<512xi32, #tpu.memory_space<vmem>>, vector<16xi32>,
      %get3A_262 = vector.shape_cast %get3A_261 : vector<16xi32> to vector<16xi32>
      %add3A_263 = arith.constant 0 : i32
      %add3A_264 = vector.broadcast %add3A_263 : i32 to vector<16xi32>
      %add3A_265 = arith.addi %shift_right_logical3A_251, %add3A_264 : vector<16xi32>
      %add3A_266 = arith.constant 0 : i32
      %add3A_267 = vector.broadcast %add3A_266 : i32 to vector<16xi32>
      %add3A_268 = arith.addi %and3A_253, %add3A_267 : vector<16xi32>
      %add3A_269 = arith.constant 0 : i32
      %add3A_270 = vector.broadcast %add3A_269 : i32 to vector<16xi32>
      %add3A_271 = arith.addi %get3A_257, %add3A_270 : vector<16xi32>
      %add3A_272 = arith.constant 0 : i32
      %add3A_273 = vector.broadcast %add3A_272 : i32 to vector<16xi32>
      %add3A_274 = arith.addi %get3A_262, %add3A_273 : vector<16xi32>
      %ge3A = arith.constant 0 : i32
      %ge3A_275 = vector.broadcast %ge3A : i32 to vector<16xi32>
      %ge3A_276 = arith.cmpi sge, %add3A_265, %ge3A_275 : vector<16xi32>
      %lt3A = arith.constant 128 : i32
      %lt3A_277 = vector.broadcast %lt3A : i32 to vector<16xi32>
      %lt3A_278 = arith.cmpi slt, %add3A_265, %lt3A_277 : vector<16xi32>
      %and3A_279 = arith.andi %ge3A_276, %lt3A_278 : vector<16xi1>
      %ge3A_280 = arith.constant 0 : i32
      %ge3A_281 = vector.broadcast %ge3A_280 : i32 to vector<16xi32>
      %ge3A_282 = arith.cmpi sge, %add3A_268, %ge3A_281 : vector<16xi32>
      %and3A_283 = arith.andi %and3A_279, %ge3A_282 : vector<16xi1>
      %lt3A_284 = arith.constant 128 : i32
      %lt3A_285 = vector.broadcast %lt3A_284 : i32 to vector<16xi32>
      %lt3A_286 = arith.cmpi slt, %add3A_268, %lt3A_285 : vector<16xi32>
      %and3A_287 = arith.andi %and3A_283, %lt3A_286 : vector<16xi1>
      %ge3A_288 = arith.constant 0 : i32
      %ge3A_289 = vector.broadcast %ge3A_288 : i32 to vector<16xi32>
      %ge3A_290 = arith.cmpi sge, %add3A_271, %ge3A_289 : vector<16xi32>
      %and3A_291 = arith.andi %and3A_287, %ge3A_290 : vector<16xi1>
      %lt3A_292 = arith.constant 128 : i32
      %lt3A_293 = vector.broadcast %lt3A_292 : i32 to vector<16xi32>
      %lt3A_294 = arith.cmpi slt, %add3A_271, %lt3A_293 : vector<16xi32>
      %and3A_295 = arith.andi %and3A_291, %lt3A_294 : vector<16xi1>
      %ge3A_296 = arith.constant 0 : i32
      %ge3A_297 = vector.broadcast %ge3A_296 : i32 to vector<16xi32>
      %ge3A_298 = arith.cmpi sge, %add3A_274, %ge3A_297 : vector<16xi32>
      %and3A_299 = arith.andi %and3A_295, %ge3A_298 : vector<16xi1>
      %lt3A_300 = arith.constant 128 : i32
      %lt3A_301 = vector.broadcast %lt3A_300 : i32 to vector<16xi32>
      %lt3A_302 = arith.cmpi slt, %add3A_274, %lt3A_301 : vector<16xi32>
      %and3A_303 = arith.andi %and3A_299, %lt3A_302 : vector<16xi1>
      %mul3A_304 = arith.constant 128 : i32
      %mul3A_305 = vector.broadcast %mul3A_304 : i32 to vector<16xi32>
      %mul3A_306 = arith.muli %add3A_265, %mul3A_305 : vector<16xi32>
      %add3A_307 = arith.addi %mul3A_306, %add3A_268 : vector<16xi32>
      %jit3A = arith.constant 0 : i32
      %broadcast_in_dim3A_308 = vector.broadcast %jit3A : i32 to vector<16xi32>
      %select_n3A = arith.select %and3A_303, %add3A_307, %broadcast_in_dim3A_308 : vector<16xi1>, vector<16xi32>
      %mul3A_309 = arith.constant 128 : i32
      %mul3A_310 = vector.broadcast %mul3A_309 : i32 to vector<16xi32>
      %mul3A_311 = arith.muli %add3A_271, %mul3A_310 : vector<16xi32>
      %add3A_312 = arith.addi %mul3A_311, %add3A_274 : vector<16xi32>
      %jit3A_313 = arith.constant 16384 : i32
      %broadcast_in_dim3A_314 = vector.broadcast %jit3A_313 : i32 to vector<16xi32>
      %select_n3A_315 = arith.select %and3A_303, %add3A_312, %broadcast_in_dim3A_314 : vector<16xi1>, vector<16xi32>
      %mul3A_316 = arith.constant 16 : i32
      %mul3A_317 = arith.muli %scan3A_244, %mul3A_316 : i32
      %add3A_318 = arith.constant 2048 : i32
      %add3A_319 = arith.addi %add3A_318, %mul3A_317 : i32
      %swap3A = arith.index_cast %add3A_319 : i32 to index
      %swap3A_320 = tpu.vector_load %arg17[%swap3A] {strides = array<i32>} : memref<9216xi32, #tpu.memory_space<vmem>>, vector<16xi32>,
      %swap3A_321 = vector.shape_cast %swap3A_320 : vector<16xi32> to vector<16xi32>
      %swap3A_322 = vector.shape_cast %select_n3A_315 : vector<16xi32> to vector<16xi32>
      tpu.vector_store %arg17[%swap3A], %swap3A_322 {strides = array<i32>} : memref<9216xi32, #tpu.memory_space<vmem>>, vector<16xi32>,
      %shift_right_logical3A_323 = arith.constant 3 : i32
      %shift_right_logical3A_324 = arith.shrui %scan3A_244, %shift_right_logical3A_323 : i32
      %add3A_325 = arith.constant 16 : i32
      %add3A_326 = arith.addi %add3A_325, %shift_right_logical3A_324 : i32
      %and3A_327 = arith.constant 7 : i32
      %and3A_328 = arith.andi %scan3A_244, %and3A_327 : i32
      %mul3A_329 = arith.constant 16 : i32
      %mul3A_330 = arith.muli %and3A_328, %mul3A_329 : i32
      %swap3A_331 = arith.index_cast %add3A_326 : i32 to index
      %swap3A_332 = arith.index_cast %mul3A_330 : i32 to index
      %swap3A_333 = tpu.vector_load %arg18[%swap3A_331, %swap3A_332] {strides = array<i32>} : memref<72x128xi32, #tpu.memory_space<vmem>>, vector<1x16xi32>,
      %swap3A_334 = vector.shape_cast %swap3A_333 : vector<1x16xi32> to vector<16xi32>
      %swap3A_335 = vector.shape_cast %select_n3A : vector<16xi32> to vector<1x16xi32>
      tpu.vector_store %arg18[%swap3A_331, %swap3A_332], %swap3A_335 {strides = array<i32>} : memref<72x128xi32, #tpu.memory_space<vmem>>, vector<1x16xi32>,
    }
    %scan3A_38 = arith.constant 32 : i32
    %scan3A_39 = arith.constant 0 : i32
    %scan3A_40 = arith.constant 0 : i32
    %scan3A_41 = arith.constant 32 : i32
    %scan3A_42 = arith.addi %scan3A_40, %scan3A_41 : i32
    %scan3A_43 = arith.constant 1 : i32
    scf.for %scan3A_244 = %scan3A_40 to %scan3A_42 step %scan3A_43  : i32 {
      %mul3A_245 = arith.constant 16 : i32
      %mul3A_246 = arith.muli %scan3A_244, %mul3A_245 : i32
      %add3A_247 = arith.addi %mul3A_2, %mul3A_246 : i32
      %add3A_248 = vector.broadcast %add3A_247 : i32 to vector<16xi32>
      %add3A_249 = arith.addi %add3A_248, %iota3A : vector<16xi32>
      %shift_right_logical3A = arith.constant 7 : i32
      %shift_right_logical3A_250 = vector.broadcast %shift_right_logical3A : i32 to vector<16xi32>
      %shift_right_logical3A_251 = arith.shrui %add3A_249, %shift_right_logical3A_250 : vector<16xi32>
      %and3A = arith.constant 127 : i32
      %and3A_252 = vector.broadcast %and3A : i32 to vector<16xi32>
      %and3A_253 = arith.andi %add3A_249, %and3A_252 : vector<16xi32>
      %mul3A_254 = arith.constant 16 : i32
      %mul3A_255 = arith.muli %scan3A_244, %mul3A_254 : i32
      %get3A = arith.index_cast %mul3A_255 : i32 to index
      %get3A_256 = tpu.vector_load %arg13[%get3A] {strides = array<i32>} : memref<512xi32, #tpu.memory_space<vmem>>, vector<16xi32>,
      %get3A_257 = vector.shape_cast %get3A_256 : vector<16xi32> to vector<16xi32>
      %mul3A_258 = arith.constant 16 : i32
      %mul3A_259 = arith.muli %scan3A_244, %mul3A_258 : i32
      %get3A_260 = arith.index_cast %mul3A_259 : i32 to index
      %get3A_261 = tpu.vector_load %arg14[%get3A_260] {strides = array<i32>} : memref<512xi32, #tpu.memory_space<vmem>>, vector<16xi32>,
      %get3A_262 = vector.shape_cast %get3A_261 : vector<16xi32> to vector<16xi32>
      %add3A_263 = arith.constant 0 : i32
      %add3A_264 = vector.broadcast %add3A_263 : i32 to vector<16xi32>
      %add3A_265 = arith.addi %shift_right_logical3A_251, %add3A_264 : vector<16xi32>
      %add3A_266 = arith.constant 1 : i32
      %add3A_267 = vector.broadcast %add3A_266 : i32 to vector<16xi32>
      %add3A_268 = arith.addi %and3A_253, %add3A_267 : vector<16xi32>
      %add3A_269 = arith.constant 0 : i32
      %add3A_270 = vector.broadcast %add3A_269 : i32 to vector<16xi32>
      %add3A_271 = arith.addi %get3A_257, %add3A_270 : vector<16xi32>
      %add3A_272 = arith.constant 1 : i32
      %add3A_273 = vector.broadcast %add3A_272 : i32 to vector<16xi32>
      %add3A_274 = arith.addi %get3A_262, %add3A_273 : vector<16xi32>
      %ge3A = arith.constant 0 : i32
      %ge3A_275 = vector.broadcast %ge3A : i32 to vector<16xi32>
      %ge3A_276 = arith.cmpi sge, %add3A_265, %ge3A_275 : vector<16xi32>
      %lt3A = arith.constant 128 : i32
      %lt3A_277 = vector.broadcast %lt3A : i32 to vector<16xi32>
      %lt3A_278 = arith.cmpi slt, %add3A_265, %lt3A_277 : vector<16xi32>
      %and3A_279 = arith.andi %ge3A_276, %lt3A_278 : vector<16xi1>
      %ge3A_280 = arith.constant 0 : i32
      %ge3A_281 = vector.broadcast %ge3A_280 : i32 to vector<16xi32>
      %ge3A_282 = arith.cmpi sge, %add3A_268, %ge3A_281 : vector<16xi32>
      %and3A_283 = arith.andi %and3A_279, %ge3A_282 : vector<16xi1>
      %lt3A_284 = arith.constant 128 : i32
      %lt3A_285 = vector.broadcast %lt3A_284 : i32 to vector<16xi32>
      %lt3A_286 = arith.cmpi slt, %add3A_268, %lt3A_285 : vector<16xi32>
      %and3A_287 = arith.andi %and3A_283, %lt3A_286 : vector<16xi1>
      %ge3A_288 = arith.constant 0 : i32
      %ge3A_289 = vector.broadcast %ge3A_288 : i32 to vector<16xi32>
      %ge3A_290 = arith.cmpi sge, %add3A_271, %ge3A_289 : vector<16xi32>
      %and3A_291 = arith.andi %and3A_287, %ge3A_290 : vector<16xi1>
      %lt3A_292 = arith.constant 128 : i32
      %lt3A_293 = vector.broadcast %lt3A_292 : i32 to vector<16xi32>
      %lt3A_294 = arith.cmpi slt, %add3A_271, %lt3A_293 : vector<16xi32>
      %and3A_295 = arith.andi %and3A_291, %lt3A_294 : vector<16xi1>
      %ge3A_296 = arith.constant 0 : i32
      %ge3A_297 = vector.broadcast %ge3A_296 : i32 to vector<16xi32>
      %ge3A_298 = arith.cmpi sge, %add3A_274, %ge3A_297 : vector<16xi32>
      %and3A_299 = arith.andi %and3A_295, %ge3A_298 : vector<16xi1>
      %lt3A_300 = arith.constant 128 : i32
      %lt3A_301 = vector.broadcast %lt3A_300 : i32 to vector<16xi32>
      %lt3A_302 = arith.cmpi slt, %add3A_274, %lt3A_301 : vector<16xi32>
      %and3A_303 = arith.andi %and3A_299, %lt3A_302 : vector<16xi1>
      %mul3A_304 = arith.constant 128 : i32
      %mul3A_305 = vector.broadcast %mul3A_304 : i32 to vector<16xi32>
      %mul3A_306 = arith.muli %add3A_265, %mul3A_305 : vector<16xi32>
      %add3A_307 = arith.addi %mul3A_306, %add3A_268 : vector<16xi32>
      %jit3A = arith.constant 0 : i32
      %broadcast_in_dim3A_308 = vector.broadcast %jit3A : i32 to vector<16xi32>
      %select_n3A = arith.select %and3A_303, %add3A_307, %broadcast_in_dim3A_308 : vector<16xi1>, vector<16xi32>
      %mul3A_309 = arith.constant 128 : i32
      %mul3A_310 = vector.broadcast %mul3A_309 : i32 to vector<16xi32>
      %mul3A_311 = arith.muli %add3A_271, %mul3A_310 : vector<16xi32>
      %add3A_312 = arith.addi %mul3A_311, %add3A_274 : vector<16xi32>
      %jit3A_313 = arith.constant 16384 : i32
      %broadcast_in_dim3A_314 = vector.broadcast %jit3A_313 : i32 to vector<16xi32>
      %select_n3A_315 = arith.select %and3A_303, %add3A_312, %broadcast_in_dim3A_314 : vector<16xi1>, vector<16xi32>
      %mul3A_316 = arith.constant 16 : i32
      %mul3A_317 = arith.muli %scan3A_244, %mul3A_316 : i32
      %add3A_318 = arith.constant 2560 : i32
      %add3A_319 = arith.addi %add3A_318, %mul3A_317 : i32
      %swap3A = arith.index_cast %add3A_319 : i32 to index
      %swap3A_320 = tpu.vector_load %arg17[%swap3A] {strides = array<i32>} : memref<9216xi32, #tpu.memory_space<vmem>>, vector<16xi32>,
      %swap3A_321 = vector.shape_cast %swap3A_320 : vector<16xi32> to vector<16xi32>
      %swap3A_322 = vector.shape_cast %select_n3A_315 : vector<16xi32> to vector<16xi32>
      tpu.vector_store %arg17[%swap3A], %swap3A_322 {strides = array<i32>} : memref<9216xi32, #tpu.memory_space<vmem>>, vector<16xi32>,
      %shift_right_logical3A_323 = arith.constant 3 : i32
      %shift_right_logical3A_324 = arith.shrui %scan3A_244, %shift_right_logical3A_323 : i32
      %add3A_325 = arith.constant 20 : i32
      %add3A_326 = arith.addi %add3A_325, %shift_right_logical3A_324 : i32
      %and3A_327 = arith.constant 7 : i32
      %and3A_328 = arith.andi %scan3A_244, %and3A_327 : i32
      %mul3A_329 = arith.constant 16 : i32
      %mul3A_330 = arith.muli %and3A_328, %mul3A_329 : i32
      %swap3A_331 = arith.index_cast %add3A_326 : i32 to index
      %swap3A_332 = arith.index_cast %mul3A_330 : i32 to index
      %swap3A_333 = tpu.vector_load %arg18[%swap3A_331, %swap3A_332] {strides = array<i32>} : memref<72x128xi32, #tpu.memory_space<vmem>>, vector<1x16xi32>,
      %swap3A_334 = vector.shape_cast %swap3A_333 : vector<1x16xi32> to vector<16xi32>
      %swap3A_335 = vector.shape_cast %select_n3A : vector<16xi32> to vector<1x16xi32>
      tpu.vector_store %arg18[%swap3A_331, %swap3A_332], %swap3A_335 {strides = array<i32>} : memref<72x128xi32, #tpu.memory_space<vmem>>, vector<1x16xi32>,
    }
    %scan3A_44 = arith.constant 32 : i32
    %scan3A_45 = arith.constant 0 : i32
    %scan3A_46 = arith.constant 0 : i32
    %scan3A_47 = arith.constant 32 : i32
    %scan3A_48 = arith.addi %scan3A_46, %scan3A_47 : i32
    %scan3A_49 = arith.constant 1 : i32
    scf.for %scan3A_244 = %scan3A_46 to %scan3A_48 step %scan3A_49  : i32 {
      %mul3A_245 = arith.constant 16 : i32
      %mul3A_246 = arith.muli %scan3A_244, %mul3A_245 : i32
      %add3A_247 = arith.addi %mul3A_2, %mul3A_246 : i32
      %add3A_248 = vector.broadcast %add3A_247 : i32 to vector<16xi32>
      %add3A_249 = arith.addi %add3A_248, %iota3A : vector<16xi32>
      %shift_right_logical3A = arith.constant 7 : i32
      %shift_right_logical3A_250 = vector.broadcast %shift_right_logical3A : i32 to vector<16xi32>
      %shift_right_logical3A_251 = arith.shrui %add3A_249, %shift_right_logical3A_250 : vector<16xi32>
      %and3A = arith.constant 127 : i32
      %and3A_252 = vector.broadcast %and3A : i32 to vector<16xi32>
      %and3A_253 = arith.andi %add3A_249, %and3A_252 : vector<16xi32>
      %mul3A_254 = arith.constant 16 : i32
      %mul3A_255 = arith.muli %scan3A_244, %mul3A_254 : i32
      %get3A = arith.index_cast %mul3A_255 : i32 to index
      %get3A_256 = tpu.vector_load %arg13[%get3A] {strides = array<i32>} : memref<512xi32, #tpu.memory_space<vmem>>, vector<16xi32>,
      %get3A_257 = vector.shape_cast %get3A_256 : vector<16xi32> to vector<16xi32>
      %mul3A_258 = arith.constant 16 : i32
      %mul3A_259 = arith.muli %scan3A_244, %mul3A_258 : i32
      %get3A_260 = arith.index_cast %mul3A_259 : i32 to index
      %get3A_261 = tpu.vector_load %arg14[%get3A_260] {strides = array<i32>} : memref<512xi32, #tpu.memory_space<vmem>>, vector<16xi32>,
      %get3A_262 = vector.shape_cast %get3A_261 : vector<16xi32> to vector<16xi32>
      %add3A_263 = arith.constant 1 : i32
      %add3A_264 = vector.broadcast %add3A_263 : i32 to vector<16xi32>
      %add3A_265 = arith.addi %shift_right_logical3A_251, %add3A_264 : vector<16xi32>
      %add3A_266 = arith.constant -1 : i32
      %add3A_267 = vector.broadcast %add3A_266 : i32 to vector<16xi32>
      %add3A_268 = arith.addi %and3A_253, %add3A_267 : vector<16xi32>
      %add3A_269 = arith.constant 1 : i32
      %add3A_270 = vector.broadcast %add3A_269 : i32 to vector<16xi32>
      %add3A_271 = arith.addi %get3A_257, %add3A_270 : vector<16xi32>
      %add3A_272 = arith.constant -1 : i32
      %add3A_273 = vector.broadcast %add3A_272 : i32 to vector<16xi32>
      %add3A_274 = arith.addi %get3A_262, %add3A_273 : vector<16xi32>
      %ge3A = arith.constant 0 : i32
      %ge3A_275 = vector.broadcast %ge3A : i32 to vector<16xi32>
      %ge3A_276 = arith.cmpi sge, %add3A_265, %ge3A_275 : vector<16xi32>
      %lt3A = arith.constant 128 : i32
      %lt3A_277 = vector.broadcast %lt3A : i32 to vector<16xi32>
      %lt3A_278 = arith.cmpi slt, %add3A_265, %lt3A_277 : vector<16xi32>
      %and3A_279 = arith.andi %ge3A_276, %lt3A_278 : vector<16xi1>
      %ge3A_280 = arith.constant 0 : i32
      %ge3A_281 = vector.broadcast %ge3A_280 : i32 to vector<16xi32>
      %ge3A_282 = arith.cmpi sge, %add3A_268, %ge3A_281 : vector<16xi32>
      %and3A_283 = arith.andi %and3A_279, %ge3A_282 : vector<16xi1>
      %lt3A_284 = arith.constant 128 : i32
      %lt3A_285 = vector.broadcast %lt3A_284 : i32 to vector<16xi32>
      %lt3A_286 = arith.cmpi slt, %add3A_268, %lt3A_285 : vector<16xi32>
      %and3A_287 = arith.andi %and3A_283, %lt3A_286 : vector<16xi1>
      %ge3A_288 = arith.constant 0 : i32
      %ge3A_289 = vector.broadcast %ge3A_288 : i32 to vector<16xi32>
      %ge3A_290 = arith.cmpi sge, %add3A_271, %ge3A_289 : vector<16xi32>
      %and3A_291 = arith.andi %and3A_287, %ge3A_290 : vector<16xi1>
      %lt3A_292 = arith.constant 128 : i32
      %lt3A_293 = vector.broadcast %lt3A_292 : i32 to vector<16xi32>
      %lt3A_294 = arith.cmpi slt, %add3A_271, %lt3A_293 : vector<16xi32>
      %and3A_295 = arith.andi %and3A_291, %lt3A_294 : vector<16xi1>
      %ge3A_296 = arith.constant 0 : i32
      %ge3A_297 = vector.broadcast %ge3A_296 : i32 to vector<16xi32>
      %ge3A_298 = arith.cmpi sge, %add3A_274, %ge3A_297 : vector<16xi32>
      %and3A_299 = arith.andi %and3A_295, %ge3A_298 : vector<16xi1>
      %lt3A_300 = arith.constant 128 : i32
      %lt3A_301 = vector.broadcast %lt3A_300 : i32 to vector<16xi32>
      %lt3A_302 = arith.cmpi slt, %add3A_274, %lt3A_301 : vector<16xi32>
      %and3A_303 = arith.andi %and3A_299, %lt3A_302 : vector<16xi1>
      %mul3A_304 = arith.constant 128 : i32
      %mul3A_305 = vector.broadcast %mul3A_304 : i32 to vector<16xi32>
      %mul3A_306 = arith.muli %add3A_265, %mul3A_305 : vector<16xi32>
      %add3A_307 = arith.addi %mul3A_306, %add3A_268 : vector<16xi32>
      %jit3A = arith.constant 0 : i32
      %broadcast_in_dim3A_308 = vector.broadcast %jit3A : i32 to vector<16xi32>
      %select_n3A = arith.select %and3A_303, %add3A_307, %broadcast_in_dim3A_308 : vector<16xi1>, vector<16xi32>
      %mul3A_309 = arith.constant 128 : i32
      %mul3A_310 = vector.broadcast %mul3A_309 : i32 to vector<16xi32>
      %mul3A_311 = arith.muli %add3A_271, %mul3A_310 : vector<16xi32>
      %add3A_312 = arith.addi %mul3A_311, %add3A_274 : vector<16xi32>
      %jit3A_313 = arith.constant 16384 : i32
      %broadcast_in_dim3A_314 = vector.broadcast %jit3A_313 : i32 to vector<16xi32>
      %select_n3A_315 = arith.select %and3A_303, %add3A_312, %broadcast_in_dim3A_314 : vector<16xi1>, vector<16xi32>
      %mul3A_316 = arith.constant 16 : i32
      %mul3A_317 = arith.muli %scan3A_244, %mul3A_316 : i32
      %add3A_318 = arith.constant 3072 : i32
      %add3A_319 = arith.addi %add3A_318, %mul3A_317 : i32
      %swap3A = arith.index_cast %add3A_319 : i32 to index
      %swap3A_320 = tpu.vector_load %arg17[%swap3A] {strides = array<i32>} : memref<9216xi32, #tpu.memory_space<vmem>>, vector<16xi32>,
      %swap3A_321 = vector.shape_cast %swap3A_320 : vector<16xi32> to vector<16xi32>
      %swap3A_322 = vector.shape_cast %select_n3A_315 : vector<16xi32> to vector<16xi32>
      tpu.vector_store %arg17[%swap3A], %swap3A_322 {strides = array<i32>} : memref<9216xi32, #tpu.memory_space<vmem>>, vector<16xi32>,
      %shift_right_logical3A_323 = arith.constant 3 : i32
      %shift_right_logical3A_324 = arith.shrui %scan3A_244, %shift_right_logical3A_323 : i32
      %add3A_325 = arith.constant 24 : i32
      %add3A_326 = arith.addi %add3A_325, %shift_right_logical3A_324 : i32
      %and3A_327 = arith.constant 7 : i32
      %and3A_328 = arith.andi %scan3A_244, %and3A_327 : i32
      %mul3A_329 = arith.constant 16 : i32
      %mul3A_330 = arith.muli %and3A_328, %mul3A_329 : i32
      %swap3A_331 = arith.index_cast %add3A_326 : i32 to index
      %swap3A_332 = arith.index_cast %mul3A_330 : i32 to index
      %swap3A_333 = tpu.vector_load %arg18[%swap3A_331, %swap3A_332] {strides = array<i32>} : memref<72x128xi32, #tpu.memory_space<vmem>>, vector<1x16xi32>,
      %swap3A_334 = vector.shape_cast %swap3A_333 : vector<1x16xi32> to vector<16xi32>
      %swap3A_335 = vector.shape_cast %select_n3A : vector<16xi32> to vector<1x16xi32>
      tpu.vector_store %arg18[%swap3A_331, %swap3A_332], %swap3A_335 {strides = array<i32>} : memref<72x128xi32, #tpu.memory_space<vmem>>, vector<1x16xi32>,
    }
    %scan3A_50 = arith.constant 32 : i32
    %scan3A_51 = arith.constant 0 : i32
    %scan3A_52 = arith.constant 0 : i32
    %scan3A_53 = arith.constant 32 : i32
    %scan3A_54 = arith.addi %scan3A_52, %scan3A_53 : i32
    %scan3A_55 = arith.constant 1 : i32
    scf.for %scan3A_244 = %scan3A_52 to %scan3A_54 step %scan3A_55  : i32 {
      %mul3A_245 = arith.constant 16 : i32
      %mul3A_246 = arith.muli %scan3A_244, %mul3A_245 : i32
      %add3A_247 = arith.addi %mul3A_2, %mul3A_246 : i32
      %add3A_248 = vector.broadcast %add3A_247 : i32 to vector<16xi32>
      %add3A_249 = arith.addi %add3A_248, %iota3A : vector<16xi32>
      %shift_right_logical3A = arith.constant 7 : i32
      %shift_right_logical3A_250 = vector.broadcast %shift_right_logical3A : i32 to vector<16xi32>
      %shift_right_logical3A_251 = arith.shrui %add3A_249, %shift_right_logical3A_250 : vector<16xi32>
      %and3A = arith.constant 127 : i32
      %and3A_252 = vector.broadcast %and3A : i32 to vector<16xi32>
      %and3A_253 = arith.andi %add3A_249, %and3A_252 : vector<16xi32>
      %mul3A_254 = arith.constant 16 : i32
      %mul3A_255 = arith.muli %scan3A_244, %mul3A_254 : i32
      %get3A = arith.index_cast %mul3A_255 : i32 to index
      %get3A_256 = tpu.vector_load %arg13[%get3A] {strides = array<i32>} : memref<512xi32, #tpu.memory_space<vmem>>, vector<16xi32>,
      %get3A_257 = vector.shape_cast %get3A_256 : vector<16xi32> to vector<16xi32>
      %mul3A_258 = arith.constant 16 : i32
      %mul3A_259 = arith.muli %scan3A_244, %mul3A_258 : i32
      %get3A_260 = arith.index_cast %mul3A_259 : i32 to index
      %get3A_261 = tpu.vector_load %arg14[%get3A_260] {strides = array<i32>} : memref<512xi32, #tpu.memory_space<vmem>>, vector<16xi32>,
      %get3A_262 = vector.shape_cast %get3A_261 : vector<16xi32> to vector<16xi32>
      %add3A_263 = arith.constant 1 : i32
      %add3A_264 = vector.broadcast %add3A_263 : i32 to vector<16xi32>
      %add3A_265 = arith.addi %shift_right_logical3A_251, %add3A_264 : vector<16xi32>
      %add3A_266 = arith.constant 0 : i32
      %add3A_267 = vector.broadcast %add3A_266 : i32 to vector<16xi32>
      %add3A_268 = arith.addi %and3A_253, %add3A_267 : vector<16xi32>
      %add3A_269 = arith.constant 1 : i32
      %add3A_270 = vector.broadcast %add3A_269 : i32 to vector<16xi32>
      %add3A_271 = arith.addi %get3A_257, %add3A_270 : vector<16xi32>
      %add3A_272 = arith.constant 0 : i32
      %add3A_273 = vector.broadcast %add3A_272 : i32 to vector<16xi32>
      %add3A_274 = arith.addi %get3A_262, %add3A_273 : vector<16xi32>
      %ge3A = arith.constant 0 : i32
      %ge3A_275 = vector.broadcast %ge3A : i32 to vector<16xi32>
      %ge3A_276 = arith.cmpi sge, %add3A_265, %ge3A_275 : vector<16xi32>
      %lt3A = arith.constant 128 : i32
      %lt3A_277 = vector.broadcast %lt3A : i32 to vector<16xi32>
      %lt3A_278 = arith.cmpi slt, %add3A_265, %lt3A_277 : vector<16xi32>
      %and3A_279 = arith.andi %ge3A_276, %lt3A_278 : vector<16xi1>
      %ge3A_280 = arith.constant 0 : i32
      %ge3A_281 = vector.broadcast %ge3A_280 : i32 to vector<16xi32>
      %ge3A_282 = arith.cmpi sge, %add3A_268, %ge3A_281 : vector<16xi32>
      %and3A_283 = arith.andi %and3A_279, %ge3A_282 : vector<16xi1>
      %lt3A_284 = arith.constant 128 : i32
      %lt3A_285 = vector.broadcast %lt3A_284 : i32 to vector<16xi32>
      %lt3A_286 = arith.cmpi slt, %add3A_268, %lt3A_285 : vector<16xi32>
      %and3A_287 = arith.andi %and3A_283, %lt3A_286 : vector<16xi1>
      %ge3A_288 = arith.constant 0 : i32
      %ge3A_289 = vector.broadcast %ge3A_288 : i32 to vector<16xi32>
      %ge3A_290 = arith.cmpi sge, %add3A_271, %ge3A_289 : vector<16xi32>
      %and3A_291 = arith.andi %and3A_287, %ge3A_290 : vector<16xi1>
      %lt3A_292 = arith.constant 128 : i32
      %lt3A_293 = vector.broadcast %lt3A_292 : i32 to vector<16xi32>
      %lt3A_294 = arith.cmpi slt, %add3A_271, %lt3A_293 : vector<16xi32>
      %and3A_295 = arith.andi %and3A_291, %lt3A_294 : vector<16xi1>
      %ge3A_296 = arith.constant 0 : i32
      %ge3A_297 = vector.broadcast %ge3A_296 : i32 to vector<16xi32>
      %ge3A_298 = arith.cmpi sge, %add3A_274, %ge3A_297 : vector<16xi32>
      %and3A_299 = arith.andi %and3A_295, %ge3A_298 : vector<16xi1>
      %lt3A_300 = arith.constant 128 : i32
      %lt3A_301 = vector.broadcast %lt3A_300 : i32 to vector<16xi32>
      %lt3A_302 = arith.cmpi slt, %add3A_274, %lt3A_301 : vector<16xi32>
      %and3A_303 = arith.andi %and3A_299, %lt3A_302 : vector<16xi1>
      %mul3A_304 = arith.constant 128 : i32
      %mul3A_305 = vector.broadcast %mul3A_304 : i32 to vector<16xi32>
      %mul3A_306 = arith.muli %add3A_265, %mul3A_305 : vector<16xi32>
      %add3A_307 = arith.addi %mul3A_306, %add3A_268 : vector<16xi32>
      %jit3A = arith.constant 0 : i32
      %broadcast_in_dim3A_308 = vector.broadcast %jit3A : i32 to vector<16xi32>
      %select_n3A = arith.select %and3A_303, %add3A_307, %broadcast_in_dim3A_308 : vector<16xi1>, vector<16xi32>
      %mul3A_309 = arith.constant 128 : i32
      %mul3A_310 = vector.broadcast %mul3A_309 : i32 to vector<16xi32>
      %mul3A_311 = arith.muli %add3A_271, %mul3A_310 : vector<16xi32>
      %add3A_312 = arith.addi %mul3A_311, %add3A_274 : vector<16xi32>
      %jit3A_313 = arith.constant 16384 : i32
      %broadcast_in_dim3A_314 = vector.broadcast %jit3A_313 : i32 to vector<16xi32>
      %select_n3A_315 = arith.select %and3A_303, %add3A_312, %broadcast_in_dim3A_314 : vector<16xi1>, vector<16xi32>
      %mul3A_316 = arith.constant 16 : i32
      %mul3A_317 = arith.muli %scan3A_244, %mul3A_316 : i32
      %add3A_318 = arith.constant 3584 : i32
      %add3A_319 = arith.addi %add3A_318, %mul3A_317 : i32
      %swap3A = arith.index_cast %add3A_319 : i32 to index
      %swap3A_320 = tpu.vector_load %arg17[%swap3A] {strides = array<i32>} : memref<9216xi32, #tpu.memory_space<vmem>>, vector<16xi32>,
      %swap3A_321 = vector.shape_cast %swap3A_320 : vector<16xi32> to vector<16xi32>
      %swap3A_322 = vector.shape_cast %select_n3A_315 : vector<16xi32> to vector<16xi32>
      tpu.vector_store %arg17[%swap3A], %swap3A_322 {strides = array<i32>} : memref<9216xi32, #tpu.memory_space<vmem>>, vector<16xi32>,
      %shift_right_logical3A_323 = arith.constant 3 : i32
      %shift_right_logical3A_324 = arith.shrui %scan3A_244, %shift_right_logical3A_323 : i32
      %add3A_325 = arith.constant 28 : i32
      %add3A_326 = arith.addi %add3A_325, %shift_right_logical3A_324 : i32
      %and3A_327 = arith.constant 7 : i32
      %and3A_328 = arith.andi %scan3A_244, %and3A_327 : i32
      %mul3A_329 = arith.constant 16 : i32
      %mul3A_330 = arith.muli %and3A_328, %mul3A_329 : i32
      %swap3A_331 = arith.index_cast %add3A_326 : i32 to index
      %swap3A_332 = arith.index_cast %mul3A_330 : i32 to index
      %swap3A_333 = tpu.vector_load %arg18[%swap3A_331, %swap3A_332] {strides = array<i32>} : memref<72x128xi32, #tpu.memory_space<vmem>>, vector<1x16xi32>,
      %swap3A_334 = vector.shape_cast %swap3A_333 : vector<1x16xi32> to vector<16xi32>
      %swap3A_335 = vector.shape_cast %select_n3A : vector<16xi32> to vector<1x16xi32>
      tpu.vector_store %arg18[%swap3A_331, %swap3A_332], %swap3A_335 {strides = array<i32>} : memref<72x128xi32, #tpu.memory_space<vmem>>, vector<1x16xi32>,
    }
    %scan3A_56 = arith.constant 32 : i32
    %scan3A_57 = arith.constant 0 : i32
    %scan3A_58 = arith.constant 0 : i32
    %scan3A_59 = arith.constant 32 : i32
    %scan3A_60 = arith.addi %scan3A_58, %scan3A_59 : i32
    %scan3A_61 = arith.constant 1 : i32
    scf.for %scan3A_244 = %scan3A_58 to %scan3A_60 step %scan3A_61  : i32 {
      %mul3A_245 = arith.constant 16 : i32
      %mul3A_246 = arith.muli %scan3A_244, %mul3A_245 : i32
      %add3A_247 = arith.addi %mul3A_2, %mul3A_246 : i32
      %add3A_248 = vector.broadcast %add3A_247 : i32 to vector<16xi32>
      %add3A_249 = arith.addi %add3A_248, %iota3A : vector<16xi32>
      %shift_right_logical3A = arith.constant 7 : i32
      %shift_right_logical3A_250 = vector.broadcast %shift_right_logical3A : i32 to vector<16xi32>
      %shift_right_logical3A_251 = arith.shrui %add3A_249, %shift_right_logical3A_250 : vector<16xi32>
      %and3A = arith.constant 127 : i32
      %and3A_252 = vector.broadcast %and3A : i32 to vector<16xi32>
      %and3A_253 = arith.andi %add3A_249, %and3A_252 : vector<16xi32>
      %mul3A_254 = arith.constant 16 : i32
      %mul3A_255 = arith.muli %scan3A_244, %mul3A_254 : i32
      %get3A = arith.index_cast %mul3A_255 : i32 to index
      %get3A_256 = tpu.vector_load %arg13[%get3A] {strides = array<i32>} : memref<512xi32, #tpu.memory_space<vmem>>, vector<16xi32>,
      %get3A_257 = vector.shape_cast %get3A_256 : vector<16xi32> to vector<16xi32>
      %mul3A_258 = arith.constant 16 : i32
      %mul3A_259 = arith.muli %scan3A_244, %mul3A_258 : i32
      %get3A_260 = arith.index_cast %mul3A_259 : i32 to index
      %get3A_261 = tpu.vector_load %arg14[%get3A_260] {strides = array<i32>} : memref<512xi32, #tpu.memory_space<vmem>>, vector<16xi32>,
      %get3A_262 = vector.shape_cast %get3A_261 : vector<16xi32> to vector<16xi32>
      %add3A_263 = arith.constant 1 : i32
      %add3A_264 = vector.broadcast %add3A_263 : i32 to vector<16xi32>
      %add3A_265 = arith.addi %shift_right_logical3A_251, %add3A_264 : vector<16xi32>
      %add3A_266 = arith.constant 1 : i32
      %add3A_267 = vector.broadcast %add3A_266 : i32 to vector<16xi32>
      %add3A_268 = arith.addi %and3A_253, %add3A_267 : vector<16xi32>
      %add3A_269 = arith.constant 1 : i32
      %add3A_270 = vector.broadcast %add3A_269 : i32 to vector<16xi32>
      %add3A_271 = arith.addi %get3A_257, %add3A_270 : vector<16xi32>
      %add3A_272 = arith.constant 1 : i32
      %add3A_273 = vector.broadcast %add3A_272 : i32 to vector<16xi32>
      %add3A_274 = arith.addi %get3A_262, %add3A_273 : vector<16xi32>
      %ge3A = arith.constant 0 : i32
      %ge3A_275 = vector.broadcast %ge3A : i32 to vector<16xi32>
      %ge3A_276 = arith.cmpi sge, %add3A_265, %ge3A_275 : vector<16xi32>
      %lt3A = arith.constant 128 : i32
      %lt3A_277 = vector.broadcast %lt3A : i32 to vector<16xi32>
      %lt3A_278 = arith.cmpi slt, %add3A_265, %lt3A_277 : vector<16xi32>
      %and3A_279 = arith.andi %ge3A_276, %lt3A_278 : vector<16xi1>
      %ge3A_280 = arith.constant 0 : i32
      %ge3A_281 = vector.broadcast %ge3A_280 : i32 to vector<16xi32>
      %ge3A_282 = arith.cmpi sge, %add3A_268, %ge3A_281 : vector<16xi32>
      %and3A_283 = arith.andi %and3A_279, %ge3A_282 : vector<16xi1>
      %lt3A_284 = arith.constant 128 : i32
      %lt3A_285 = vector.broadcast %lt3A_284 : i32 to vector<16xi32>
      %lt3A_286 = arith.cmpi slt, %add3A_268, %lt3A_285 : vector<16xi32>
      %and3A_287 = arith.andi %and3A_283, %lt3A_286 : vector<16xi1>
      %ge3A_288 = arith.constant 0 : i32
      %ge3A_289 = vector.broadcast %ge3A_288 : i32 to vector<16xi32>
      %ge3A_290 = arith.cmpi sge, %add3A_271, %ge3A_289 : vector<16xi32>
      %and3A_291 = arith.andi %and3A_287, %ge3A_290 : vector<16xi1>
      %lt3A_292 = arith.constant 128 : i32
      %lt3A_293 = vector.broadcast %lt3A_292 : i32 to vector<16xi32>
      %lt3A_294 = arith.cmpi slt, %add3A_271, %lt3A_293 : vector<16xi32>
      %and3A_295 = arith.andi %and3A_291, %lt3A_294 : vector<16xi1>
      %ge3A_296 = arith.constant 0 : i32
      %ge3A_297 = vector.broadcast %ge3A_296 : i32 to vector<16xi32>
      %ge3A_298 = arith.cmpi sge, %add3A_274, %ge3A_297 : vector<16xi32>
      %and3A_299 = arith.andi %and3A_295, %ge3A_298 : vector<16xi1>
      %lt3A_300 = arith.constant 128 : i32
      %lt3A_301 = vector.broadcast %lt3A_300 : i32 to vector<16xi32>
      %lt3A_302 = arith.cmpi slt, %add3A_274, %lt3A_301 : vector<16xi32>
      %and3A_303 = arith.andi %and3A_299, %lt3A_302 : vector<16xi1>
      %mul3A_304 = arith.constant 128 : i32
      %mul3A_305 = vector.broadcast %mul3A_304 : i32 to vector<16xi32>
      %mul3A_306 = arith.muli %add3A_265, %mul3A_305 : vector<16xi32>
      %add3A_307 = arith.addi %mul3A_306, %add3A_268 : vector<16xi32>
      %jit3A = arith.constant 0 : i32
      %broadcast_in_dim3A_308 = vector.broadcast %jit3A : i32 to vector<16xi32>
      %select_n3A = arith.select %and3A_303, %add3A_307, %broadcast_in_dim3A_308 : vector<16xi1>, vector<16xi32>
      %mul3A_309 = arith.constant 128 : i32
      %mul3A_310 = vector.broadcast %mul3A_309 : i32 to vector<16xi32>
      %mul3A_311 = arith.muli %add3A_271, %mul3A_310 : vector<16xi32>
      %add3A_312 = arith.addi %mul3A_311, %add3A_274 : vector<16xi32>
      %jit3A_313 = arith.constant 16384 : i32
      %broadcast_in_dim3A_314 = vector.broadcast %jit3A_313 : i32 to vector<16xi32>
      %select_n3A_315 = arith.select %and3A_303, %add3A_312, %broadcast_in_dim3A_314 : vector<16xi1>, vector<16xi32>
      %mul3A_316 = arith.constant 16 : i32
      %mul3A_317 = arith.muli %scan3A_244, %mul3A_316 : i32
      %add3A_318 = arith.constant 4096 : i32
      %add3A_319 = arith.addi %add3A_318, %mul3A_317 : i32
      %swap3A = arith.index_cast %add3A_319 : i32 to index
      %swap3A_320 = tpu.vector_load %arg17[%swap3A] {strides = array<i32>} : memref<9216xi32, #tpu.memory_space<vmem>>, vector<16xi32>,
      %swap3A_321 = vector.shape_cast %swap3A_320 : vector<16xi32> to vector<16xi32>
      %swap3A_322 = vector.shape_cast %select_n3A_315 : vector<16xi32> to vector<16xi32>
      tpu.vector_store %arg17[%swap3A], %swap3A_322 {strides = array<i32>} : memref<9216xi32, #tpu.memory_space<vmem>>, vector<16xi32>,
      %shift_right_logical3A_323 = arith.constant 3 : i32
      %shift_right_logical3A_324 = arith.shrui %scan3A_244, %shift_right_logical3A_323 : i32
      %add3A_325 = arith.constant 32 : i32
      %add3A_326 = arith.addi %add3A_325, %shift_right_logical3A_324 : i32
      %and3A_327 = arith.constant 7 : i32
      %and3A_328 = arith.andi %scan3A_244, %and3A_327 : i32
      %mul3A_329 = arith.constant 16 : i32
      %mul3A_330 = arith.muli %and3A_328, %mul3A_329 : i32
      %swap3A_331 = arith.index_cast %add3A_326 : i32 to index
      %swap3A_332 = arith.index_cast %mul3A_330 : i32 to index
      %swap3A_333 = tpu.vector_load %arg18[%swap3A_331, %swap3A_332] {strides = array<i32>} : memref<72x128xi32, #tpu.memory_space<vmem>>, vector<1x16xi32>,
      %swap3A_334 = vector.shape_cast %swap3A_333 : vector<1x16xi32> to vector<16xi32>
      %swap3A_335 = vector.shape_cast %select_n3A : vector<16xi32> to vector<1x16xi32>
      tpu.vector_store %arg18[%swap3A_331, %swap3A_332], %swap3A_335 {strides = array<i32>} : memref<72x128xi32, #tpu.memory_space<vmem>>, vector<1x16xi32>,
    }
    %scan3A_62 = arith.constant 32 : i32
    %scan3A_63 = arith.constant 0 : i32
    %scan3A_64 = arith.constant 0 : i32
    %scan3A_65 = arith.constant 32 : i32
    %scan3A_66 = arith.addi %scan3A_64, %scan3A_65 : i32
    %scan3A_67 = arith.constant 1 : i32
    scf.for %scan3A_244 = %scan3A_64 to %scan3A_66 step %scan3A_67  : i32 {
      %mul3A_245 = arith.constant 16 : i32
      %mul3A_246 = arith.muli %scan3A_244, %mul3A_245 : i32
      %add3A_247 = arith.addi %mul3A_2, %mul3A_246 : i32
      %add3A_248 = vector.broadcast %add3A_247 : i32 to vector<16xi32>
      %add3A_249 = arith.addi %add3A_248, %iota3A : vector<16xi32>
      %shift_right_logical3A = arith.constant 7 : i32
      %shift_right_logical3A_250 = vector.broadcast %shift_right_logical3A : i32 to vector<16xi32>
      %shift_right_logical3A_251 = arith.shrui %add3A_249, %shift_right_logical3A_250 : vector<16xi32>
      %and3A = arith.constant 127 : i32
      %and3A_252 = vector.broadcast %and3A : i32 to vector<16xi32>
      %and3A_253 = arith.andi %add3A_249, %and3A_252 : vector<16xi32>
      %mul3A_254 = arith.constant 16 : i32
      %mul3A_255 = arith.muli %scan3A_244, %mul3A_254 : i32
      %get3A = arith.index_cast %mul3A_255 : i32 to index
      %get3A_256 = tpu.vector_load %arg15[%get3A] {strides = array<i32>} : memref<512xi32, #tpu.memory_space<vmem>>, vector<16xi32>,
      %get3A_257 = vector.shape_cast %get3A_256 : vector<16xi32> to vector<16xi32>
      %mul3A_258 = arith.constant 16 : i32
      %mul3A_259 = arith.muli %scan3A_244, %mul3A_258 : i32
      %get3A_260 = arith.index_cast %mul3A_259 : i32 to index
      %get3A_261 = tpu.vector_load %arg16[%get3A_260] {strides = array<i32>} : memref<512xi32, #tpu.memory_space<vmem>>, vector<16xi32>,
      %get3A_262 = vector.shape_cast %get3A_261 : vector<16xi32> to vector<16xi32>
      %add3A_263 = arith.constant -1 : i32
      %add3A_264 = vector.broadcast %add3A_263 : i32 to vector<16xi32>
      %add3A_265 = arith.addi %get3A_257, %add3A_264 : vector<16xi32>
      %add3A_266 = arith.constant -1 : i32
      %add3A_267 = vector.broadcast %add3A_266 : i32 to vector<16xi32>
      %add3A_268 = arith.addi %get3A_262, %add3A_267 : vector<16xi32>
      %add3A_269 = arith.constant -1 : i32
      %add3A_270 = vector.broadcast %add3A_269 : i32 to vector<16xi32>
      %add3A_271 = arith.addi %shift_right_logical3A_251, %add3A_270 : vector<16xi32>
      %add3A_272 = arith.constant -1 : i32
      %add3A_273 = vector.broadcast %add3A_272 : i32 to vector<16xi32>
      %add3A_274 = arith.addi %and3A_253, %add3A_273 : vector<16xi32>
      %ge3A = arith.constant 0 : i32
      %ge3A_275 = vector.broadcast %ge3A : i32 to vector<16xi32>
      %ge3A_276 = arith.cmpi sge, %add3A_265, %ge3A_275 : vector<16xi32>
      %lt3A = arith.constant 128 : i32
      %lt3A_277 = vector.broadcast %lt3A : i32 to vector<16xi32>
      %lt3A_278 = arith.cmpi slt, %add3A_265, %lt3A_277 : vector<16xi32>
      %and3A_279 = arith.andi %ge3A_276, %lt3A_278 : vector<16xi1>
      %ge3A_280 = arith.constant 0 : i32
      %ge3A_281 = vector.broadcast %ge3A_280 : i32 to vector<16xi32>
      %ge3A_282 = arith.cmpi sge, %add3A_268, %ge3A_281 : vector<16xi32>
      %and3A_283 = arith.andi %and3A_279, %ge3A_282 : vector<16xi1>
      %lt3A_284 = arith.constant 128 : i32
      %lt3A_285 = vector.broadcast %lt3A_284 : i32 to vector<16xi32>
      %lt3A_286 = arith.cmpi slt, %add3A_268, %lt3A_285 : vector<16xi32>
      %and3A_287 = arith.andi %and3A_283, %lt3A_286 : vector<16xi1>
      %ge3A_288 = arith.constant 0 : i32
      %ge3A_289 = vector.broadcast %ge3A_288 : i32 to vector<16xi32>
      %ge3A_290 = arith.cmpi sge, %add3A_271, %ge3A_289 : vector<16xi32>
      %and3A_291 = arith.andi %and3A_287, %ge3A_290 : vector<16xi1>
      %lt3A_292 = arith.constant 128 : i32
      %lt3A_293 = vector.broadcast %lt3A_292 : i32 to vector<16xi32>
      %lt3A_294 = arith.cmpi slt, %add3A_271, %lt3A_293 : vector<16xi32>
      %and3A_295 = arith.andi %and3A_291, %lt3A_294 : vector<16xi1>
      %ge3A_296 = arith.constant 0 : i32
      %ge3A_297 = vector.broadcast %ge3A_296 : i32 to vector<16xi32>
      %ge3A_298 = arith.cmpi sge, %add3A_274, %ge3A_297 : vector<16xi32>
      %and3A_299 = arith.andi %and3A_295, %ge3A_298 : vector<16xi1>
      %lt3A_300 = arith.constant 128 : i32
      %lt3A_301 = vector.broadcast %lt3A_300 : i32 to vector<16xi32>
      %lt3A_302 = arith.cmpi slt, %add3A_274, %lt3A_301 : vector<16xi32>
      %and3A_303 = arith.andi %and3A_299, %lt3A_302 : vector<16xi1>
      %mul3A_304 = arith.constant 128 : i32
      %mul3A_305 = vector.broadcast %mul3A_304 : i32 to vector<16xi32>
      %mul3A_306 = arith.muli %add3A_265, %mul3A_305 : vector<16xi32>
      %add3A_307 = arith.addi %mul3A_306, %add3A_268 : vector<16xi32>
      %jit3A = arith.constant 0 : i32
      %broadcast_in_dim3A_308 = vector.broadcast %jit3A : i32 to vector<16xi32>
      %select_n3A = arith.select %and3A_303, %add3A_307, %broadcast_in_dim3A_308 : vector<16xi1>, vector<16xi32>
      %mul3A_309 = arith.constant 128 : i32
      %mul3A_310 = vector.broadcast %mul3A_309 : i32 to vector<16xi32>
      %mul3A_311 = arith.muli %add3A_271, %mul3A_310 : vector<16xi32>
      %add3A_312 = arith.addi %mul3A_311, %add3A_274 : vector<16xi32>
      %jit3A_313 = arith.constant 16384 : i32
      %broadcast_in_dim3A_314 = vector.broadcast %jit3A_313 : i32 to vector<16xi32>
      %select_n3A_315 = arith.select %and3A_303, %add3A_312, %broadcast_in_dim3A_314 : vector<16xi1>, vector<16xi32>
      %mul3A_316 = arith.constant 16 : i32
      %mul3A_317 = arith.muli %scan3A_244, %mul3A_316 : i32
      %add3A_318 = arith.constant 4608 : i32
      %add3A_319 = arith.addi %add3A_318, %mul3A_317 : i32
      %swap3A = arith.index_cast %add3A_319 : i32 to index
      %swap3A_320 = tpu.vector_load %arg17[%swap3A] {strides = array<i32>} : memref<9216xi32, #tpu.memory_space<vmem>>, vector<16xi32>,
      %swap3A_321 = vector.shape_cast %swap3A_320 : vector<16xi32> to vector<16xi32>
      %swap3A_322 = vector.shape_cast %select_n3A_315 : vector<16xi32> to vector<16xi32>
      tpu.vector_store %arg17[%swap3A], %swap3A_322 {strides = array<i32>} : memref<9216xi32, #tpu.memory_space<vmem>>, vector<16xi32>,
      %shift_right_logical3A_323 = arith.constant 3 : i32
      %shift_right_logical3A_324 = arith.shrui %scan3A_244, %shift_right_logical3A_323 : i32
      %add3A_325 = arith.constant 36 : i32
      %add3A_326 = arith.addi %add3A_325, %shift_right_logical3A_324 : i32
      %and3A_327 = arith.constant 7 : i32
      %and3A_328 = arith.andi %scan3A_244, %and3A_327 : i32
      %mul3A_329 = arith.constant 16 : i32
      %mul3A_330 = arith.muli %and3A_328, %mul3A_329 : i32
      %swap3A_331 = arith.index_cast %add3A_326 : i32 to index
      %swap3A_332 = arith.index_cast %mul3A_330 : i32 to index
      %swap3A_333 = tpu.vector_load %arg18[%swap3A_331, %swap3A_332] {strides = array<i32>} : memref<72x128xi32, #tpu.memory_space<vmem>>, vector<1x16xi32>,
      %swap3A_334 = vector.shape_cast %swap3A_333 : vector<1x16xi32> to vector<16xi32>
      %swap3A_335 = vector.shape_cast %select_n3A : vector<16xi32> to vector<1x16xi32>
      tpu.vector_store %arg18[%swap3A_331, %swap3A_332], %swap3A_335 {strides = array<i32>} : memref<72x128xi32, #tpu.memory_space<vmem>>, vector<1x16xi32>,
    }
    %scan3A_68 = arith.constant 32 : i32
    %scan3A_69 = arith.constant 0 : i32
    %scan3A_70 = arith.constant 0 : i32
    %scan3A_71 = arith.constant 32 : i32
    %scan3A_72 = arith.addi %scan3A_70, %scan3A_71 : i32
    %scan3A_73 = arith.constant 1 : i32
    scf.for %scan3A_244 = %scan3A_70 to %scan3A_72 step %scan3A_73  : i32 {
      %mul3A_245 = arith.constant 16 : i32
      %mul3A_246 = arith.muli %scan3A_244, %mul3A_245 : i32
      %add3A_247 = arith.addi %mul3A_2, %mul3A_246 : i32
      %add3A_248 = vector.broadcast %add3A_247 : i32 to vector<16xi32>
      %add3A_249 = arith.addi %add3A_248, %iota3A : vector<16xi32>
      %shift_right_logical3A = arith.constant 7 : i32
      %shift_right_logical3A_250 = vector.broadcast %shift_right_logical3A : i32 to vector<16xi32>
      %shift_right_logical3A_251 = arith.shrui %add3A_249, %shift_right_logical3A_250 : vector<16xi32>
      %and3A = arith.constant 127 : i32
      %and3A_252 = vector.broadcast %and3A : i32 to vector<16xi32>
      %and3A_253 = arith.andi %add3A_249, %and3A_252 : vector<16xi32>
      %mul3A_254 = arith.constant 16 : i32
      %mul3A_255 = arith.muli %scan3A_244, %mul3A_254 : i32
      %get3A = arith.index_cast %mul3A_255 : i32 to index
      %get3A_256 = tpu.vector_load %arg15[%get3A] {strides = array<i32>} : memref<512xi32, #tpu.memory_space<vmem>>, vector<16xi32>,
      %get3A_257 = vector.shape_cast %get3A_256 : vector<16xi32> to vector<16xi32>
      %mul3A_258 = arith.constant 16 : i32
      %mul3A_259 = arith.muli %scan3A_244, %mul3A_258 : i32
      %get3A_260 = arith.index_cast %mul3A_259 : i32 to index
      %get3A_261 = tpu.vector_load %arg16[%get3A_260] {strides = array<i32>} : memref<512xi32, #tpu.memory_space<vmem>>, vector<16xi32>,
      %get3A_262 = vector.shape_cast %get3A_261 : vector<16xi32> to vector<16xi32>
      %add3A_263 = arith.constant -1 : i32
      %add3A_264 = vector.broadcast %add3A_263 : i32 to vector<16xi32>
      %add3A_265 = arith.addi %get3A_257, %add3A_264 : vector<16xi32>
      %add3A_266 = arith.constant 0 : i32
      %add3A_267 = vector.broadcast %add3A_266 : i32 to vector<16xi32>
      %add3A_268 = arith.addi %get3A_262, %add3A_267 : vector<16xi32>
      %add3A_269 = arith.constant -1 : i32
      %add3A_270 = vector.broadcast %add3A_269 : i32 to vector<16xi32>
      %add3A_271 = arith.addi %shift_right_logical3A_251, %add3A_270 : vector<16xi32>
      %add3A_272 = arith.constant 0 : i32
      %add3A_273 = vector.broadcast %add3A_272 : i32 to vector<16xi32>
      %add3A_274 = arith.addi %and3A_253, %add3A_273 : vector<16xi32>
      %ge3A = arith.constant 0 : i32
      %ge3A_275 = vector.broadcast %ge3A : i32 to vector<16xi32>
      %ge3A_276 = arith.cmpi sge, %add3A_265, %ge3A_275 : vector<16xi32>
      %lt3A = arith.constant 128 : i32
      %lt3A_277 = vector.broadcast %lt3A : i32 to vector<16xi32>
      %lt3A_278 = arith.cmpi slt, %add3A_265, %lt3A_277 : vector<16xi32>
      %and3A_279 = arith.andi %ge3A_276, %lt3A_278 : vector<16xi1>
      %ge3A_280 = arith.constant 0 : i32
      %ge3A_281 = vector.broadcast %ge3A_280 : i32 to vector<16xi32>
      %ge3A_282 = arith.cmpi sge, %add3A_268, %ge3A_281 : vector<16xi32>
      %and3A_283 = arith.andi %and3A_279, %ge3A_282 : vector<16xi1>
      %lt3A_284 = arith.constant 128 : i32
      %lt3A_285 = vector.broadcast %lt3A_284 : i32 to vector<16xi32>
      %lt3A_286 = arith.cmpi slt, %add3A_268, %lt3A_285 : vector<16xi32>
      %and3A_287 = arith.andi %and3A_283, %lt3A_286 : vector<16xi1>
      %ge3A_288 = arith.constant 0 : i32
      %ge3A_289 = vector.broadcast %ge3A_288 : i32 to vector<16xi32>
      %ge3A_290 = arith.cmpi sge, %add3A_271, %ge3A_289 : vector<16xi32>
      %and3A_291 = arith.andi %and3A_287, %ge3A_290 : vector<16xi1>
      %lt3A_292 = arith.constant 128 : i32
      %lt3A_293 = vector.broadcast %lt3A_292 : i32 to vector<16xi32>
      %lt3A_294 = arith.cmpi slt, %add3A_271, %lt3A_293 : vector<16xi32>
      %and3A_295 = arith.andi %and3A_291, %lt3A_294 : vector<16xi1>
      %ge3A_296 = arith.constant 0 : i32
      %ge3A_297 = vector.broadcast %ge3A_296 : i32 to vector<16xi32>
      %ge3A_298 = arith.cmpi sge, %add3A_274, %ge3A_297 : vector<16xi32>
      %and3A_299 = arith.andi %and3A_295, %ge3A_298 : vector<16xi1>
      %lt3A_300 = arith.constant 128 : i32
      %lt3A_301 = vector.broadcast %lt3A_300 : i32 to vector<16xi32>
      %lt3A_302 = arith.cmpi slt, %add3A_274, %lt3A_301 : vector<16xi32>
      %and3A_303 = arith.andi %and3A_299, %lt3A_302 : vector<16xi1>
      %mul3A_304 = arith.constant 128 : i32
      %mul3A_305 = vector.broadcast %mul3A_304 : i32 to vector<16xi32>
      %mul3A_306 = arith.muli %add3A_265, %mul3A_305 : vector<16xi32>
      %add3A_307 = arith.addi %mul3A_306, %add3A_268 : vector<16xi32>
      %jit3A = arith.constant 0 : i32
      %broadcast_in_dim3A_308 = vector.broadcast %jit3A : i32 to vector<16xi32>
      %select_n3A = arith.select %and3A_303, %add3A_307, %broadcast_in_dim3A_308 : vector<16xi1>, vector<16xi32>
      %mul3A_309 = arith.constant 128 : i32
      %mul3A_310 = vector.broadcast %mul3A_309 : i32 to vector<16xi32>
      %mul3A_311 = arith.muli %add3A_271, %mul3A_310 : vector<16xi32>
      %add3A_312 = arith.addi %mul3A_311, %add3A_274 : vector<16xi32>
      %jit3A_313 = arith.constant 16384 : i32
      %broadcast_in_dim3A_314 = vector.broadcast %jit3A_313 : i32 to vector<16xi32>
      %select_n3A_315 = arith.select %and3A_303, %add3A_312, %broadcast_in_dim3A_314 : vector<16xi1>, vector<16xi32>
      %mul3A_316 = arith.constant 16 : i32
      %mul3A_317 = arith.muli %scan3A_244, %mul3A_316 : i32
      %add3A_318 = arith.constant 5120 : i32
      %add3A_319 = arith.addi %add3A_318, %mul3A_317 : i32
      %swap3A = arith.index_cast %add3A_319 : i32 to index
      %swap3A_320 = tpu.vector_load %arg17[%swap3A] {strides = array<i32>} : memref<9216xi32, #tpu.memory_space<vmem>>, vector<16xi32>,
      %swap3A_321 = vector.shape_cast %swap3A_320 : vector<16xi32> to vector<16xi32>
      %swap3A_322 = vector.shape_cast %select_n3A_315 : vector<16xi32> to vector<16xi32>
      tpu.vector_store %arg17[%swap3A], %swap3A_322 {strides = array<i32>} : memref<9216xi32, #tpu.memory_space<vmem>>, vector<16xi32>,
      %shift_right_logical3A_323 = arith.constant 3 : i32
      %shift_right_logical3A_324 = arith.shrui %scan3A_244, %shift_right_logical3A_323 : i32
      %add3A_325 = arith.constant 40 : i32
      %add3A_326 = arith.addi %add3A_325, %shift_right_logical3A_324 : i32
      %and3A_327 = arith.constant 7 : i32
      %and3A_328 = arith.andi %scan3A_244, %and3A_327 : i32
      %mul3A_329 = arith.constant 16 : i32
      %mul3A_330 = arith.muli %and3A_328, %mul3A_329 : i32
      %swap3A_331 = arith.index_cast %add3A_326 : i32 to index
      %swap3A_332 = arith.index_cast %mul3A_330 : i32 to index
      %swap3A_333 = tpu.vector_load %arg18[%swap3A_331, %swap3A_332] {strides = array<i32>} : memref<72x128xi32, #tpu.memory_space<vmem>>, vector<1x16xi32>,
      %swap3A_334 = vector.shape_cast %swap3A_333 : vector<1x16xi32> to vector<16xi32>
      %swap3A_335 = vector.shape_cast %select_n3A : vector<16xi32> to vector<1x16xi32>
      tpu.vector_store %arg18[%swap3A_331, %swap3A_332], %swap3A_335 {strides = array<i32>} : memref<72x128xi32, #tpu.memory_space<vmem>>, vector<1x16xi32>,
    }
    %scan3A_74 = arith.constant 32 : i32
    %scan3A_75 = arith.constant 0 : i32
    %scan3A_76 = arith.constant 0 : i32
    %scan3A_77 = arith.constant 32 : i32
    %scan3A_78 = arith.addi %scan3A_76, %scan3A_77 : i32
    %scan3A_79 = arith.constant 1 : i32
    scf.for %scan3A_244 = %scan3A_76 to %scan3A_78 step %scan3A_79  : i32 {
      %mul3A_245 = arith.constant 16 : i32
      %mul3A_246 = arith.muli %scan3A_244, %mul3A_245 : i32
      %add3A_247 = arith.addi %mul3A_2, %mul3A_246 : i32
      %add3A_248 = vector.broadcast %add3A_247 : i32 to vector<16xi32>
      %add3A_249 = arith.addi %add3A_248, %iota3A : vector<16xi32>
      %shift_right_logical3A = arith.constant 7 : i32
      %shift_right_logical3A_250 = vector.broadcast %shift_right_logical3A : i32 to vector<16xi32>
      %shift_right_logical3A_251 = arith.shrui %add3A_249, %shift_right_logical3A_250 : vector<16xi32>
      %and3A = arith.constant 127 : i32
      %and3A_252 = vector.broadcast %and3A : i32 to vector<16xi32>
      %and3A_253 = arith.andi %add3A_249, %and3A_252 : vector<16xi32>
      %mul3A_254 = arith.constant 16 : i32
      %mul3A_255 = arith.muli %scan3A_244, %mul3A_254 : i32
      %get3A = arith.index_cast %mul3A_255 : i32 to index
      %get3A_256 = tpu.vector_load %arg15[%get3A] {strides = array<i32>} : memref<512xi32, #tpu.memory_space<vmem>>, vector<16xi32>,
      %get3A_257 = vector.shape_cast %get3A_256 : vector<16xi32> to vector<16xi32>
      %mul3A_258 = arith.constant 16 : i32
      %mul3A_259 = arith.muli %scan3A_244, %mul3A_258 : i32
      %get3A_260 = arith.index_cast %mul3A_259 : i32 to index
      %get3A_261 = tpu.vector_load %arg16[%get3A_260] {strides = array<i32>} : memref<512xi32, #tpu.memory_space<vmem>>, vector<16xi32>,
      %get3A_262 = vector.shape_cast %get3A_261 : vector<16xi32> to vector<16xi32>
      %add3A_263 = arith.constant -1 : i32
      %add3A_264 = vector.broadcast %add3A_263 : i32 to vector<16xi32>
      %add3A_265 = arith.addi %get3A_257, %add3A_264 : vector<16xi32>
      %add3A_266 = arith.constant 1 : i32
      %add3A_267 = vector.broadcast %add3A_266 : i32 to vector<16xi32>
      %add3A_268 = arith.addi %get3A_262, %add3A_267 : vector<16xi32>
      %add3A_269 = arith.constant -1 : i32
      %add3A_270 = vector.broadcast %add3A_269 : i32 to vector<16xi32>
      %add3A_271 = arith.addi %shift_right_logical3A_251, %add3A_270 : vector<16xi32>
      %add3A_272 = arith.constant 1 : i32
      %add3A_273 = vector.broadcast %add3A_272 : i32 to vector<16xi32>
      %add3A_274 = arith.addi %and3A_253, %add3A_273 : vector<16xi32>
      %ge3A = arith.constant 0 : i32
      %ge3A_275 = vector.broadcast %ge3A : i32 to vector<16xi32>
      %ge3A_276 = arith.cmpi sge, %add3A_265, %ge3A_275 : vector<16xi32>
      %lt3A = arith.constant 128 : i32
      %lt3A_277 = vector.broadcast %lt3A : i32 to vector<16xi32>
      %lt3A_278 = arith.cmpi slt, %add3A_265, %lt3A_277 : vector<16xi32>
      %and3A_279 = arith.andi %ge3A_276, %lt3A_278 : vector<16xi1>
      %ge3A_280 = arith.constant 0 : i32
      %ge3A_281 = vector.broadcast %ge3A_280 : i32 to vector<16xi32>
      %ge3A_282 = arith.cmpi sge, %add3A_268, %ge3A_281 : vector<16xi32>
      %and3A_283 = arith.andi %and3A_279, %ge3A_282 : vector<16xi1>
      %lt3A_284 = arith.constant 128 : i32
      %lt3A_285 = vector.broadcast %lt3A_284 : i32 to vector<16xi32>
      %lt3A_286 = arith.cmpi slt, %add3A_268, %lt3A_285 : vector<16xi32>
      %and3A_287 = arith.andi %and3A_283, %lt3A_286 : vector<16xi1>
      %ge3A_288 = arith.constant 0 : i32
      %ge3A_289 = vector.broadcast %ge3A_288 : i32 to vector<16xi32>
      %ge3A_290 = arith.cmpi sge, %add3A_271, %ge3A_289 : vector<16xi32>
      %and3A_291 = arith.andi %and3A_287, %ge3A_290 : vector<16xi1>
      %lt3A_292 = arith.constant 128 : i32
      %lt3A_293 = vector.broadcast %lt3A_292 : i32 to vector<16xi32>
      %lt3A_294 = arith.cmpi slt, %add3A_271, %lt3A_293 : vector<16xi32>
      %and3A_295 = arith.andi %and3A_291, %lt3A_294 : vector<16xi1>
      %ge3A_296 = arith.constant 0 : i32
      %ge3A_297 = vector.broadcast %ge3A_296 : i32 to vector<16xi32>
      %ge3A_298 = arith.cmpi sge, %add3A_274, %ge3A_297 : vector<16xi32>
      %and3A_299 = arith.andi %and3A_295, %ge3A_298 : vector<16xi1>
      %lt3A_300 = arith.constant 128 : i32
      %lt3A_301 = vector.broadcast %lt3A_300 : i32 to vector<16xi32>
      %lt3A_302 = arith.cmpi slt, %add3A_274, %lt3A_301 : vector<16xi32>
      %and3A_303 = arith.andi %and3A_299, %lt3A_302 : vector<16xi1>
      %mul3A_304 = arith.constant 128 : i32
      %mul3A_305 = vector.broadcast %mul3A_304 : i32 to vector<16xi32>
      %mul3A_306 = arith.muli %add3A_265, %mul3A_305 : vector<16xi32>
      %add3A_307 = arith.addi %mul3A_306, %add3A_268 : vector<16xi32>
      %jit3A = arith.constant 0 : i32
      %broadcast_in_dim3A_308 = vector.broadcast %jit3A : i32 to vector<16xi32>
      %select_n3A = arith.select %and3A_303, %add3A_307, %broadcast_in_dim3A_308 : vector<16xi1>, vector<16xi32>
      %mul3A_309 = arith.constant 128 : i32
      %mul3A_310 = vector.broadcast %mul3A_309 : i32 to vector<16xi32>
      %mul3A_311 = arith.muli %add3A_271, %mul3A_310 : vector<16xi32>
      %add3A_312 = arith.addi %mul3A_311, %add3A_274 : vector<16xi32>
      %jit3A_313 = arith.constant 16384 : i32
      %broadcast_in_dim3A_314 = vector.broadcast %jit3A_313 : i32 to vector<16xi32>
      %select_n3A_315 = arith.select %and3A_303, %add3A_312, %broadcast_in_dim3A_314 : vector<16xi1>, vector<16xi32>
      %mul3A_316 = arith.constant 16 : i32
      %mul3A_317 = arith.muli %scan3A_244, %mul3A_316 : i32
      %add3A_318 = arith.constant 5632 : i32
      %add3A_319 = arith.addi %add3A_318, %mul3A_317 : i32
      %swap3A = arith.index_cast %add3A_319 : i32 to index
      %swap3A_320 = tpu.vector_load %arg17[%swap3A] {strides = array<i32>} : memref<9216xi32, #tpu.memory_space<vmem>>, vector<16xi32>,
      %swap3A_321 = vector.shape_cast %swap3A_320 : vector<16xi32> to vector<16xi32>
      %swap3A_322 = vector.shape_cast %select_n3A_315 : vector<16xi32> to vector<16xi32>
      tpu.vector_store %arg17[%swap3A], %swap3A_322 {strides = array<i32>} : memref<9216xi32, #tpu.memory_space<vmem>>, vector<16xi32>,
      %shift_right_logical3A_323 = arith.constant 3 : i32
      %shift_right_logical3A_324 = arith.shrui %scan3A_244, %shift_right_logical3A_323 : i32
      %add3A_325 = arith.constant 44 : i32
      %add3A_326 = arith.addi %add3A_325, %shift_right_logical3A_324 : i32
      %and3A_327 = arith.constant 7 : i32
      %and3A_328 = arith.andi %scan3A_244, %and3A_327 : i32
      %mul3A_329 = arith.constant 16 : i32
      %mul3A_330 = arith.muli %and3A_328, %mul3A_329 : i32
      %swap3A_331 = arith.index_cast %add3A_326 : i32 to index
      %swap3A_332 = arith.index_cast %mul3A_330 : i32 to index
      %swap3A_333 = tpu.vector_load %arg18[%swap3A_331, %swap3A_332] {strides = array<i32>} : memref<72x128xi32, #tpu.memory_space<vmem>>, vector<1x16xi32>,
      %swap3A_334 = vector.shape_cast %swap3A_333 : vector<1x16xi32> to vector<16xi32>
      %swap3A_335 = vector.shape_cast %select_n3A : vector<16xi32> to vector<1x16xi32>
      tpu.vector_store %arg18[%swap3A_331, %swap3A_332], %swap3A_335 {strides = array<i32>} : memref<72x128xi32, #tpu.memory_space<vmem>>, vector<1x16xi32>,
    }
    %scan3A_80 = arith.constant 32 : i32
    %scan3A_81 = arith.constant 0 : i32
    %scan3A_82 = arith.constant 0 : i32
    %scan3A_83 = arith.constant 32 : i32
    %scan3A_84 = arith.addi %scan3A_82, %scan3A_83 : i32
    %scan3A_85 = arith.constant 1 : i32
    scf.for %scan3A_244 = %scan3A_82 to %scan3A_84 step %scan3A_85  : i32 {
      %mul3A_245 = arith.constant 16 : i32
      %mul3A_246 = arith.muli %scan3A_244, %mul3A_245 : i32
      %add3A_247 = arith.addi %mul3A_2, %mul3A_246 : i32
      %add3A_248 = vector.broadcast %add3A_247 : i32 to vector<16xi32>
      %add3A_249 = arith.addi %add3A_248, %iota3A : vector<16xi32>
      %shift_right_logical3A = arith.constant 7 : i32
      %shift_right_logical3A_250 = vector.broadcast %shift_right_logical3A : i32 to vector<16xi32>
      %shift_right_logical3A_251 = arith.shrui %add3A_249, %shift_right_logical3A_250 : vector<16xi32>
      %and3A = arith.constant 127 : i32
      %and3A_252 = vector.broadcast %and3A : i32 to vector<16xi32>
      %and3A_253 = arith.andi %add3A_249, %and3A_252 : vector<16xi32>
      %mul3A_254 = arith.constant 16 : i32
      %mul3A_255 = arith.muli %scan3A_244, %mul3A_254 : i32
      %get3A = arith.index_cast %mul3A_255 : i32 to index
      %get3A_256 = tpu.vector_load %arg15[%get3A] {strides = array<i32>} : memref<512xi32, #tpu.memory_space<vmem>>, vector<16xi32>,
      %get3A_257 = vector.shape_cast %get3A_256 : vector<16xi32> to vector<16xi32>
      %mul3A_258 = arith.constant 16 : i32
      %mul3A_259 = arith.muli %scan3A_244, %mul3A_258 : i32
      %get3A_260 = arith.index_cast %mul3A_259 : i32 to index
      %get3A_261 = tpu.vector_load %arg16[%get3A_260] {strides = array<i32>} : memref<512xi32, #tpu.memory_space<vmem>>, vector<16xi32>,
      %get3A_262 = vector.shape_cast %get3A_261 : vector<16xi32> to vector<16xi32>
      %add3A_263 = arith.constant 0 : i32
      %add3A_264 = vector.broadcast %add3A_263 : i32 to vector<16xi32>
      %add3A_265 = arith.addi %get3A_257, %add3A_264 : vector<16xi32>
      %add3A_266 = arith.constant -1 : i32
      %add3A_267 = vector.broadcast %add3A_266 : i32 to vector<16xi32>
      %add3A_268 = arith.addi %get3A_262, %add3A_267 : vector<16xi32>
      %add3A_269 = arith.constant 0 : i32
      %add3A_270 = vector.broadcast %add3A_269 : i32 to vector<16xi32>
      %add3A_271 = arith.addi %shift_right_logical3A_251, %add3A_270 : vector<16xi32>
      %add3A_272 = arith.constant -1 : i32
      %add3A_273 = vector.broadcast %add3A_272 : i32 to vector<16xi32>
      %add3A_274 = arith.addi %and3A_253, %add3A_273 : vector<16xi32>
      %ge3A = arith.constant 0 : i32
      %ge3A_275 = vector.broadcast %ge3A : i32 to vector<16xi32>
      %ge3A_276 = arith.cmpi sge, %add3A_265, %ge3A_275 : vector<16xi32>
      %lt3A = arith.constant 128 : i32
      %lt3A_277 = vector.broadcast %lt3A : i32 to vector<16xi32>
      %lt3A_278 = arith.cmpi slt, %add3A_265, %lt3A_277 : vector<16xi32>
      %and3A_279 = arith.andi %ge3A_276, %lt3A_278 : vector<16xi1>
      %ge3A_280 = arith.constant 0 : i32
      %ge3A_281 = vector.broadcast %ge3A_280 : i32 to vector<16xi32>
      %ge3A_282 = arith.cmpi sge, %add3A_268, %ge3A_281 : vector<16xi32>
      %and3A_283 = arith.andi %and3A_279, %ge3A_282 : vector<16xi1>
      %lt3A_284 = arith.constant 128 : i32
      %lt3A_285 = vector.broadcast %lt3A_284 : i32 to vector<16xi32>
      %lt3A_286 = arith.cmpi slt, %add3A_268, %lt3A_285 : vector<16xi32>
      %and3A_287 = arith.andi %and3A_283, %lt3A_286 : vector<16xi1>
      %ge3A_288 = arith.constant 0 : i32
      %ge3A_289 = vector.broadcast %ge3A_288 : i32 to vector<16xi32>
      %ge3A_290 = arith.cmpi sge, %add3A_271, %ge3A_289 : vector<16xi32>
      %and3A_291 = arith.andi %and3A_287, %ge3A_290 : vector<16xi1>
      %lt3A_292 = arith.constant 128 : i32
      %lt3A_293 = vector.broadcast %lt3A_292 : i32 to vector<16xi32>
      %lt3A_294 = arith.cmpi slt, %add3A_271, %lt3A_293 : vector<16xi32>
      %and3A_295 = arith.andi %and3A_291, %lt3A_294 : vector<16xi1>
      %ge3A_296 = arith.constant 0 : i32
      %ge3A_297 = vector.broadcast %ge3A_296 : i32 to vector<16xi32>
      %ge3A_298 = arith.cmpi sge, %add3A_274, %ge3A_297 : vector<16xi32>
      %and3A_299 = arith.andi %and3A_295, %ge3A_298 : vector<16xi1>
      %lt3A_300 = arith.constant 128 : i32
      %lt3A_301 = vector.broadcast %lt3A_300 : i32 to vector<16xi32>
      %lt3A_302 = arith.cmpi slt, %add3A_274, %lt3A_301 : vector<16xi32>
      %and3A_303 = arith.andi %and3A_299, %lt3A_302 : vector<16xi1>
      %mul3A_304 = arith.constant 128 : i32
      %mul3A_305 = vector.broadcast %mul3A_304 : i32 to vector<16xi32>
      %mul3A_306 = arith.muli %add3A_265, %mul3A_305 : vector<16xi32>
      %add3A_307 = arith.addi %mul3A_306, %add3A_268 : vector<16xi32>
      %jit3A = arith.constant 0 : i32
      %broadcast_in_dim3A_308 = vector.broadcast %jit3A : i32 to vector<16xi32>
      %select_n3A = arith.select %and3A_303, %add3A_307, %broadcast_in_dim3A_308 : vector<16xi1>, vector<16xi32>
      %mul3A_309 = arith.constant 128 : i32
      %mul3A_310 = vector.broadcast %mul3A_309 : i32 to vector<16xi32>
      %mul3A_311 = arith.muli %add3A_271, %mul3A_310 : vector<16xi32>
      %add3A_312 = arith.addi %mul3A_311, %add3A_274 : vector<16xi32>
      %jit3A_313 = arith.constant 16384 : i32
      %broadcast_in_dim3A_314 = vector.broadcast %jit3A_313 : i32 to vector<16xi32>
      %select_n3A_315 = arith.select %and3A_303, %add3A_312, %broadcast_in_dim3A_314 : vector<16xi1>, vector<16xi32>
      %mul3A_316 = arith.constant 16 : i32
      %mul3A_317 = arith.muli %scan3A_244, %mul3A_316 : i32
      %add3A_318 = arith.constant 6144 : i32
      %add3A_319 = arith.addi %add3A_318, %mul3A_317 : i32
      %swap3A = arith.index_cast %add3A_319 : i32 to index
      %swap3A_320 = tpu.vector_load %arg17[%swap3A] {strides = array<i32>} : memref<9216xi32, #tpu.memory_space<vmem>>, vector<16xi32>,
      %swap3A_321 = vector.shape_cast %swap3A_320 : vector<16xi32> to vector<16xi32>
      %swap3A_322 = vector.shape_cast %select_n3A_315 : vector<16xi32> to vector<16xi32>
      tpu.vector_store %arg17[%swap3A], %swap3A_322 {strides = array<i32>} : memref<9216xi32, #tpu.memory_space<vmem>>, vector<16xi32>,
      %shift_right_logical3A_323 = arith.constant 3 : i32
      %shift_right_logical3A_324 = arith.shrui %scan3A_244, %shift_right_logical3A_323 : i32
      %add3A_325 = arith.constant 48 : i32
      %add3A_326 = arith.addi %add3A_325, %shift_right_logical3A_324 : i32
      %and3A_327 = arith.constant 7 : i32
      %and3A_328 = arith.andi %scan3A_244, %and3A_327 : i32
      %mul3A_329 = arith.constant 16 : i32
      %mul3A_330 = arith.muli %and3A_328, %mul3A_329 : i32
      %swap3A_331 = arith.index_cast %add3A_326 : i32 to index
      %swap3A_332 = arith.index_cast %mul3A_330 : i32 to index
      %swap3A_333 = tpu.vector_load %arg18[%swap3A_331, %swap3A_332] {strides = array<i32>} : memref<72x128xi32, #tpu.memory_space<vmem>>, vector<1x16xi32>,
      %swap3A_334 = vector.shape_cast %swap3A_333 : vector<1x16xi32> to vector<16xi32>
      %swap3A_335 = vector.shape_cast %select_n3A : vector<16xi32> to vector<1x16xi32>
      tpu.vector_store %arg18[%swap3A_331, %swap3A_332], %swap3A_335 {strides = array<i32>} : memref<72x128xi32, #tpu.memory_space<vmem>>, vector<1x16xi32>,
    }
    %scan3A_86 = arith.constant 32 : i32
    %scan3A_87 = arith.constant 0 : i32
    %scan3A_88 = arith.constant 0 : i32
    %scan3A_89 = arith.constant 32 : i32
    %scan3A_90 = arith.addi %scan3A_88, %scan3A_89 : i32
    %scan3A_91 = arith.constant 1 : i32
    scf.for %scan3A_244 = %scan3A_88 to %scan3A_90 step %scan3A_91  : i32 {
      %mul3A_245 = arith.constant 16 : i32
      %mul3A_246 = arith.muli %scan3A_244, %mul3A_245 : i32
      %add3A_247 = arith.addi %mul3A_2, %mul3A_246 : i32
      %add3A_248 = vector.broadcast %add3A_247 : i32 to vector<16xi32>
      %add3A_249 = arith.addi %add3A_248, %iota3A : vector<16xi32>
      %shift_right_logical3A = arith.constant 7 : i32
      %shift_right_logical3A_250 = vector.broadcast %shift_right_logical3A : i32 to vector<16xi32>
      %shift_right_logical3A_251 = arith.shrui %add3A_249, %shift_right_logical3A_250 : vector<16xi32>
      %and3A = arith.constant 127 : i32
      %and3A_252 = vector.broadcast %and3A : i32 to vector<16xi32>
      %and3A_253 = arith.andi %add3A_249, %and3A_252 : vector<16xi32>
      %mul3A_254 = arith.constant 16 : i32
      %mul3A_255 = arith.muli %scan3A_244, %mul3A_254 : i32
      %get3A = arith.index_cast %mul3A_255 : i32 to index
      %get3A_256 = tpu.vector_load %arg15[%get3A] {strides = array<i32>} : memref<512xi32, #tpu.memory_space<vmem>>, vector<16xi32>,
      %get3A_257 = vector.shape_cast %get3A_256 : vector<16xi32> to vector<16xi32>
      %mul3A_258 = arith.constant 16 : i32
      %mul3A_259 = arith.muli %scan3A_244, %mul3A_258 : i32
      %get3A_260 = arith.index_cast %mul3A_259 : i32 to index
      %get3A_261 = tpu.vector_load %arg16[%get3A_260] {strides = array<i32>} : memref<512xi32, #tpu.memory_space<vmem>>, vector<16xi32>,
      %get3A_262 = vector.shape_cast %get3A_261 : vector<16xi32> to vector<16xi32>
      %add3A_263 = arith.constant 0 : i32
      %add3A_264 = vector.broadcast %add3A_263 : i32 to vector<16xi32>
      %add3A_265 = arith.addi %get3A_257, %add3A_264 : vector<16xi32>
      %add3A_266 = arith.constant 0 : i32
      %add3A_267 = vector.broadcast %add3A_266 : i32 to vector<16xi32>
      %add3A_268 = arith.addi %get3A_262, %add3A_267 : vector<16xi32>
      %add3A_269 = arith.constant 0 : i32
      %add3A_270 = vector.broadcast %add3A_269 : i32 to vector<16xi32>
      %add3A_271 = arith.addi %shift_right_logical3A_251, %add3A_270 : vector<16xi32>
      %add3A_272 = arith.constant 0 : i32
      %add3A_273 = vector.broadcast %add3A_272 : i32 to vector<16xi32>
      %add3A_274 = arith.addi %and3A_253, %add3A_273 : vector<16xi32>
      %ge3A = arith.constant 0 : i32
      %ge3A_275 = vector.broadcast %ge3A : i32 to vector<16xi32>
      %ge3A_276 = arith.cmpi sge, %add3A_265, %ge3A_275 : vector<16xi32>
      %lt3A = arith.constant 128 : i32
      %lt3A_277 = vector.broadcast %lt3A : i32 to vector<16xi32>
      %lt3A_278 = arith.cmpi slt, %add3A_265, %lt3A_277 : vector<16xi32>
      %and3A_279 = arith.andi %ge3A_276, %lt3A_278 : vector<16xi1>
      %ge3A_280 = arith.constant 0 : i32
      %ge3A_281 = vector.broadcast %ge3A_280 : i32 to vector<16xi32>
      %ge3A_282 = arith.cmpi sge, %add3A_268, %ge3A_281 : vector<16xi32>
      %and3A_283 = arith.andi %and3A_279, %ge3A_282 : vector<16xi1>
      %lt3A_284 = arith.constant 128 : i32
      %lt3A_285 = vector.broadcast %lt3A_284 : i32 to vector<16xi32>
      %lt3A_286 = arith.cmpi slt, %add3A_268, %lt3A_285 : vector<16xi32>
      %and3A_287 = arith.andi %and3A_283, %lt3A_286 : vector<16xi1>
      %ge3A_288 = arith.constant 0 : i32
      %ge3A_289 = vector.broadcast %ge3A_288 : i32 to vector<16xi32>
      %ge3A_290 = arith.cmpi sge, %add3A_271, %ge3A_289 : vector<16xi32>
      %and3A_291 = arith.andi %and3A_287, %ge3A_290 : vector<16xi1>
      %lt3A_292 = arith.constant 128 : i32
      %lt3A_293 = vector.broadcast %lt3A_292 : i32 to vector<16xi32>
      %lt3A_294 = arith.cmpi slt, %add3A_271, %lt3A_293 : vector<16xi32>
      %and3A_295 = arith.andi %and3A_291, %lt3A_294 : vector<16xi1>
      %ge3A_296 = arith.constant 0 : i32
      %ge3A_297 = vector.broadcast %ge3A_296 : i32 to vector<16xi32>
      %ge3A_298 = arith.cmpi sge, %add3A_274, %ge3A_297 : vector<16xi32>
      %and3A_299 = arith.andi %and3A_295, %ge3A_298 : vector<16xi1>
      %lt3A_300 = arith.constant 128 : i32
      %lt3A_301 = vector.broadcast %lt3A_300 : i32 to vector<16xi32>
      %lt3A_302 = arith.cmpi slt, %add3A_274, %lt3A_301 : vector<16xi32>
      %and3A_303 = arith.andi %and3A_299, %lt3A_302 : vector<16xi1>
      %mul3A_304 = arith.constant 128 : i32
      %mul3A_305 = vector.broadcast %mul3A_304 : i32 to vector<16xi32>
      %mul3A_306 = arith.muli %add3A_265, %mul3A_305 : vector<16xi32>
      %add3A_307 = arith.addi %mul3A_306, %add3A_268 : vector<16xi32>
      %jit3A = arith.constant 0 : i32
      %broadcast_in_dim3A_308 = vector.broadcast %jit3A : i32 to vector<16xi32>
      %select_n3A = arith.select %and3A_303, %add3A_307, %broadcast_in_dim3A_308 : vector<16xi1>, vector<16xi32>
      %mul3A_309 = arith.constant 128 : i32
      %mul3A_310 = vector.broadcast %mul3A_309 : i32 to vector<16xi32>
      %mul3A_311 = arith.muli %add3A_271, %mul3A_310 : vector<16xi32>
      %add3A_312 = arith.addi %mul3A_311, %add3A_274 : vector<16xi32>
      %jit3A_313 = arith.constant 16384 : i32
      %broadcast_in_dim3A_314 = vector.broadcast %jit3A_313 : i32 to vector<16xi32>
      %select_n3A_315 = arith.select %and3A_303, %add3A_312, %broadcast_in_dim3A_314 : vector<16xi1>, vector<16xi32>
      %mul3A_316 = arith.constant 16 : i32
      %mul3A_317 = arith.muli %scan3A_244, %mul3A_316 : i32
      %add3A_318 = arith.constant 6656 : i32
      %add3A_319 = arith.addi %add3A_318, %mul3A_317 : i32
      %swap3A = arith.index_cast %add3A_319 : i32 to index
      %swap3A_320 = tpu.vector_load %arg17[%swap3A] {strides = array<i32>} : memref<9216xi32, #tpu.memory_space<vmem>>, vector<16xi32>,
      %swap3A_321 = vector.shape_cast %swap3A_320 : vector<16xi32> to vector<16xi32>
      %swap3A_322 = vector.shape_cast %select_n3A_315 : vector<16xi32> to vector<16xi32>
      tpu.vector_store %arg17[%swap3A], %swap3A_322 {strides = array<i32>} : memref<9216xi32, #tpu.memory_space<vmem>>, vector<16xi32>,
      %shift_right_logical3A_323 = arith.constant 3 : i32
      %shift_right_logical3A_324 = arith.shrui %scan3A_244, %shift_right_logical3A_323 : i32
      %add3A_325 = arith.constant 52 : i32
      %add3A_326 = arith.addi %add3A_325, %shift_right_logical3A_324 : i32
      %and3A_327 = arith.constant 7 : i32
      %and3A_328 = arith.andi %scan3A_244, %and3A_327 : i32
      %mul3A_329 = arith.constant 16 : i32
      %mul3A_330 = arith.muli %and3A_328, %mul3A_329 : i32
      %swap3A_331 = arith.index_cast %add3A_326 : i32 to index
      %swap3A_332 = arith.index_cast %mul3A_330 : i32 to index
      %swap3A_333 = tpu.vector_load %arg18[%swap3A_331, %swap3A_332] {strides = array<i32>} : memref<72x128xi32, #tpu.memory_space<vmem>>, vector<1x16xi32>,
      %swap3A_334 = vector.shape_cast %swap3A_333 : vector<1x16xi32> to vector<16xi32>
      %swap3A_335 = vector.shape_cast %select_n3A : vector<16xi32> to vector<1x16xi32>
      tpu.vector_store %arg18[%swap3A_331, %swap3A_332], %swap3A_335 {strides = array<i32>} : memref<72x128xi32, #tpu.memory_space<vmem>>, vector<1x16xi32>,
    }
    %scan3A_92 = arith.constant 32 : i32
    %scan3A_93 = arith.constant 0 : i32
    %scan3A_94 = arith.constant 0 : i32
    %scan3A_95 = arith.constant 32 : i32
    %scan3A_96 = arith.addi %scan3A_94, %scan3A_95 : i32
    %scan3A_97 = arith.constant 1 : i32
    scf.for %scan3A_244 = %scan3A_94 to %scan3A_96 step %scan3A_97  : i32 {
      %mul3A_245 = arith.constant 16 : i32
      %mul3A_246 = arith.muli %scan3A_244, %mul3A_245 : i32
      %add3A_247 = arith.addi %mul3A_2, %mul3A_246 : i32
      %add3A_248 = vector.broadcast %add3A_247 : i32 to vector<16xi32>
      %add3A_249 = arith.addi %add3A_248, %iota3A : vector<16xi32>
      %shift_right_logical3A = arith.constant 7 : i32
      %shift_right_logical3A_250 = vector.broadcast %shift_right_logical3A : i32 to vector<16xi32>
      %shift_right_logical3A_251 = arith.shrui %add3A_249, %shift_right_logical3A_250 : vector<16xi32>
      %and3A = arith.constant 127 : i32
      %and3A_252 = vector.broadcast %and3A : i32 to vector<16xi32>
      %and3A_253 = arith.andi %add3A_249, %and3A_252 : vector<16xi32>
      %mul3A_254 = arith.constant 16 : i32
      %mul3A_255 = arith.muli %scan3A_244, %mul3A_254 : i32
      %get3A = arith.index_cast %mul3A_255 : i32 to index
      %get3A_256 = tpu.vector_load %arg15[%get3A] {strides = array<i32>} : memref<512xi32, #tpu.memory_space<vmem>>, vector<16xi32>,
      %get3A_257 = vector.shape_cast %get3A_256 : vector<16xi32> to vector<16xi32>
      %mul3A_258 = arith.constant 16 : i32
      %mul3A_259 = arith.muli %scan3A_244, %mul3A_258 : i32
      %get3A_260 = arith.index_cast %mul3A_259 : i32 to index
      %get3A_261 = tpu.vector_load %arg16[%get3A_260] {strides = array<i32>} : memref<512xi32, #tpu.memory_space<vmem>>, vector<16xi32>,
      %get3A_262 = vector.shape_cast %get3A_261 : vector<16xi32> to vector<16xi32>
      %add3A_263 = arith.constant 0 : i32
      %add3A_264 = vector.broadcast %add3A_263 : i32 to vector<16xi32>
      %add3A_265 = arith.addi %get3A_257, %add3A_264 : vector<16xi32>
      %add3A_266 = arith.constant 1 : i32
      %add3A_267 = vector.broadcast %add3A_266 : i32 to vector<16xi32>
      %add3A_268 = arith.addi %get3A_262, %add3A_267 : vector<16xi32>
      %add3A_269 = arith.constant 0 : i32
      %add3A_270 = vector.broadcast %add3A_269 : i32 to vector<16xi32>
      %add3A_271 = arith.addi %shift_right_logical3A_251, %add3A_270 : vector<16xi32>
      %add3A_272 = arith.constant 1 : i32
      %add3A_273 = vector.broadcast %add3A_272 : i32 to vector<16xi32>
      %add3A_274 = arith.addi %and3A_253, %add3A_273 : vector<16xi32>
      %ge3A = arith.constant 0 : i32
      %ge3A_275 = vector.broadcast %ge3A : i32 to vector<16xi32>
      %ge3A_276 = arith.cmpi sge, %add3A_265, %ge3A_275 : vector<16xi32>
      %lt3A = arith.constant 128 : i32
      %lt3A_277 = vector.broadcast %lt3A : i32 to vector<16xi32>
      %lt3A_278 = arith.cmpi slt, %add3A_265, %lt3A_277 : vector<16xi32>
      %and3A_279 = arith.andi %ge3A_276, %lt3A_278 : vector<16xi1>
      %ge3A_280 = arith.constant 0 : i32
      %ge3A_281 = vector.broadcast %ge3A_280 : i32 to vector<16xi32>
      %ge3A_282 = arith.cmpi sge, %add3A_268, %ge3A_281 : vector<16xi32>
      %and3A_283 = arith.andi %and3A_279, %ge3A_282 : vector<16xi1>
      %lt3A_284 = arith.constant 128 : i32
      %lt3A_285 = vector.broadcast %lt3A_284 : i32 to vector<16xi32>
      %lt3A_286 = arith.cmpi slt, %add3A_268, %lt3A_285 : vector<16xi32>
      %and3A_287 = arith.andi %and3A_283, %lt3A_286 : vector<16xi1>
      %ge3A_288 = arith.constant 0 : i32
      %ge3A_289 = vector.broadcast %ge3A_288 : i32 to vector<16xi32>
      %ge3A_290 = arith.cmpi sge, %add3A_271, %ge3A_289 : vector<16xi32>
      %and3A_291 = arith.andi %and3A_287, %ge3A_290 : vector<16xi1>
      %lt3A_292 = arith.constant 128 : i32
      %lt3A_293 = vector.broadcast %lt3A_292 : i32 to vector<16xi32>
      %lt3A_294 = arith.cmpi slt, %add3A_271, %lt3A_293 : vector<16xi32>
      %and3A_295 = arith.andi %and3A_291, %lt3A_294 : vector<16xi1>
      %ge3A_296 = arith.constant 0 : i32
      %ge3A_297 = vector.broadcast %ge3A_296 : i32 to vector<16xi32>
      %ge3A_298 = arith.cmpi sge, %add3A_274, %ge3A_297 : vector<16xi32>
      %and3A_299 = arith.andi %and3A_295, %ge3A_298 : vector<16xi1>
      %lt3A_300 = arith.constant 128 : i32
      %lt3A_301 = vector.broadcast %lt3A_300 : i32 to vector<16xi32>
      %lt3A_302 = arith.cmpi slt, %add3A_274, %lt3A_301 : vector<16xi32>
      %and3A_303 = arith.andi %and3A_299, %lt3A_302 : vector<16xi1>
      %mul3A_304 = arith.constant 128 : i32
      %mul3A_305 = vector.broadcast %mul3A_304 : i32 to vector<16xi32>
      %mul3A_306 = arith.muli %add3A_265, %mul3A_305 : vector<16xi32>
      %add3A_307 = arith.addi %mul3A_306, %add3A_268 : vector<16xi32>
      %jit3A = arith.constant 0 : i32
      %broadcast_in_dim3A_308 = vector.broadcast %jit3A : i32 to vector<16xi32>
      %select_n3A = arith.select %and3A_303, %add3A_307, %broadcast_in_dim3A_308 : vector<16xi1>, vector<16xi32>
      %mul3A_309 = arith.constant 128 : i32
      %mul3A_310 = vector.broadcast %mul3A_309 : i32 to vector<16xi32>
      %mul3A_311 = arith.muli %add3A_271, %mul3A_310 : vector<16xi32>
      %add3A_312 = arith.addi %mul3A_311, %add3A_274 : vector<16xi32>
      %jit3A_313 = arith.constant 16384 : i32
      %broadcast_in_dim3A_314 = vector.broadcast %jit3A_313 : i32 to vector<16xi32>
      %select_n3A_315 = arith.select %and3A_303, %add3A_312, %broadcast_in_dim3A_314 : vector<16xi1>, vector<16xi32>
      %mul3A_316 = arith.constant 16 : i32
      %mul3A_317 = arith.muli %scan3A_244, %mul3A_316 : i32
      %add3A_318 = arith.constant 7168 : i32
      %add3A_319 = arith.addi %add3A_318, %mul3A_317 : i32
      %swap3A = arith.index_cast %add3A_319 : i32 to index
      %swap3A_320 = tpu.vector_load %arg17[%swap3A] {strides = array<i32>} : memref<9216xi32, #tpu.memory_space<vmem>>, vector<16xi32>,
      %swap3A_321 = vector.shape_cast %swap3A_320 : vector<16xi32> to vector<16xi32>
      %swap3A_322 = vector.shape_cast %select_n3A_315 : vector<16xi32> to vector<16xi32>
      tpu.vector_store %arg17[%swap3A], %swap3A_322 {strides = array<i32>} : memref<9216xi32, #tpu.memory_space<vmem>>, vector<16xi32>,
      %shift_right_logical3A_323 = arith.constant 3 : i32
      %shift_right_logical3A_324 = arith.shrui %scan3A_244, %shift_right_logical3A_323 : i32
      %add3A_325 = arith.constant 56 : i32
      %add3A_326 = arith.addi %add3A_325, %shift_right_logical3A_324 : i32
      %and3A_327 = arith.constant 7 : i32
      %and3A_328 = arith.andi %scan3A_244, %and3A_327 : i32
      %mul3A_329 = arith.constant 16 : i32
      %mul3A_330 = arith.muli %and3A_328, %mul3A_329 : i32
      %swap3A_331 = arith.index_cast %add3A_326 : i32 to index
      %swap3A_332 = arith.index_cast %mul3A_330 : i32 to index
      %swap3A_333 = tpu.vector_load %arg18[%swap3A_331, %swap3A_332] {strides = array<i32>} : memref<72x128xi32, #tpu.memory_space<vmem>>, vector<1x16xi32>,
      %swap3A_334 = vector.shape_cast %swap3A_333 : vector<1x16xi32> to vector<16xi32>
      %swap3A_335 = vector.shape_cast %select_n3A : vector<16xi32> to vector<1x16xi32>
      tpu.vector_store %arg18[%swap3A_331, %swap3A_332], %swap3A_335 {strides = array<i32>} : memref<72x128xi32, #tpu.memory_space<vmem>>, vector<1x16xi32>,
    }
    %scan3A_98 = arith.constant 32 : i32
    %scan3A_99 = arith.constant 0 : i32
    %scan3A_100 = arith.constant 0 : i32
    %scan3A_101 = arith.constant 32 : i32
    %scan3A_102 = arith.addi %scan3A_100, %scan3A_101 : i32
    %scan3A_103 = arith.constant 1 : i32
    scf.for %scan3A_244 = %scan3A_100 to %scan3A_102 step %scan3A_103  : i32 {
      %mul3A_245 = arith.constant 16 : i32
      %mul3A_246 = arith.muli %scan3A_244, %mul3A_245 : i32
      %add3A_247 = arith.addi %mul3A_2, %mul3A_246 : i32
      %add3A_248 = vector.broadcast %add3A_247 : i32 to vector<16xi32>
      %add3A_249 = arith.addi %add3A_248, %iota3A : vector<16xi32>
      %shift_right_logical3A = arith.constant 7 : i32
      %shift_right_logical3A_250 = vector.broadcast %shift_right_logical3A : i32 to vector<16xi32>
      %shift_right_logical3A_251 = arith.shrui %add3A_249, %shift_right_logical3A_250 : vector<16xi32>
      %and3A = arith.constant 127 : i32
      %and3A_252 = vector.broadcast %and3A : i32 to vector<16xi32>
      %and3A_253 = arith.andi %add3A_249, %and3A_252 : vector<16xi32>
      %mul3A_254 = arith.constant 16 : i32
      %mul3A_255 = arith.muli %scan3A_244, %mul3A_254 : i32
      %get3A = arith.index_cast %mul3A_255 : i32 to index
      %get3A_256 = tpu.vector_load %arg15[%get3A] {strides = array<i32>} : memref<512xi32, #tpu.memory_space<vmem>>, vector<16xi32>,
      %get3A_257 = vector.shape_cast %get3A_256 : vector<16xi32> to vector<16xi32>
      %mul3A_258 = arith.constant 16 : i32
      %mul3A_259 = arith.muli %scan3A_244, %mul3A_258 : i32
      %get3A_260 = arith.index_cast %mul3A_259 : i32 to index
      %get3A_261 = tpu.vector_load %arg16[%get3A_260] {strides = array<i32>} : memref<512xi32, #tpu.memory_space<vmem>>, vector<16xi32>,
      %get3A_262 = vector.shape_cast %get3A_261 : vector<16xi32> to vector<16xi32>
      %add3A_263 = arith.constant 1 : i32
      %add3A_264 = vector.broadcast %add3A_263 : i32 to vector<16xi32>
      %add3A_265 = arith.addi %get3A_257, %add3A_264 : vector<16xi32>
      %add3A_266 = arith.constant -1 : i32
      %add3A_267 = vector.broadcast %add3A_266 : i32 to vector<16xi32>
      %add3A_268 = arith.addi %get3A_262, %add3A_267 : vector<16xi32>
      %add3A_269 = arith.constant 1 : i32
      %add3A_270 = vector.broadcast %add3A_269 : i32 to vector<16xi32>
      %add3A_271 = arith.addi %shift_right_logical3A_251, %add3A_270 : vector<16xi32>
      %add3A_272 = arith.constant -1 : i32
      %add3A_273 = vector.broadcast %add3A_272 : i32 to vector<16xi32>
      %add3A_274 = arith.addi %and3A_253, %add3A_273 : vector<16xi32>
      %ge3A = arith.constant 0 : i32
      %ge3A_275 = vector.broadcast %ge3A : i32 to vector<16xi32>
      %ge3A_276 = arith.cmpi sge, %add3A_265, %ge3A_275 : vector<16xi32>
      %lt3A = arith.constant 128 : i32
      %lt3A_277 = vector.broadcast %lt3A : i32 to vector<16xi32>
      %lt3A_278 = arith.cmpi slt, %add3A_265, %lt3A_277 : vector<16xi32>
      %and3A_279 = arith.andi %ge3A_276, %lt3A_278 : vector<16xi1>
      %ge3A_280 = arith.constant 0 : i32
      %ge3A_281 = vector.broadcast %ge3A_280 : i32 to vector<16xi32>
      %ge3A_282 = arith.cmpi sge, %add3A_268, %ge3A_281 : vector<16xi32>
      %and3A_283 = arith.andi %and3A_279, %ge3A_282 : vector<16xi1>
      %lt3A_284 = arith.constant 128 : i32
      %lt3A_285 = vector.broadcast %lt3A_284 : i32 to vector<16xi32>
      %lt3A_286 = arith.cmpi slt, %add3A_268, %lt3A_285 : vector<16xi32>
      %and3A_287 = arith.andi %and3A_283, %lt3A_286 : vector<16xi1>
      %ge3A_288 = arith.constant 0 : i32
      %ge3A_289 = vector.broadcast %ge3A_288 : i32 to vector<16xi32>
      %ge3A_290 = arith.cmpi sge, %add3A_271, %ge3A_289 : vector<16xi32>
      %and3A_291 = arith.andi %and3A_287, %ge3A_290 : vector<16xi1>
      %lt3A_292 = arith.constant 128 : i32
      %lt3A_293 = vector.broadcast %lt3A_292 : i32 to vector<16xi32>
      %lt3A_294 = arith.cmpi slt, %add3A_271, %lt3A_293 : vector<16xi32>
      %and3A_295 = arith.andi %and3A_291, %lt3A_294 : vector<16xi1>
      %ge3A_296 = arith.constant 0 : i32
      %ge3A_297 = vector.broadcast %ge3A_296 : i32 to vector<16xi32>
      %ge3A_298 = arith.cmpi sge, %add3A_274, %ge3A_297 : vector<16xi32>
      %and3A_299 = arith.andi %and3A_295, %ge3A_298 : vector<16xi1>
      %lt3A_300 = arith.constant 128 : i32
      %lt3A_301 = vector.broadcast %lt3A_300 : i32 to vector<16xi32>
      %lt3A_302 = arith.cmpi slt, %add3A_274, %lt3A_301 : vector<16xi32>
      %and3A_303 = arith.andi %and3A_299, %lt3A_302 : vector<16xi1>
      %mul3A_304 = arith.constant 128 : i32
      %mul3A_305 = vector.broadcast %mul3A_304 : i32 to vector<16xi32>
      %mul3A_306 = arith.muli %add3A_265, %mul3A_305 : vector<16xi32>
      %add3A_307 = arith.addi %mul3A_306, %add3A_268 : vector<16xi32>
      %jit3A = arith.constant 0 : i32
      %broadcast_in_dim3A_308 = vector.broadcast %jit3A : i32 to vector<16xi32>
      %select_n3A = arith.select %and3A_303, %add3A_307, %broadcast_in_dim3A_308 : vector<16xi1>, vector<16xi32>
      %mul3A_309 = arith.constant 128 : i32
      %mul3A_310 = vector.broadcast %mul3A_309 : i32 to vector<16xi32>
      %mul3A_311 = arith.muli %add3A_271, %mul3A_310 : vector<16xi32>
      %add3A_312 = arith.addi %mul3A_311, %add3A_274 : vector<16xi32>
      %jit3A_313 = arith.constant 16384 : i32
      %broadcast_in_dim3A_314 = vector.broadcast %jit3A_313 : i32 to vector<16xi32>
      %select_n3A_315 = arith.select %and3A_303, %add3A_312, %broadcast_in_dim3A_314 : vector<16xi1>, vector<16xi32>
      %mul3A_316 = arith.constant 16 : i32
      %mul3A_317 = arith.muli %scan3A_244, %mul3A_316 : i32
      %add3A_318 = arith.constant 7680 : i32
      %add3A_319 = arith.addi %add3A_318, %mul3A_317 : i32
      %swap3A = arith.index_cast %add3A_319 : i32 to index
      %swap3A_320 = tpu.vector_load %arg17[%swap3A] {strides = array<i32>} : memref<9216xi32, #tpu.memory_space<vmem>>, vector<16xi32>,
      %swap3A_321 = vector.shape_cast %swap3A_320 : vector<16xi32> to vector<16xi32>
      %swap3A_322 = vector.shape_cast %select_n3A_315 : vector<16xi32> to vector<16xi32>
      tpu.vector_store %arg17[%swap3A], %swap3A_322 {strides = array<i32>} : memref<9216xi32, #tpu.memory_space<vmem>>, vector<16xi32>,
      %shift_right_logical3A_323 = arith.constant 3 : i32
      %shift_right_logical3A_324 = arith.shrui %scan3A_244, %shift_right_logical3A_323 : i32
      %add3A_325 = arith.constant 60 : i32
      %add3A_326 = arith.addi %add3A_325, %shift_right_logical3A_324 : i32
      %and3A_327 = arith.constant 7 : i32
      %and3A_328 = arith.andi %scan3A_244, %and3A_327 : i32
      %mul3A_329 = arith.constant 16 : i32
      %mul3A_330 = arith.muli %and3A_328, %mul3A_329 : i32
      %swap3A_331 = arith.index_cast %add3A_326 : i32 to index
      %swap3A_332 = arith.index_cast %mul3A_330 : i32 to index
      %swap3A_333 = tpu.vector_load %arg18[%swap3A_331, %swap3A_332] {strides = array<i32>} : memref<72x128xi32, #tpu.memory_space<vmem>>, vector<1x16xi32>,
      %swap3A_334 = vector.shape_cast %swap3A_333 : vector<1x16xi32> to vector<16xi32>
      %swap3A_335 = vector.shape_cast %select_n3A : vector<16xi32> to vector<1x16xi32>
      tpu.vector_store %arg18[%swap3A_331, %swap3A_332], %swap3A_335 {strides = array<i32>} : memref<72x128xi32, #tpu.memory_space<vmem>>, vector<1x16xi32>,
    }
    %scan3A_104 = arith.constant 32 : i32
    %scan3A_105 = arith.constant 0 : i32
    %scan3A_106 = arith.constant 0 : i32
    %scan3A_107 = arith.constant 32 : i32
    %scan3A_108 = arith.addi %scan3A_106, %scan3A_107 : i32
    %scan3A_109 = arith.constant 1 : i32
    scf.for %scan3A_244 = %scan3A_106 to %scan3A_108 step %scan3A_109  : i32 {
      %mul3A_245 = arith.constant 16 : i32
      %mul3A_246 = arith.muli %scan3A_244, %mul3A_245 : i32
      %add3A_247 = arith.addi %mul3A_2, %mul3A_246 : i32
      %add3A_248 = vector.broadcast %add3A_247 : i32 to vector<16xi32>
      %add3A_249 = arith.addi %add3A_248, %iota3A : vector<16xi32>
      %shift_right_logical3A = arith.constant 7 : i32
      %shift_right_logical3A_250 = vector.broadcast %shift_right_logical3A : i32 to vector<16xi32>
      %shift_right_logical3A_251 = arith.shrui %add3A_249, %shift_right_logical3A_250 : vector<16xi32>
      %and3A = arith.constant 127 : i32
      %and3A_252 = vector.broadcast %and3A : i32 to vector<16xi32>
      %and3A_253 = arith.andi %add3A_249, %and3A_252 : vector<16xi32>
      %mul3A_254 = arith.constant 16 : i32
      %mul3A_255 = arith.muli %scan3A_244, %mul3A_254 : i32
      %get3A = arith.index_cast %mul3A_255 : i32 to index
      %get3A_256 = tpu.vector_load %arg15[%get3A] {strides = array<i32>} : memref<512xi32, #tpu.memory_space<vmem>>, vector<16xi32>,
      %get3A_257 = vector.shape_cast %get3A_256 : vector<16xi32> to vector<16xi32>
      %mul3A_258 = arith.constant 16 : i32
      %mul3A_259 = arith.muli %scan3A_244, %mul3A_258 : i32
      %get3A_260 = arith.index_cast %mul3A_259 : i32 to index
      %get3A_261 = tpu.vector_load %arg16[%get3A_260] {strides = array<i32>} : memref<512xi32, #tpu.memory_space<vmem>>, vector<16xi32>,
      %get3A_262 = vector.shape_cast %get3A_261 : vector<16xi32> to vector<16xi32>
      %add3A_263 = arith.constant 1 : i32
      %add3A_264 = vector.broadcast %add3A_263 : i32 to vector<16xi32>
      %add3A_265 = arith.addi %get3A_257, %add3A_264 : vector<16xi32>
      %add3A_266 = arith.constant 0 : i32
      %add3A_267 = vector.broadcast %add3A_266 : i32 to vector<16xi32>
      %add3A_268 = arith.addi %get3A_262, %add3A_267 : vector<16xi32>
      %add3A_269 = arith.constant 1 : i32
      %add3A_270 = vector.broadcast %add3A_269 : i32 to vector<16xi32>
      %add3A_271 = arith.addi %shift_right_logical3A_251, %add3A_270 : vector<16xi32>
      %add3A_272 = arith.constant 0 : i32
      %add3A_273 = vector.broadcast %add3A_272 : i32 to vector<16xi32>
      %add3A_274 = arith.addi %and3A_253, %add3A_273 : vector<16xi32>
      %ge3A = arith.constant 0 : i32
      %ge3A_275 = vector.broadcast %ge3A : i32 to vector<16xi32>
      %ge3A_276 = arith.cmpi sge, %add3A_265, %ge3A_275 : vector<16xi32>
      %lt3A = arith.constant 128 : i32
      %lt3A_277 = vector.broadcast %lt3A : i32 to vector<16xi32>
      %lt3A_278 = arith.cmpi slt, %add3A_265, %lt3A_277 : vector<16xi32>
      %and3A_279 = arith.andi %ge3A_276, %lt3A_278 : vector<16xi1>
      %ge3A_280 = arith.constant 0 : i32
      %ge3A_281 = vector.broadcast %ge3A_280 : i32 to vector<16xi32>
      %ge3A_282 = arith.cmpi sge, %add3A_268, %ge3A_281 : vector<16xi32>
      %and3A_283 = arith.andi %and3A_279, %ge3A_282 : vector<16xi1>
      %lt3A_284 = arith.constant 128 : i32
      %lt3A_285 = vector.broadcast %lt3A_284 : i32 to vector<16xi32>
      %lt3A_286 = arith.cmpi slt, %add3A_268, %lt3A_285 : vector<16xi32>
      %and3A_287 = arith.andi %and3A_283, %lt3A_286 : vector<16xi1>
      %ge3A_288 = arith.constant 0 : i32
      %ge3A_289 = vector.broadcast %ge3A_288 : i32 to vector<16xi32>
      %ge3A_290 = arith.cmpi sge, %add3A_271, %ge3A_289 : vector<16xi32>
      %and3A_291 = arith.andi %and3A_287, %ge3A_290 : vector<16xi1>
      %lt3A_292 = arith.constant 128 : i32
      %lt3A_293 = vector.broadcast %lt3A_292 : i32 to vector<16xi32>
      %lt3A_294 = arith.cmpi slt, %add3A_271, %lt3A_293 : vector<16xi32>
      %and3A_295 = arith.andi %and3A_291, %lt3A_294 : vector<16xi1>
      %ge3A_296 = arith.constant 0 : i32
      %ge3A_297 = vector.broadcast %ge3A_296 : i32 to vector<16xi32>
      %ge3A_298 = arith.cmpi sge, %add3A_274, %ge3A_297 : vector<16xi32>
      %and3A_299 = arith.andi %and3A_295, %ge3A_298 : vector<16xi1>
      %lt3A_300 = arith.constant 128 : i32
      %lt3A_301 = vector.broadcast %lt3A_300 : i32 to vector<16xi32>
      %lt3A_302 = arith.cmpi slt, %add3A_274, %lt3A_301 : vector<16xi32>
      %and3A_303 = arith.andi %and3A_299, %lt3A_302 : vector<16xi1>
      %mul3A_304 = arith.constant 128 : i32
      %mul3A_305 = vector.broadcast %mul3A_304 : i32 to vector<16xi32>
      %mul3A_306 = arith.muli %add3A_265, %mul3A_305 : vector<16xi32>
      %add3A_307 = arith.addi %mul3A_306, %add3A_268 : vector<16xi32>
      %jit3A = arith.constant 0 : i32
      %broadcast_in_dim3A_308 = vector.broadcast %jit3A : i32 to vector<16xi32>
      %select_n3A = arith.select %and3A_303, %add3A_307, %broadcast_in_dim3A_308 : vector<16xi1>, vector<16xi32>
      %mul3A_309 = arith.constant 128 : i32
      %mul3A_310 = vector.broadcast %mul3A_309 : i32 to vector<16xi32>
      %mul3A_311 = arith.muli %add3A_271, %mul3A_310 : vector<16xi32>
      %add3A_312 = arith.addi %mul3A_311, %add3A_274 : vector<16xi32>
      %jit3A_313 = arith.constant 16384 : i32
      %broadcast_in_dim3A_314 = vector.broadcast %jit3A_313 : i32 to vector<16xi32>
      %select_n3A_315 = arith.select %and3A_303, %add3A_312, %broadcast_in_dim3A_314 : vector<16xi1>, vector<16xi32>
      %mul3A_316 = arith.constant 16 : i32
      %mul3A_317 = arith.muli %scan3A_244, %mul3A_316 : i32
      %add3A_318 = arith.constant 8192 : i32
      %add3A_319 = arith.addi %add3A_318, %mul3A_317 : i32
      %swap3A = arith.index_cast %add3A_319 : i32 to index
      %swap3A_320 = tpu.vector_load %arg17[%swap3A] {strides = array<i32>} : memref<9216xi32, #tpu.memory_space<vmem>>, vector<16xi32>,
      %swap3A_321 = vector.shape_cast %swap3A_320 : vector<16xi32> to vector<16xi32>
      %swap3A_322 = vector.shape_cast %select_n3A_315 : vector<16xi32> to vector<16xi32>
      tpu.vector_store %arg17[%swap3A], %swap3A_322 {strides = array<i32>} : memref<9216xi32, #tpu.memory_space<vmem>>, vector<16xi32>,
      %shift_right_logical3A_323 = arith.constant 3 : i32
      %shift_right_logical3A_324 = arith.shrui %scan3A_244, %shift_right_logical3A_323 : i32
      %add3A_325 = arith.constant 64 : i32
      %add3A_326 = arith.addi %add3A_325, %shift_right_logical3A_324 : i32
      %and3A_327 = arith.constant 7 : i32
      %and3A_328 = arith.andi %scan3A_244, %and3A_327 : i32
      %mul3A_329 = arith.constant 16 : i32
      %mul3A_330 = arith.muli %and3A_328, %mul3A_329 : i32
      %swap3A_331 = arith.index_cast %add3A_326 : i32 to index
      %swap3A_332 = arith.index_cast %mul3A_330 : i32 to index
      %swap3A_333 = tpu.vector_load %arg18[%swap3A_331, %swap3A_332] {strides = array<i32>} : memref<72x128xi32, #tpu.memory_space<vmem>>, vector<1x16xi32>,
      %swap3A_334 = vector.shape_cast %swap3A_333 : vector<1x16xi32> to vector<16xi32>
      %swap3A_335 = vector.shape_cast %select_n3A : vector<16xi32> to vector<1x16xi32>
      tpu.vector_store %arg18[%swap3A_331, %swap3A_332], %swap3A_335 {strides = array<i32>} : memref<72x128xi32, #tpu.memory_space<vmem>>, vector<1x16xi32>,
    }
    %scan3A_110 = arith.constant 32 : i32
    %scan3A_111 = arith.constant 0 : i32
    %scan3A_112 = arith.constant 0 : i32
    %scan3A_113 = arith.constant 32 : i32
    %scan3A_114 = arith.addi %scan3A_112, %scan3A_113 : i32
    %scan3A_115 = arith.constant 1 : i32
    scf.for %scan3A_244 = %scan3A_112 to %scan3A_114 step %scan3A_115  : i32 {
      %mul3A_245 = arith.constant 16 : i32
      %mul3A_246 = arith.muli %scan3A_244, %mul3A_245 : i32
      %add3A_247 = arith.addi %mul3A_2, %mul3A_246 : i32
      %add3A_248 = vector.broadcast %add3A_247 : i32 to vector<16xi32>
      %add3A_249 = arith.addi %add3A_248, %iota3A : vector<16xi32>
      %shift_right_logical3A = arith.constant 7 : i32
      %shift_right_logical3A_250 = vector.broadcast %shift_right_logical3A : i32 to vector<16xi32>
      %shift_right_logical3A_251 = arith.shrui %add3A_249, %shift_right_logical3A_250 : vector<16xi32>
      %and3A = arith.constant 127 : i32
      %and3A_252 = vector.broadcast %and3A : i32 to vector<16xi32>
      %and3A_253 = arith.andi %add3A_249, %and3A_252 : vector<16xi32>
      %mul3A_254 = arith.constant 16 : i32
      %mul3A_255 = arith.muli %scan3A_244, %mul3A_254 : i32
      %get3A = arith.index_cast %mul3A_255 : i32 to index
      %get3A_256 = tpu.vector_load %arg15[%get3A] {strides = array<i32>} : memref<512xi32, #tpu.memory_space<vmem>>, vector<16xi32>,
      %get3A_257 = vector.shape_cast %get3A_256 : vector<16xi32> to vector<16xi32>
      %mul3A_258 = arith.constant 16 : i32
      %mul3A_259 = arith.muli %scan3A_244, %mul3A_258 : i32
      %get3A_260 = arith.index_cast %mul3A_259 : i32 to index
      %get3A_261 = tpu.vector_load %arg16[%get3A_260] {strides = array<i32>} : memref<512xi32, #tpu.memory_space<vmem>>, vector<16xi32>,
      %get3A_262 = vector.shape_cast %get3A_261 : vector<16xi32> to vector<16xi32>
      %add3A_263 = arith.constant 1 : i32
      %add3A_264 = vector.broadcast %add3A_263 : i32 to vector<16xi32>
      %add3A_265 = arith.addi %get3A_257, %add3A_264 : vector<16xi32>
      %add3A_266 = arith.constant 1 : i32
      %add3A_267 = vector.broadcast %add3A_266 : i32 to vector<16xi32>
      %add3A_268 = arith.addi %get3A_262, %add3A_267 : vector<16xi32>
      %add3A_269 = arith.constant 1 : i32
      %add3A_270 = vector.broadcast %add3A_269 : i32 to vector<16xi32>
      %add3A_271 = arith.addi %shift_right_logical3A_251, %add3A_270 : vector<16xi32>
      %add3A_272 = arith.constant 1 : i32
      %add3A_273 = vector.broadcast %add3A_272 : i32 to vector<16xi32>
      %add3A_274 = arith.addi %and3A_253, %add3A_273 : vector<16xi32>
      %ge3A = arith.constant 0 : i32
      %ge3A_275 = vector.broadcast %ge3A : i32 to vector<16xi32>
      %ge3A_276 = arith.cmpi sge, %add3A_265, %ge3A_275 : vector<16xi32>
      %lt3A = arith.constant 128 : i32
      %lt3A_277 = vector.broadcast %lt3A : i32 to vector<16xi32>
      %lt3A_278 = arith.cmpi slt, %add3A_265, %lt3A_277 : vector<16xi32>
      %and3A_279 = arith.andi %ge3A_276, %lt3A_278 : vector<16xi1>
      %ge3A_280 = arith.constant 0 : i32
      %ge3A_281 = vector.broadcast %ge3A_280 : i32 to vector<16xi32>
      %ge3A_282 = arith.cmpi sge, %add3A_268, %ge3A_281 : vector<16xi32>
      %and3A_283 = arith.andi %and3A_279, %ge3A_282 : vector<16xi1>
      %lt3A_284 = arith.constant 128 : i32
      %lt3A_285 = vector.broadcast %lt3A_284 : i32 to vector<16xi32>
      %lt3A_286 = arith.cmpi slt, %add3A_268, %lt3A_285 : vector<16xi32>
      %and3A_287 = arith.andi %and3A_283, %lt3A_286 : vector<16xi1>
      %ge3A_288 = arith.constant 0 : i32
      %ge3A_289 = vector.broadcast %ge3A_288 : i32 to vector<16xi32>
      %ge3A_290 = arith.cmpi sge, %add3A_271, %ge3A_289 : vector<16xi32>
      %and3A_291 = arith.andi %and3A_287, %ge3A_290 : vector<16xi1>
      %lt3A_292 = arith.constant 128 : i32
      %lt3A_293 = vector.broadcast %lt3A_292 : i32 to vector<16xi32>
      %lt3A_294 = arith.cmpi slt, %add3A_271, %lt3A_293 : vector<16xi32>
      %and3A_295 = arith.andi %and3A_291, %lt3A_294 : vector<16xi1>
      %ge3A_296 = arith.constant 0 : i32
      %ge3A_297 = vector.broadcast %ge3A_296 : i32 to vector<16xi32>
      %ge3A_298 = arith.cmpi sge, %add3A_274, %ge3A_297 : vector<16xi32>
      %and3A_299 = arith.andi %and3A_295, %ge3A_298 : vector<16xi1>
      %lt3A_300 = arith.constant 128 : i32
      %lt3A_301 = vector.broadcast %lt3A_300 : i32 to vector<16xi32>
      %lt3A_302 = arith.cmpi slt, %add3A_274, %lt3A_301 : vector<16xi32>
      %and3A_303 = arith.andi %and3A_299, %lt3A_302 : vector<16xi1>
      %mul3A_304 = arith.constant 128 : i32
      %mul3A_305 = vector.broadcast %mul3A_304 : i32 to vector<16xi32>
      %mul3A_306 = arith.muli %add3A_265, %mul3A_305 : vector<16xi32>
      %add3A_307 = arith.addi %mul3A_306, %add3A_268 : vector<16xi32>
      %jit3A = arith.constant 0 : i32
      %broadcast_in_dim3A_308 = vector.broadcast %jit3A : i32 to vector<16xi32>
      %select_n3A = arith.select %and3A_303, %add3A_307, %broadcast_in_dim3A_308 : vector<16xi1>, vector<16xi32>
      %mul3A_309 = arith.constant 128 : i32
      %mul3A_310 = vector.broadcast %mul3A_309 : i32 to vector<16xi32>
      %mul3A_311 = arith.muli %add3A_271, %mul3A_310 : vector<16xi32>
      %add3A_312 = arith.addi %mul3A_311, %add3A_274 : vector<16xi32>
      %jit3A_313 = arith.constant 16384 : i32
      %broadcast_in_dim3A_314 = vector.broadcast %jit3A_313 : i32 to vector<16xi32>
      %select_n3A_315 = arith.select %and3A_303, %add3A_312, %broadcast_in_dim3A_314 : vector<16xi1>, vector<16xi32>
      %mul3A_316 = arith.constant 16 : i32
      %mul3A_317 = arith.muli %scan3A_244, %mul3A_316 : i32
      %add3A_318 = arith.constant 8704 : i32
      %add3A_319 = arith.addi %add3A_318, %mul3A_317 : i32
      %swap3A = arith.index_cast %add3A_319 : i32 to index
      %swap3A_320 = tpu.vector_load %arg17[%swap3A] {strides = array<i32>} : memref<9216xi32, #tpu.memory_space<vmem>>, vector<16xi32>,
      %swap3A_321 = vector.shape_cast %swap3A_320 : vector<16xi32> to vector<16xi32>
      %swap3A_322 = vector.shape_cast %select_n3A_315 : vector<16xi32> to vector<16xi32>
      tpu.vector_store %arg17[%swap3A], %swap3A_322 {strides = array<i32>} : memref<9216xi32, #tpu.memory_space<vmem>>, vector<16xi32>,
      %shift_right_logical3A_323 = arith.constant 3 : i32
      %shift_right_logical3A_324 = arith.shrui %scan3A_244, %shift_right_logical3A_323 : i32
      %add3A_325 = arith.constant 68 : i32
      %add3A_326 = arith.addi %add3A_325, %shift_right_logical3A_324 : i32
      %and3A_327 = arith.constant 7 : i32
      %and3A_328 = arith.andi %scan3A_244, %and3A_327 : i32
      %mul3A_329 = arith.constant 16 : i32
      %mul3A_330 = arith.muli %and3A_328, %mul3A_329 : i32
      %swap3A_331 = arith.index_cast %add3A_326 : i32 to index
      %swap3A_332 = arith.index_cast %mul3A_330 : i32 to index
      %swap3A_333 = tpu.vector_load %arg18[%swap3A_331, %swap3A_332] {strides = array<i32>} : memref<72x128xi32, #tpu.memory_space<vmem>>, vector<1x16xi32>,
      %swap3A_334 = vector.shape_cast %swap3A_333 : vector<1x16xi32> to vector<16xi32>
      %swap3A_335 = vector.shape_cast %select_n3A : vector<16xi32> to vector<1x16xi32>
      tpu.vector_store %arg18[%swap3A_331, %swap3A_332], %swap3A_335 {strides = array<i32>} : memref<72x128xi32, #tpu.memory_space<vmem>>, vector<1x16xi32>,
    }
    %scan3A_116 = arith.constant 32 : i32
    %scan3A_117 = arith.constant 0 : i32
    %scan3A_118 = arith.constant 0 : i32
    %scan3A_119 = arith.constant 8 : i32
    %scan3A_120 = arith.addi %scan3A_118, %scan3A_119 : i32
    %scan3A_121 = arith.constant 1 : i32
    scf.for %scan3A_244 = %scan3A_118 to %scan3A_120 step %scan3A_121  : i32 {
      %mul3A_245 = arith.constant 1024 : i32
      %mul3A_246 = arith.muli %arg1, %mul3A_245 : i32
      %mul3A_247 = arith.constant 128 : i32
      %mul3A_248 = arith.muli %scan3A_244, %mul3A_247 : i32
      %add3A_249 = arith.addi %mul3A_246, %mul3A_248 : i32
      "tpu.region"() ({
        %run_scoped3A = tpu.sem_alloc : memref<!tpu.dma_semaphore, #tpu.memory_space<semaphore_mem>>
        %dma_start3A = arith.constant 0 : i32
        %dma_start3A_250 = tpu.memref_slice %arg11[%add3A_249, %dma_start3A] : memref<16384x64xf32, #tpu.memory_space<vmem_shared>> -> memref<128x64xf32, #tpu.memory_space<vmem_shared>>
        %dma_start3A_251 = arith.constant 0 : i32
        %dma_start3A_252 = tpu.memref_slice %arg11[%add3A_249, %dma_start3A_251] : memref<16384x64xf32, #tpu.memory_space<vmem_shared>> -> memref<128x64xf32, #tpu.memory_space<vmem_shared>>
        tpu.enqueue_dma source(%arg21 : memref<128x64xf32, #tpu.memory_space<vmem>>) target(%dma_start3A_252 : memref<128x64xf32, #tpu.memory_space<vmem_shared>>) target_semaphore(%run_scoped3A : memref<!tpu.dma_semaphore, #tpu.memory_space<semaphore_mem>>)
        %dma_wait3A = arith.constant 0 : i32
        %dma_wait3A_253 = tpu.memref_slice %arg11[%add3A_249, %dma_wait3A] : memref<16384x64xf32, #tpu.memory_space<vmem_shared>> -> memref<128x64xf32, #tpu.memory_space<vmem_shared>>
        %dma_wait3A_254 = arith.constant 0 : i32
        %dma_wait3A_255 = tpu.memref_slice %arg11[%add3A_249, %dma_wait3A_254] : memref<16384x64xf32, #tpu.memory_space<vmem_shared>> -> memref<128x64xf32, #tpu.memory_space<vmem_shared>>
        tpu.wait_dma2 semaphore(%run_scoped3A : memref<!tpu.dma_semaphore, #tpu.memory_space<semaphore_mem>>) src(%arg21 : memref<128x64xf32, #tpu.memory_space<vmem>>) dst(%dma_wait3A_255 : memref<128x64xf32, #tpu.memory_space<vmem_shared>>)
        tpu.yield
      }) : () -> ()
    }
    %scan3A_122 = arith.constant 8 : i32
    %scan3A_123 = arith.constant 0 : i32
    %scan3A_124 = arith.constant 0 : i32
    %scan3A_125 = arith.constant 8 : i32
    %scan3A_126 = arith.addi %scan3A_124, %scan3A_125 : i32
    %scan3A_127 = arith.constant 1 : i32
    scf.for %scan3A_244 = %scan3A_124 to %scan3A_126 step %scan3A_127  : i32 {
      %mul3A_245 = arith.constant 1024 : i32
      %mul3A_246 = arith.muli %arg1, %mul3A_245 : i32
      %mul3A_247 = arith.constant 128 : i32
      %mul3A_248 = arith.muli %scan3A_244, %mul3A_247 : i32
      %add3A_249 = arith.addi %mul3A_246, %mul3A_248 : i32
      "tpu.region"() ({
        %run_scoped3A = tpu.sem_alloc : memref<!tpu.dma_semaphore, #tpu.memory_space<semaphore_mem>>
        %dma_start3A = arith.constant 0 : i32
        %dma_start3A_250 = tpu.memref_slice %arg12[%add3A_249, %dma_start3A] : memref<16384x16xf32, #tpu.memory_space<vmem_shared>> -> memref<128x16xf32, #tpu.memory_space<vmem_shared>>
        %dma_start3A_251 = arith.constant 0 : i32
        %dma_start3A_252 = tpu.memref_slice %arg12[%add3A_249, %dma_start3A_251] : memref<16384x16xf32, #tpu.memory_space<vmem_shared>> -> memref<128x16xf32, #tpu.memory_space<vmem_shared>>
        tpu.enqueue_dma source(%arg23 : memref<128x16xf32, #tpu.memory_space<vmem>>) target(%dma_start3A_252 : memref<128x16xf32, #tpu.memory_space<vmem_shared>>) target_semaphore(%run_scoped3A : memref<!tpu.dma_semaphore, #tpu.memory_space<semaphore_mem>>)
        %dma_wait3A = arith.constant 0 : i32
        %dma_wait3A_253 = tpu.memref_slice %arg12[%add3A_249, %dma_wait3A] : memref<16384x16xf32, #tpu.memory_space<vmem_shared>> -> memref<128x16xf32, #tpu.memory_space<vmem_shared>>
        %dma_wait3A_254 = arith.constant 0 : i32
        %dma_wait3A_255 = tpu.memref_slice %arg12[%add3A_249, %dma_wait3A_254] : memref<16384x16xf32, #tpu.memory_space<vmem_shared>> -> memref<128x16xf32, #tpu.memory_space<vmem_shared>>
        tpu.wait_dma2 semaphore(%run_scoped3A : memref<!tpu.dma_semaphore, #tpu.memory_space<semaphore_mem>>) src(%arg23 : memref<128x16xf32, #tpu.memory_space<vmem>>) dst(%dma_wait3A_255 : memref<128x16xf32, #tpu.memory_space<vmem_shared>>)
        tpu.yield
      }) : () -> ()
    }
    %scan3A_128 = arith.constant 8 : i32
    %barrier3A = arith.constant 0 : index
    tpu.barrier barrier_id(%barrier3A)
    %scan3A_129 = arith.constant 0 : i32
    %scan3A_130 = arith.constant 0 : i32
    %scan3A_131 = arith.constant 36 : i32
    %scan3A_132 = arith.addi %scan3A_130, %scan3A_131 : i32
    %scan3A_133 = arith.constant 1 : i32
    scf.for %scan3A_244 = %scan3A_130 to %scan3A_132 step %scan3A_133  : i32 {
      %scan3A_245 = arith.constant 0 : i32
      %scan3A_246 = arith.constant 0 : i32
      %scan3A_247 = arith.constant 8 : i32
      %scan3A_248 = arith.addi %scan3A_246, %scan3A_247 : i32
      %scan3A_249 = arith.constant 1 : i32
      scf.for %scan3A_251 = %scan3A_246 to %scan3A_248 step %scan3A_249  : i32 {
        %mul3A_252 = arith.constant 128 : i32
        %mul3A_253 = arith.muli %scan3A_244, %mul3A_252 : i32
        %mul3A_254 = arith.constant 16 : i32
        %mul3A_255 = arith.muli %scan3A_251, %mul3A_254 : i32
        %add3A_256 = arith.addi %mul3A_253, %mul3A_255 : i32
        %get3A = arith.index_cast %add3A_256 : i32 to index
        %get3A_257 = tpu.vector_load %arg17[%get3A] {strides = array<i32>} : memref<9216xi32, #tpu.memory_space<vmem>>, vector<16xi32>,
        %get3A_258 = vector.shape_cast %get3A_257 : vector<16xi32> to vector<16xi32>
        %eq3A = arith.constant 16384 : i32
        %eq3A_259 = vector.broadcast %eq3A : i32 to vector<16xi32>
        %eq3A_260 = arith.cmpi eq, %get3A_258, %eq3A_259 : vector<16xi32>
        %jit3A = arith.constant 1 : i32
        %jit3A_261 = arith.constant 0 : i32
        %broadcast_in_dim3A_262 = vector.broadcast %jit3A : i32 to vector<16xi32>
        %broadcast_in_dim3A_263 = vector.broadcast %jit3A_261 : i32 to vector<16xi32>
        %select_n3A = arith.select %eq3A_260, %broadcast_in_dim3A_262, %broadcast_in_dim3A_263 : vector<16xi1>, vector<16xi32>
        %mul3A_264 = arith.constant 16 : i32
        %mul3A_265 = arith.muli %scan3A_251, %mul3A_264 : i32
        %swap3A = arith.index_cast %mul3A_265 : i32 to index
        %swap3A_266 = tpu.vector_load %arg19[%swap3A] {strides = array<i32>} : memref<128xi32, #tpu.memory_space<vmem>>, vector<16xi32>,
        %swap3A_267 = vector.shape_cast %swap3A_266 : vector<16xi32> to vector<16xi32>
        %swap3A_268 = vector.shape_cast %select_n3A : vector<16xi32> to vector<16xi32>
        tpu.vector_store %arg19[%swap3A], %swap3A_268 {strides = array<i32>} : memref<128xi32, #tpu.memory_space<vmem>>, vector<16xi32>,
      }
      %scan3A_250 = arith.constant 8 : i32
      "tpu.region"() ({
        %run_scoped3A = tpu.sem_alloc : memref<!tpu.dma_semaphore, #tpu.memory_space<semaphore_mem>>
        %dma_start3A = arith.constant 0 : i32
        %dma_start3A_251 = arith.constant 0 : i32
        %dma_start3A_252 = tpu.memref_slice %arg8[%dma_start3A, %dma_start3A_251] : memref<4x16xf32, #tpu.memory_space<hbm>> -> memref<4x16xf32, #tpu.memory_space<hbm>>
        tpu.enqueue_indirect_dma source(%dma_start3A_252 : memref<4x16xf32, #tpu.memory_space<hbm>>) target(%arg22 : memref<128x16xf32, #tpu.memory_space<vmem>>) offsets(%arg19 : memref<128xi32, #tpu.memory_space<vmem>>) semaphore(%run_scoped3A : memref<!tpu.dma_semaphore, #tpu.memory_space<semaphore_mem>>)
        %dma_wait3A = arith.constant 0 : i32
        %dma_wait3A_253 = arith.constant 0 : i32
        %dma_wait3A_254 = tpu.memref_slice %arg8[%dma_wait3A, %dma_wait3A_253] : memref<4x16xf32, #tpu.memory_space<hbm>> -> memref<4x16xf32, #tpu.memory_space<hbm>>
        tpu.wait_indirect_dma semaphore(%run_scoped3A : memref<!tpu.dma_semaphore, #tpu.memory_space<semaphore_mem>>) src(%dma_wait3A_254 : memref<4x16xf32, #tpu.memory_space<hbm>>) dst(%arg22 : memref<128x16xf32, #tpu.memory_space<vmem>>)
        tpu.yield
      }) : () -> ()
      "tpu.region"() ({
        %run_scoped3A = tpu.sem_alloc : memref<!tpu.dma_semaphore, #tpu.memory_space<semaphore_mem>>
        %dma_start3A = arith.constant 0 : i32
        %dma_start3A_251 = tpu.memref_slice %arg18[%scan3A_244, %dma_start3A] : memref<72x128xi32, #tpu.memory_space<vmem>> -> memref<1x128xi32, #tpu.memory_space<vmem>>
        %dma_start3A_252 = tpu.memref_squeeze %dma_start3A_251 : memref<1x128xi32, #tpu.memory_space<vmem>> -> memref<128xi32, #tpu.memory_space<vmem>>
        %dma_start3A_253 = arith.constant 0 : i32
        %dma_start3A_254 = arith.constant 0 : i32
        %dma_start3A_255 = tpu.memref_slice %arg12[%dma_start3A_253, %dma_start3A_254] : memref<16384x16xf32, #tpu.memory_space<vmem_shared>> -> memref<16384x16xf32, #tpu.memory_space<vmem_shared>>
        tpu.enqueue_indirect_dma source(%arg22 : memref<128x16xf32, #tpu.memory_space<vmem>>) target(%dma_start3A_255 : memref<16384x16xf32, #tpu.memory_space<vmem_shared>>) offsets(%dma_start3A_252 : memref<128xi32, #tpu.memory_space<vmem>>) semaphore(%run_scoped3A : memref<!tpu.dma_semaphore, #tpu.memory_space<semaphore_mem>>) {add = true}
        %dma_wait3A = arith.constant 0 : i32
        %dma_wait3A_256 = tpu.memref_slice %arg18[%scan3A_244, %dma_wait3A] : memref<72x128xi32, #tpu.memory_space<vmem>> -> memref<1x128xi32, #tpu.memory_space<vmem>>
        %dma_wait3A_257 = tpu.memref_squeeze %dma_wait3A_256 : memref<1x128xi32, #tpu.memory_space<vmem>> -> memref<128xi32, #tpu.memory_space<vmem>>
        %dma_wait3A_258 = arith.constant 0 : i32
        %dma_wait3A_259 = arith.constant 0 : i32
        %dma_wait3A_260 = tpu.memref_slice %arg12[%dma_wait3A_258, %dma_wait3A_259] : memref<16384x16xf32, #tpu.memory_space<vmem_shared>> -> memref<16384x16xf32, #tpu.memory_space<vmem_shared>>
        tpu.wait_indirect_dma semaphore(%run_scoped3A : memref<!tpu.dma_semaphore, #tpu.memory_space<semaphore_mem>>) src(%arg22 : memref<128x16xf32, #tpu.memory_space<vmem>>) dst(%dma_wait3A_260 : memref<16384x16xf32, #tpu.memory_space<vmem_shared>>)
        tpu.yield
      }) : () -> ()
    }
    %scan3A_134 = arith.constant 36 : i32
    %scan3A_135 = arith.constant 0 : i32
    %scan3A_136 = arith.constant 36 : i32
    %scan3A_137 = arith.constant 36 : i32
    %scan3A_138 = arith.addi %scan3A_136, %scan3A_137 : i32
    %scan3A_139 = arith.constant 1 : i32
    scf.for %scan3A_244 = %scan3A_136 to %scan3A_138 step %scan3A_139  : i32 {
      %scan3A_245 = arith.constant 0 : i32
      %scan3A_246 = arith.constant 0 : i32
      %scan3A_247 = arith.constant 8 : i32
      %scan3A_248 = arith.addi %scan3A_246, %scan3A_247 : i32
      %scan3A_249 = arith.constant 1 : i32
      scf.for %scan3A_251 = %scan3A_246 to %scan3A_248 step %scan3A_249  : i32 {
        %mul3A_252 = arith.constant 128 : i32
        %mul3A_253 = arith.muli %scan3A_244, %mul3A_252 : i32
        %mul3A_254 = arith.constant 16 : i32
        %mul3A_255 = arith.muli %scan3A_251, %mul3A_254 : i32
        %add3A_256 = arith.addi %mul3A_253, %mul3A_255 : i32
        %get3A = arith.index_cast %add3A_256 : i32 to index
        %get3A_257 = tpu.vector_load %arg17[%get3A] {strides = array<i32>} : memref<9216xi32, #tpu.memory_space<vmem>>, vector<16xi32>,
        %get3A_258 = vector.shape_cast %get3A_257 : vector<16xi32> to vector<16xi32>
        %eq3A = arith.constant 16384 : i32
        %eq3A_259 = vector.broadcast %eq3A : i32 to vector<16xi32>
        %eq3A_260 = arith.cmpi eq, %get3A_258, %eq3A_259 : vector<16xi32>
        %jit3A = arith.constant 3 : i32
        %jit3A_261 = arith.constant 2 : i32
        %broadcast_in_dim3A_262 = vector.broadcast %jit3A : i32 to vector<16xi32>
        %broadcast_in_dim3A_263 = vector.broadcast %jit3A_261 : i32 to vector<16xi32>
        %select_n3A = arith.select %eq3A_260, %broadcast_in_dim3A_262, %broadcast_in_dim3A_263 : vector<16xi1>, vector<16xi32>
        %mul3A_264 = arith.constant 16 : i32
        %mul3A_265 = arith.muli %scan3A_251, %mul3A_264 : i32
        %swap3A = arith.index_cast %mul3A_265 : i32 to index
        %swap3A_266 = tpu.vector_load %arg19[%swap3A] {strides = array<i32>} : memref<128xi32, #tpu.memory_space<vmem>>, vector<16xi32>,
        %swap3A_267 = vector.shape_cast %swap3A_266 : vector<16xi32> to vector<16xi32>
        %swap3A_268 = vector.shape_cast %select_n3A : vector<16xi32> to vector<16xi32>
        tpu.vector_store %arg19[%swap3A], %swap3A_268 {strides = array<i32>} : memref<128xi32, #tpu.memory_space<vmem>>, vector<16xi32>,
      }
      %scan3A_250 = arith.constant 8 : i32
      "tpu.region"() ({
        %run_scoped3A = tpu.sem_alloc : memref<!tpu.dma_semaphore, #tpu.memory_space<semaphore_mem>>
        %dma_start3A = arith.constant 0 : i32
        %dma_start3A_251 = arith.constant 0 : i32
        %dma_start3A_252 = tpu.memref_slice %arg8[%dma_start3A, %dma_start3A_251] : memref<4x16xf32, #tpu.memory_space<hbm>> -> memref<4x16xf32, #tpu.memory_space<hbm>>
        tpu.enqueue_indirect_dma source(%dma_start3A_252 : memref<4x16xf32, #tpu.memory_space<hbm>>) target(%arg22 : memref<128x16xf32, #tpu.memory_space<vmem>>) offsets(%arg19 : memref<128xi32, #tpu.memory_space<vmem>>) semaphore(%run_scoped3A : memref<!tpu.dma_semaphore, #tpu.memory_space<semaphore_mem>>)
        %dma_wait3A = arith.constant 0 : i32
        %dma_wait3A_253 = arith.constant 0 : i32
        %dma_wait3A_254 = tpu.memref_slice %arg8[%dma_wait3A, %dma_wait3A_253] : memref<4x16xf32, #tpu.memory_space<hbm>> -> memref<4x16xf32, #tpu.memory_space<hbm>>
        tpu.wait_indirect_dma semaphore(%run_scoped3A : memref<!tpu.dma_semaphore, #tpu.memory_space<semaphore_mem>>) src(%dma_wait3A_254 : memref<4x16xf32, #tpu.memory_space<hbm>>) dst(%arg22 : memref<128x16xf32, #tpu.memory_space<vmem>>)
        tpu.yield
      }) : () -> ()
      "tpu.region"() ({
        %run_scoped3A = tpu.sem_alloc : memref<!tpu.dma_semaphore, #tpu.memory_space<semaphore_mem>>
        %dma_start3A = arith.constant 0 : i32
        %dma_start3A_251 = tpu.memref_slice %arg18[%scan3A_244, %dma_start3A] : memref<72x128xi32, #tpu.memory_space<vmem>> -> memref<1x128xi32, #tpu.memory_space<vmem>>
        %dma_start3A_252 = tpu.memref_squeeze %dma_start3A_251 : memref<1x128xi32, #tpu.memory_space<vmem>> -> memref<128xi32, #tpu.memory_space<vmem>>
        %dma_start3A_253 = arith.constant 0 : i32
        %dma_start3A_254 = arith.constant 0 : i32
        %dma_start3A_255 = tpu.memref_slice %arg12[%dma_start3A_253, %dma_start3A_254] : memref<16384x16xf32, #tpu.memory_space<vmem_shared>> -> memref<16384x16xf32, #tpu.memory_space<vmem_shared>>
        tpu.enqueue_indirect_dma source(%arg22 : memref<128x16xf32, #tpu.memory_space<vmem>>) target(%dma_start3A_255 : memref<16384x16xf32, #tpu.memory_space<vmem_shared>>) offsets(%dma_start3A_252 : memref<128xi32, #tpu.memory_space<vmem>>) semaphore(%run_scoped3A : memref<!tpu.dma_semaphore, #tpu.memory_space<semaphore_mem>>) {add = true}
        %dma_wait3A = arith.constant 0 : i32
        %dma_wait3A_256 = tpu.memref_slice %arg18[%scan3A_244, %dma_wait3A] : memref<72x128xi32, #tpu.memory_space<vmem>> -> memref<1x128xi32, #tpu.memory_space<vmem>>
        %dma_wait3A_257 = tpu.memref_squeeze %dma_wait3A_256 : memref<1x128xi32, #tpu.memory_space<vmem>> -> memref<128xi32, #tpu.memory_space<vmem>>
        %dma_wait3A_258 = arith.constant 0 : i32
        %dma_wait3A_259 = arith.constant 0 : i32
        %dma_wait3A_260 = tpu.memref_slice %arg12[%dma_wait3A_258, %dma_wait3A_259] : memref<16384x16xf32, #tpu.memory_space<vmem_shared>> -> memref<16384x16xf32, #tpu.memory_space<vmem_shared>>
        tpu.wait_indirect_dma semaphore(%run_scoped3A : memref<!tpu.dma_semaphore, #tpu.memory_space<semaphore_mem>>) src(%arg22 : memref<128x16xf32, #tpu.memory_space<vmem>>) dst(%dma_wait3A_260 : memref<16384x16xf32, #tpu.memory_space<vmem_shared>>)
        tpu.yield
      }) : () -> ()
    }
    %scan3A_140 = arith.constant 36 : i32
    %scan3A_141 = arith.constant 0 : i32
    %scan3A_142 = arith.constant 0 : i32
    %scan3A_143 = arith.constant 36 : i32
    %scan3A_144 = arith.addi %scan3A_142, %scan3A_143 : i32
    %scan3A_145 = arith.constant 1 : i32
    scf.for %scan3A_244 = %scan3A_142 to %scan3A_144 step %scan3A_145  : i32 {
      %mul3A_245 = arith.constant 128 : i32
      %mul3A_246 = arith.muli %scan3A_244, %mul3A_245 : i32
      %run_scoped3A = arith.constant 0 : i32
      "tpu.region"() ({
        %run_scoped3A_247 = tpu.sem_alloc : memref<!tpu.dma_semaphore, #tpu.memory_space<semaphore_mem>>
        %dma_start3A = tpu.memref_slice %arg17[%mul3A_246] : memref<9216xi32, #tpu.memory_space<vmem>> -> memref<128xi32, #tpu.memory_space<vmem>>
        %dma_start3A_248 = arith.constant 0 : i32
        %dma_start3A_249 = arith.constant 0 : i32
        %dma_start3A_250 = tpu.memref_slice %arg2[%run_scoped3A, %dma_start3A_248, %dma_start3A_249] : memref<8x16385x64xf32, #tpu.memory_space<hbm>> -> memref<1x16385x64xf32, #tpu.memory_space<hbm>>
        %dma_start3A_251 = tpu.memref_squeeze %dma_start3A_250 : memref<1x16385x64xf32, #tpu.memory_space<hbm>> -> memref<16385x64xf32, #tpu.memory_space<hbm>>
        %dma_start3A_252 = arith.constant 0 : i32
        %dma_start3A_253 = arith.constant 0 : i32
        %dma_start3A_254 = tpu.memref_slice %dma_start3A_251[%dma_start3A_252, %dma_start3A_253] : memref<16385x64xf32, #tpu.memory_space<hbm>> -> memref<16385x64xf32, #tpu.memory_space<hbm>>
        tpu.enqueue_indirect_dma source(%dma_start3A_254 : memref<16385x64xf32, #tpu.memory_space<hbm>>) target(%arg20 : memref<128x64xf32, #tpu.memory_space<vmem>>) offsets(%dma_start3A : memref<128xi32, #tpu.memory_space<vmem>>) semaphore(%run_scoped3A_247 : memref<!tpu.dma_semaphore, #tpu.memory_space<semaphore_mem>>)
        %dma_wait3A = tpu.memref_slice %arg17[%mul3A_246] : memref<9216xi32, #tpu.memory_space<vmem>> -> memref<128xi32, #tpu.memory_space<vmem>>
        %dma_wait3A_255 = arith.constant 0 : i32
        %dma_wait3A_256 = arith.constant 0 : i32
        %dma_wait3A_257 = tpu.memref_slice %arg2[%run_scoped3A, %dma_wait3A_255, %dma_wait3A_256] : memref<8x16385x64xf32, #tpu.memory_space<hbm>> -> memref<1x16385x64xf32, #tpu.memory_space<hbm>>
        %dma_wait3A_258 = tpu.memref_squeeze %dma_wait3A_257 : memref<1x16385x64xf32, #tpu.memory_space<hbm>> -> memref<16385x64xf32, #tpu.memory_space<hbm>>
        %dma_wait3A_259 = arith.constant 0 : i32
        %dma_wait3A_260 = arith.constant 0 : i32
        %dma_wait3A_261 = tpu.memref_slice %dma_wait3A_258[%dma_wait3A_259, %dma_wait3A_260] : memref<16385x64xf32, #tpu.memory_space<hbm>> -> memref<16385x64xf32, #tpu.memory_space<hbm>>
        tpu.wait_indirect_dma semaphore(%run_scoped3A_247 : memref<!tpu.dma_semaphore, #tpu.memory_space<semaphore_mem>>) src(%dma_wait3A_261 : memref<16385x64xf32, #tpu.memory_space<hbm>>) dst(%arg20 : memref<128x64xf32, #tpu.memory_space<vmem>>)
        tpu.yield
      }) : () -> ()
      "tpu.region"() ({
        %run_scoped3A_247 = tpu.sem_alloc : memref<!tpu.dma_semaphore, #tpu.memory_space<semaphore_mem>>
        %dma_start3A = arith.constant 0 : i32
        %dma_start3A_248 = tpu.memref_slice %arg18[%scan3A_244, %dma_start3A] : memref<72x128xi32, #tpu.memory_space<vmem>> -> memref<1x128xi32, #tpu.memory_space<vmem>>
        %dma_start3A_249 = tpu.memref_squeeze %dma_start3A_248 : memref<1x128xi32, #tpu.memory_space<vmem>> -> memref<128xi32, #tpu.memory_space<vmem>>
        %dma_start3A_250 = arith.constant 0 : i32
        %dma_start3A_251 = arith.constant 0 : i32
        %dma_start3A_252 = tpu.memref_slice %arg11[%dma_start3A_250, %dma_start3A_251] : memref<16384x64xf32, #tpu.memory_space<vmem_shared>> -> memref<16384x64xf32, #tpu.memory_space<vmem_shared>>
        tpu.enqueue_indirect_dma source(%arg20 : memref<128x64xf32, #tpu.memory_space<vmem>>) target(%dma_start3A_252 : memref<16384x64xf32, #tpu.memory_space<vmem_shared>>) offsets(%dma_start3A_249 : memref<128xi32, #tpu.memory_space<vmem>>) semaphore(%run_scoped3A_247 : memref<!tpu.dma_semaphore, #tpu.memory_space<semaphore_mem>>) {add = true}
        %dma_wait3A = arith.constant 0 : i32
        %dma_wait3A_253 = tpu.memref_slice %arg18[%scan3A_244, %dma_wait3A] : memref<72x128xi32, #tpu.memory_space<vmem>> -> memref<1x128xi32, #tpu.memory_space<vmem>>
        %dma_wait3A_254 = tpu.memref_squeeze %dma_wait3A_253 : memref<1x128xi32, #tpu.memory_space<vmem>> -> memref<128xi32, #tpu.memory_space<vmem>>
        %dma_wait3A_255 = arith.constant 0 : i32
        %dma_wait3A_256 = arith.constant 0 : i32
        %dma_wait3A_257 = tpu.memref_slice %arg11[%dma_wait3A_255, %dma_wait3A_256] : memref<16384x64xf32, #tpu.memory_space<vmem_shared>> -> memref<16384x64xf32, #tpu.memory_space<vmem_shared>>
        tpu.wait_indirect_dma semaphore(%run_scoped3A_247 : memref<!tpu.dma_semaphore, #tpu.memory_space<semaphore_mem>>) src(%arg20 : memref<128x64xf32, #tpu.memory_space<vmem>>) dst(%dma_wait3A_257 : memref<16384x64xf32, #tpu.memory_space<vmem_shared>>)
        tpu.yield
      }) : () -> ()
    }
    %scan3A_146 = arith.constant 36 : i32
    %scan3A_147 = arith.constant 0 : i32
    %scan3A_148 = arith.constant 36 : i32
    %scan3A_149 = arith.constant 36 : i32
    %scan3A_150 = arith.addi %scan3A_148, %scan3A_149 : i32
    %scan3A_151 = arith.constant 1 : i32
    scf.for %scan3A_244 = %scan3A_148 to %scan3A_150 step %scan3A_151  : i32 {
      %mul3A_245 = arith.constant 128 : i32
      %mul3A_246 = arith.muli %scan3A_244, %mul3A_245 : i32
      %run_scoped3A = arith.constant 4 : i32
      "tpu.region"() ({
        %run_scoped3A_247 = tpu.sem_alloc : memref<!tpu.dma_semaphore, #tpu.memory_space<semaphore_mem>>
        %dma_start3A = tpu.memref_slice %arg17[%mul3A_246] : memref<9216xi32, #tpu.memory_space<vmem>> -> memref<128xi32, #tpu.memory_space<vmem>>
        %dma_start3A_248 = arith.constant 0 : i32
        %dma_start3A_249 = arith.constant 0 : i32
        %dma_start3A_250 = tpu.memref_slice %arg2[%run_scoped3A, %dma_start3A_248, %dma_start3A_249] : memref<8x16385x64xf32, #tpu.memory_space<hbm>> -> memref<1x16385x64xf32, #tpu.memory_space<hbm>>
        %dma_start3A_251 = tpu.memref_squeeze %dma_start3A_250 : memref<1x16385x64xf32, #tpu.memory_space<hbm>> -> memref<16385x64xf32, #tpu.memory_space<hbm>>
        %dma_start3A_252 = arith.constant 0 : i32
        %dma_start3A_253 = arith.constant 0 : i32
        %dma_start3A_254 = tpu.memref_slice %dma_start3A_251[%dma_start3A_252, %dma_start3A_253] : memref<16385x64xf32, #tpu.memory_space<hbm>> -> memref<16385x64xf32, #tpu.memory_space<hbm>>
        tpu.enqueue_indirect_dma source(%dma_start3A_254 : memref<16385x64xf32, #tpu.memory_space<hbm>>) target(%arg20 : memref<128x64xf32, #tpu.memory_space<vmem>>) offsets(%dma_start3A : memref<128xi32, #tpu.memory_space<vmem>>) semaphore(%run_scoped3A_247 : memref<!tpu.dma_semaphore, #tpu.memory_space<semaphore_mem>>)
        %dma_wait3A = tpu.memref_slice %arg17[%mul3A_246] : memref<9216xi32, #tpu.memory_space<vmem>> -> memref<128xi32, #tpu.memory_space<vmem>>
        %dma_wait3A_255 = arith.constant 0 : i32
        %dma_wait3A_256 = arith.constant 0 : i32
        %dma_wait3A_257 = tpu.memref_slice %arg2[%run_scoped3A, %dma_wait3A_255, %dma_wait3A_256] : memref<8x16385x64xf32, #tpu.memory_space<hbm>> -> memref<1x16385x64xf32, #tpu.memory_space<hbm>>
        %dma_wait3A_258 = tpu.memref_squeeze %dma_wait3A_257 : memref<1x16385x64xf32, #tpu.memory_space<hbm>> -> memref<16385x64xf32, #tpu.memory_space<hbm>>
        %dma_wait3A_259 = arith.constant 0 : i32
        %dma_wait3A_260 = arith.constant 0 : i32
        %dma_wait3A_261 = tpu.memref_slice %dma_wait3A_258[%dma_wait3A_259, %dma_wait3A_260] : memref<16385x64xf32, #tpu.memory_space<hbm>> -> memref<16385x64xf32, #tpu.memory_space<hbm>>
        tpu.wait_indirect_dma semaphore(%run_scoped3A_247 : memref<!tpu.dma_semaphore, #tpu.memory_space<semaphore_mem>>) src(%dma_wait3A_261 : memref<16385x64xf32, #tpu.memory_space<hbm>>) dst(%arg20 : memref<128x64xf32, #tpu.memory_space<vmem>>)
        tpu.yield
      }) : () -> ()
      "tpu.region"() ({
        %run_scoped3A_247 = tpu.sem_alloc : memref<!tpu.dma_semaphore, #tpu.memory_space<semaphore_mem>>
        %dma_start3A = arith.constant 0 : i32
        %dma_start3A_248 = tpu.memref_slice %arg18[%scan3A_244, %dma_start3A] : memref<72x128xi32, #tpu.memory_space<vmem>> -> memref<1x128xi32, #tpu.memory_space<vmem>>
        %dma_start3A_249 = tpu.memref_squeeze %dma_start3A_248 : memref<1x128xi32, #tpu.memory_space<vmem>> -> memref<128xi32, #tpu.memory_space<vmem>>
        %dma_start3A_250 = arith.constant 0 : i32
        %dma_start3A_251 = arith.constant 0 : i32
        %dma_start3A_252 = tpu.memref_slice %arg11[%dma_start3A_250, %dma_start3A_251] : memref<16384x64xf32, #tpu.memory_space<vmem_shared>> -> memref<16384x64xf32, #tpu.memory_space<vmem_shared>>
        tpu.enqueue_indirect_dma source(%arg20 : memref<128x64xf32, #tpu.memory_space<vmem>>) target(%dma_start3A_252 : memref<16384x64xf32, #tpu.memory_space<vmem_shared>>) offsets(%dma_start3A_249 : memref<128xi32, #tpu.memory_space<vmem>>) semaphore(%run_scoped3A_247 : memref<!tpu.dma_semaphore, #tpu.memory_space<semaphore_mem>>) {add = true}
        %dma_wait3A = arith.constant 0 : i32
        %dma_wait3A_253 = tpu.memref_slice %arg18[%scan3A_244, %dma_wait3A] : memref<72x128xi32, #tpu.memory_space<vmem>> -> memref<1x128xi32, #tpu.memory_space<vmem>>
        %dma_wait3A_254 = tpu.memref_squeeze %dma_wait3A_253 : memref<1x128xi32, #tpu.memory_space<vmem>> -> memref<128xi32, #tpu.memory_space<vmem>>
        %dma_wait3A_255 = arith.constant 0 : i32
        %dma_wait3A_256 = arith.constant 0 : i32
        %dma_wait3A_257 = tpu.memref_slice %arg11[%dma_wait3A_255, %dma_wait3A_256] : memref<16384x64xf32, #tpu.memory_space<vmem_shared>> -> memref<16384x64xf32, #tpu.memory_space<vmem_shared>>
        tpu.wait_indirect_dma semaphore(%run_scoped3A_247 : memref<!tpu.dma_semaphore, #tpu.memory_space<semaphore_mem>>) src(%arg20 : memref<128x64xf32, #tpu.memory_space<vmem>>) dst(%dma_wait3A_257 : memref<16384x64xf32, #tpu.memory_space<vmem_shared>>)
        tpu.yield
      }) : () -> ()
    }
    %scan3A_152 = arith.constant 36 : i32
    %barrier3A_153 = arith.constant 0 : index
    tpu.barrier barrier_id(%barrier3A_153)
    %scan3A_154 = arith.constant 0 : i32
    %scan3A_155 = arith.constant 0 : i32
    %scan3A_156 = arith.constant 8 : i32
    %scan3A_157 = arith.addi %scan3A_155, %scan3A_156 : i32
    %scan3A_158 = arith.constant 1 : i32
    scf.for %scan3A_244 = %scan3A_155 to %scan3A_157 step %scan3A_158  : i32 {
      %mul3A_245 = arith.constant 1024 : i32
      %mul3A_246 = arith.muli %arg1, %mul3A_245 : i32
      %mul3A_247 = arith.constant 128 : i32
      %mul3A_248 = arith.muli %scan3A_244, %mul3A_247 : i32
      %add3A_249 = arith.addi %mul3A_246, %mul3A_248 : i32
      "tpu.region"() ({
        %run_scoped3A_250 = tpu.sem_alloc : memref<!tpu.dma_semaphore, #tpu.memory_space<semaphore_mem>>
        %dma_start3A = arith.constant 0 : i32
        %dma_start3A_251 = tpu.memref_slice %arg11[%add3A_249, %dma_start3A] : memref<16384x64xf32, #tpu.memory_space<vmem_shared>> -> memref<128x64xf32, #tpu.memory_space<vmem_shared>>
        %dma_start3A_252 = arith.constant 0 : i32
        %dma_start3A_253 = tpu.memref_slice %arg11[%add3A_249, %dma_start3A_252] : memref<16384x64xf32, #tpu.memory_space<vmem_shared>> -> memref<128x64xf32, #tpu.memory_space<vmem_shared>>
        tpu.enqueue_dma source(%dma_start3A_253 : memref<128x64xf32, #tpu.memory_space<vmem_shared>>) target(%arg20 : memref<128x64xf32, #tpu.memory_space<vmem>>) target_semaphore(%run_scoped3A_250 : memref<!tpu.dma_semaphore, #tpu.memory_space<semaphore_mem>>)
        %dma_wait3A = arith.constant 0 : i32
        %dma_wait3A_254 = tpu.memref_slice %arg11[%add3A_249, %dma_wait3A] : memref<16384x64xf32, #tpu.memory_space<vmem_shared>> -> memref<128x64xf32, #tpu.memory_space<vmem_shared>>
        %dma_wait3A_255 = arith.constant 0 : i32
        %dma_wait3A_256 = tpu.memref_slice %arg11[%add3A_249, %dma_wait3A_255] : memref<16384x64xf32, #tpu.memory_space<vmem_shared>> -> memref<128x64xf32, #tpu.memory_space<vmem_shared>>
        tpu.wait_dma2 semaphore(%run_scoped3A_250 : memref<!tpu.dma_semaphore, #tpu.memory_space<semaphore_mem>>) src(%dma_wait3A_256 : memref<128x64xf32, #tpu.memory_space<vmem_shared>>) dst(%arg20 : memref<128x64xf32, #tpu.memory_space<vmem>>)
        tpu.yield
      }) : () -> ()
      %run_scoped3A = arith.constant 0 : i32
      "tpu.region"() ({
        %run_scoped3A_250 = tpu.sem_alloc : memref<!tpu.dma_semaphore, #tpu.memory_space<semaphore_mem>>
        %dma_start3A = arith.constant 0 : i32
        %dma_start3A_251 = tpu.memref_slice %arg9[%run_scoped3A, %arg0, %add3A_249, %dma_start3A] : memref<4x2x16384x64xf32, #tpu.memory_space<hbm>> -> memref<1x1x128x64xf32, #tpu.memory_space<hbm>>
        %dma_start3A_252 = tpu.memref_squeeze %dma_start3A_251 : memref<1x1x128x64xf32, #tpu.memory_space<hbm>> -> memref<128x64xf32, #tpu.memory_space<hbm>>
        %dma_start3A_253 = arith.constant 0 : i32
        %dma_start3A_254 = tpu.memref_slice %arg9[%run_scoped3A, %arg0, %add3A_249, %dma_start3A_253] : memref<4x2x16384x64xf32, #tpu.memory_space<hbm>> -> memref<1x1x128x64xf32, #tpu.memory_space<hbm>>
        %dma_start3A_255 = tpu.memref_squeeze %dma_start3A_254 : memref<1x1x128x64xf32, #tpu.memory_space<hbm>> -> memref<128x64xf32, #tpu.memory_space<hbm>>
        tpu.enqueue_dma source(%arg20 : memref<128x64xf32, #tpu.memory_space<vmem>>) target(%dma_start3A_255 : memref<128x64xf32, #tpu.memory_space<hbm>>) target_semaphore(%run_scoped3A_250 : memref<!tpu.dma_semaphore, #tpu.memory_space<semaphore_mem>>)
        %dma_wait3A = arith.constant 0 : i32
        %dma_wait3A_256 = tpu.memref_slice %arg9[%run_scoped3A, %arg0, %add3A_249, %dma_wait3A] : memref<4x2x16384x64xf32, #tpu.memory_space<hbm>> -> memref<1x1x128x64xf32, #tpu.memory_space<hbm>>
        %dma_wait3A_257 = tpu.memref_squeeze %dma_wait3A_256 : memref<1x1x128x64xf32, #tpu.memory_space<hbm>> -> memref<128x64xf32, #tpu.memory_space<hbm>>
        %dma_wait3A_258 = arith.constant 0 : i32
        %dma_wait3A_259 = tpu.memref_slice %arg9[%run_scoped3A, %arg0, %add3A_249, %dma_wait3A_258] : memref<4x2x16384x64xf32, #tpu.memory_space<hbm>> -> memref<1x1x128x64xf32, #tpu.memory_space<hbm>>
        %dma_wait3A_260 = tpu.memref_squeeze %dma_wait3A_259 : memref<1x1x128x64xf32, #tpu.memory_space<hbm>> -> memref<128x64xf32, #tpu.memory_space<hbm>>
        tpu.wait_dma2 semaphore(%run_scoped3A_250 : memref<!tpu.dma_semaphore, #tpu.memory_space<semaphore_mem>>) src(%arg20 : memref<128x64xf32, #tpu.memory_space<vmem>>) dst(%dma_wait3A_260 : memref<128x64xf32, #tpu.memory_space<hbm>>)
        tpu.yield
      }) : () -> ()
    }
    %scan3A_159 = arith.constant 8 : i32
    %scan3A_160 = arith.constant 0 : i32
    %scan3A_161 = arith.constant 0 : i32
    %scan3A_162 = arith.constant 8 : i32
    %scan3A_163 = arith.addi %scan3A_161, %scan3A_162 : i32
    %scan3A_164 = arith.constant 1 : i32
    scf.for %scan3A_244 = %scan3A_161 to %scan3A_163 step %scan3A_164  : i32 {
      %mul3A_245 = arith.constant 1024 : i32
      %mul3A_246 = arith.muli %arg1, %mul3A_245 : i32
      %mul3A_247 = arith.constant 128 : i32
      %mul3A_248 = arith.muli %scan3A_244, %mul3A_247 : i32
      %add3A_249 = arith.addi %mul3A_246, %mul3A_248 : i32
      "tpu.region"() ({
        %run_scoped3A = tpu.sem_alloc : memref<!tpu.dma_semaphore, #tpu.memory_space<semaphore_mem>>
        %dma_start3A = arith.constant 0 : i32
        %dma_start3A_250 = tpu.memref_slice %arg12[%add3A_249, %dma_start3A] : memref<16384x16xf32, #tpu.memory_space<vmem_shared>> -> memref<128x16xf32, #tpu.memory_space<vmem_shared>>
        %dma_start3A_251 = arith.constant 0 : i32
        %dma_start3A_252 = tpu.memref_slice %arg12[%add3A_249, %dma_start3A_251] : memref<16384x16xf32, #tpu.memory_space<vmem_shared>> -> memref<128x16xf32, #tpu.memory_space<vmem_shared>>
        tpu.enqueue_dma source(%dma_start3A_252 : memref<128x16xf32, #tpu.memory_space<vmem_shared>>) target(%arg22 : memref<128x16xf32, #tpu.memory_space<vmem>>) target_semaphore(%run_scoped3A : memref<!tpu.dma_semaphore, #tpu.memory_space<semaphore_mem>>)
        %dma_wait3A = arith.constant 0 : i32
        %dma_wait3A_253 = tpu.memref_slice %arg12[%add3A_249, %dma_wait3A] : memref<16384x16xf32, #tpu.memory_space<vmem_shared>> -> memref<128x16xf32, #tpu.memory_space<vmem_shared>>
        %dma_wait3A_254 = arith.constant 0 : i32
        %dma_wait3A_255 = tpu.memref_slice %arg12[%add3A_249, %dma_wait3A_254] : memref<16384x16xf32, #tpu.memory_space<vmem_shared>> -> memref<128x16xf32, #tpu.memory_space<vmem_shared>>
        tpu.wait_dma2 semaphore(%run_scoped3A : memref<!tpu.dma_semaphore, #tpu.memory_space<semaphore_mem>>) src(%dma_wait3A_255 : memref<128x16xf32, #tpu.memory_space<vmem_shared>>) dst(%arg22 : memref<128x16xf32, #tpu.memory_space<vmem>>)
        tpu.yield
      }) : () -> ()
      "tpu.region"() ({
        %run_scoped3A = tpu.sem_alloc : memref<!tpu.dma_semaphore, #tpu.memory_space<semaphore_mem>>
        %dma_start3A = arith.constant 0 : i32
        %dma_start3A_250 = tpu.memref_slice %arg10[%arg0, %add3A_249, %dma_start3A] : memref<2x16384x16xf32, #tpu.memory_space<hbm>> -> memref<1x128x16xf32, #tpu.memory_space<hbm>>
        %dma_start3A_251 = tpu.memref_squeeze %dma_start3A_250 : memref<1x128x16xf32, #tpu.memory_space<hbm>> -> memref<128x16xf32, #tpu.memory_space<hbm>>
        %dma_start3A_252 = arith.constant 0 : i32
        %dma_start3A_253 = tpu.memref_slice %arg10[%arg0, %add3A_249, %dma_start3A_252] : memref<2x16384x16xf32, #tpu.memory_space<hbm>> -> memref<1x128x16xf32, #tpu.memory_space<hbm>>
        %dma_start3A_254 = tpu.memref_squeeze %dma_start3A_253 : memref<1x128x16xf32, #tpu.memory_space<hbm>> -> memref<128x16xf32, #tpu.memory_space<hbm>>
        tpu.enqueue_dma source(%arg22 : memref<128x16xf32, #tpu.memory_space<vmem>>) target(%dma_start3A_254 : memref<128x16xf32, #tpu.memory_space<hbm>>) target_semaphore(%run_scoped3A : memref<!tpu.dma_semaphore, #tpu.memory_space<semaphore_mem>>)
        %dma_wait3A = arith.constant 0 : i32
        %dma_wait3A_255 = tpu.memref_slice %arg10[%arg0, %add3A_249, %dma_wait3A] : memref<2x16384x16xf32, #tpu.memory_space<hbm>> -> memref<1x128x16xf32, #tpu.memory_space<hbm>>
        %dma_wait3A_256 = tpu.memref_squeeze %dma_wait3A_255 : memref<1x128x16xf32, #tpu.memory_space<hbm>> -> memref<128x16xf32, #tpu.memory_space<hbm>>
        %dma_wait3A_257 = arith.constant 0 : i32
        %dma_wait3A_258 = tpu.memref_slice %arg10[%arg0, %add3A_249, %dma_wait3A_257] : memref<2x16384x16xf32, #tpu.memory_space<hbm>> -> memref<1x128x16xf32, #tpu.memory_space<hbm>>
        %dma_wait3A_259 = tpu.memref_squeeze %dma_wait3A_258 : memref<1x128x16xf32, #tpu.memory_space<hbm>> -> memref<128x16xf32, #tpu.memory_space<hbm>>
        tpu.wait_dma2 semaphore(%run_scoped3A : memref<!tpu.dma_semaphore, #tpu.memory_space<semaphore_mem>>) src(%arg22 : memref<128x16xf32, #tpu.memory_space<vmem>>) dst(%dma_wait3A_259 : memref<128x16xf32, #tpu.memory_space<hbm>>)
        tpu.yield
      }) : () -> ()
    }
    %scan3A_165 = arith.constant 8 : i32
    %scan3A_166 = arith.constant 0 : i32
    %scan3A_167 = arith.constant 0 : i32
    %scan3A_168 = arith.constant 8 : i32
    %scan3A_169 = arith.addi %scan3A_167, %scan3A_168 : i32
    %scan3A_170 = arith.constant 1 : i32
    scf.for %scan3A_244 = %scan3A_167 to %scan3A_169 step %scan3A_170  : i32 {
      %mul3A_245 = arith.constant 1024 : i32
      %mul3A_246 = arith.muli %arg1, %mul3A_245 : i32
      %mul3A_247 = arith.constant 128 : i32
      %mul3A_248 = arith.muli %scan3A_244, %mul3A_247 : i32
      %add3A_249 = arith.addi %mul3A_246, %mul3A_248 : i32
      "tpu.region"() ({
        %run_scoped3A = tpu.sem_alloc : memref<!tpu.dma_semaphore, #tpu.memory_space<semaphore_mem>>
        %dma_start3A = arith.constant 0 : i32
        %dma_start3A_250 = tpu.memref_slice %arg11[%add3A_249, %dma_start3A] : memref<16384x64xf32, #tpu.memory_space<vmem_shared>> -> memref<128x64xf32, #tpu.memory_space<vmem_shared>>
        %dma_start3A_251 = arith.constant 0 : i32
        %dma_start3A_252 = tpu.memref_slice %arg11[%add3A_249, %dma_start3A_251] : memref<16384x64xf32, #tpu.memory_space<vmem_shared>> -> memref<128x64xf32, #tpu.memory_space<vmem_shared>>
        tpu.enqueue_dma source(%arg21 : memref<128x64xf32, #tpu.memory_space<vmem>>) target(%dma_start3A_252 : memref<128x64xf32, #tpu.memory_space<vmem_shared>>) target_semaphore(%run_scoped3A : memref<!tpu.dma_semaphore, #tpu.memory_space<semaphore_mem>>)
        %dma_wait3A = arith.constant 0 : i32
        %dma_wait3A_253 = tpu.memref_slice %arg11[%add3A_249, %dma_wait3A] : memref<16384x64xf32, #tpu.memory_space<vmem_shared>> -> memref<128x64xf32, #tpu.memory_space<vmem_shared>>
        %dma_wait3A_254 = arith.constant 0 : i32
        %dma_wait3A_255 = tpu.memref_slice %arg11[%add3A_249, %dma_wait3A_254] : memref<16384x64xf32, #tpu.memory_space<vmem_shared>> -> memref<128x64xf32, #tpu.memory_space<vmem_shared>>
        tpu.wait_dma2 semaphore(%run_scoped3A : memref<!tpu.dma_semaphore, #tpu.memory_space<semaphore_mem>>) src(%arg21 : memref<128x64xf32, #tpu.memory_space<vmem>>) dst(%dma_wait3A_255 : memref<128x64xf32, #tpu.memory_space<vmem_shared>>)
        tpu.yield
      }) : () -> ()
    }
    %scan3A_171 = arith.constant 8 : i32
    %barrier3A_172 = arith.constant 0 : index
    tpu.barrier barrier_id(%barrier3A_172)
    %scan3A_173 = arith.constant 0 : i32
    %scan3A_174 = arith.constant 0 : i32
    %scan3A_175 = arith.constant 36 : i32
    %scan3A_176 = arith.addi %scan3A_174, %scan3A_175 : i32
    %scan3A_177 = arith.constant 1 : i32
    scf.for %scan3A_244 = %scan3A_174 to %scan3A_176 step %scan3A_177  : i32 {
      %mul3A_245 = arith.constant 128 : i32
      %mul3A_246 = arith.muli %scan3A_244, %mul3A_245 : i32
      %run_scoped3A = arith.constant 1 : i32
      "tpu.region"() ({
        %run_scoped3A_247 = tpu.sem_alloc : memref<!tpu.dma_semaphore, #tpu.memory_space<semaphore_mem>>
        %dma_start3A = tpu.memref_slice %arg17[%mul3A_246] : memref<9216xi32, #tpu.memory_space<vmem>> -> memref<128xi32, #tpu.memory_space<vmem>>
        %dma_start3A_248 = arith.constant 0 : i32
        %dma_start3A_249 = arith.constant 0 : i32
        %dma_start3A_250 = tpu.memref_slice %arg2[%run_scoped3A, %dma_start3A_248, %dma_start3A_249] : memref<8x16385x64xf32, #tpu.memory_space<hbm>> -> memref<1x16385x64xf32, #tpu.memory_space<hbm>>
        %dma_start3A_251 = tpu.memref_squeeze %dma_start3A_250 : memref<1x16385x64xf32, #tpu.memory_space<hbm>> -> memref<16385x64xf32, #tpu.memory_space<hbm>>
        %dma_start3A_252 = arith.constant 0 : i32
        %dma_start3A_253 = arith.constant 0 : i32
        %dma_start3A_254 = tpu.memref_slice %dma_start3A_251[%dma_start3A_252, %dma_start3A_253] : memref<16385x64xf32, #tpu.memory_space<hbm>> -> memref<16385x64xf32, #tpu.memory_space<hbm>>
        tpu.enqueue_indirect_dma source(%dma_start3A_254 : memref<16385x64xf32, #tpu.memory_space<hbm>>) target(%arg20 : memref<128x64xf32, #tpu.memory_space<vmem>>) offsets(%dma_start3A : memref<128xi32, #tpu.memory_space<vmem>>) semaphore(%run_scoped3A_247 : memref<!tpu.dma_semaphore, #tpu.memory_space<semaphore_mem>>)
        %dma_wait3A = tpu.memref_slice %arg17[%mul3A_246] : memref<9216xi32, #tpu.memory_space<vmem>> -> memref<128xi32, #tpu.memory_space<vmem>>
        %dma_wait3A_255 = arith.constant 0 : i32
        %dma_wait3A_256 = arith.constant 0 : i32
        %dma_wait3A_257 = tpu.memref_slice %arg2[%run_scoped3A, %dma_wait3A_255, %dma_wait3A_256] : memref<8x16385x64xf32, #tpu.memory_space<hbm>> -> memref<1x16385x64xf32, #tpu.memory_space<hbm>>
        %dma_wait3A_258 = tpu.memref_squeeze %dma_wait3A_257 : memref<1x16385x64xf32, #tpu.memory_space<hbm>> -> memref<16385x64xf32, #tpu.memory_space<hbm>>
        %dma_wait3A_259 = arith.constant 0 : i32
        %dma_wait3A_260 = arith.constant 0 : i32
        %dma_wait3A_261 = tpu.memref_slice %dma_wait3A_258[%dma_wait3A_259, %dma_wait3A_260] : memref<16385x64xf32, #tpu.memory_space<hbm>> -> memref<16385x64xf32, #tpu.memory_space<hbm>>
        tpu.wait_indirect_dma semaphore(%run_scoped3A_247 : memref<!tpu.dma_semaphore, #tpu.memory_space<semaphore_mem>>) src(%dma_wait3A_261 : memref<16385x64xf32, #tpu.memory_space<hbm>>) dst(%arg20 : memref<128x64xf32, #tpu.memory_space<vmem>>)
        tpu.yield
      }) : () -> ()
      "tpu.region"() ({
        %run_scoped3A_247 = tpu.sem_alloc : memref<!tpu.dma_semaphore, #tpu.memory_space<semaphore_mem>>
        %dma_start3A = arith.constant 0 : i32
        %dma_start3A_248 = tpu.memref_slice %arg18[%scan3A_244, %dma_start3A] : memref<72x128xi32, #tpu.memory_space<vmem>> -> memref<1x128xi32, #tpu.memory_space<vmem>>
        %dma_start3A_249 = tpu.memref_squeeze %dma_start3A_248 : memref<1x128xi32, #tpu.memory_space<vmem>> -> memref<128xi32, #tpu.memory_space<vmem>>
        %dma_start3A_250 = arith.constant 0 : i32
        %dma_start3A_251 = arith.constant 0 : i32
        %dma_start3A_252 = tpu.memref_slice %arg11[%dma_start3A_250, %dma_start3A_251] : memref<16384x64xf32, #tpu.memory_space<vmem_shared>> -> memref<16384x64xf32, #tpu.memory_space<vmem_shared>>
        tpu.enqueue_indirect_dma source(%arg20 : memref<128x64xf32, #tpu.memory_space<vmem>>) target(%dma_start3A_252 : memref<16384x64xf32, #tpu.memory_space<vmem_shared>>) offsets(%dma_start3A_249 : memref<128xi32, #tpu.memory_space<vmem>>) semaphore(%run_scoped3A_247 : memref<!tpu.dma_semaphore, #tpu.memory_space<semaphore_mem>>) {add = true}
        %dma_wait3A = arith.constant 0 : i32
        %dma_wait3A_253 = tpu.memref_slice %arg18[%scan3A_244, %dma_wait3A] : memref<72x128xi32, #tpu.memory_space<vmem>> -> memref<1x128xi32, #tpu.memory_space<vmem>>
        %dma_wait3A_254 = tpu.memref_squeeze %dma_wait3A_253 : memref<1x128xi32, #tpu.memory_space<vmem>> -> memref<128xi32, #tpu.memory_space<vmem>>
        %dma_wait3A_255 = arith.constant 0 : i32
        %dma_wait3A_256 = arith.constant 0 : i32
        %dma_wait3A_257 = tpu.memref_slice %arg11[%dma_wait3A_255, %dma_wait3A_256] : memref<16384x64xf32, #tpu.memory_space<vmem_shared>> -> memref<16384x64xf32, #tpu.memory_space<vmem_shared>>
        tpu.wait_indirect_dma semaphore(%run_scoped3A_247 : memref<!tpu.dma_semaphore, #tpu.memory_space<semaphore_mem>>) src(%arg20 : memref<128x64xf32, #tpu.memory_space<vmem>>) dst(%dma_wait3A_257 : memref<16384x64xf32, #tpu.memory_space<vmem_shared>>)
        tpu.yield
      }) : () -> ()
    }
    %scan3A_178 = arith.constant 36 : i32
    %scan3A_179 = arith.constant 0 : i32
    %scan3A_180 = arith.constant 36 : i32
    %scan3A_181 = arith.constant 36 : i32
    %scan3A_182 = arith.addi %scan3A_180, %scan3A_181 : i32
    %scan3A_183 = arith.constant 1 : i32
    scf.for %scan3A_244 = %scan3A_180 to %scan3A_182 step %scan3A_183  : i32 {
      %mul3A_245 = arith.constant 128 : i32
      %mul3A_246 = arith.muli %scan3A_244, %mul3A_245 : i32
      %run_scoped3A = arith.constant 5 : i32
      "tpu.region"() ({
        %run_scoped3A_247 = tpu.sem_alloc : memref<!tpu.dma_semaphore, #tpu.memory_space<semaphore_mem>>
        %dma_start3A = tpu.memref_slice %arg17[%mul3A_246] : memref<9216xi32, #tpu.memory_space<vmem>> -> memref<128xi32, #tpu.memory_space<vmem>>
        %dma_start3A_248 = arith.constant 0 : i32
        %dma_start3A_249 = arith.constant 0 : i32
        %dma_start3A_250 = tpu.memref_slice %arg2[%run_scoped3A, %dma_start3A_248, %dma_start3A_249] : memref<8x16385x64xf32, #tpu.memory_space<hbm>> -> memref<1x16385x64xf32, #tpu.memory_space<hbm>>
        %dma_start3A_251 = tpu.memref_squeeze %dma_start3A_250 : memref<1x16385x64xf32, #tpu.memory_space<hbm>> -> memref<16385x64xf32, #tpu.memory_space<hbm>>
        %dma_start3A_252 = arith.constant 0 : i32
        %dma_start3A_253 = arith.constant 0 : i32
        %dma_start3A_254 = tpu.memref_slice %dma_start3A_251[%dma_start3A_252, %dma_start3A_253] : memref<16385x64xf32, #tpu.memory_space<hbm>> -> memref<16385x64xf32, #tpu.memory_space<hbm>>
        tpu.enqueue_indirect_dma source(%dma_start3A_254 : memref<16385x64xf32, #tpu.memory_space<hbm>>) target(%arg20 : memref<128x64xf32, #tpu.memory_space<vmem>>) offsets(%dma_start3A : memref<128xi32, #tpu.memory_space<vmem>>) semaphore(%run_scoped3A_247 : memref<!tpu.dma_semaphore, #tpu.memory_space<semaphore_mem>>)
        %dma_wait3A = tpu.memref_slice %arg17[%mul3A_246] : memref<9216xi32, #tpu.memory_space<vmem>> -> memref<128xi32, #tpu.memory_space<vmem>>
        %dma_wait3A_255 = arith.constant 0 : i32
        %dma_wait3A_256 = arith.constant 0 : i32
        %dma_wait3A_257 = tpu.memref_slice %arg2[%run_scoped3A, %dma_wait3A_255, %dma_wait3A_256] : memref<8x16385x64xf32, #tpu.memory_space<hbm>> -> memref<1x16385x64xf32, #tpu.memory_space<hbm>>
        %dma_wait3A_258 = tpu.memref_squeeze %dma_wait3A_257 : memref<1x16385x64xf32, #tpu.memory_space<hbm>> -> memref<16385x64xf32, #tpu.memory_space<hbm>>
        %dma_wait3A_259 = arith.constant 0 : i32
        %dma_wait3A_260 = arith.constant 0 : i32
        %dma_wait3A_261 = tpu.memref_slice %dma_wait3A_258[%dma_wait3A_259, %dma_wait3A_260] : memref<16385x64xf32, #tpu.memory_space<hbm>> -> memref<16385x64xf32, #tpu.memory_space<hbm>>
        tpu.wait_indirect_dma semaphore(%run_scoped3A_247 : memref<!tpu.dma_semaphore, #tpu.memory_space<semaphore_mem>>) src(%dma_wait3A_261 : memref<16385x64xf32, #tpu.memory_space<hbm>>) dst(%arg20 : memref<128x64xf32, #tpu.memory_space<vmem>>)
        tpu.yield
      }) : () -> ()
      "tpu.region"() ({
        %run_scoped3A_247 = tpu.sem_alloc : memref<!tpu.dma_semaphore, #tpu.memory_space<semaphore_mem>>
        %dma_start3A = arith.constant 0 : i32
        %dma_start3A_248 = tpu.memref_slice %arg18[%scan3A_244, %dma_start3A] : memref<72x128xi32, #tpu.memory_space<vmem>> -> memref<1x128xi32, #tpu.memory_space<vmem>>
        %dma_start3A_249 = tpu.memref_squeeze %dma_start3A_248 : memref<1x128xi32, #tpu.memory_space<vmem>> -> memref<128xi32, #tpu.memory_space<vmem>>
        %dma_start3A_250 = arith.constant 0 : i32
        %dma_start3A_251 = arith.constant 0 : i32
        %dma_start3A_252 = tpu.memref_slice %arg11[%dma_start3A_250, %dma_start3A_251] : memref<16384x64xf32, #tpu.memory_space<vmem_shared>> -> memref<16384x64xf32, #tpu.memory_space<vmem_shared>>
        tpu.enqueue_indirect_dma source(%arg20 : memref<128x64xf32, #tpu.memory_space<vmem>>) target(%dma_start3A_252 : memref<16384x64xf32, #tpu.memory_space<vmem_shared>>) offsets(%dma_start3A_249 : memref<128xi32, #tpu.memory_space<vmem>>) semaphore(%run_scoped3A_247 : memref<!tpu.dma_semaphore, #tpu.memory_space<semaphore_mem>>) {add = true}
        %dma_wait3A = arith.constant 0 : i32
        %dma_wait3A_253 = tpu.memref_slice %arg18[%scan3A_244, %dma_wait3A] : memref<72x128xi32, #tpu.memory_space<vmem>> -> memref<1x128xi32, #tpu.memory_space<vmem>>
        %dma_wait3A_254 = tpu.memref_squeeze %dma_wait3A_253 : memref<1x128xi32, #tpu.memory_space<vmem>> -> memref<128xi32, #tpu.memory_space<vmem>>
        %dma_wait3A_255 = arith.constant 0 : i32
        %dma_wait3A_256 = arith.constant 0 : i32
        %dma_wait3A_257 = tpu.memref_slice %arg11[%dma_wait3A_255, %dma_wait3A_256] : memref<16384x64xf32, #tpu.memory_space<vmem_shared>> -> memref<16384x64xf32, #tpu.memory_space<vmem_shared>>
        tpu.wait_indirect_dma semaphore(%run_scoped3A_247 : memref<!tpu.dma_semaphore, #tpu.memory_space<semaphore_mem>>) src(%arg20 : memref<128x64xf32, #tpu.memory_space<vmem>>) dst(%dma_wait3A_257 : memref<16384x64xf32, #tpu.memory_space<vmem_shared>>)
        tpu.yield
      }) : () -> ()
    }
    %scan3A_184 = arith.constant 36 : i32
    %barrier3A_185 = arith.constant 0 : index
    tpu.barrier barrier_id(%barrier3A_185)
    %scan3A_186 = arith.constant 0 : i32
    %scan3A_187 = arith.constant 0 : i32
    %scan3A_188 = arith.constant 8 : i32
    %scan3A_189 = arith.addi %scan3A_187, %scan3A_188 : i32
    %scan3A_190 = arith.constant 1 : i32
    scf.for %scan3A_244 = %scan3A_187 to %scan3A_189 step %scan3A_190  : i32 {
      %mul3A_245 = arith.constant 1024 : i32
      %mul3A_246 = arith.muli %arg1, %mul3A_245 : i32
      %mul3A_247 = arith.constant 128 : i32
      %mul3A_248 = arith.muli %scan3A_244, %mul3A_247 : i32
      %add3A_249 = arith.addi %mul3A_246, %mul3A_248 : i32
      "tpu.region"() ({
        %run_scoped3A_250 = tpu.sem_alloc : memref<!tpu.dma_semaphore, #tpu.memory_space<semaphore_mem>>
        %dma_start3A = arith.constant 0 : i32
        %dma_start3A_251 = tpu.memref_slice %arg11[%add3A_249, %dma_start3A] : memref<16384x64xf32, #tpu.memory_space<vmem_shared>> -> memref<128x64xf32, #tpu.memory_space<vmem_shared>>
        %dma_start3A_252 = arith.constant 0 : i32
        %dma_start3A_253 = tpu.memref_slice %arg11[%add3A_249, %dma_start3A_252] : memref<16384x64xf32, #tpu.memory_space<vmem_shared>> -> memref<128x64xf32, #tpu.memory_space<vmem_shared>>
        tpu.enqueue_dma source(%dma_start3A_253 : memref<128x64xf32, #tpu.memory_space<vmem_shared>>) target(%arg20 : memref<128x64xf32, #tpu.memory_space<vmem>>) target_semaphore(%run_scoped3A_250 : memref<!tpu.dma_semaphore, #tpu.memory_space<semaphore_mem>>)
        %dma_wait3A = arith.constant 0 : i32
        %dma_wait3A_254 = tpu.memref_slice %arg11[%add3A_249, %dma_wait3A] : memref<16384x64xf32, #tpu.memory_space<vmem_shared>> -> memref<128x64xf32, #tpu.memory_space<vmem_shared>>
        %dma_wait3A_255 = arith.constant 0 : i32
        %dma_wait3A_256 = tpu.memref_slice %arg11[%add3A_249, %dma_wait3A_255] : memref<16384x64xf32, #tpu.memory_space<vmem_shared>> -> memref<128x64xf32, #tpu.memory_space<vmem_shared>>
        tpu.wait_dma2 semaphore(%run_scoped3A_250 : memref<!tpu.dma_semaphore, #tpu.memory_space<semaphore_mem>>) src(%dma_wait3A_256 : memref<128x64xf32, #tpu.memory_space<vmem_shared>>) dst(%arg20 : memref<128x64xf32, #tpu.memory_space<vmem>>)
        tpu.yield
      }) : () -> ()
      %run_scoped3A = arith.constant 1 : i32
      "tpu.region"() ({
        %run_scoped3A_250 = tpu.sem_alloc : memref<!tpu.dma_semaphore, #tpu.memory_space<semaphore_mem>>
        %dma_start3A = arith.constant 0 : i32
        %dma_start3A_251 = tpu.memref_slice %arg9[%run_scoped3A, %arg0, %add3A_249, %dma_start3A] : memref<4x2x16384x64xf32, #tpu.memory_space<hbm>> -> memref<1x1x128x64xf32, #tpu.memory_space<hbm>>
        %dma_start3A_252 = tpu.memref_squeeze %dma_start3A_251 : memref<1x1x128x64xf32, #tpu.memory_space<hbm>> -> memref<128x64xf32, #tpu.memory_space<hbm>>
        %dma_start3A_253 = arith.constant 0 : i32
        %dma_start3A_254 = tpu.memref_slice %arg9[%run_scoped3A, %arg0, %add3A_249, %dma_start3A_253] : memref<4x2x16384x64xf32, #tpu.memory_space<hbm>> -> memref<1x1x128x64xf32, #tpu.memory_space<hbm>>
        %dma_start3A_255 = tpu.memref_squeeze %dma_start3A_254 : memref<1x1x128x64xf32, #tpu.memory_space<hbm>> -> memref<128x64xf32, #tpu.memory_space<hbm>>
        tpu.enqueue_dma source(%arg20 : memref<128x64xf32, #tpu.memory_space<vmem>>) target(%dma_start3A_255 : memref<128x64xf32, #tpu.memory_space<hbm>>) target_semaphore(%run_scoped3A_250 : memref<!tpu.dma_semaphore, #tpu.memory_space<semaphore_mem>>)
        %dma_wait3A = arith.constant 0 : i32
        %dma_wait3A_256 = tpu.memref_slice %arg9[%run_scoped3A, %arg0, %add3A_249, %dma_wait3A] : memref<4x2x16384x64xf32, #tpu.memory_space<hbm>> -> memref<1x1x128x64xf32, #tpu.memory_space<hbm>>
        %dma_wait3A_257 = tpu.memref_squeeze %dma_wait3A_256 : memref<1x1x128x64xf32, #tpu.memory_space<hbm>> -> memref<128x64xf32, #tpu.memory_space<hbm>>
        %dma_wait3A_258 = arith.constant 0 : i32
        %dma_wait3A_259 = tpu.memref_slice %arg9[%run_scoped3A, %arg0, %add3A_249, %dma_wait3A_258] : memref<4x2x16384x64xf32, #tpu.memory_space<hbm>> -> memref<1x1x128x64xf32, #tpu.memory_space<hbm>>
        %dma_wait3A_260 = tpu.memref_squeeze %dma_wait3A_259 : memref<1x1x128x64xf32, #tpu.memory_space<hbm>> -> memref<128x64xf32, #tpu.memory_space<hbm>>
        tpu.wait_dma2 semaphore(%run_scoped3A_250 : memref<!tpu.dma_semaphore, #tpu.memory_space<semaphore_mem>>) src(%arg20 : memref<128x64xf32, #tpu.memory_space<vmem>>) dst(%dma_wait3A_260 : memref<128x64xf32, #tpu.memory_space<hbm>>)
        tpu.yield
      }) : () -> ()
    }
    %scan3A_191 = arith.constant 8 : i32
    %scan3A_192 = arith.constant 0 : i32
    %scan3A_193 = arith.constant 0 : i32
    %scan3A_194 = arith.constant 8 : i32
    %scan3A_195 = arith.addi %scan3A_193, %scan3A_194 : i32
    %scan3A_196 = arith.constant 1 : i32
    scf.for %scan3A_244 = %scan3A_193 to %scan3A_195 step %scan3A_196  : i32 {
      %mul3A_245 = arith.constant 1024 : i32
      %mul3A_246 = arith.muli %arg1, %mul3A_245 : i32
      %mul3A_247 = arith.constant 128 : i32
      %mul3A_248 = arith.muli %scan3A_244, %mul3A_247 : i32
      %add3A_249 = arith.addi %mul3A_246, %mul3A_248 : i32
      "tpu.region"() ({
        %run_scoped3A = tpu.sem_alloc : memref<!tpu.dma_semaphore, #tpu.memory_space<semaphore_mem>>
        %dma_start3A = arith.constant 0 : i32
        %dma_start3A_250 = tpu.memref_slice %arg11[%add3A_249, %dma_start3A] : memref<16384x64xf32, #tpu.memory_space<vmem_shared>> -> memref<128x64xf32, #tpu.memory_space<vmem_shared>>
        %dma_start3A_251 = arith.constant 0 : i32
        %dma_start3A_252 = tpu.memref_slice %arg11[%add3A_249, %dma_start3A_251] : memref<16384x64xf32, #tpu.memory_space<vmem_shared>> -> memref<128x64xf32, #tpu.memory_space<vmem_shared>>
        tpu.enqueue_dma source(%arg21 : memref<128x64xf32, #tpu.memory_space<vmem>>) target(%dma_start3A_252 : memref<128x64xf32, #tpu.memory_space<vmem_shared>>) target_semaphore(%run_scoped3A : memref<!tpu.dma_semaphore, #tpu.memory_space<semaphore_mem>>)
        %dma_wait3A = arith.constant 0 : i32
        %dma_wait3A_253 = tpu.memref_slice %arg11[%add3A_249, %dma_wait3A] : memref<16384x64xf32, #tpu.memory_space<vmem_shared>> -> memref<128x64xf32, #tpu.memory_space<vmem_shared>>
        %dma_wait3A_254 = arith.constant 0 : i32
        %dma_wait3A_255 = tpu.memref_slice %arg11[%add3A_249, %dma_wait3A_254] : memref<16384x64xf32, #tpu.memory_space<vmem_shared>> -> memref<128x64xf32, #tpu.memory_space<vmem_shared>>
        tpu.wait_dma2 semaphore(%run_scoped3A : memref<!tpu.dma_semaphore, #tpu.memory_space<semaphore_mem>>) src(%arg21 : memref<128x64xf32, #tpu.memory_space<vmem>>) dst(%dma_wait3A_255 : memref<128x64xf32, #tpu.memory_space<vmem_shared>>)
        tpu.yield
      }) : () -> ()
    }
    %scan3A_197 = arith.constant 8 : i32
    %barrier3A_198 = arith.constant 0 : index
    tpu.barrier barrier_id(%barrier3A_198)
    %scan3A_199 = arith.constant 0 : i32
    %scan3A_200 = arith.constant 0 : i32
    %scan3A_201 = arith.constant 36 : i32
    %scan3A_202 = arith.addi %scan3A_200, %scan3A_201 : i32
    %scan3A_203 = arith.constant 1 : i32
    scf.for %scan3A_244 = %scan3A_200 to %scan3A_202 step %scan3A_203  : i32 {
      %mul3A_245 = arith.constant 128 : i32
      %mul3A_246 = arith.muli %scan3A_244, %mul3A_245 : i32
      %run_scoped3A = arith.constant 2 : i32
      "tpu.region"() ({
        %run_scoped3A_247 = tpu.sem_alloc : memref<!tpu.dma_semaphore, #tpu.memory_space<semaphore_mem>>
        %dma_start3A = tpu.memref_slice %arg17[%mul3A_246] : memref<9216xi32, #tpu.memory_space<vmem>> -> memref<128xi32, #tpu.memory_space<vmem>>
        %dma_start3A_248 = arith.constant 0 : i32
        %dma_start3A_249 = arith.constant 0 : i32
        %dma_start3A_250 = tpu.memref_slice %arg2[%run_scoped3A, %dma_start3A_248, %dma_start3A_249] : memref<8x16385x64xf32, #tpu.memory_space<hbm>> -> memref<1x16385x64xf32, #tpu.memory_space<hbm>>
        %dma_start3A_251 = tpu.memref_squeeze %dma_start3A_250 : memref<1x16385x64xf32, #tpu.memory_space<hbm>> -> memref<16385x64xf32, #tpu.memory_space<hbm>>
        %dma_start3A_252 = arith.constant 0 : i32
        %dma_start3A_253 = arith.constant 0 : i32
        %dma_start3A_254 = tpu.memref_slice %dma_start3A_251[%dma_start3A_252, %dma_start3A_253] : memref<16385x64xf32, #tpu.memory_space<hbm>> -> memref<16385x64xf32, #tpu.memory_space<hbm>>
        tpu.enqueue_indirect_dma source(%dma_start3A_254 : memref<16385x64xf32, #tpu.memory_space<hbm>>) target(%arg20 : memref<128x64xf32, #tpu.memory_space<vmem>>) offsets(%dma_start3A : memref<128xi32, #tpu.memory_space<vmem>>) semaphore(%run_scoped3A_247 : memref<!tpu.dma_semaphore, #tpu.memory_space<semaphore_mem>>)
        %dma_wait3A = tpu.memref_slice %arg17[%mul3A_246] : memref<9216xi32, #tpu.memory_space<vmem>> -> memref<128xi32, #tpu.memory_space<vmem>>
        %dma_wait3A_255 = arith.constant 0 : i32
        %dma_wait3A_256 = arith.constant 0 : i32
        %dma_wait3A_257 = tpu.memref_slice %arg2[%run_scoped3A, %dma_wait3A_255, %dma_wait3A_256] : memref<8x16385x64xf32, #tpu.memory_space<hbm>> -> memref<1x16385x64xf32, #tpu.memory_space<hbm>>
        %dma_wait3A_258 = tpu.memref_squeeze %dma_wait3A_257 : memref<1x16385x64xf32, #tpu.memory_space<hbm>> -> memref<16385x64xf32, #tpu.memory_space<hbm>>
        %dma_wait3A_259 = arith.constant 0 : i32
        %dma_wait3A_260 = arith.constant 0 : i32
        %dma_wait3A_261 = tpu.memref_slice %dma_wait3A_258[%dma_wait3A_259, %dma_wait3A_260] : memref<16385x64xf32, #tpu.memory_space<hbm>> -> memref<16385x64xf32, #tpu.memory_space<hbm>>
        tpu.wait_indirect_dma semaphore(%run_scoped3A_247 : memref<!tpu.dma_semaphore, #tpu.memory_space<semaphore_mem>>) src(%dma_wait3A_261 : memref<16385x64xf32, #tpu.memory_space<hbm>>) dst(%arg20 : memref<128x64xf32, #tpu.memory_space<vmem>>)
        tpu.yield
      }) : () -> ()
      "tpu.region"() ({
        %run_scoped3A_247 = tpu.sem_alloc : memref<!tpu.dma_semaphore, #tpu.memory_space<semaphore_mem>>
        %dma_start3A = arith.constant 0 : i32
        %dma_start3A_248 = tpu.memref_slice %arg18[%scan3A_244, %dma_start3A] : memref<72x128xi32, #tpu.memory_space<vmem>> -> memref<1x128xi32, #tpu.memory_space<vmem>>
        %dma_start3A_249 = tpu.memref_squeeze %dma_start3A_248 : memref<1x128xi32, #tpu.memory_space<vmem>> -> memref<128xi32, #tpu.memory_space<vmem>>
        %dma_start3A_250 = arith.constant 0 : i32
        %dma_start3A_251 = arith.constant 0 : i32
        %dma_start3A_252 = tpu.memref_slice %arg11[%dma_start3A_250, %dma_start3A_251] : memref<16384x64xf32, #tpu.memory_space<vmem_shared>> -> memref<16384x64xf32, #tpu.memory_space<vmem_shared>>
        tpu.enqueue_indirect_dma source(%arg20 : memref<128x64xf32, #tpu.memory_space<vmem>>) target(%dma_start3A_252 : memref<16384x64xf32, #tpu.memory_space<vmem_shared>>) offsets(%dma_start3A_249 : memref<128xi32, #tpu.memory_space<vmem>>) semaphore(%run_scoped3A_247 : memref<!tpu.dma_semaphore, #tpu.memory_space<semaphore_mem>>) {add = true}
        %dma_wait3A = arith.constant 0 : i32
        %dma_wait3A_253 = tpu.memref_slice %arg18[%scan3A_244, %dma_wait3A] : memref<72x128xi32, #tpu.memory_space<vmem>> -> memref<1x128xi32, #tpu.memory_space<vmem>>
        %dma_wait3A_254 = tpu.memref_squeeze %dma_wait3A_253 : memref<1x128xi32, #tpu.memory_space<vmem>> -> memref<128xi32, #tpu.memory_space<vmem>>
        %dma_wait3A_255 = arith.constant 0 : i32
        %dma_wait3A_256 = arith.constant 0 : i32
        %dma_wait3A_257 = tpu.memref_slice %arg11[%dma_wait3A_255, %dma_wait3A_256] : memref<16384x64xf32, #tpu.memory_space<vmem_shared>> -> memref<16384x64xf32, #tpu.memory_space<vmem_shared>>
        tpu.wait_indirect_dma semaphore(%run_scoped3A_247 : memref<!tpu.dma_semaphore, #tpu.memory_space<semaphore_mem>>) src(%arg20 : memref<128x64xf32, #tpu.memory_space<vmem>>) dst(%dma_wait3A_257 : memref<16384x64xf32, #tpu.memory_space<vmem_shared>>)
        tpu.yield
      }) : () -> ()
    }
    %scan3A_204 = arith.constant 36 : i32
    %scan3A_205 = arith.constant 0 : i32
    %scan3A_206 = arith.constant 36 : i32
    %scan3A_207 = arith.constant 36 : i32
    %scan3A_208 = arith.addi %scan3A_206, %scan3A_207 : i32
    %scan3A_209 = arith.constant 1 : i32
    scf.for %scan3A_244 = %scan3A_206 to %scan3A_208 step %scan3A_209  : i32 {
      %mul3A_245 = arith.constant 128 : i32
      %mul3A_246 = arith.muli %scan3A_244, %mul3A_245 : i32
      %run_scoped3A = arith.constant 6 : i32
      "tpu.region"() ({
        %run_scoped3A_247 = tpu.sem_alloc : memref<!tpu.dma_semaphore, #tpu.memory_space<semaphore_mem>>
        %dma_start3A = tpu.memref_slice %arg17[%mul3A_246] : memref<9216xi32, #tpu.memory_space<vmem>> -> memref<128xi32, #tpu.memory_space<vmem>>
        %dma_start3A_248 = arith.constant 0 : i32
        %dma_start3A_249 = arith.constant 0 : i32
        %dma_start3A_250 = tpu.memref_slice %arg2[%run_scoped3A, %dma_start3A_248, %dma_start3A_249] : memref<8x16385x64xf32, #tpu.memory_space<hbm>> -> memref<1x16385x64xf32, #tpu.memory_space<hbm>>
        %dma_start3A_251 = tpu.memref_squeeze %dma_start3A_250 : memref<1x16385x64xf32, #tpu.memory_space<hbm>> -> memref<16385x64xf32, #tpu.memory_space<hbm>>
        %dma_start3A_252 = arith.constant 0 : i32
        %dma_start3A_253 = arith.constant 0 : i32
        %dma_start3A_254 = tpu.memref_slice %dma_start3A_251[%dma_start3A_252, %dma_start3A_253] : memref<16385x64xf32, #tpu.memory_space<hbm>> -> memref<16385x64xf32, #tpu.memory_space<hbm>>
        tpu.enqueue_indirect_dma source(%dma_start3A_254 : memref<16385x64xf32, #tpu.memory_space<hbm>>) target(%arg20 : memref<128x64xf32, #tpu.memory_space<vmem>>) offsets(%dma_start3A : memref<128xi32, #tpu.memory_space<vmem>>) semaphore(%run_scoped3A_247 : memref<!tpu.dma_semaphore, #tpu.memory_space<semaphore_mem>>)
        %dma_wait3A = tpu.memref_slice %arg17[%mul3A_246] : memref<9216xi32, #tpu.memory_space<vmem>> -> memref<128xi32, #tpu.memory_space<vmem>>
        %dma_wait3A_255 = arith.constant 0 : i32
        %dma_wait3A_256 = arith.constant 0 : i32
        %dma_wait3A_257 = tpu.memref_slice %arg2[%run_scoped3A, %dma_wait3A_255, %dma_wait3A_256] : memref<8x16385x64xf32, #tpu.memory_space<hbm>> -> memref<1x16385x64xf32, #tpu.memory_space<hbm>>
        %dma_wait3A_258 = tpu.memref_squeeze %dma_wait3A_257 : memref<1x16385x64xf32, #tpu.memory_space<hbm>> -> memref<16385x64xf32, #tpu.memory_space<hbm>>
        %dma_wait3A_259 = arith.constant 0 : i32
        %dma_wait3A_260 = arith.constant 0 : i32
        %dma_wait3A_261 = tpu.memref_slice %dma_wait3A_258[%dma_wait3A_259, %dma_wait3A_260] : memref<16385x64xf32, #tpu.memory_space<hbm>> -> memref<16385x64xf32, #tpu.memory_space<hbm>>
        tpu.wait_indirect_dma semaphore(%run_scoped3A_247 : memref<!tpu.dma_semaphore, #tpu.memory_space<semaphore_mem>>) src(%dma_wait3A_261 : memref<16385x64xf32, #tpu.memory_space<hbm>>) dst(%arg20 : memref<128x64xf32, #tpu.memory_space<vmem>>)
        tpu.yield
      }) : () -> ()
      "tpu.region"() ({
        %run_scoped3A_247 = tpu.sem_alloc : memref<!tpu.dma_semaphore, #tpu.memory_space<semaphore_mem>>
        %dma_start3A = arith.constant 0 : i32
        %dma_start3A_248 = tpu.memref_slice %arg18[%scan3A_244, %dma_start3A] : memref<72x128xi32, #tpu.memory_space<vmem>> -> memref<1x128xi32, #tpu.memory_space<vmem>>
        %dma_start3A_249 = tpu.memref_squeeze %dma_start3A_248 : memref<1x128xi32, #tpu.memory_space<vmem>> -> memref<128xi32, #tpu.memory_space<vmem>>
        %dma_start3A_250 = arith.constant 0 : i32
        %dma_start3A_251 = arith.constant 0 : i32
        %dma_start3A_252 = tpu.memref_slice %arg11[%dma_start3A_250, %dma_start3A_251] : memref<16384x64xf32, #tpu.memory_space<vmem_shared>> -> memref<16384x64xf32, #tpu.memory_space<vmem_shared>>
        tpu.enqueue_indirect_dma source(%arg20 : memref<128x64xf32, #tpu.memory_space<vmem>>) target(%dma_start3A_252 : memref<16384x64xf32, #tpu.memory_space<vmem_shared>>) offsets(%dma_start3A_249 : memref<128xi32, #tpu.memory_space<vmem>>) semaphore(%run_scoped3A_247 : memref<!tpu.dma_semaphore, #tpu.memory_space<semaphore_mem>>) {add = true}
        %dma_wait3A = arith.constant 0 : i32
        %dma_wait3A_253 = tpu.memref_slice %arg18[%scan3A_244, %dma_wait3A] : memref<72x128xi32, #tpu.memory_space<vmem>> -> memref<1x128xi32, #tpu.memory_space<vmem>>
        %dma_wait3A_254 = tpu.memref_squeeze %dma_wait3A_253 : memref<1x128xi32, #tpu.memory_space<vmem>> -> memref<128xi32, #tpu.memory_space<vmem>>
        %dma_wait3A_255 = arith.constant 0 : i32
        %dma_wait3A_256 = arith.constant 0 : i32
        %dma_wait3A_257 = tpu.memref_slice %arg11[%dma_wait3A_255, %dma_wait3A_256] : memref<16384x64xf32, #tpu.memory_space<vmem_shared>> -> memref<16384x64xf32, #tpu.memory_space<vmem_shared>>
        tpu.wait_indirect_dma semaphore(%run_scoped3A_247 : memref<!tpu.dma_semaphore, #tpu.memory_space<semaphore_mem>>) src(%arg20 : memref<128x64xf32, #tpu.memory_space<vmem>>) dst(%dma_wait3A_257 : memref<16384x64xf32, #tpu.memory_space<vmem_shared>>)
        tpu.yield
      }) : () -> ()
    }
    %scan3A_210 = arith.constant 36 : i32
    %barrier3A_211 = arith.constant 0 : index
    tpu.barrier barrier_id(%barrier3A_211)
    %scan3A_212 = arith.constant 0 : i32
    %scan3A_213 = arith.constant 0 : i32
    %scan3A_214 = arith.constant 8 : i32
    %scan3A_215 = arith.addi %scan3A_213, %scan3A_214 : i32
    %scan3A_216 = arith.constant 1 : i32
    scf.for %scan3A_244 = %scan3A_213 to %scan3A_215 step %scan3A_216  : i32 {
      %mul3A_245 = arith.constant 1024 : i32
      %mul3A_246 = arith.muli %arg1, %mul3A_245 : i32
      %mul3A_247 = arith.constant 128 : i32
      %mul3A_248 = arith.muli %scan3A_244, %mul3A_247 : i32
      %add3A_249 = arith.addi %mul3A_246, %mul3A_248 : i32
      "tpu.region"() ({
        %run_scoped3A_250 = tpu.sem_alloc : memref<!tpu.dma_semaphore, #tpu.memory_space<semaphore_mem>>
        %dma_start3A = arith.constant 0 : i32
        %dma_start3A_251 = tpu.memref_slice %arg11[%add3A_249, %dma_start3A] : memref<16384x64xf32, #tpu.memory_space<vmem_shared>> -> memref<128x64xf32, #tpu.memory_space<vmem_shared>>
        %dma_start3A_252 = arith.constant 0 : i32
        %dma_start3A_253 = tpu.memref_slice %arg11[%add3A_249, %dma_start3A_252] : memref<16384x64xf32, #tpu.memory_space<vmem_shared>> -> memref<128x64xf32, #tpu.memory_space<vmem_shared>>
        tpu.enqueue_dma source(%dma_start3A_253 : memref<128x64xf32, #tpu.memory_space<vmem_shared>>) target(%arg20 : memref<128x64xf32, #tpu.memory_space<vmem>>) target_semaphore(%run_scoped3A_250 : memref<!tpu.dma_semaphore, #tpu.memory_space<semaphore_mem>>)
        %dma_wait3A = arith.constant 0 : i32
        %dma_wait3A_254 = tpu.memref_slice %arg11[%add3A_249, %dma_wait3A] : memref<16384x64xf32, #tpu.memory_space<vmem_shared>> -> memref<128x64xf32, #tpu.memory_space<vmem_shared>>
        %dma_wait3A_255 = arith.constant 0 : i32
        %dma_wait3A_256 = tpu.memref_slice %arg11[%add3A_249, %dma_wait3A_255] : memref<16384x64xf32, #tpu.memory_space<vmem_shared>> -> memref<128x64xf32, #tpu.memory_space<vmem_shared>>
        tpu.wait_dma2 semaphore(%run_scoped3A_250 : memref<!tpu.dma_semaphore, #tpu.memory_space<semaphore_mem>>) src(%dma_wait3A_256 : memref<128x64xf32, #tpu.memory_space<vmem_shared>>) dst(%arg20 : memref<128x64xf32, #tpu.memory_space<vmem>>)
        tpu.yield
      }) : () -> ()
      %run_scoped3A = arith.constant 2 : i32
      "tpu.region"() ({
        %run_scoped3A_250 = tpu.sem_alloc : memref<!tpu.dma_semaphore, #tpu.memory_space<semaphore_mem>>
        %dma_start3A = arith.constant 0 : i32
        %dma_start3A_251 = tpu.memref_slice %arg9[%run_scoped3A, %arg0, %add3A_249, %dma_start3A] : memref<4x2x16384x64xf32, #tpu.memory_space<hbm>> -> memref<1x1x128x64xf32, #tpu.memory_space<hbm>>
        %dma_start3A_252 = tpu.memref_squeeze %dma_start3A_251 : memref<1x1x128x64xf32, #tpu.memory_space<hbm>> -> memref<128x64xf32, #tpu.memory_space<hbm>>
        %dma_start3A_253 = arith.constant 0 : i32
        %dma_start3A_254 = tpu.memref_slice %arg9[%run_scoped3A, %arg0, %add3A_249, %dma_start3A_253] : memref<4x2x16384x64xf32, #tpu.memory_space<hbm>> -> memref<1x1x128x64xf32, #tpu.memory_space<hbm>>
        %dma_start3A_255 = tpu.memref_squeeze %dma_start3A_254 : memref<1x1x128x64xf32, #tpu.memory_space<hbm>> -> memref<128x64xf32, #tpu.memory_space<hbm>>
        tpu.enqueue_dma source(%arg20 : memref<128x64xf32, #tpu.memory_space<vmem>>) target(%dma_start3A_255 : memref<128x64xf32, #tpu.memory_space<hbm>>) target_semaphore(%run_scoped3A_250 : memref<!tpu.dma_semaphore, #tpu.memory_space<semaphore_mem>>)
        %dma_wait3A = arith.constant 0 : i32
        %dma_wait3A_256 = tpu.memref_slice %arg9[%run_scoped3A, %arg0, %add3A_249, %dma_wait3A] : memref<4x2x16384x64xf32, #tpu.memory_space<hbm>> -> memref<1x1x128x64xf32, #tpu.memory_space<hbm>>
        %dma_wait3A_257 = tpu.memref_squeeze %dma_wait3A_256 : memref<1x1x128x64xf32, #tpu.memory_space<hbm>> -> memref<128x64xf32, #tpu.memory_space<hbm>>
        %dma_wait3A_258 = arith.constant 0 : i32
        %dma_wait3A_259 = tpu.memref_slice %arg9[%run_scoped3A, %arg0, %add3A_249, %dma_wait3A_258] : memref<4x2x16384x64xf32, #tpu.memory_space<hbm>> -> memref<1x1x128x64xf32, #tpu.memory_space<hbm>>
        %dma_wait3A_260 = tpu.memref_squeeze %dma_wait3A_259 : memref<1x1x128x64xf32, #tpu.memory_space<hbm>> -> memref<128x64xf32, #tpu.memory_space<hbm>>
        tpu.wait_dma2 semaphore(%run_scoped3A_250 : memref<!tpu.dma_semaphore, #tpu.memory_space<semaphore_mem>>) src(%arg20 : memref<128x64xf32, #tpu.memory_space<vmem>>) dst(%dma_wait3A_260 : memref<128x64xf32, #tpu.memory_space<hbm>>)
        tpu.yield
      }) : () -> ()
    }
    %scan3A_217 = arith.constant 8 : i32
    %scan3A_218 = arith.constant 0 : i32
    %scan3A_219 = arith.constant 0 : i32
    %scan3A_220 = arith.constant 8 : i32
    %scan3A_221 = arith.addi %scan3A_219, %scan3A_220 : i32
    %scan3A_222 = arith.constant 1 : i32
    scf.for %scan3A_244 = %scan3A_219 to %scan3A_221 step %scan3A_222  : i32 {
      %mul3A_245 = arith.constant 1024 : i32
      %mul3A_246 = arith.muli %arg1, %mul3A_245 : i32
      %mul3A_247 = arith.constant 128 : i32
      %mul3A_248 = arith.muli %scan3A_244, %mul3A_247 : i32
      %add3A_249 = arith.addi %mul3A_246, %mul3A_248 : i32
      "tpu.region"() ({
        %run_scoped3A = tpu.sem_alloc : memref<!tpu.dma_semaphore, #tpu.memory_space<semaphore_mem>>
        %dma_start3A = arith.constant 0 : i32
        %dma_start3A_250 = tpu.memref_slice %arg11[%add3A_249, %dma_start3A] : memref<16384x64xf32, #tpu.memory_space<vmem_shared>> -> memref<128x64xf32, #tpu.memory_space<vmem_shared>>
        %dma_start3A_251 = arith.constant 0 : i32
        %dma_start3A_252 = tpu.memref_slice %arg11[%add3A_249, %dma_start3A_251] : memref<16384x64xf32, #tpu.memory_space<vmem_shared>> -> memref<128x64xf32, #tpu.memory_space<vmem_shared>>
        tpu.enqueue_dma source(%arg21 : memref<128x64xf32, #tpu.memory_space<vmem>>) target(%dma_start3A_252 : memref<128x64xf32, #tpu.memory_space<vmem_shared>>) target_semaphore(%run_scoped3A : memref<!tpu.dma_semaphore, #tpu.memory_space<semaphore_mem>>)
        %dma_wait3A = arith.constant 0 : i32
        %dma_wait3A_253 = tpu.memref_slice %arg11[%add3A_249, %dma_wait3A] : memref<16384x64xf32, #tpu.memory_space<vmem_shared>> -> memref<128x64xf32, #tpu.memory_space<vmem_shared>>
        %dma_wait3A_254 = arith.constant 0 : i32
        %dma_wait3A_255 = tpu.memref_slice %arg11[%add3A_249, %dma_wait3A_254] : memref<16384x64xf32, #tpu.memory_space<vmem_shared>> -> memref<128x64xf32, #tpu.memory_space<vmem_shared>>
        tpu.wait_dma2 semaphore(%run_scoped3A : memref<!tpu.dma_semaphore, #tpu.memory_space<semaphore_mem>>) src(%arg21 : memref<128x64xf32, #tpu.memory_space<vmem>>) dst(%dma_wait3A_255 : memref<128x64xf32, #tpu.memory_space<vmem_shared>>)
        tpu.yield
      }) : () -> ()
    }
    %scan3A_223 = arith.constant 8 : i32
    %barrier3A_224 = arith.constant 0 : index
    tpu.barrier barrier_id(%barrier3A_224)
    %scan3A_225 = arith.constant 0 : i32
    %scan3A_226 = arith.constant 0 : i32
    %scan3A_227 = arith.constant 36 : i32
    %scan3A_228 = arith.addi %scan3A_226, %scan3A_227 : i32
    %scan3A_229 = arith.constant 1 : i32
    scf.for %scan3A_244 = %scan3A_226 to %scan3A_228 step %scan3A_229  : i32 {
      %mul3A_245 = arith.constant 128 : i32
      %mul3A_246 = arith.muli %scan3A_244, %mul3A_245 : i32
      %run_scoped3A = arith.constant 3 : i32
      "tpu.region"() ({
        %run_scoped3A_247 = tpu.sem_alloc : memref<!tpu.dma_semaphore, #tpu.memory_space<semaphore_mem>>
        %dma_start3A = tpu.memref_slice %arg17[%mul3A_246] : memref<9216xi32, #tpu.memory_space<vmem>> -> memref<128xi32, #tpu.memory_space<vmem>>
        %dma_start3A_248 = arith.constant 0 : i32
        %dma_start3A_249 = arith.constant 0 : i32
        %dma_start3A_250 = tpu.memref_slice %arg2[%run_scoped3A, %dma_start3A_248, %dma_start3A_249] : memref<8x16385x64xf32, #tpu.memory_space<hbm>> -> memref<1x16385x64xf32, #tpu.memory_space<hbm>>
        %dma_start3A_251 = tpu.memref_squeeze %dma_start3A_250 : memref<1x16385x64xf32, #tpu.memory_space<hbm>> -> memref<16385x64xf32, #tpu.memory_space<hbm>>
        %dma_start3A_252 = arith.constant 0 : i32
        %dma_start3A_253 = arith.constant 0 : i32
        %dma_start3A_254 = tpu.memref_slice %dma_start3A_251[%dma_start3A_252, %dma_start3A_253] : memref<16385x64xf32, #tpu.memory_space<hbm>> -> memref<16385x64xf32, #tpu.memory_space<hbm>>
        tpu.enqueue_indirect_dma source(%dma_start3A_254 : memref<16385x64xf32, #tpu.memory_space<hbm>>) target(%arg20 : memref<128x64xf32, #tpu.memory_space<vmem>>) offsets(%dma_start3A : memref<128xi32, #tpu.memory_space<vmem>>) semaphore(%run_scoped3A_247 : memref<!tpu.dma_semaphore, #tpu.memory_space<semaphore_mem>>)
        %dma_wait3A = tpu.memref_slice %arg17[%mul3A_246] : memref<9216xi32, #tpu.memory_space<vmem>> -> memref<128xi32, #tpu.memory_space<vmem>>
        %dma_wait3A_255 = arith.constant 0 : i32
        %dma_wait3A_256 = arith.constant 0 : i32
        %dma_wait3A_257 = tpu.memref_slice %arg2[%run_scoped3A, %dma_wait3A_255, %dma_wait3A_256] : memref<8x16385x64xf32, #tpu.memory_space<hbm>> -> memref<1x16385x64xf32, #tpu.memory_space<hbm>>
        %dma_wait3A_258 = tpu.memref_squeeze %dma_wait3A_257 : memref<1x16385x64xf32, #tpu.memory_space<hbm>> -> memref<16385x64xf32, #tpu.memory_space<hbm>>
        %dma_wait3A_259 = arith.constant 0 : i32
        %dma_wait3A_260 = arith.constant 0 : i32
        %dma_wait3A_261 = tpu.memref_slice %dma_wait3A_258[%dma_wait3A_259, %dma_wait3A_260] : memref<16385x64xf32, #tpu.memory_space<hbm>> -> memref<16385x64xf32, #tpu.memory_space<hbm>>
        tpu.wait_indirect_dma semaphore(%run_scoped3A_247 : memref<!tpu.dma_semaphore, #tpu.memory_space<semaphore_mem>>) src(%dma_wait3A_261 : memref<16385x64xf32, #tpu.memory_space<hbm>>) dst(%arg20 : memref<128x64xf32, #tpu.memory_space<vmem>>)
        tpu.yield
      }) : () -> ()
      "tpu.region"() ({
        %run_scoped3A_247 = tpu.sem_alloc : memref<!tpu.dma_semaphore, #tpu.memory_space<semaphore_mem>>
        %dma_start3A = arith.constant 0 : i32
        %dma_start3A_248 = tpu.memref_slice %arg18[%scan3A_244, %dma_start3A] : memref<72x128xi32, #tpu.memory_space<vmem>> -> memref<1x128xi32, #tpu.memory_space<vmem>>
        %dma_start3A_249 = tpu.memref_squeeze %dma_start3A_248 : memref<1x128xi32, #tpu.memory_space<vmem>> -> memref<128xi32, #tpu.memory_space<vmem>>
        %dma_start3A_250 = arith.constant 0 : i32
        %dma_start3A_251 = arith.constant 0 : i32
        %dma_start3A_252 = tpu.memref_slice %arg11[%dma_start3A_250, %dma_start3A_251] : memref<16384x64xf32, #tpu.memory_space<vmem_shared>> -> memref<16384x64xf32, #tpu.memory_space<vmem_shared>>
        tpu.enqueue_indirect_dma source(%arg20 : memref<128x64xf32, #tpu.memory_space<vmem>>) target(%dma_start3A_252 : memref<16384x64xf32, #tpu.memory_space<vmem_shared>>) offsets(%dma_start3A_249 : memref<128xi32, #tpu.memory_space<vmem>>) semaphore(%run_scoped3A_247 : memref<!tpu.dma_semaphore, #tpu.memory_space<semaphore_mem>>) {add = true}
        %dma_wait3A = arith.constant 0 : i32
        %dma_wait3A_253 = tpu.memref_slice %arg18[%scan3A_244, %dma_wait3A] : memref<72x128xi32, #tpu.memory_space<vmem>> -> memref<1x128xi32, #tpu.memory_space<vmem>>
        %dma_wait3A_254 = tpu.memref_squeeze %dma_wait3A_253 : memref<1x128xi32, #tpu.memory_space<vmem>> -> memref<128xi32, #tpu.memory_space<vmem>>
        %dma_wait3A_255 = arith.constant 0 : i32
        %dma_wait3A_256 = arith.constant 0 : i32
        %dma_wait3A_257 = tpu.memref_slice %arg11[%dma_wait3A_255, %dma_wait3A_256] : memref<16384x64xf32, #tpu.memory_space<vmem_shared>> -> memref<16384x64xf32, #tpu.memory_space<vmem_shared>>
        tpu.wait_indirect_dma semaphore(%run_scoped3A_247 : memref<!tpu.dma_semaphore, #tpu.memory_space<semaphore_mem>>) src(%arg20 : memref<128x64xf32, #tpu.memory_space<vmem>>) dst(%dma_wait3A_257 : memref<16384x64xf32, #tpu.memory_space<vmem_shared>>)
        tpu.yield
      }) : () -> ()
    }
    %scan3A_230 = arith.constant 36 : i32
    %scan3A_231 = arith.constant 0 : i32
    %scan3A_232 = arith.constant 36 : i32
    %scan3A_233 = arith.constant 36 : i32
    %scan3A_234 = arith.addi %scan3A_232, %scan3A_233 : i32
    %scan3A_235 = arith.constant 1 : i32
    scf.for %scan3A_244 = %scan3A_232 to %scan3A_234 step %scan3A_235  : i32 {
      %mul3A_245 = arith.constant 128 : i32
      %mul3A_246 = arith.muli %scan3A_244, %mul3A_245 : i32
      %run_scoped3A = arith.constant 7 : i32
      "tpu.region"() ({
        %run_scoped3A_247 = tpu.sem_alloc : memref<!tpu.dma_semaphore, #tpu.memory_space<semaphore_mem>>
        %dma_start3A = tpu.memref_slice %arg17[%mul3A_246] : memref<9216xi32, #tpu.memory_space<vmem>> -> memref<128xi32, #tpu.memory_space<vmem>>
        %dma_start3A_248 = arith.constant 0 : i32
        %dma_start3A_249 = arith.constant 0 : i32
        %dma_start3A_250 = tpu.memref_slice %arg2[%run_scoped3A, %dma_start3A_248, %dma_start3A_249] : memref<8x16385x64xf32, #tpu.memory_space<hbm>> -> memref<1x16385x64xf32, #tpu.memory_space<hbm>>
        %dma_start3A_251 = tpu.memref_squeeze %dma_start3A_250 : memref<1x16385x64xf32, #tpu.memory_space<hbm>> -> memref<16385x64xf32, #tpu.memory_space<hbm>>
        %dma_start3A_252 = arith.constant 0 : i32
        %dma_start3A_253 = arith.constant 0 : i32
        %dma_start3A_254 = tpu.memref_slice %dma_start3A_251[%dma_start3A_252, %dma_start3A_253] : memref<16385x64xf32, #tpu.memory_space<hbm>> -> memref<16385x64xf32, #tpu.memory_space<hbm>>
        tpu.enqueue_indirect_dma source(%dma_start3A_254 : memref<16385x64xf32, #tpu.memory_space<hbm>>) target(%arg20 : memref<128x64xf32, #tpu.memory_space<vmem>>) offsets(%dma_start3A : memref<128xi32, #tpu.memory_space<vmem>>) semaphore(%run_scoped3A_247 : memref<!tpu.dma_semaphore, #tpu.memory_space<semaphore_mem>>)
        %dma_wait3A = tpu.memref_slice %arg17[%mul3A_246] : memref<9216xi32, #tpu.memory_space<vmem>> -> memref<128xi32, #tpu.memory_space<vmem>>
        %dma_wait3A_255 = arith.constant 0 : i32
        %dma_wait3A_256 = arith.constant 0 : i32
        %dma_wait3A_257 = tpu.memref_slice %arg2[%run_scoped3A, %dma_wait3A_255, %dma_wait3A_256] : memref<8x16385x64xf32, #tpu.memory_space<hbm>> -> memref<1x16385x64xf32, #tpu.memory_space<hbm>>
        %dma_wait3A_258 = tpu.memref_squeeze %dma_wait3A_257 : memref<1x16385x64xf32, #tpu.memory_space<hbm>> -> memref<16385x64xf32, #tpu.memory_space<hbm>>
        %dma_wait3A_259 = arith.constant 0 : i32
        %dma_wait3A_260 = arith.constant 0 : i32
        %dma_wait3A_261 = tpu.memref_slice %dma_wait3A_258[%dma_wait3A_259, %dma_wait3A_260] : memref<16385x64xf32, #tpu.memory_space<hbm>> -> memref<16385x64xf32, #tpu.memory_space<hbm>>
        tpu.wait_indirect_dma semaphore(%run_scoped3A_247 : memref<!tpu.dma_semaphore, #tpu.memory_space<semaphore_mem>>) src(%dma_wait3A_261 : memref<16385x64xf32, #tpu.memory_space<hbm>>) dst(%arg20 : memref<128x64xf32, #tpu.memory_space<vmem>>)
        tpu.yield
      }) : () -> ()
      "tpu.region"() ({
        %run_scoped3A_247 = tpu.sem_alloc : memref<!tpu.dma_semaphore, #tpu.memory_space<semaphore_mem>>
        %dma_start3A = arith.constant 0 : i32
        %dma_start3A_248 = tpu.memref_slice %arg18[%scan3A_244, %dma_start3A] : memref<72x128xi32, #tpu.memory_space<vmem>> -> memref<1x128xi32, #tpu.memory_space<vmem>>
        %dma_start3A_249 = tpu.memref_squeeze %dma_start3A_248 : memref<1x128xi32, #tpu.memory_space<vmem>> -> memref<128xi32, #tpu.memory_space<vmem>>
        %dma_start3A_250 = arith.constant 0 : i32
        %dma_start3A_251 = arith.constant 0 : i32
        %dma_start3A_252 = tpu.memref_slice %arg11[%dma_start3A_250, %dma_start3A_251] : memref<16384x64xf32, #tpu.memory_space<vmem_shared>> -> memref<16384x64xf32, #tpu.memory_space<vmem_shared>>
        tpu.enqueue_indirect_dma source(%arg20 : memref<128x64xf32, #tpu.memory_space<vmem>>) target(%dma_start3A_252 : memref<16384x64xf32, #tpu.memory_space<vmem_shared>>) offsets(%dma_start3A_249 : memref<128xi32, #tpu.memory_space<vmem>>) semaphore(%run_scoped3A_247 : memref<!tpu.dma_semaphore, #tpu.memory_space<semaphore_mem>>) {add = true}
        %dma_wait3A = arith.constant 0 : i32
        %dma_wait3A_253 = tpu.memref_slice %arg18[%scan3A_244, %dma_wait3A] : memref<72x128xi32, #tpu.memory_space<vmem>> -> memref<1x128xi32, #tpu.memory_space<vmem>>
        %dma_wait3A_254 = tpu.memref_squeeze %dma_wait3A_253 : memref<1x128xi32, #tpu.memory_space<vmem>> -> memref<128xi32, #tpu.memory_space<vmem>>
        %dma_wait3A_255 = arith.constant 0 : i32
        %dma_wait3A_256 = arith.constant 0 : i32
        %dma_wait3A_257 = tpu.memref_slice %arg11[%dma_wait3A_255, %dma_wait3A_256] : memref<16384x64xf32, #tpu.memory_space<vmem_shared>> -> memref<16384x64xf32, #tpu.memory_space<vmem_shared>>
        tpu.wait_indirect_dma semaphore(%run_scoped3A_247 : memref<!tpu.dma_semaphore, #tpu.memory_space<semaphore_mem>>) src(%arg20 : memref<128x64xf32, #tpu.memory_space<vmem>>) dst(%dma_wait3A_257 : memref<16384x64xf32, #tpu.memory_space<vmem_shared>>)
        tpu.yield
      }) : () -> ()
    }
    %scan3A_236 = arith.constant 36 : i32
    %barrier3A_237 = arith.constant 0 : index
    tpu.barrier barrier_id(%barrier3A_237)
    %scan3A_238 = arith.constant 0 : i32
    %scan3A_239 = arith.constant 0 : i32
    %scan3A_240 = arith.constant 8 : i32
    %scan3A_241 = arith.addi %scan3A_239, %scan3A_240 : i32
    %scan3A_242 = arith.constant 1 : i32
    scf.for %scan3A_244 = %scan3A_239 to %scan3A_241 step %scan3A_242  : i32 {
      %mul3A_245 = arith.constant 1024 : i32
      %mul3A_246 = arith.muli %arg1, %mul3A_245 : i32
      %mul3A_247 = arith.constant 128 : i32
      %mul3A_248 = arith.muli %scan3A_244, %mul3A_247 : i32
      %add3A_249 = arith.addi %mul3A_246, %mul3A_248 : i32
      "tpu.region"() ({
        %run_scoped3A_250 = tpu.sem_alloc : memref<!tpu.dma_semaphore, #tpu.memory_space<semaphore_mem>>
        %dma_start3A = arith.constant 0 : i32
        %dma_start3A_251 = tpu.memref_slice %arg11[%add3A_249, %dma_start3A] : memref<16384x64xf32, #tpu.memory_space<vmem_shared>> -> memref<128x64xf32, #tpu.memory_space<vmem_shared>>
        %dma_start3A_252 = arith.constant 0 : i32
        %dma_start3A_253 = tpu.memref_slice %arg11[%add3A_249, %dma_start3A_252] : memref<16384x64xf32, #tpu.memory_space<vmem_shared>> -> memref<128x64xf32, #tpu.memory_space<vmem_shared>>
        tpu.enqueue_dma source(%dma_start3A_253 : memref<128x64xf32, #tpu.memory_space<vmem_shared>>) target(%arg20 : memref<128x64xf32, #tpu.memory_space<vmem>>) target_semaphore(%run_scoped3A_250 : memref<!tpu.dma_semaphore, #tpu.memory_space<semaphore_mem>>)
        %dma_wait3A = arith.constant 0 : i32
        %dma_wait3A_254 = tpu.memref_slice %arg11[%add3A_249, %dma_wait3A] : memref<16384x64xf32, #tpu.memory_space<vmem_shared>> -> memref<128x64xf32, #tpu.memory_space<vmem_shared>>
        %dma_wait3A_255 = arith.constant 0 : i32
        %dma_wait3A_256 = tpu.memref_slice %arg11[%add3A_249, %dma_wait3A_255] : memref<16384x64xf32, #tpu.memory_space<vmem_shared>> -> memref<128x64xf32, #tpu.memory_space<vmem_shared>>
        tpu.wait_dma2 semaphore(%run_scoped3A_250 : memref<!tpu.dma_semaphore, #tpu.memory_space<semaphore_mem>>) src(%dma_wait3A_256 : memref<128x64xf32, #tpu.memory_space<vmem_shared>>) dst(%arg20 : memref<128x64xf32, #tpu.memory_space<vmem>>)
        tpu.yield
      }) : () -> ()
      %run_scoped3A = arith.constant 3 : i32
      "tpu.region"() ({
        %run_scoped3A_250 = tpu.sem_alloc : memref<!tpu.dma_semaphore, #tpu.memory_space<semaphore_mem>>
        %dma_start3A = arith.constant 0 : i32
        %dma_start3A_251 = tpu.memref_slice %arg9[%run_scoped3A, %arg0, %add3A_249, %dma_start3A] : memref<4x2x16384x64xf32, #tpu.memory_space<hbm>> -> memref<1x1x128x64xf32, #tpu.memory_space<hbm>>
        %dma_start3A_252 = tpu.memref_squeeze %dma_start3A_251 : memref<1x1x128x64xf32, #tpu.memory_space<hbm>> -> memref<128x64xf32, #tpu.memory_space<hbm>>
        %dma_start3A_253 = arith.constant 0 : i32
        %dma_start3A_254 = tpu.memref_slice %arg9[%run_scoped3A, %arg0, %add3A_249, %dma_start3A_253] : memref<4x2x16384x64xf32, #tpu.memory_space<hbm>> -> memref<1x1x128x64xf32, #tpu.memory_space<hbm>>
        %dma_start3A_255 = tpu.memref_squeeze %dma_start3A_254 : memref<1x1x128x64xf32, #tpu.memory_space<hbm>> -> memref<128x64xf32, #tpu.memory_space<hbm>>
        tpu.enqueue_dma source(%arg20 : memref<128x64xf32, #tpu.memory_space<vmem>>) target(%dma_start3A_255 : memref<128x64xf32, #tpu.memory_space<hbm>>) target_semaphore(%run_scoped3A_250 : memref<!tpu.dma_semaphore, #tpu.memory_space<semaphore_mem>>)
        %dma_wait3A = arith.constant 0 : i32
        %dma_wait3A_256 = tpu.memref_slice %arg9[%run_scoped3A, %arg0, %add3A_249, %dma_wait3A] : memref<4x2x16384x64xf32, #tpu.memory_space<hbm>> -> memref<1x1x128x64xf32, #tpu.memory_space<hbm>>
        %dma_wait3A_257 = tpu.memref_squeeze %dma_wait3A_256 : memref<1x1x128x64xf32, #tpu.memory_space<hbm>> -> memref<128x64xf32, #tpu.memory_space<hbm>>
        %dma_wait3A_258 = arith.constant 0 : i32
        %dma_wait3A_259 = tpu.memref_slice %arg9[%run_scoped3A, %arg0, %add3A_249, %dma_wait3A_258] : memref<4x2x16384x64xf32, #tpu.memory_space<hbm>> -> memref<1x1x128x64xf32, #tpu.memory_space<hbm>>
        %dma_wait3A_260 = tpu.memref_squeeze %dma_wait3A_259 : memref<1x1x128x64xf32, #tpu.memory_space<hbm>> -> memref<128x64xf32, #tpu.memory_space<hbm>>
        tpu.wait_dma2 semaphore(%run_scoped3A_250 : memref<!tpu.dma_semaphore, #tpu.memory_space<semaphore_mem>>) src(%arg20 : memref<128x64xf32, #tpu.memory_space<vmem>>) dst(%dma_wait3A_260 : memref<128x64xf32, #tpu.memory_space<hbm>>)
        tpu.yield
      }) : () -> ()
    }
    %scan3A_243 = arith.constant 8 : i32
    return
  }
}

module attributes {stable_mosaic.version = 14 : i64} {
  func.func @_merge_body(%arg0: i32, %arg1: memref<4x2x1024x64xf32, #tpu.memory_space<vmem>>, %arg2: memref<2x1024x16xf32, #tpu.memory_space<vmem>>, %arg3: memref<256x1024xf32, #tpu.memory_space<vmem>>) attributes {dimension_semantics = [#tpu.dimension_semantics<arbitrary>], iteration_bounds = array<i64: 16>, scalar_prefetch = 0 : i64, scratch_operands = 0 : i64, tpu.core_type = #tpu.core_type<tc>, window_params = [{transform_indices = @transform_0, window_bounds = array<i64: 4, 2, 1024, 64>}, {transform_indices = @transform_1, window_bounds = array<i64: 2, 1024, 16>}, {transform_indices = @transform_2, window_bounds = array<i64: 256, 1024>}]} {
    %get3A = arith.constant 0 : index
    %get3A_0 = arith.constant 0 : index
    %get3A_1 = arith.constant 0 : index
    %get3A_2 = vector.load %arg2[%get3A, %get3A_0, %get3A_1] : memref<2x1024x16xf32, #tpu.memory_space<vmem>>, vector<1x1024x1xf32>
    %get3A_3 = vector.shape_cast %get3A_2 : vector<1x1024x1xf32> to vector<1024xf32>
    %get3A_4 = arith.constant 1 : index
    %get3A_5 = arith.constant 0 : index
    %get3A_6 = arith.constant 0 : index
    %get3A_7 = vector.load %arg2[%get3A_4, %get3A_5, %get3A_6] : memref<2x1024x16xf32, #tpu.memory_space<vmem>>, vector<1x1024x1xf32>
    %get3A_8 = vector.shape_cast %get3A_7 : vector<1x1024x1xf32> to vector<1024xf32>
    %add3A = arith.addf %get3A_3, %get3A_8 : vector<1024xf32>
    %eq3A = arith.constant 0.000000e+00 : f32
    %eq3A_9 = vector.broadcast %eq3A : f32 to vector<1024xf32>
    %eq3A_10 = arith.cmpf oeq, %add3A, %eq3A_9 : vector<1024xf32>
    %jit3A = arith.constant 1.000000e+00 : f32
    %broadcast_in_dim3A = vector.broadcast %jit3A : f32 to vector<1024xf32>
    %select_n3A = arith.select %eq3A_10, %broadcast_in_dim3A, %add3A : vector<1024xi1>, vector<1024xf32>
    %div3A = arith.constant 1.000000e+00 : f32
    %div3A_11 = vector.broadcast %div3A : f32 to vector<1024xf32>
    %div3A_12 = arith.divf %div3A_11, %select_n3A : vector<1024xf32>
    %broadcast_in_dim3A_13 = vector.shape_cast %div3A_12 : vector<1024xf32> to vector<1x1024xf32>
    %get3A_14 = arith.constant 0 : index
    %get3A_15 = arith.constant 0 : index
    %get3A_16 = arith.constant 0 : index
    %get3A_17 = arith.constant 0 : index
    %get3A_18 = vector.load %arg1[%get3A_14, %get3A_15, %get3A_16, %get3A_17] : memref<4x2x1024x64xf32, #tpu.memory_space<vmem>>, vector<1x1x1024x64xf32>
    %get3A_19 = vector.shape_cast %get3A_18 : vector<1x1x1024x64xf32> to vector<1024x64xf32>
    %get3A_20 = arith.constant 0 : index
    %get3A_21 = arith.constant 1 : index
    %get3A_22 = arith.constant 0 : index
    %get3A_23 = arith.constant 0 : index
    %get3A_24 = vector.load %arg1[%get3A_20, %get3A_21, %get3A_22, %get3A_23] : memref<4x2x1024x64xf32, #tpu.memory_space<vmem>>, vector<1x1x1024x64xf32>
    %get3A_25 = vector.shape_cast %get3A_24 : vector<1x1x1024x64xf32> to vector<1024x64xf32>
    %add3A_26 = arith.addf %get3A_19, %get3A_25 : vector<1024x64xf32>
    %transpose3A = tpu.transpose %add3A_26, [1, 0] : vector<1024x64xf32> -> vector<64x1024xf32>
    %mul3A = vector.broadcast %broadcast_in_dim3A_13 : vector<1x1024xf32> to vector<64x1024xf32>
    %mul3A_27 = arith.mulf %transpose3A, %mul3A : vector<64x1024xf32>
    %swap3A = arith.constant 0 : index
    %swap3A_28 = arith.constant 0 : index
    %swap3A_29 = vector.load %arg3[%swap3A, %swap3A_28] : memref<256x1024xf32, #tpu.memory_space<vmem>>, vector<64x1024xf32>
    tpu.vector_store %arg3[%swap3A, %swap3A_28], %mul3A_27 {strides = array<i32>} : memref<256x1024xf32, #tpu.memory_space<vmem>>, vector<64x1024xf32>,
    %get3A_30 = arith.constant 1 : index
    %get3A_31 = arith.constant 0 : index
    %get3A_32 = arith.constant 0 : index
    %get3A_33 = arith.constant 0 : index
    %get3A_34 = vector.load %arg1[%get3A_30, %get3A_31, %get3A_32, %get3A_33] : memref<4x2x1024x64xf32, #tpu.memory_space<vmem>>, vector<1x1x1024x64xf32>
    %get3A_35 = vector.shape_cast %get3A_34 : vector<1x1x1024x64xf32> to vector<1024x64xf32>
    %get3A_36 = arith.constant 1 : index
    %get3A_37 = arith.constant 1 : index
    %get3A_38 = arith.constant 0 : index
    %get3A_39 = arith.constant 0 : index
    %get3A_40 = vector.load %arg1[%get3A_36, %get3A_37, %get3A_38, %get3A_39] : memref<4x2x1024x64xf32, #tpu.memory_space<vmem>>, vector<1x1x1024x64xf32>
    %get3A_41 = vector.shape_cast %get3A_40 : vector<1x1x1024x64xf32> to vector<1024x64xf32>
    %add3A_42 = arith.addf %get3A_35, %get3A_41 : vector<1024x64xf32>
    %transpose3A_43 = tpu.transpose %add3A_42, [1, 0] : vector<1024x64xf32> -> vector<64x1024xf32>
    %mul3A_44 = vector.broadcast %broadcast_in_dim3A_13 : vector<1x1024xf32> to vector<64x1024xf32>
    %mul3A_45 = arith.mulf %transpose3A_43, %mul3A_44 : vector<64x1024xf32>
    %swap3A_46 = arith.constant 64 : index
    %swap3A_47 = arith.constant 0 : index
    %swap3A_48 = vector.load %arg3[%swap3A_46, %swap3A_47] : memref<256x1024xf32, #tpu.memory_space<vmem>>, vector<64x1024xf32>
    tpu.vector_store %arg3[%swap3A_46, %swap3A_47], %mul3A_45 {strides = array<i32>} : memref<256x1024xf32, #tpu.memory_space<vmem>>, vector<64x1024xf32>,
    %get3A_49 = arith.constant 2 : index
    %get3A_50 = arith.constant 0 : index
    %get3A_51 = arith.constant 0 : index
    %get3A_52 = arith.constant 0 : index
    %get3A_53 = vector.load %arg1[%get3A_49, %get3A_50, %get3A_51, %get3A_52] : memref<4x2x1024x64xf32, #tpu.memory_space<vmem>>, vector<1x1x1024x64xf32>
    %get3A_54 = vector.shape_cast %get3A_53 : vector<1x1x1024x64xf32> to vector<1024x64xf32>
    %get3A_55 = arith.constant 2 : index
    %get3A_56 = arith.constant 1 : index
    %get3A_57 = arith.constant 0 : index
    %get3A_58 = arith.constant 0 : index
    %get3A_59 = vector.load %arg1[%get3A_55, %get3A_56, %get3A_57, %get3A_58] : memref<4x2x1024x64xf32, #tpu.memory_space<vmem>>, vector<1x1x1024x64xf32>
    %get3A_60 = vector.shape_cast %get3A_59 : vector<1x1x1024x64xf32> to vector<1024x64xf32>
    %add3A_61 = arith.addf %get3A_54, %get3A_60 : vector<1024x64xf32>
    %transpose3A_62 = tpu.transpose %add3A_61, [1, 0] : vector<1024x64xf32> -> vector<64x1024xf32>
    %mul3A_63 = vector.broadcast %broadcast_in_dim3A_13 : vector<1x1024xf32> to vector<64x1024xf32>
    %mul3A_64 = arith.mulf %transpose3A_62, %mul3A_63 : vector<64x1024xf32>
    %swap3A_65 = arith.constant 128 : index
    %swap3A_66 = arith.constant 0 : index
    %swap3A_67 = vector.load %arg3[%swap3A_65, %swap3A_66] : memref<256x1024xf32, #tpu.memory_space<vmem>>, vector<64x1024xf32>
    tpu.vector_store %arg3[%swap3A_65, %swap3A_66], %mul3A_64 {strides = array<i32>} : memref<256x1024xf32, #tpu.memory_space<vmem>>, vector<64x1024xf32>,
    %get3A_68 = arith.constant 3 : index
    %get3A_69 = arith.constant 0 : index
    %get3A_70 = arith.constant 0 : index
    %get3A_71 = arith.constant 0 : index
    %get3A_72 = vector.load %arg1[%get3A_68, %get3A_69, %get3A_70, %get3A_71] : memref<4x2x1024x64xf32, #tpu.memory_space<vmem>>, vector<1x1x1024x64xf32>
    %get3A_73 = vector.shape_cast %get3A_72 : vector<1x1x1024x64xf32> to vector<1024x64xf32>
    %get3A_74 = arith.constant 3 : index
    %get3A_75 = arith.constant 1 : index
    %get3A_76 = arith.constant 0 : index
    %get3A_77 = arith.constant 0 : index
    %get3A_78 = vector.load %arg1[%get3A_74, %get3A_75, %get3A_76, %get3A_77] : memref<4x2x1024x64xf32, #tpu.memory_space<vmem>>, vector<1x1x1024x64xf32>
    %get3A_79 = vector.shape_cast %get3A_78 : vector<1x1x1024x64xf32> to vector<1024x64xf32>
    %add3A_80 = arith.addf %get3A_73, %get3A_79 : vector<1024x64xf32>
    %transpose3A_81 = tpu.transpose %add3A_80, [1, 0] : vector<1024x64xf32> -> vector<64x1024xf32>
    %mul3A_82 = vector.broadcast %broadcast_in_dim3A_13 : vector<1x1024xf32> to vector<64x1024xf32>
    %mul3A_83 = arith.mulf %transpose3A_81, %mul3A_82 : vector<64x1024xf32>
    %swap3A_84 = arith.constant 192 : index
    %swap3A_85 = arith.constant 0 : index
    %swap3A_86 = vector.load %arg3[%swap3A_84, %swap3A_85] : memref<256x1024xf32, #tpu.memory_space<vmem>>, vector<64x1024xf32>
    tpu.vector_store %arg3[%swap3A_84, %swap3A_85], %mul3A_83 {strides = array<i32>} : memref<256x1024xf32, #tpu.memory_space<vmem>>, vector<64x1024xf32>,
    return
  }
  func.func @transform_0(%arg0: i32) -> (i32, i32, i32, i32) {
    %c0_i32 = arith.constant 0 : i32
    %c0_i32_0 = arith.constant 0 : i32
    %c0_i32_1 = arith.constant 0 : i32
    %c0_i32_2 = arith.constant 0 : i32
    return %c0_i32, %c0_i32_0, %arg0, %c0_i32_1 : i32, i32, i32, i32
  }
  func.func @transform_1(%arg0: i32) -> (i32, i32, i32) {
    %c0_i32 = arith.constant 0 : i32
    %c0_i32_0 = arith.constant 0 : i32
    %c0_i32_1 = arith.constant 0 : i32
    return %c0_i32, %arg0, %c0_i32_0 : i32, i32, i32
  }
  func.func @transform_2(%arg0: i32) -> (i32, i32) {
    %c0_i32 = arith.constant 0 : i32
    %c0_i32_0 = arith.constant 0 : i32
    return %c0_i32, %arg0 : i32, i32
  }
}

</mosaic_0001>

<sc_bundles>
// kernel: kernel.4.cloned.1.call-start
scs
__scs_entry_jumppad:
0x0: {  	(pc) =	sbr.rel $0x88, $3  }
0x1: {  	(tag) =	ssettag $0x0;
	lr =	simm.s32 $0x1  }
0x2: {  	[smem:$0x3F9D] =	sst lr;
	_ =	strace $0xD0000000  }
0x3: {  	_ = 	snop  }
0x4: {  	_ = 	snop  }
0x5: {  	_ = 	snop  }
0x6: {  	_ = 	snop  }
0x7: {  	_ = 	snop  }
__scs_overlays_trampoline_lowered:
0x8: {  	[smem:$0x3FAC] =	sst s0  }
0x9: {  	[smem:$0x3FAD] =	sst s1  }
0xa: {  	[smem:$0x3FAE] =	sst s2  }
0xb: {  	[smem:$0x3FAF] =	sst s3  }
0xc: {  	[smem:$0x3FB0] =	sst s4  }
0xd: {  	[smem:$0x3FB1] =	sst s5  }
0xe: {  	[smem:$0x3FB2] =	sst s6  }
0xf: {  	[smem:$0x3FB3] =	sst s7  }
0x10: {  	[smem:$0x3FB4] =	sst s8  }
0x11: {  	[smem:$0x3FB5] =	sst s9;
	s0 =	simm.s32 @!p0 $0x0  }
0x12: {  	s1 =	sld [smem:$0x3F9B];
	s0 =	simm.s32 @p0 $0x1  }
0x13: {  	[smem:$0x3FB6] =	sst s0;
	s0 =	simm.s32 @!p1 $0x0  }
0x14: {  	s2 =	sld [smem:$0x3F9A];
	s0 =	simm.s32 @p1 $0x1  }
0x15: {  	[smem:$0x3FB7] =	sst s0;
	s0 =	simm.s32 @!p2 $0x0  }
0x16: {  	s3 =	sld [smem:$0x3FDB];
	s0 =	simm.s32 @p2 $0x1  }
0x17: {  	s4 =	simm.s32 $0x1BF5;
	[smem:$0x3FB9] =	sst s0  }
0x18: {  	s0 =	sld [smem:$0x3F9C];
	_ =	swait.ge [sflag:s4], $0x0  }
0x19: {  	s7 =	sld [smem:$0x3F9D]  }
0x1a: {  	s8 =	sadd.s32 $0xFFFFE003, lr  }
0x1b: {  	s9 =	sadd.s32 $0xFFFFFEF7, lr;
	s5 =	simm.s32 $0xFFFFFFFF;
	p2 =	slt.u32 s8, $0xFFFFF086  }
0x1c: {  	p1 =	slt.u32 s9, $0xF7A;
	s5 =	simm.s32 @!p2 $0x0  }
0x1d: {  	s5 =	simm.s32 @p1 $0x1;
	p0 =	seq.s32 s7, s2  }
0x1e: {  	s7 =	smul.u32 @!p0 $0xF7A, s2;
	p2 =	seq.s32 @!p0 s5, $0x0  }
0x1f: {  	s9 =	smul.u32 $0xF7A, s1;
	s8 =	simm.s32 @!p0 $0x1BF5;
	p2 =	por !p2, p0  }
0x20: {  	[sflag:s8] =	ssyncset.s32 @!p0 $0xFFFFF086;
	s6 =	sadd.s32 @!p0 s3, s7;
	s7 =	simm.s32 @!p0 $0x108  }
0x21: {  	s3 =	sadd.s32 s3, s9;
	s6 =	sadd.s32 @!p0 $0x88, s6;
	s7 =	simm.s32 @p2 $0x1082  }
0x22: {  	[simem:s7], [sflag:s8] =	dma.local @!p0 [hbm:s6], $0xF7A  }
0x23: {  	s9 =	sor.u32 $0xD0000000, s2;
	s6 =	simm.s32 $0x108;
	_ =	swait.ge @!p0 [sflag:s8], $0x0  }
0x24: {  	s3 =	sadd.s32 $0x88, s3;
	s6 =	simm.s32 @!p1 $0x1082;
	[sflag:s4] =	ssyncset.s32 $0xFFFFF086  }
0x25: {  	[simem:s6], [sflag:s4] =	dma.local [hbm:s3], $0xF7A  }
0x26: {  	[smem:$0x3F9D] =	sst s1;
	(tag) =	ssettag s2;
	_ =	strace s9  }
0x27: {  	s1 =	sld [smem:$0x3FAD]  }
0x28: {  	s2 =	sld [smem:$0x3FAE]  }
0x29: {  	s4 =	sld [smem:$0x3FB0]  }
0x2a: {  	p0 =	seq.s32 s5, $0x0;
	s5 =	sld [smem:$0x3FB1]  }
0x2b: {  	s6 =	sld [smem:$0x3FB2]  }
0x2c: {  	s7 =	sld [smem:$0x3FB3]  }
0x2d: {  	s3 =	simm.s32 $0x108;
	s8 =	sld [smem:$0x3FB4]  }
0x2e: {  	s3 =	simm.s32 @!p0 $0x1082;
	s9 =	sld [smem:$0x3FB5]  }
0x2f: {  	lr =	sadd.s32 s0, s3;
	s0 =	sld [smem:$0x3FAC]  }
0x30: {  	s3 =	sld [smem:$0x3FAF]  }
0x31: {  	[smem:$0x3FB8] =	sst s10  }
0x32: {  	s10 =	sld [smem:$0x3FB6];
	_ =	sdelay $0x3  }
0x33: {  	p0 =	seq.s32 s10, $0x1;
	s10 =	sld [smem:$0x3FB8];
	_ =	sdelay $0x3  }
0x34: {  	[smem:$0x3FB8] =	sst s10  }
0x35: {  	s10 =	sld [smem:$0x3FB7];
	_ =	sdelay $0x3  }
0x36: {  	p1 =	seq.s32 s10, $0x1;
	s10 =	sld [smem:$0x3FB8];
	_ =	sdelay $0x3  }
0x37: {  	[smem:$0x3FB8] =	sst s10  }
0x38: {  	s10 =	sld [smem:$0x3FB9]  }
0x39: {  	_ = 	snop;
	(pc) =	sbr.ind lr, $3  }
0x3a: {  	_ = 	snop  }
0x3b: {  	_ = 	snop  }
0x3c: {  	p2 =	seq.s32 s10, $0x1;
	s10 =	sld [smem:$0x3FB8]  }
0x3d: {  	_ =	shalt  }
0x3e: {  	_ =	shalt  }
0x3f: {  	_ =	shalt  }
0x40: {  	_ =	shalt  }
0x41: {  	_ =	shalt  }
0x42: {  	_ =	shalt  }
0x43: {  	_ =	shalt  }
0x44: {  	_ =	shalt  }
0x45: {  	_ =	shalt  }
0x46: {  	_ =	shalt  }
0x47: {  	_ =	shalt  }
0x48: {  	_ =	shalt  }
0x49: {  	_ =	shalt  }
0x4a: {  	_ =	shalt  }
0x4b: {  	_ =	shalt  }
0x4c: {  	_ =	shalt  }
0x4d: {  	_ =	shalt  }
0x4e: {  	_ =	shalt  }
0x4f: {  	_ =	shalt  }
0x50: {  	_ =	shalt  }
0x51: {  	_ =	shalt  }
0x52: {  	_ =	shalt  }
0x53: {  	_ =	shalt  }
0x54: {  	_ =	shalt  }
0x55: {  	_ =	shalt  }
0x56: {  	_ =	shalt  }
0x57: {  	_ =	shalt  }
0x58: {  	_ =	shalt  }
0x59: {  	_ =	shalt  }
0x5a: {  	_ =	shalt  }
0x5b: {  	_ =	shalt  }
0x5c: {  	_ =	shalt  }
0x5d: {  	_ =	shalt  }
0x5e: {  	_ =	shalt  }
0x5f: {  	_ =	shalt  }
0x60: {  	_ =	shalt  }
0x61: {  	_ =	shalt  }
0x62: {  	_ =	shalt  }
0x63: {  	_ =	shalt  }
0x64: {  	_ =	shalt  }
0x65: {  	_ =	shalt  }
0x66: {  	_ =	shalt  }
0x67: {  	_ =	shalt  }
0x68: {  	_ =	shalt  }
0x69: {  	_ =	shalt  }
0x6a: {  	_ =	shalt  }
0x6b: {  	_ =	shalt  }
0x6c: {  	_ =	shalt  }
0x6d: {  	_ =	shalt  }
0x6e: {  	_ =	shalt  }
0x6f: {  	_ =	shalt  }
0x70: {  	_ =	shalt  }
0x71: {  	_ =	shalt  }
0x72: {  	_ =	shalt  }
0x73: {  	_ =	shalt  }
0x74: {  	_ =	shalt  }
0x75: {  	_ =	shalt  }
0x76: {  	_ =	shalt  }
0x77: {  	_ =	shalt  }
0x78: {  	_ =	shalt  }
0x79: {  	_ =	shalt  }
0x7a: {  	_ =	shalt  }
0x7b: {  	_ =	shalt  }
0x7c: {  	_ =	shalt  }
0x7d: {  	_ =	shalt  }
0x7e: {  	_ =	shalt  }
0x7f: {  	_ =	shalt  }
0x80: {  	_ =	shalt  }
0x81: {  	_ =	shalt  }
0x82: {  	_ =	shalt  }
0x83: {  	_ =	shalt  }
0x84: {  	_ =	shalt  }
0x85: {  	_ =	shalt  }
0x86: {  	_ =	shalt  }
0x87: {  	_ =	shalt  }
.Lfunc_end0:
.L_simem_size_0:
called_computation_lowered:
.L_overlay_start_0:
0x88: {  	s2 =	sld [smem:$0x3FD9]  }
0x89: {  	s3 =	sld [smem:$0x3FFE];
	_ =	sdelay $0x1  }
0x8a: {  	s1 =	srdreg.scid  }
0x8b: {  	s0 =	sand.u32 $0x1, s1  }
0x8c: {  	s14 =	sshll.u32 s0, $0xA;
	s2 =	sadd.s32 s3, s2  }
0x8d: {  	s2 =	sadd.s32 s2, s14  }
0x8e: {  	[smem:$0x3FC4] =	sst s2  }
0x8f: {  	_ = 	snop  }
0x90: {  	s2 =	sld [smem:$0x3FD0];
	_ =	sdelay $0x2  }
0x91: {  	s15 =	simm.s32 $0xA;
	s4 =	simm.s32 $0x10  }
0x92: {  	[smem:s4], [sflag:s15] =	dma.local [hbm:s2], $0x1  }
0x93: {  	_ =	swait.eq [sflag:s15], $0x1  }
0x94: {  	s16 =	sld [smem:$0x10];
	[sflag:s15] =	ssyncset.done $0x0  }
0x95: {  	s17 =	sld [smem:$0x11];
	[sflag:s15] =	ssyncadd.s32 $0xFFFFFFFF  }
0x96: {  	s18 =	sld [smem:$0x12];
	(tm) =	ssettm $0x1  }
0x97: {  	s5 =	sld [smem:$0x3FFB];
	_ =	sdelay $0x3  }
0x98: {  	_ =	strace s5  }
0x99: {  	s5 =	sld [smem:$0x3FFC];
	_ =	sdelay $0x3  }
0x9a: {  	_ =	strace s5  }
0x9b: {  	s5 =	sld [smem:$0x3FFD];
	_ =	sdelay $0x3  }
0x9c: {  	_ =	strace s5  }
0x9d: {  	_ =	strace $0x8FFFFFFF  }
0x9e: {  	s19 =	sld [smem:$0x3FDB];
	_ =	sdelay $0x1  }
0x9f: {  	s6 =	simm.s32 $_scs_section_size  }
0xa0: {  	s7 =	simm.s32 $_size__tile_overlayer_lowered;
	s8 =	simm.s32 $_tile_overlayer_lowered  }
0xa1: {  	s22 =	simm.s32 $0x1BFF;
	s21 =	sshll.u32 s8, $0x1;
	s5 =	sadd.s32 s6, s19  }
0xa2: {  	s9 =	simm.s32 $0x0;
	s20 =	sshll.u32 s7, $0x1;
	s7 =	sadd.s32 s21, s5  }
0xa3: {  	[timem:s9], [sflag:s22] =	dma.local [hbm:s7], s20  }
0xa4: {  	_ =	swait.ge [sflag:s22], s20  }
0xa5: {  	s6 =	ssub.s32 $0x0, s20;
	[sflag:s22] =	ssyncset.done $0x0  }
0xa6: {  	[sflag:s22] =	ssyncadd.s32 s6;
	_ =	sdelay $0x1  }
0xa7: {  	s23 =	simm.s32 $0x1B8B  }
0xa8: {  	_ =	swait.ge [sflag:s23], $0x1  }
0xa9: {  	[sflag:s23] =	ssyncset.done $0x0  }
0xaa: {  	s25 =	simm.s32 $0x1B8E;
	s24 =	sld [smem:$0x3FFE];
	[sflag:s23] =	ssyncadd.s32 $0xFFFFFFFF  }
0xab: {  	s26 =	simm.s32 $execute0_lowered;
	[smem:$0x3FD2] =	sst s25  }
0xac: {  	s7 =	sshll.u32 s26, $0x1;
	_ =	strace $0x80000046;
	[dreg:$0x1] =	wrdreg $0xFFFFFFFF  }
0xad: {  	s28 =	simm.s32 $_size_execute0_lowered;
	s5 =	sadd.s32 s5, s7;
	[dreg:$0x0] =	wrdreg $0x0  }
0xae: {  	s7 =	sshll.u32 s28, $0x1;
	[dreg:$0x2] =	wrdreg s5  }
0xaf: {  	[dreg:$0x3] =	wrdreg s7  }
0xb0: {  	[dreg:$0x4] =	wrdreg $0xC0  }
0xb1: {  	_ =	task [dreg:s9], $0x5FFFF  }
0xb2: {  	[dreg:$0x1] =	wrdreg $0xFFFFFFFF  }
0xb3: {  	[dreg:$0x0] =	wrdreg $0x60  }
0xb4: {  	[dreg:$0x2] =	wrdreg s24  }
0xb5: {  	[dreg:$0x3] =	wrdreg s16  }
0xb6: {  	[dreg:$0x4] =	wrdreg s17  }
0xb7: {  	[dreg:$0x5] =	wrdreg s18  }
0xb8: {  	[dreg:$0x6] =	wrdreg $0x0  }
0xb9: {  	[dreg:$0x7] =	wrdreg $0x100000  }
0xba: {  	[dreg:$0x8] =	wrdreg $0x9  }
0xbb: {  	_ =	task.clear_ibuf [dreg:s9], $0x9FFFF;
	_ =	strace $0x90000046  }
0xbc: {  	s29 =	simm.s32 $0x9;
	_ =	strace $0x80000048  }
0xbd: {  	_ =	swait.ge [sflag:s29], $0x1  }
0xbe: {  	[sflag:s29] =	ssyncadd.s32 $0xFFFFFFFF  }
0xbf: {  	_ =	strace $0x90000048  }
0xc0: {  	_ =	sfence  }
0xc1: {  	s30 =	sld [smem:$0x0];
	_ =	sdelay $0x2  }
0xc2: {  	s31 =	sshll.u32 s1, $0xD;
	s1 =	sshrl.u32 s1, $0x2  }
0xc3: {  	s3 =	sand.u32 $0x4000, s31;
	s1 =	sadd.s32 s1, s30  }
0xc4: {  	s0 =	sor.u32 s3, s0;
	s1 =	sshll.u32 s1, $0x11  }
0xc5: {  	s0 =	sor.u32 s1, s0  }
0xc6: {  	s0 =	sadd.s32 $0x8F2B, s0  }
0xc7: {  	[sflag:s0] =	ssyncadd.remote.s32 $0x1  }
0xc8: {  	_ =	sfence.sel $0xFFFF  }
0xc9: {  	[dreg:$0x0] =	wrdreg $0xFFFFFFFF;
	(pc) =	sbr.abs _section_cstart, $3  }
0xca: {  	[dreg:$0x1] =	wrdreg $0xFFFFFFFF  }
0xcb: {  	_ =	task.clear_ibuf [dreg:s9], $0x2FFFF;
	_ =	strace $0x9FFFFFFF  }
0xcc: {  	(tm) =	ssettm $0x7FFFFFFF  }
0xcd: {  	_ =	shalt  }
tec
execute0_lowered:
.L_overlay_start_1:
0x0: {  	(tag) =	ssettag $0x1  }
0x1: {  	s11 =	rddreg [dreg:$0x3]  }
0x2: {  	s0 =	srdreg.scid;
	s1 =	stileid.u32  }
0x3: {  	s31 =	simm.s32 $0x0;
	s3 =	sand.u32 $0x1, s0;
	s25 =	sshll.u32 s1, $0xA  }
0x4: {  	[smem:$0x7FF] =	sst s31;
	s5 =	sshll.u32 s1, $0x10;
	s0 =	sshll.u32 s1, $0xE  }
0x5: {  	s2 =	sshll.u32 s3, $0x9;
	s4 =	ssub.s32 $0x2, s3;
	s18 =	sshll.u32 s3, $0x14  }
0x6: {  	s16 =	sshll.u32 s3, $0x12;
	s3 =	sor.u32 $0x800, s0;
	s8 =	sor.u32 $0x2000, s5  }
0x7: {  	s10 =	sor.u32 $0x4000, s5;
	s28 =	sor.u32 $0xE000, s5;
	s2 =	sor.u32 s2, s25  }
0x8: {  	s26 =	sshrl.u32 s4, $0x1;
	s1 =	sor.u32 s18, s5;
	s6 =	sor.u32 s16, s0  }
0x9: {  	s7 =	sor.u32 s16, s3;
	s24 =	sor.u32 s18, s8;
	s6 =	sshrl.u32 s6, $0x3  }
0xa: {  	s25 =	sor.u32 s18, s10;
	s7 =	sshrl.u32 s7, $0x3;
	s6 =	sadd.s32 s11, s6  }
0xb: {  	s4 =	ssub.s32 s4, s26;
	s9 =	sadd.s32 s11, s7;
	[dreg:$0x7] =	wrdreg s6  }
0xc: {  	s15 =	sshrl.u32 s1, $0x3;
	s7 =	sor.u32 $0x1800, s0;
	[dreg:$0x8] =	wrdreg s9  }
0xd: {  	s6 =	sor.u32 $0x1000, s0;
	s13 =	sor.u32 s16, s7;
	s9 =	sor.u32 $0x2000, s0  }
0xe: {  	s12 =	sor.u32 s16, s6;
	s13 =	sshrl.u32 s13, $0x3;
	s14 =	sor.u32 s16, s9  }
0xf: {  	s12 =	sshrl.u32 s12, $0x3;
	s17 =	sadd.s32 s11, s13;
	s19 =	sshrl.u32 s14, $0x3  }
0x10: {  	s13 =	sor.u32 $0x3000, s0;
	s12 =	sadd.s32 s11, s12;
	[dreg:$0xa] =	wrdreg s17  }
0x11: {  	s14 =	sor.u32 $0x3800, s0;
	s20 =	sadd.s32 s11, s19;
	[dreg:$0x9] =	wrdreg s12  }
0x12: {  	s19 =	sor.u32 s16, s13;
	[dreg:$0xb] =	wrdreg s20;
	s12 =	sor.u32 $0x2800, s0  }
0x13: {  	s19 =	sshrl.u32 s19, $0x3;
	s17 =	sor.u32 s16, s12;
	s16 =	sor.u32 s16, s14  }
0x14: {  	s22 =	sadd.s32 s11, s19;
	s19 =	sor.u32 $0xA000, s5;
	s17 =	sshrl.u32 s17, $0x3  }
0x15: {  	[dreg:$0xd] =	wrdreg s22;
	s16 =	sshrl.u32 s16, $0x3;
	s22 =	sshrl.u32 s25, $0x3  }
0x16: {  	s20 =	sor.u32 s18, s19;
	s21 =	sadd.s32 s11, s17;
	s23 =	sadd.s32 s11, s16  }
0x17: {  	s16 =	sor.u32 $0x6000, s5;
	s17 =	sor.u32 $0x8000, s5;
	s11 =	rddreg [dreg:$0x0]  }
0x18: {  	s25 =	sshrl.u32 s20, $0x3;
	s20 =	sor.u32 $0xC000, s5;
	[dreg:$0xc] =	wrdreg s21  }
0x19: {  	[dreg:$0xe] =	wrdreg s23;
	s1 =	sor.u32 s18, s17;
	s29 =	sadd.s32 $0x101800, s11  }
0x1a: {  	s21 =	sshrl.u32 s24, $0x3;
	s24 =	sshrl.u32 s1, $0x3;
	s1 =	sadd.s32 s29, s15  }
0x1b: {  	s26 =	sor.u32 s18, s16;
	[dreg:$0xf] =	wrdreg s1;
	s1 =	sadd.s32 s29, s21  }
0x1c: {  	s23 =	sshrl.u32 s26, $0x3;
	[dreg:$0x10] =	wrdreg s1;
	s1 =	sadd.s32 s29, s22  }
0x1d: {  	s26 =	sor.u32 s18, s20;
	[dreg:$0x11] =	wrdreg s1;
	s1 =	sadd.s32 s29, s23  }
0x1e: {  	s18 =	sor.u32 s18, s28;
	[dreg:$0x12] =	wrdreg s1;
	s1 =	sadd.s32 s29, s24  }
0x1f: {  	s26 =	sshrl.u32 s26, $0x3;
	[dreg:$0x13] =	wrdreg s1;
	s1 =	sadd.s32 s29, s25  }
0x20: {  	s18 =	sshrl.u32 s18, $0x3;
	[dreg:$0x14] =	wrdreg s1;
	s1 =	sadd.s32 s29, s26  }
0x21: {  	s30 =	sadd.s32 $0x141800, s11;
	[dreg:$0x15] =	wrdreg s1;
	s1 =	sadd.s32 s29, s18  }
0x22: {  	[dreg:$0x16] =	wrdreg s1;
	s1 =	sadd.s32 s15, s30  }
0x23: {  	[dreg:$0x17] =	wrdreg s1;
	s1 =	sadd.s32 s21, s30  }
0x24: {  	[dreg:$0x18] =	wrdreg s1;
	s1 =	sadd.s32 s22, s30  }
0x25: {  	[dreg:$0x19] =	wrdreg s1;
	s1 =	sadd.s32 s23, s30  }
0x26: {  	[dreg:$0x1a] =	wrdreg s1;
	s1 =	sadd.s32 s24, s30  }
0x27: {  	[dreg:$0x1b] =	wrdreg s1;
	s1 =	sadd.s32 s25, s30  }
0x28: {  	[dreg:$0x1c] =	wrdreg s1;
	s1 =	sadd.s32 s26, s30  }
0x29: {  	s29 =	sadd.s32 $0x181800, s11;
	[dreg:$0x1d] =	wrdreg s1;
	s1 =	sadd.s32 s18, s30  }
0x2a: {  	s30 =	sadd.s32 $0x1C1800, s11;
	[dreg:$0x1e] =	wrdreg s1;
	s1 =	sadd.s32 s15, s29  }
0x2b: {  	s15 =	sadd.s32 s15, s30;
	[dreg:$0x1f] =	wrdreg s1  }
0x2c: {  	s1 =	sadd.s32 s21, s29;
	[smem:$0x7D2] =	sst s15  }
0x2d: {  	s21 =	sadd.s32 s21, s30;
	[smem:$0x7CB] =	sst s1  }
0x2e: {  	s15 =	sadd.s32 s22, s30;
	[smem:$0x7D3] =	sst s21  }
0x2f: {  	[smem:$0x7D4] =	sst s15  }
0x30: {  	s1 =	sadd.s32 s22, s29;
	s15 =	rddreg [dreg:$0x4]  }
0x31: {  	s21 =	sadd.s32 s23, s30;
	[smem:$0x7CC] =	sst s1  }
0x32: {  	[smem:$0x7D5] =	sst s21  }
0x33: {  	s22 =	sadd.s32 s24, s30;
	s21 =	rddreg [dreg:$0x1]  }
0x34: {  	s1 =	sadd.s32 s23, s29;
	[smem:$0x7D6] =	sst s22  }
0x35: {  	s23 =	sadd.s32 s25, s30;
	[smem:$0x7CD] =	sst s1  }
0x36: {  	[smem:$0x7D7] =	sst s23  }
0x37: {  	s1 =	sadd.s32 s24, s29;
	s24 =	rddreg [dreg:$0x2]  }
0x38: {  	[smem:$0x7CE] =	sst s1;
	s1 =	sadd.s32 s25, s29  }
0x39: {  	s25 =	sadd.s32 s26, s30;
	[smem:$0x7CF] =	sst s1  }
0x3a: {  	s1 =	sadd.s32 s26, s29;
	[smem:$0x7D8] =	sst s25  }
0x3b: {  	[smem:$0x7D0] =	sst s1;
	s1 =	sadd.s32 s18, s29  }
0x3c: {  	s26 =	sshrl.u32 s2, $0x3;
	s18 =	sadd.s32 s18, s30;
	[smem:$0x7D1] =	sst s1  }
0x3d: {  	s21 =	sadd.s32 s21, s26;
	[smem:$0x7D9] =	sst s18  }
0x3e: {  	s22 =	sadd.s32 s24, s26;
	[smem:$0x7DA] =	sst s21  }
0x3f: {  	s24 =	sadd.s32 s26, s11;
	[smem:$0x7DB] =	sst s22  }
0x40: {  	s18 =	rddreg [dreg:$0x5];
	s25 =	sadd.s32 $0x100A00, s24;
	s22 =	sadd.s32 $0x100200, s24  }
0x41: {  	_ =	strace $0x80000047;
	[smem:$0x7DC] =	sst s25  }
0x42: {  	s4 =	smax.u32 s4, $0x1;
	[smem:$0x7DD] =	sst s22  }
0x43: {  	s8 =	sadd.s32 s8, s15;
	[smem:$0x7DE] =	sst s4  }
0x44: {  	s23 =	sadd.s32 s10, s15;
	[smem:$0x7F9] =	sst s8  }
0x45: {  	s26 =	sshrl.u32 s5, $0x2;
	s25 =	sadd.s32 s20, s15;
	[smem:$0x7FA] =	sst s23  }
0x46: {  	s1 =	sadd.s32 s26, s18;
	s26 =	sadd.s32 s28, s15;
	[smem:$0x7DF] =	sst s25  }
0x47: {  	s22 =	sadd.s32 s5, s15;
	s0 =	sadd.s32 s0, s18;
	[smem:$0x7E0] =	sst s26  }
0x48: {  	s4 =	sadd.s32 s16, s15;
	s16 =	sadd.s32 s3, s18;
	[smem:$0x7E1] =	sst s0  }
0x49: {  	s5 =	sadd.s32 s17, s15;
	s17 =	sadd.s32 s6, s18;
	[smem:$0x7E2] =	sst s16  }
0x4a: {  	s24 =	sadd.s32 s19, s15;
	s19 =	sadd.s32 s7, s18;
	[smem:$0x7E3] =	sst s17  }
0x4b: {  	s20 =	sadd.s32 s9, s18;
	[smem:$0x7E4] =	sst s19  }
0x4c: {  	s21 =	sadd.s32 s12, s18;
	[smem:$0x7E5] =	sst s20  }
0x4d: {  	s9 =	smov.u32 s24;
	s24 =	sadd.s32 s13, s18;
	[smem:$0x7E6] =	sst s21  }
0x4e: {  	[smem:$0x7E7] =	sst s24  }
0x4f: {  	[smem:$0x7F7] =	sst s1  }
0x50: {  	[smem:$0x7FB] =	sst s4  }
0x51: {  	[smem:$0x7FC] =	sst s5  }
0x52: {  	s25 =	sadd.s32 s14, s18;
	[smem:$0x7FD] =	sst s9  }
0x53: {  	s26 =	sadd.s32 $0x101400, s11;
	[smem:$0x7E8] =	sst s25  }
0x54: {  	s3 =	sadd.s32 $0x2000, s22;
	[smem:$0x7E9] =	sst s26  }
0x55: {  	s29 =	simm.s32 $0x19080;
	s6 =	sadd.s32 $0x4000, s22;
	[smem:$0x7EA] =	sst s3  }
0x56: {  	s30 =	simm.s32 $0x0;
	s7 =	sadd.s32 $0x6000, s22;
	[smem:$0x7EB] =	sst s6  }
0x57: {  	s13 =	sadd.s32 $0x101200, s11;
	s10 =	sadd.s32 $0x8000, s22;
	[smem:$0x7EC] =	sst s7  }
0x58: {  	s28 =	simm.s32 $0x1D080;
	s12 =	sadd.s32 $0xA000, s22;
	[smem:$0x7ED] =	sst s10  }
0x59: {  	s14 =	sadd.s32 $0x80020, s11;
	[smem:$0x7EE] =	sst s12;
	s25 =	sadd.s32 $0xC000, s22  }
0x5a: {  	s16 =	sadd.s32 $0x20008, s11;
	s26 =	sadd.s32 $0xE000, s22;
	[smem:$0x7EF] =	sst s25  }
0x5b: {  	s17 =	sadd.s32 $0xA0028, s11;
	s3 =	sadd.s32 $0x800, s1;
	[smem:$0x7F0] =	sst s26  }
0x5c: {  	s19 =	sadd.s32 $0x40010, s11;
	s6 =	sadd.s32 $0x1000, s1;
	[smem:$0x7F1] =	sst s3  }
0x5d: {  	s20 =	sadd.s32 $0xC0030, s11;
	s7 =	sadd.s32 $0x1800, s1;
	[smem:$0x7F2] =	sst s6  }
0x5e: {  	s21 =	sadd.s32 $0x60018, s11;
	s10 =	sadd.s32 $0x2000, s1;
	[smem:$0x7F3] =	sst s7  }
0x5f: {  	s24 =	sadd.s32 $0xE0038, s11;
	s12 =	sadd.s32 $0x2800, s1;
	[smem:$0x7F4] =	sst s10  }
0x60: {  	v0 =	vlaneseq.u32;
	v1 =	vimm.f32 $0.0e+00;
	v7 =	vimm.s32 $0x0;
	[smem:$0x7F5] =	sst s12;
	s25 =	sadd.s32 $0x3000, s1;
	s26 =	sadd.s32 $0x3800, s1  }
0x61: {  	v8 =	vimm.s32 $0x2;
	v2 =	vadd.s32 $0xFFFFFF7F, v0;
	v3 =	vor.u32 $0xFFFFFF80, v0;
	s12 =	simm.s32 $0x1;
	s10 =	simm.s32 $0x1B080;
	[smem:$0x7F6] =	sst s25  }
0x62: {  	v4 =	vadd.s32 $0xFFFFFF81, v0;
	v5 =	vadd.s32 $0x7F, v0;
	v6 =	vadd.s32 $0x81, v0;
	[smem:$0x7F8] =	sst s26;
	s25 =	simm.s32 $0x80;
	s26 =	simm.s32 $0x19000  }
.LBB2_1:
0x63: {  	s0 =	sld [smem:$0x7DA];
	_ =	sdelay $0x1  }
0x64: {  	s1 =	simm.s32 $0x14000  }
0x65: {  	[tilespmem:s1], [sflag:$0x1] =	stream.linear.gather [hbm4b:s0+s31], $0x200, $0x38;
	[tilespmem:$0x1E080] =	vst v63  }
0x66: {  	_ =	swait.ge [sflag:s12], $0x200  }
0x67: {  	s4 =	sld [smem:$0x7DB]  }
0x68: {  	[sflag:s12] =	ssyncset.done $0x0  }
0x69: {  	s5 =	simm.s32 $0x14200;
	[sflag:s12] =	ssyncadd.s32 $0xFFFFFE00  }
0x6a: {  	[tilespmem:s5], [sflag:$0x1] =	stream.linear.gather [hbm4b:s4+s31], $0x200, $0x38;
	[tilespmem:$0x1E080] =	vst v63  }
0x6b: {  	_ =	swait.ge [sflag:s12], $0x200  }
0x6c: {  	s6 =	sld [smem:$0x7DC]  }
0x6d: {  	[sflag:s12] =	ssyncset.done $0x0  }
0x6e: {  	s7 =	simm.s32 $0x14400;
	[sflag:s12] =	ssyncadd.s32 $0xFFFFFE00  }
0x6f: {  	[tilespmem:s7], [sflag:$0x1] =	stream.linear.gather [hbm4b:s6+s31], $0x200, $0x38;
	[tilespmem:$0x1E080] =	vst v63  }
0x70: {  	_ =	swait.ge [sflag:s12], $0x200  }
0x71: {  	s8 =	sld [smem:$0x7DD]  }
0x72: {  	[sflag:s12] =	ssyncset.done $0x0  }
0x73: {  	s9 =	simm.s32 $0x14600;
	[sflag:s12] =	ssyncadd.s32 $0xFFFFFE00  }
0x74: {  	[tilespmem:s9], [sflag:$0x1] =	stream.linear.gather [hbm4b:s8+s31], $0x200, $0x38;
	[tilespmem:$0x1E080] =	vst v63  }
0x75: {  	_ =	swait.ge [sflag:s12], $0x200  }
0x76: {  	s23 =	sld [smem:$0x7E9]  }
0x77: {  	[sflag:s12] =	ssyncset.done $0x0  }
0x78: {  	[sflag:s12] =	ssyncadd.s32 $0xFFFFFE00  }
0x79: {  	[tilespmem:s10], [sflag:$0x1] =	stream.linear.gather [hbm4b:s23+s31], $0x2000, $0x38;
	[tilespmem:$0x1E080] =	vst v63  }
0x7a: {  	_ =	swait.ge [sflag:s12], $0x2000  }
0x7b: {  	[sflag:s12] =	ssyncset.done $0x0  }
0x7c: {  	s0 =	simm.s32 $0x0;
	[sflag:s12] =	ssyncadd.s32 $0xFFFFE000  }
.LBB2_2:
0x7d: {  	p0 =	sne.s32 s0, $0x1FC0  }
.Ltmp0:
0x7e: {  	_ = 	snop;
	(pc) =	sbr.rel @p0 .LBB2_2-.Ltmp0, $3  }
0x7f: {  	_ =	sdelay $0x1  }
0x80: {  	s3 =	sshra.s32 s0, $0x2  }
0x81: {  	s0 =	sadd.s32 $0x40, s0;
	[tilespmem:s3+$0x1D880] =	vst v1  }
0x82: {  	s4 =	simm.s32 $0x14200  }
0x83: {  	s5 =	simm.s32 $0x14000;
	v10 =	vld [tilespmem:s4+$0x0]  }
0x84: {  	v11 =	vld [tilespmem:s5+$0x0];
	_ =	sdelay $0x2  }
0x85: {  	s3 =	sadd.s32 $0x0, s2  }
0x86: {  	v12 =	vor.u32 s3, v0  }
0x87: {  	v9 =	vmov s3;
	v13 =	vadd.s32 $0xFFFFFFFF, v11;
	v14 =	vadd.s32 $0xFFFFFFFF, v10  }
0x88: {  	v12 =	vand.u32 $0x7F, v12;
	v15 =	vadd.s32 $0xFFFFFF80, v9;
	v13 =	vor.u32 v13, v14  }
0x89: {  	vm0 =	vlt.u32 v15, $0x4000;
	v11 =	vshll.u32 v11, $0x7;
	vm1 =	vlt.u32 v13, $0x80  }
0x8a: {  	vm2 =	vne.s32 v12, $0x0;
	v10 =	vadd.s32 v11, v10;
	vm1 =	vmand vm0, vm1  }
0x8b: {  	v10 =	vadd.s32 $0xFFFFFF7F, v10;
	vm1 =	vmand vm1, vm2  }
0x8c: {  	s0 =	simm.s32 $0x0;
	s31 =	simm.s32 $0x14800;
	v11 =	vadd.s32 s3, v2;
	v10 =	vnsel vm1, $0x4000, v10  }
0x8d: {  	s6 =	sand.u32 $0x1F0, s0;
	v11 =	vnsel vm1, $0x0, v11;
	[tilespmem:s31+$0x0] =	vst v10  }
0x8e: {  	s8 =	simm.s32 $0x14210;
	[tilespmem:s6+$0x16C00] =	vst v11  }
0x8f: {  	s9 =	simm.s32 $0x14010;
	v10 =	vld [tilespmem:s8+$0x0]  }
0x90: {  	v11 =	vld [tilespmem:s9+$0x0]  }
0x91: {  	s23 =	simm.s32 $0x20;
	s7 =	simm.s32 $0x10;
	s0 =	simm.s32 $0x10  }
.LBB2_4:
0x92: {  	p0 =	sne.s32 s23, $0x1F0  }
0x93: {  	s1 =	sadd.s32 s7, s2  }
0x94: {  	v12 =	vor.u32 s1, v0  }
0x95: {  	v13 =	vmov s1;
	v15 =	vadd.s32 $0xFFFFFFFF, v10;
	v14 =	vadd.s32 $0xFFFFFFFF, v11  }
0x96: {  	v12 =	vand.u32 $0x7F, v12;
	v13 =	vadd.s32 $0xFFFFFF80, v13;
	v14 =	vor.u32 v14, v15  }
0x97: {  	vm1 =	vlt.u32 v13, $0x4000;
	v11 =	vshll.u32 v11, $0x7;
	vm2 =	vlt.u32 v14, $0x80  }
0x98: {  	vm3 =	vne.s32 v12, $0x0;
	v10 =	vadd.s32 v11, v10;
	vm1 =	vmand vm1, vm2  }
0x99: {  	v11 =	vadd.s32 s1, v2;
	v10 =	vadd.s32 $0xFFFFFF7F, v10;
	vm1 =	vmand vm1, vm3  }
0x9a: {  	s31 =	sadd.s32 $0x10, s31;
	v11 =	vnsel vm1, $0x0, v11;
	v10 =	vnsel vm1, $0x4000, v10  }
.Ltmp1:
0x9b: {  	s1 =	sand.u32 $0x1F0, s7;
	s7 =	smov.u32 s23;
	[tilespmem:s31+$0x0] =	vst v10;
	(pc) =	sbr.rel @p0 .LBB2_4-.Ltmp1, $4  }
0x9c: {  	s8 =	sadd.s32 $0x10, s8;
	[tilespmem:s1+$0x16C00] =	vst v11  }
0x9d: {  	s9 =	sadd.s32 $0x10, s9;
	v10 =	vld [tilespmem:s8+$0x0]  }
0x9e: {  	v11 =	vld [tilespmem:s9+$0x0]  }
0x9f: {  	s23 =	sadd.s32 $0x10, s23  }
0xa0: {  	_ = 	snop  }
0xa1: {  	s1 =	sadd.s32 s7, s2  }
0xa2: {  	v12 =	vor.u32 s1, v0  }
0xa3: {  	v13 =	vmov s1;
	v15 =	vadd.s32 $0xFFFFFFFF, v10;
	v14 =	vadd.s32 $0xFFFFFFFF, v11  }
0xa4: {  	v12 =	vand.u32 $0x7F, v12;
	v13 =	vadd.s32 $0xFFFFFF80, v13;
	v14 =	vor.u32 v14, v15  }
0xa5: {  	vm1 =	vlt.u32 v13, $0x4000;
	v11 =	vshll.u32 v11, $0x7;
	vm2 =	vlt.u32 v14, $0x80  }
0xa6: {  	vm3 =	vne.s32 v12, $0x0;
	v10 =	vadd.s32 v11, v10;
	vm1 =	vmand vm1, vm2  }
0xa7: {  	v10 =	vadd.s32 $0xFFFFFF7F, v10;
	vm1 =	vmand vm1, vm3  }
0xa8: {  	s23 =	sadd.s32 $0x10, s31;
	v11 =	vadd.s32 s1, v2;
	v10 =	vnsel vm1, $0x4000, v10  }
0xa9: {  	s31 =	sand.u32 $0x1F0, s7;
	v11 =	vnsel vm1, $0x0, v11;
	[tilespmem:s23+$0x0] =	vst v10  }
0xaa: {  	[tilespmem:s31+$0x16C00] =	vst v11  }
0xab: {  	v10 =	vld [tilespmem:s5+$0x0]  }
0xac: {  	v11 =	vld [tilespmem:s4+$0x0];
	_ =	sdelay $0x3  }
0xad: {  	v63 =	vadd.s32 $0xFFFFFFFF, v10  }
0xae: {  	v10 =	vshll.u32 v10, $0x7;
	v12 =	vor.u32 v63, v11  }
0xaf: {  	v9 =	vand.u32 $0x3F80, v9;
	v10 =	vadd.s32 v11, v10;
	vm15 =	vlt.u32 v12, $0x80  }
0xb0: {  	v11 =	vor.u32 s3, v3;
	v10 =	vadd.s32 $0xFFFFFF80, v10;
	vm0 =	vmand vm0, vm15  }
0xb1: {  	s3 =	simm.s32 $0x14A00;
	v9 =	vadd.s32 v11, v9;
	v10 =	vnsel vm0, $0x4000, v10  }
0xb2: {  	v9 =	vnsel vm0, $0x0, v9;
	[tilespmem:s3+$0x0] =	vst v10  }
0xb3: {  	s4 =	simm.s32 $0x14010;
	[tilespmem:s6+$0x16E00] =	vst v9  }
0xb4: {  	s5 =	simm.s32 $0x14210;
	v10 =	vld [tilespmem:s4+$0x0]  }
0xb5: {  	s6 =	simm.s32 $0x20;
	v9 =	vld [tilespmem:s5+$0x0]  }
.LBB2_6:
0xb6: {  	p0 =	sne.s32 s6, $0x1F0  }
0xb7: {  	s1 =	sadd.s32 s0, s2  }
0xb8: {  	v11 =	vmov s1  }
0xb9: {  	v14 =	vor.u32 s1, v3;
	v13 =	vand.u32 $0x3F80, v11;
	v12 =	vadd.s32 $0xFFFFFFFF, v10  }
0xba: {  	v11 =	vadd.s32 $0xFFFFFF80, v11;
	v10 =	vshll.u32 v10, $0x7;
	v12 =	vor.u32 v12, v9  }
0xbb: {  	vm0 =	vlt.u32 v11, $0x4000;
	v9 =	vadd.s32 v9, v10;
	vm1 =	vlt.u32 v12, $0x80  }
0xbc: {  	v10 =	vadd.s32 v14, v13;
	v9 =	vadd.s32 $0xFFFFFF80, v9;
	vm0 =	vmand vm0, vm1  }
.Ltmp2:
0xbd: {  	s3 =	sadd.s32 $0x10, s3;
	v10 =	vnsel vm0, $0x0, v10;
	v9 =	vnsel vm0, $0x4000, v9;
	(pc) =	sbr.rel @p0 .LBB2_6-.Ltmp2, $4  }
0xbe: {  	s1 =	sand.u32 $0x1F0, s0;
	s0 =	smov.u32 s6;
	[tilespmem:s3+$0x0] =	vst v9  }
0xbf: {  	s4 =	sadd.s32 $0x10, s4;
	[tilespmem:s1+$0x16E00] =	vst v10  }
0xc0: {  	s5 =	sadd.s32 $0x10, s5;
	v10 =	vld [tilespmem:s4+$0x0]  }
0xc1: {  	s6 =	sadd.s32 $0x10, s6;
	v9 =	vld [tilespmem:s5+$0x0]  }
0xc2: {  	_ = 	snop  }
0xc3: {  	s1 =	sadd.s32 s0, s2  }
0xc4: {  	v11 =	vmov s1  }
0xc5: {  	v13 =	vand.u32 $0x3F80, v11;
	v12 =	vadd.s32 $0xFFFFFFFF, v10  }
0xc6: {  	v11 =	vadd.s32 $0xFFFFFF80, v11;
	v10 =	vshll.u32 v10, $0x7;
	v12 =	vor.u32 v12, v9  }
0xc7: {  	vm0 =	vlt.u32 v11, $0x4000;
	v9 =	vadd.s32 v9, v10;
	vm1 =	vlt.u32 v12, $0x80  }
0xc8: {  	v10 =	vor.u32 s1, v3;
	v9 =	vadd.s32 $0xFFFFFF80, v9;
	vm0 =	vmand vm0, vm1  }
0xc9: {  	s8 =	sadd.s32 $0x10, s3;
	v10 =	vadd.s32 v10, v13;
	v9 =	vnsel vm0, $0x4000, v9  }
0xca: {  	s9 =	sand.u32 $0x1F0, s0;
	v10 =	vnsel vm0, $0x0, v10;
	[tilespmem:s8+$0x0] =	vst v9  }
0xcb: {  	s3 =	simm.s32 $0x14200;
	[tilespmem:s9+$0x16E00] =	vst v10  }
0xcc: {  	s4 =	simm.s32 $0x14000;
	v11 =	vld [tilespmem:s3+$0x0]  }
0xcd: {  	v12 =	vld [tilespmem:s4+$0x0];
	_ =	sdelay $0x2  }
0xce: {  	s23 =	sadd.s32 $0x0, s2  }
0xcf: {  	v9 =	vor.u32 s23, v0  }
0xd0: {  	v10 =	vmov s23;
	v13 =	vadd.s32 $0xFFFFFFFF, v12;
	v14 =	vadd.s32 $0x1, v11  }
0xd1: {  	v9 =	vand.u32 $0x7F, v9;
	v15 =	vadd.s32 $0xFFFFFF80, v10;
	v13 =	vor.u32 v13, v14  }
0xd2: {  	vm14 =	vlt.u32 v15, $0x4000;
	v12 =	vshll.u32 v12, $0x7;
	vm15 =	vlt.u32 v13, $0x80  }
0xd3: {  	vm2 =	vne.s32 v9, $0x7F;
	v11 =	vadd.s32 v12, v11;
	vm0 =	vmand vm14, vm15  }
0xd4: {  	v11 =	vadd.s32 $0xFFFFFF81, v11;
	vm0 =	vmand vm0, vm2  }
0xd5: {  	s31 =	simm.s32 $0x0;
	s6 =	simm.s32 $0x14C00;
	v12 =	vadd.s32 s23, v4;
	v11 =	vnsel vm0, $0x4000, v11  }
0xd6: {  	s5 =	sand.u32 $0x1F0, s31;
	v12 =	vnsel vm0, $0x0, v12;
	[tilespmem:s6+$0x0] =	vst v11  }
0xd7: {  	s8 =	simm.s32 $0x14210;
	[tilespmem:s5+$0x17000] =	vst v12  }
0xd8: {  	s9 =	simm.s32 $0x14010;
	v11 =	vld [tilespmem:s8+$0x0]  }
0xd9: {  	v12 =	vld [tilespmem:s9+$0x0]  }
0xda: {  	s0 =	simm.s32 $0x10;
	s7 =	simm.s32 $0x10;
	s23 =	simm.s32 $0x20  }
.LBB2_8:
0xdb: {  	p0 =	sne.s32 s23, $0x1F0  }
0xdc: {  	s1 =	sadd.s32 s7, s2  }
0xdd: {  	v13 =	vor.u32 s1, v0  }
0xde: {  	v14 =	vmov s1;
	v16 =	vadd.s32 $0x1, v11;
	v15 =	vadd.s32 $0xFFFFFFFF, v12  }
0xdf: {  	v13 =	vand.u32 $0x7F, v13;
	v14 =	vadd.s32 $0xFFFFFF80, v14;
	v15 =	vor.u32 v15, v16  }
0xe0: {  	vm0 =	vlt.u32 v14, $0x4000;
	v12 =	vshll.u32 v12, $0x7;
	vm1 =	vlt.u32 v15, $0x80  }
0xe1: {  	vm2 =	vne.s32 v13, $0x7F;
	v11 =	vadd.s32 v12, v11;
	vm0 =	vmand vm0, vm1  }
0xe2: {  	v12 =	vadd.s32 s1, v4;
	v11 =	vadd.s32 $0xFFFFFF81, v11;
	vm0 =	vmand vm0, vm2  }
0xe3: {  	s6 =	sadd.s32 $0x10, s6;
	v12 =	vnsel vm0, $0x0, v12;
	v11 =	vnsel vm0, $0x4000, v11  }
.Ltmp3:
0xe4: {  	s1 =	sand.u32 $0x1F0, s7;
	s7 =	smov.u32 s23;
	[tilespmem:s6+$0x0] =	vst v11;
	(pc) =	sbr.rel @p0 .LBB2_8-.Ltmp3, $4  }
0xe5: {  	s8 =	sadd.s32 $0x10, s8;
	[tilespmem:s1+$0x17000] =	vst v12  }
0xe6: {  	s9 =	sadd.s32 $0x10, s9;
	v11 =	vld [tilespmem:s8+$0x0]  }
0xe7: {  	v12 =	vld [tilespmem:s9+$0x0]  }
0xe8: {  	s23 =	sadd.s32 $0x10, s23  }
0xe9: {  	_ = 	snop  }
0xea: {  	s1 =	sadd.s32 s7, s2  }
0xeb: {  	v13 =	vor.u32 s1, v0  }
0xec: {  	v14 =	vmov s1;
	v16 =	vadd.s32 $0x1, v11;
	v15 =	vadd.s32 $0xFFFFFFFF, v12  }
0xed: {  	v13 =	vand.u32 $0x7F, v13;
	v14 =	vadd.s32 $0xFFFFFF80, v14;
	v15 =	vor.u32 v15, v16  }
0xee: {  	vm0 =	vlt.u32 v14, $0x4000;
	v60 =	vshll.u32 v12, $0x7;
	vm1 =	vlt.u32 v15, $0x80  }
0xef: {  	vm2 =	vne.s32 v13, $0x7F;
	v11 =	vadd.s32 v60, v11;
	vm0 =	vmand vm0, vm1  }
0xf0: {  	v11 =	vadd.s32 $0xFFFFFF81, v11;
	vm0 =	vmand vm0, vm2  }
0xf1: {  	s23 =	sadd.s32 $0x10, s6;
	v61 =	vadd.s32 s1, v4;
	v11 =	vnsel vm0, $0x4000, v11  }
0xf2: {  	s31 =	sand.u32 $0x1F0, s7;
	v12 =	vnsel vm0, $0x0, v61;
	[tilespmem:s23+$0x0] =	vst v11  }
0xf3: {  	[tilespmem:s31+$0x17000] =	vst v12  }
0xf4: {  	v11 =	vld [tilespmem:s3+$0x0]  }
0xf5: {  	v12 =	vld [tilespmem:s4+$0x0];
	_ =	sdelay $0x3  }
0xf6: {  	v11 =	vadd.s32 $0xFFFFFFFF, v11  }
0xf7: {  	v62 =	vor.u32 v12, v11  }
0xf8: {  	v63 =	vand.u32 $0x3F80, v10;
	vm13 =	vlt.u32 v10, $0x4000;
	vm14 =	vlt.u32 v62, $0x80  }
0xf9: {  	vm15 =	vne.s32 v9, $0x0;
	v10 =	vshll.u32 v12, $0x7;
	vm0 =	vmand vm13, vm14  }
0xfa: {  	v9 =	vor.u32 v9, v63;
	v10 =	vadd.s32 v10, v11;
	vm0 =	vmand vm0, vm15  }
0xfb: {  	v9 =	vadd.s32 $0xFFFFFFFF, v9;
	s3 =	simm.s32 $0x14E00;
	v10 =	vnsel vm0, $0x4000, v10  }
0xfc: {  	v9 =	vnsel vm0, $0x0, v9;
	[tilespmem:s3+$0x0] =	vst v10  }
0xfd: {  	s4 =	simm.s32 $0x14210;
	[tilespmem:s5+$0x17200] =	vst v9  }
0xfe: {  	s5 =	simm.s32 $0x14010;
	v10 =	vld [tilespmem:s4+$0x0]  }
0xff: {  	s6 =	simm.s32 $0x20;
	v9 =	vld [tilespmem:s5+$0x0]  }
.LBB2_10:
0x100: {  	p0 =	sne.s32 s6, $0x1F0;
	_ =	sdelay $0x1  }
0x101: {  	s1 =	sadd.s32 s0, s2  }
0x102: {  	v11 =	vmov s1;
	v12 =	vor.u32 s1, v0;
	v10 =	vadd.s32 $0xFFFFFFFF, v10  }
0x103: {  	v13 =	vand.u32 $0x3F80, v11;
	v12 =	vand.u32 $0x7F, v12;
	v14 =	vor.u32 v9, v10  }
0x104: {  	vm0 =	vlt.u32 v11, $0x4000;
	vm1 =	vne.s32 v12, $0x0;
	vm2 =	vlt.u32 v14, $0x80  }
0x105: {  	v11 =	vor.u32 v12, v13;
	v9 =	vshll.u32 v9, $0x7;
	vm0 =	vmand vm0, vm2  }
0x106: {  	v11 =	vadd.s32 $0xFFFFFFFF, v11;
	v9 =	vadd.s32 v9, v10;
	vm0 =	vmand vm0, vm1  }
.Ltmp4:
0x107: {  	s3 =	sadd.s32 $0x10, s3;
	v10 =	vnsel vm0, $0x0, v11;
	v9 =	vnsel vm0, $0x4000, v9;
	(pc) =	sbr.rel @p0 .LBB2_10-.Ltmp4, $4  }
0x108: {  	s1 =	sand.u32 $0x1F0, s0;
	s0 =	smov.u32 s6;
	[tilespmem:s3+$0x0] =	vst v9  }
0x109: {  	s4 =	sadd.s32 $0x10, s4;
	[tilespmem:s1+$0x17200] =	vst v10  }
0x10a: {  	s5 =	sadd.s32 $0x10, s5;
	v10 =	vld [tilespmem:s4+$0x0]  }
0x10b: {  	s6 =	sadd.s32 $0x10, s6;
	v9 =	vld [tilespmem:s5+$0x0]  }
0x10c: {  	_ =	sdelay $0x1  }
0x10d: {  	s1 =	sadd.s32 s0, s2  }
0x10e: {  	v11 =	vmov s1;
	v10 =	vadd.s32 $0xFFFFFFFF, v10  }
0x10f: {  	v12 =	vor.u32 s1, v0;
	v13 =	vand.u32 $0x3F80, v11;
	v14 =	vor.u32 v9, v10  }
0x110: {  	v12 =	vand.u32 $0x7F, v12;
	vm0 =	vlt.u32 v11, $0x4000;
	vm1 =	vlt.u32 v14, $0x80  }
0x111: {  	vm2 =	vne.s32 v12, $0x0;
	v9 =	vshll.u32 v9, $0x7;
	vm0 =	vmand vm0, vm1  }
0x112: {  	v11 =	vor.u32 v12, v13;
	v9 =	vadd.s32 v9, v10;
	vm0 =	vmand vm0, vm2  }
0x113: {  	s8 =	sadd.s32 $0x10, s3;
	v10 =	vadd.s32 $0xFFFFFFFF, v11;
	v9 =	vnsel vm0, $0x4000, v9  }
0x114: {  	s9 =	sand.u32 $0x1F0, s0;
	v10 =	vnsel vm0, $0x0, v10;
	[tilespmem:s8+$0x0] =	vst v9  }
0x115: {  	s3 =	simm.s32 $0x14200;
	[tilespmem:s9+$0x17200] =	vst v10  }
0x116: {  	s4 =	simm.s32 $0x14000;
	v10 =	vld [tilespmem:s3+$0x0]  }
0x117: {  	v11 =	vld [tilespmem:s4+$0x0];
	_ =	sdelay $0x3  }
0x118: {  	s23 =	sadd.s32 $0x0, s2  }
0x119: {  	v9 =	vmov s23;
	v12 =	vor.u32 v11, v10  }
0x11a: {  	vm0 =	vlt.u32 v9, $0x4000;
	v11 =	vshll.u32 v11, $0x7;
	vm1 =	vlt.u32 v12, $0x80  }
0x11b: {  	v11 =	vadd.s32 v10, v11;
	vm1 =	vmand vm0, vm1  }
0x11c: {  	s31 =	simm.s32 $0x0;
	s6 =	simm.s32 $0x15000;
	v10 =	vor.u32 s23, v0;
	v11 =	vnsel vm1, $0x4000, v11  }
0x11d: {  	s5 =	sand.u32 $0x1F0, s31;
	v12 =	vnsel vm1, $0x0, v10;
	[tilespmem:s6+$0x0] =	vst v11  }
0x11e: {  	s8 =	simm.s32 $0x14210;
	[tilespmem:s5+$0x17400] =	vst v12  }
0x11f: {  	s9 =	simm.s32 $0x14010;
	v11 =	vld [tilespmem:s8+$0x0]  }
0x120: {  	v12 =	vld [tilespmem:s9+$0x0]  }
0x121: {  	s0 =	simm.s32 $0x10;
	s7 =	simm.s32 $0x10;
	s23 =	simm.s32 $0x20  }
.LBB2_12:
0x122: {  	p0 =	sne.s32 s23, $0x1F0;
	_ =	sdelay $0x1  }
0x123: {  	s1 =	sadd.s32 s7, s2  }
0x124: {  	v13 =	vmov s1;
	v14 =	vor.u32 v12, v11  }
0x125: {  	vm1 =	vlt.u32 v13, $0x4000;
	v12 =	vshll.u32 v12, $0x7;
	vm2 =	vlt.u32 v14, $0x80  }
0x126: {  	v13 =	vor.u32 s1, v0;
	v11 =	vadd.s32 v11, v12;
	vm1 =	vmand vm1, vm2  }
0x127: {  	s6 =	sadd.s32 $0x10, s6;
	v12 =	vnsel vm1, $0x0, v13;
	v11 =	vnsel vm1, $0x4000, v11  }
.Ltmp5:
0x128: {  	s1 =	sand.u32 $0x1F0, s7;
	s7 =	smov.u32 s23;
	[tilespmem:s6+$0x0] =	vst v11;
	(pc) =	sbr.rel @p0 .LBB2_12-.Ltmp5, $4  }
0x129: {  	s8 =	sadd.s32 $0x10, s8;
	[tilespmem:s1+$0x17400] =	vst v12  }
0x12a: {  	s9 =	sadd.s32 $0x10, s9;
	v11 =	vld [tilespmem:s8+$0x0]  }
0x12b: {  	v12 =	vld [tilespmem:s9+$0x0]  }
0x12c: {  	s23 =	sadd.s32 $0x10, s23  }
0x12d: {  	_ =	sdelay $0x1  }
0x12e: {  	s1 =	sadd.s32 s7, s2  }
0x12f: {  	v13 =	vmov s1;
	v14 =	vor.u32 v12, v11  }
0x130: {  	vm1 =	vlt.u32 v13, $0x4000;
	v61 =	vshll.u32 v12, $0x7;
	vm2 =	vlt.u32 v14, $0x80  }
0x131: {  	v11 =	vadd.s32 v11, v61;
	vm1 =	vmand vm1, vm2  }
0x132: {  	s23 =	sadd.s32 $0x10, s6;
	v62 =	vor.u32 s1, v0;
	v11 =	vnsel vm1, $0x4000, v11  }
0x133: {  	s31 =	sand.u32 $0x1F0, s7;
	v12 =	vnsel vm1, $0x0, v62;
	[tilespmem:s23+$0x0] =	vst v11  }
0x134: {  	[tilespmem:s31+$0x17400] =	vst v12  }
0x135: {  	v11 =	vld [tilespmem:s3+$0x0]  }
0x136: {  	v12 =	vld [tilespmem:s4+$0x0];
	_ =	sdelay $0x3  }
0x137: {  	v11 =	vadd.s32 $0x1, v11  }
0x138: {  	v63 =	vor.u32 v12, v11  }
0x139: {  	v9 =	vand.u32 $0x3F80, v9;
	v10 =	vand.u32 $0x7F, v10;
	vm14 =	vlt.u32 v63, $0x80  }
0x13a: {  	vm15 =	vne.s32 v10, $0x7F;
	v12 =	vshll.u32 v12, $0x7;
	vm0 =	vmand vm0, vm14  }
0x13b: {  	v9 =	vor.u32 v9, v10;
	v10 =	vadd.s32 v12, v11;
	vm0 =	vmand vm0, vm15  }
0x13c: {  	v9 =	vadd.s32 $0x1, v9;
	s3 =	simm.s32 $0x15200;
	v10 =	vnsel vm0, $0x4000, v10  }
0x13d: {  	v9 =	vnsel vm0, $0x0, v9;
	[tilespmem:s3+$0x0] =	vst v10  }
0x13e: {  	s4 =	simm.s32 $0x14210;
	[tilespmem:s5+$0x17600] =	vst v9  }
0x13f: {  	s5 =	simm.s32 $0x14010;
	v10 =	vld [tilespmem:s4+$0x0]  }
0x140: {  	s6 =	simm.s32 $0x20;
	v9 =	vld [tilespmem:s5+$0x0]  }
.LBB2_14:
0x141: {  	p0 =	sne.s32 s6, $0x1F0;
	_ =	sdelay $0x1  }
0x142: {  	s1 =	sadd.s32 s0, s2  }
0x143: {  	v11 =	vmov s1;
	v12 =	vor.u32 s1, v0;
	v10 =	vadd.s32 $0x1, v10  }
0x144: {  	v13 =	vand.u32 $0x3F80, v11;
	v12 =	vand.u32 $0x7F, v12;
	v14 =	vor.u32 v9, v10  }
0x145: {  	vm0 =	vlt.u32 v11, $0x4000;
	vm1 =	vne.s32 v12, $0x7F;
	vm2 =	vlt.u32 v14, $0x80  }
0x146: {  	v11 =	vor.u32 v13, v12;
	v9 =	vshll.u32 v9, $0x7;
	vm0 =	vmand vm0, vm2  }
0x147: {  	v11 =	vadd.s32 $0x1, v11;
	v9 =	vadd.s32 v9, v10;
	vm0 =	vmand vm0, vm1  }
.Ltmp6:
0x148: {  	s3 =	sadd.s32 $0x10, s3;
	v10 =	vnsel vm0, $0x0, v11;
	v9 =	vnsel vm0, $0x4000, v9;
	(pc) =	sbr.rel @p0 .LBB2_14-.Ltmp6, $4  }
0x149: {  	s1 =	sand.u32 $0x1F0, s0;
	s0 =	smov.u32 s6;
	[tilespmem:s3+$0x0] =	vst v9  }
0x14a: {  	s4 =	sadd.s32 $0x10, s4;
	[tilespmem:s1+$0x17600] =	vst v10  }
0x14b: {  	s5 =	sadd.s32 $0x10, s5;
	v10 =	vld [tilespmem:s4+$0x0]  }
0x14c: {  	s6 =	sadd.s32 $0x10, s6;
	v9 =	vld [tilespmem:s5+$0x0]  }
0x14d: {  	_ =	sdelay $0x1  }
0x14e: {  	s1 =	sadd.s32 s0, s2  }
0x14f: {  	v11 =	vmov s1;
	v10 =	vadd.s32 $0x1, v10  }
0x150: {  	v12 =	vor.u32 s1, v0;
	v13 =	vand.u32 $0x3F80, v11;
	v14 =	vor.u32 v9, v10  }
0x151: {  	v12 =	vand.u32 $0x7F, v12;
	vm0 =	vlt.u32 v11, $0x4000;
	vm1 =	vlt.u32 v14, $0x80  }
0x152: {  	vm2 =	vne.s32 v12, $0x7F;
	v9 =	vshll.u32 v9, $0x7;
	vm0 =	vmand vm0, vm1  }
0x153: {  	v11 =	vor.u32 v13, v12;
	v9 =	vadd.s32 v9, v10;
	vm0 =	vmand vm0, vm2  }
0x154: {  	s8 =	sadd.s32 $0x10, s3;
	v10 =	vadd.s32 $0x1, v11;
	v9 =	vnsel vm0, $0x4000, v9  }
0x155: {  	s9 =	sand.u32 $0x1F0, s0;
	v10 =	vnsel vm0, $0x0, v10;
	[tilespmem:s8+$0x0] =	vst v9  }
0x156: {  	s3 =	simm.s32 $0x14200;
	[tilespmem:s9+$0x17600] =	vst v10  }
0x157: {  	s4 =	simm.s32 $0x14000;
	v10 =	vld [tilespmem:s3+$0x0]  }
0x158: {  	v11 =	vld [tilespmem:s4+$0x0];
	_ =	sdelay $0x3  }
0x159: {  	s23 =	sadd.s32 $0x0, s2  }
0x15a: {  	v61 =	vor.u32 s23, v0;
	v62 =	vadd.s32 $0x1, v11;
	v63 =	vadd.s32 $0xFFFFFFFF, v10  }
0x15b: {  	v12 =	vand.u32 $0x7F, v61;
	v9 =	vmov s23;
	v13 =	vor.u32 v62, v63  }
0x15c: {  	vm0 =	vlt.u32 v9, $0x3F80;
	v11 =	vshll.u32 v11, $0x7;
	vm1 =	vlt.u32 v13, $0x80  }
0x15d: {  	vm2 =	vne.s32 v12, $0x0;
	v10 =	vadd.s32 v11, v10;
	vm1 =	vmand vm0, vm1  }
0x15e: {  	v10 =	vadd.s32 $0x7F, v10;
	vm1 =	vmand vm1, vm2  }
0x15f: {  	s31 =	simm.s32 $0x0;
	s6 =	simm.s32 $0x15400;
	v11 =	vadd.s32 s23, v5;
	v10 =	vnsel vm1, $0x4000, v10  }
0x160: {  	s5 =	sand.u32 $0x1F0, s31;
	v11 =	vnsel vm1, $0x0, v11;
	[tilespmem:s6+$0x0] =	vst v10  }
0x161: {  	s8 =	simm.s32 $0x14210;
	[tilespmem:s5+$0x17800] =	vst v11  }
0x162: {  	s9 =	simm.s32 $0x14010;
	v10 =	vld [tilespmem:s8+$0x0]  }
0x163: {  	v11 =	vld [tilespmem:s9+$0x0]  }
0x164: {  	s0 =	simm.s32 $0x10;
	s7 =	simm.s32 $0x10;
	s23 =	simm.s32 $0x20  }
.LBB2_16:
0x165: {  	p0 =	sne.s32 s23, $0x1F0;
	_ =	sdelay $0x1  }
0x166: {  	s1 =	sadd.s32 s7, s2  }
0x167: {  	v12 =	vor.u32 s1, v0;
	v14 =	vadd.s32 $0xFFFFFFFF, v10;
	v13 =	vadd.s32 $0x1, v11  }
0x168: {  	v15 =	vmov s1;
	v12 =	vand.u32 $0x7F, v12;
	v13 =	vor.u32 v13, v14  }
0x169: {  	vm1 =	vlt.u32 v15, $0x3F80;
	v11 =	vshll.u32 v11, $0x7;
	vm2 =	vlt.u32 v13, $0x80  }
0x16a: {  	vm3 =	vne.s32 v12, $0x0;
	v10 =	vadd.s32 v11, v10;
	vm1 =	vmand vm1, vm2  }
0x16b: {  	v11 =	vadd.s32 s1, v5;
	v10 =	vadd.s32 $0x7F, v10;
	vm1 =	vmand vm1, vm3  }
0x16c: {  	s6 =	sadd.s32 $0x10, s6;
	v11 =	vnsel vm1, $0x0, v11;
	v10 =	vnsel vm1, $0x4000, v10  }
.Ltmp7:
0x16d: {  	s1 =	sand.u32 $0x1F0, s7;
	s7 =	smov.u32 s23;
	[tilespmem:s6+$0x0] =	vst v10;
	(pc) =	sbr.rel @p0 .LBB2_16-.Ltmp7, $4  }
0x16e: {  	s8 =	sadd.s32 $0x10, s8;
	[tilespmem:s1+$0x17800] =	vst v11  }
0x16f: {  	s9 =	sadd.s32 $0x10, s9;
	v10 =	vld [tilespmem:s8+$0x0]  }
0x170: {  	v11 =	vld [tilespmem:s9+$0x0]  }
0x171: {  	s23 =	sadd.s32 $0x10, s23  }
0x172: {  	_ =	sdelay $0x1  }
0x173: {  	s1 =	sadd.s32 s7, s2  }
0x174: {  	v12 =	vor.u32 s1, v0;
	v14 =	vadd.s32 $0xFFFFFFFF, v10;
	v13 =	vadd.s32 $0x1, v11  }
0x175: {  	v15 =	vmov s1;
	v12 =	vand.u32 $0x7F, v12;
	v13 =	vor.u32 v13, v14  }
0x176: {  	vm1 =	vlt.u32 v15, $0x3F80;
	v11 =	vshll.u32 v11, $0x7;
	vm2 =	vlt.u32 v13, $0x80  }
0x177: {  	vm3 =	vne.s32 v12, $0x0;
	v10 =	vadd.s32 v11, v10;
	vm1 =	vmand vm1, vm2  }
0x178: {  	v10 =	vadd.s32 $0x7F, v10;
	vm1 =	vmand vm1, vm3  }
0x179: {  	s23 =	sadd.s32 $0x10, s6;
	v11 =	vadd.s32 s1, v5;
	v10 =	vnsel vm1, $0x4000, v10  }
0x17a: {  	s31 =	sand.u32 $0x1F0, s7;
	v11 =	vnsel vm1, $0x0, v11;
	[tilespmem:s23+$0x0] =	vst v10  }
0x17b: {  	[tilespmem:s31+$0x17800] =	vst v11  }
0x17c: {  	v10 =	vld [tilespmem:s4+$0x0]  }
0x17d: {  	v11 =	vld [tilespmem:s3+$0x0];
	_ =	sdelay $0x3  }
0x17e: {  	v63 =	vadd.s32 $0x1, v10  }
0x17f: {  	v10 =	vshll.u32 v10, $0x7;
	v12 =	vor.u32 v63, v11  }
0x180: {  	v9 =	vand.u32 $0x3FFF, v9;
	v10 =	vadd.s32 v11, v10;
	vm15 =	vlt.u32 v12, $0x80  }
0x181: {  	v9 =	vor.u32 v0, v9;
	v10 =	vadd.s32 $0x80, v10;
	vm0 =	vmand vm0, vm15  }
0x182: {  	v9 =	vadd.s32 $0x80, v9;
	s3 =	simm.s32 $0x15600;
	v10 =	vnsel vm0, $0x4000, v10  }
0x183: {  	v9 =	vnsel vm0, $0x0, v9;
	[tilespmem:s3+$0x0] =	vst v10  }
0x184: {  	s4 =	simm.s32 $0x14010;
	[tilespmem:s5+$0x17A00] =	vst v9  }
0x185: {  	s5 =	simm.s32 $0x14210;
	v10 =	vld [tilespmem:s4+$0x0]  }
0x186: {  	s6 =	simm.s32 $0x20;
	v9 =	vld [tilespmem:s5+$0x0]  }
.LBB2_18:
0x187: {  	p0 =	sne.s32 s6, $0x1F0  }
0x188: {  	s1 =	sadd.s32 s0, s2  }
0x189: {  	v11 =	vmov s1  }
0x18a: {  	vm0 =	vlt.u32 v11, $0x3F80;
	v12 =	vadd.s32 $0x1, v10  }
0x18b: {  	v11 =	vand.u32 $0x3FFF, v11;
	v10 =	vshll.u32 v10, $0x7;
	v12 =	vor.u32 v12, v9  }
0x18c: {  	v11 =	vor.u32 v0, v11;
	v9 =	vadd.s32 v9, v10;
	vm1 =	vlt.u32 v12, $0x80  }
0x18d: {  	v10 =	vadd.s32 $0x80, v11;
	v9 =	vadd.s32 $0x80, v9;
	vm0 =	vmand vm0, vm1  }
.Ltmp8:
0x18e: {  	s3 =	sadd.s32 $0x10, s3;
	v10 =	vnsel vm0, $0x0, v10;
	v9 =	vnsel vm0, $0x4000, v9;
	(pc) =	sbr.rel @p0 .LBB2_18-.Ltmp8, $4  }
0x18f: {  	s1 =	sand.u32 $0x1F0, s0;
	s0 =	smov.u32 s6;
	[tilespmem:s3+$0x0] =	vst v9  }
0x190: {  	s4 =	sadd.s32 $0x10, s4;
	[tilespmem:s1+$0x17A00] =	vst v10  }
0x191: {  	s5 =	sadd.s32 $0x10, s5;
	v10 =	vld [tilespmem:s4+$0x0]  }
0x192: {  	s6 =	sadd.s32 $0x10, s6;
	v9 =	vld [tilespmem:s5+$0x0]  }
0x193: {  	_ =	sdelay $0x1  }
0x194: {  	s1 =	sadd.s32 s0, s2  }
0x195: {  	v11 =	vmov s1;
	v12 =	vadd.s32 $0x1, v10  }
0x196: {  	vm0 =	vlt.u32 v11, $0x3F80;
	v10 =	vshll.u32 v10, $0x7;
	v12 =	vor.u32 v12, v9  }
0x197: {  	v11 =	vand.u32 $0x3FFF, v11;
	v9 =	vadd.s32 v9, v10;
	vm1 =	vlt.u32 v12, $0x80  }
0x198: {  	v10 =	vor.u32 v0, v11;
	v9 =	vadd.s32 $0x80, v9;
	vm0 =	vmand vm0, vm1  }
0x199: {  	s7 =	sadd.s32 $0x10, s3;
	v10 =	vadd.s32 $0x80, v10;
	v9 =	vnsel vm0, $0x4000, v9  }
0x19a: {  	s8 =	sand.u32 $0x1F0, s0;
	v10 =	vnsel vm0, $0x0, v10;
	[tilespmem:s7+$0x0] =	vst v9  }
0x19b: {  	s9 =	simm.s32 $0x14200;
	[tilespmem:s8+$0x17A00] =	vst v10  }
0x19c: {  	s23 =	simm.s32 $0x14000;
	v11 =	vld [tilespmem:s9+$0x0]  }
0x19d: {  	v12 =	vld [tilespmem:s23+$0x0];
	_ =	sdelay $0x3  }
0x19e: {  	s4 =	sadd.s32 $0x0, s2  }
0x19f: {  	v9 =	vor.u32 s4, v0;
	v13 =	vadd.s32 $0x1, v12;
	v14 =	vadd.s32 $0x1, v11  }
0x1a0: {  	v10 =	vmov s4;
	v9 =	vand.u32 $0x7F, v9;
	v13 =	vor.u32 v13, v14  }
0x1a1: {  	vm14 =	vlt.u32 v10, $0x3F80;
	v12 =	vshll.u32 v12, $0x7;
	vm15 =	vlt.u32 v13, $0x80  }
0x1a2: {  	vm2 =	vne.s32 v9, $0x7F;
	v11 =	vadd.s32 v12, v11;
	vm0 =	vmand vm14, vm15  }
0x1a3: {  	v11 =	vadd.s32 $0x81, v11;
	vm0 =	vmand vm0, vm2  }
0x1a4: {  	s31 =	simm.s32 $0x0;
	s3 =	simm.s32 $0x15800;
	v12 =	vadd.s32 s4, v6;
	v11 =	vnsel vm0, $0x4000, v11  }
0x1a5: {  	s5 =	sand.u32 $0x1F0, s31;
	v12 =	vnsel vm0, $0x0, v12;
	[tilespmem:s3+$0x0] =	vst v11  }
0x1a6: {  	s7 =	simm.s32 $0x14210;
	[tilespmem:s5+$0x17C00] =	vst v12  }
0x1a7: {  	s8 =	simm.s32 $0x14010;
	v11 =	vld [tilespmem:s7+$0x0]  }
0x1a8: {  	v12 =	vld [tilespmem:s8+$0x0]  }
0x1a9: {  	s0 =	simm.s32 $0x10;
	s6 =	simm.s32 $0x10;
	s9 =	simm.s32 $0x20  }
.LBB2_20:
0x1aa: {  	p0 =	sne.s32 s9, $0x1F0;
	_ =	sdelay $0x1  }
0x1ab: {  	s1 =	sadd.s32 s6, s2  }
0x1ac: {  	v13 =	vor.u32 s1, v0;
	v15 =	vadd.s32 $0x1, v11;
	v14 =	vadd.s32 $0x1, v12  }
0x1ad: {  	v16 =	vmov s1;
	v13 =	vand.u32 $0x7F, v13;
	v14 =	vor.u32 v14, v15  }
0x1ae: {  	vm0 =	vlt.u32 v16, $0x3F80;
	v12 =	vshll.u32 v12, $0x7;
	vm1 =	vlt.u32 v14, $0x80  }
0x1af: {  	vm2 =	vne.s32 v13, $0x7F;
	v11 =	vadd.s32 v12, v11;
	vm0 =	vmand vm0, vm1  }
0x1b0: {  	v12 =	vadd.s32 s1, v6;
	v11 =	vadd.s32 $0x81, v11;
	vm0 =	vmand vm0, vm2  }
0x1b1: {  	s3 =	sadd.s32 $0x10, s3;
	v12 =	vnsel vm0, $0x0, v12;
	v11 =	vnsel vm0, $0x4000, v11  }
.Ltmp9:
0x1b2: {  	s1 =	sand.u32 $0x1F0, s6;
	s6 =	smov.u32 s9;
	[tilespmem:s3+$0x0] =	vst v11;
	(pc) =	sbr.rel @p0 .LBB2_20-.Ltmp9, $4  }
0x1b3: {  	s7 =	sadd.s32 $0x10, s7;
	[tilespmem:s1+$0x17C00] =	vst v12  }
0x1b4: {  	s8 =	sadd.s32 $0x10, s8;
	v11 =	vld [tilespmem:s7+$0x0]  }
0x1b5: {  	v12 =	vld [tilespmem:s8+$0x0]  }
0x1b6: {  	s9 =	sadd.s32 $0x10, s9  }
0x1b7: {  	_ =	sdelay $0x1  }
0x1b8: {  	s1 =	sadd.s32 s6, s2  }
0x1b9: {  	v13 =	vor.u32 s1, v0;
	v15 =	vadd.s32 $0x1, v11;
	v14 =	vadd.s32 $0x1, v12  }
0x1ba: {  	v16 =	vmov s1;
	v13 =	vand.u32 $0x7F, v13;
	v14 =	vor.u32 v14, v15  }
0x1bb: {  	vm0 =	vlt.u32 v16, $0x3F80;
	v60 =	vshll.u32 v12, $0x7;
	vm1 =	vlt.u32 v14, $0x80  }
0x1bc: {  	vm2 =	vne.s32 v13, $0x7F;
	v11 =	vadd.s32 v60, v11;
	vm0 =	vmand vm0, vm1  }
0x1bd: {  	v11 =	vadd.s32 $0x81, v11;
	vm0 =	vmand vm0, vm2  }
0x1be: {  	s9 =	sadd.s32 $0x10, s3;
	v61 =	vadd.s32 s1, v6;
	v11 =	vnsel vm0, $0x4000, v11  }
0x1bf: {  	s23 =	sand.u32 $0x1F0, s6;
	v12 =	vnsel vm0, $0x0, v61;
	[tilespmem:s9+$0x0] =	vst v11  }
0x1c0: {  	s3 =	simm.s32 $0x14400;
	[tilespmem:s23+$0x17C00] =	vst v12  }
0x1c1: {  	s31 =	simm.s32 $0x14600;
	v11 =	vld [tilespmem:s3+$0x0]  }
0x1c2: {  	v12 =	vld [tilespmem:s31+$0x0];
	_ =	sdelay $0x4  }
0x1c3: {  	v62 =	vadd.s32 $0xFFFFFFFF, v11;
	v63 =	vadd.s32 $0xFFFFFFFF, v12  }
0x1c4: {  	v10 =	vadd.s32 $0xFFFFFF80, v10;
	v13 =	vor.u32 v62, v63  }
0x1c5: {  	vm13 =	vlt.u32 v10, $0x4000;
	v11 =	vshll.u32 v11, $0x7;
	vm14 =	vlt.u32 v13, $0x80  }
0x1c6: {  	vm15 =	vne.s32 v9, $0x0;
	v10 =	vadd.s32 v11, v12;
	vm0 =	vmand vm13, vm14  }
0x1c7: {  	v11 =	vadd.s32 s4, v2;
	v9 =	vadd.s32 $0xFFFFFF7F, v10;
	vm0 =	vmand vm15, vm0  }
0x1c8: {  	s6 =	simm.s32 $0x14400;
	s7 =	simm.s32 $0x14600;
	s4 =	simm.s32 $0x15A00;
	v9 =	vnsel vm0, $0x0, v9;
	v10 =	vnsel vm0, $0x4000, v11  }
.LBB2_22:
0x1c9: {  	[tilespmem:s4+$0x0] =	vst v10;
	s4 =	sadd.s32 $0x10, s4;
	s6 =	sadd.s32 $0x10, s6;
	s7 =	sadd.s32 $0x10, s7  }
0x1ca: {  	p0 =	sne.s32 s0, $0x1F0;
	s1 =	smov.u32 s0;
	s0 =	sadd.s32 $0x10, s0;
	[tilespmem:s5+$0x17E00] =	vst v9  }
0x1cb: {  	v9 =	vld [tilespmem:s6+$0x0]  }
0x1cc: {  	v10 =	vld [tilespmem:s7+$0x0];
	_ =	sdelay $0x2  }
0x1cd: {  	s5 =	sadd.s32 s1, s2  }
0x1ce: {  	v11 =	vmov s5;
	v12 =	vshll.u32 v9, $0x7  }
0x1cf: {  	v11 =	vadd.s32 $0xFFFFFF80, v11;
	v9 =	vadd.s32 $0xFFFFFFFF, v9;
	v13 =	vadd.s32 $0xFFFFFFFF, v10  }
.Ltmp10:
0x1d0: {  	v14 =	vor.u32 s5, v0;
	vm0 =	vlt.u32 v11, $0x4000;
	v9 =	vor.u32 v9, v13;
	(pc) =	sbr.rel @p0 .LBB2_22-.Ltmp10, $4  }
0x1d1: {  	v11 =	vand.u32 $0x7F, v14;
	vm1 =	vlt.u32 v9, $0x80;
	v9 =	vadd.s32 v12, v10  }
0x1d2: {  	v10 =	vadd.s32 s5, v2;
	vm0 =	vmand vm0, vm1;
	vm1 =	vne.s32 v11, $0x0  }
0x1d3: {  	v9 =	vadd.s32 $0xFFFFFF7F, v9;
	vm0 =	vmand vm1, vm0  }
0x1d4: {  	s5 =	sand.u32 $0x1F0, s1;
	v9 =	vnsel vm0, $0x0, v9;
	v10 =	vnsel vm0, $0x4000, v10  }
0x1d5: {  	[tilespmem:s4+$0x0] =	vst v10  }
0x1d6: {  	[tilespmem:s5+$0x17E00] =	vst v9  }
0x1d7: {  	v9 =	vld [tilespmem:s3+$0x0]  }
0x1d8: {  	v10 =	vld [tilespmem:s31+$0x0];
	_ =	sdelay $0x1  }
0x1d9: {  	s0 =	sadd.s32 $0x0, s2  }
0x1da: {  	v11 =	vmov s0  }
0x1db: {  	v12 =	vor.u32 s0, v3;
	v14 =	vand.u32 $0x3F80, v11;
	v13 =	vadd.s32 $0xFFFFFFFF, v9  }
0x1dc: {  	v11 =	vadd.s32 $0xFFFFFF80, v11;
	v9 =	vshll.u32 v9, $0x7;
	v13 =	vor.u32 v10, v13  }
0x1dd: {  	vm0 =	vlt.u32 v11, $0x4000;
	v9 =	vadd.s32 v10, v9;
	vm1 =	vlt.u32 v13, $0x80  }
0x1de: {  	s4 =	simm.s32 $0x0;
	v10 =	vadd.s32 v12, v14;
	v9 =	vadd.s32 $0xFFFFFF80, v9;
	vm1 =	vmand vm0, vm1  }
0x1df: {  	s6 =	simm.s32 $0x10;
	s5 =	simm.s32 $0x15C00;
	s7 =	sand.u32 $0x1F0, s4;
	v9 =	vnsel vm1, $0x0, v9;
	v10 =	vnsel vm1, $0x4000, v10  }
.LBB2_24:
0x1e0: {  	[tilespmem:s5+$0x0] =	vst v10;
	s5 =	sadd.s32 $0x10, s5;
	s3 =	sadd.s32 $0x10, s3;
	s31 =	sadd.s32 $0x10, s31  }
0x1e1: {  	p0 =	sne.s32 s6, $0x1F0;
	s1 =	smov.u32 s6;
	s6 =	sadd.s32 $0x10, s6;
	[tilespmem:s7+$0x18000] =	vst v9  }
0x1e2: {  	v9 =	vld [tilespmem:s3+$0x0]  }
0x1e3: {  	v10 =	vld [tilespmem:s31+$0x0];
	_ =	sdelay $0x1  }
0x1e4: {  	s7 =	sadd.s32 s1, s2  }
0x1e5: {  	v11 =	vmov s7;
	v12 =	vor.u32 s7, v3  }
.Ltmp11:
0x1e6: {  	v14 =	vand.u32 $0x3F80, v11;
	v13 =	vadd.s32 $0xFFFFFFFF, v9;
	v9 =	vshll.u32 v9, $0x7;
	(pc) =	sbr.rel @p0 .LBB2_24-.Ltmp11, $4  }
0x1e7: {  	v11 =	vadd.s32 $0xFFFFFF80, v11;
	v13 =	vor.u32 v10, v13;
	v9 =	vadd.s32 v10, v9  }
0x1e8: {  	vm2 =	vlt.u32 v11, $0x4000;
	v10 =	vadd.s32 v12, v14;
	vm1 =	vlt.u32 v13, $0x80  }
0x1e9: {  	v9 =	vadd.s32 $0xFFFFFF80, v9;
	vm1 =	vmand vm2, vm1  }
0x1ea: {  	s7 =	sand.u32 $0x1F0, s1;
	v9 =	vnsel vm1, $0x0, v9;
	v10 =	vnsel vm1, $0x4000, v10  }
0x1eb: {  	[tilespmem:s5+$0x0] =	vst v10  }
0x1ec: {  	s3 =	simm.s32 $0x14400;
	[tilespmem:s7+$0x18000] =	vst v9  }
0x1ed: {  	s5 =	simm.s32 $0x14600;
	v9 =	vld [tilespmem:s3+$0x0]  }
0x1ee: {  	v10 =	vld [tilespmem:s5+$0x0];
	_ =	sdelay $0x4  }
0x1ef: {  	v11 =	vadd.s32 $0xFFFFFFFF, v9;
	v12 =	vadd.s32 $0x1, v10  }
0x1f0: {  	v13 =	vor.u32 s0, v0;
	v11 =	vor.u32 v11, v12  }
0x1f1: {  	v63 =	vand.u32 $0x7F, v13;
	v9 =	vshll.u32 v9, $0x7;
	vm1 =	vlt.u32 v11, $0x80  }
0x1f2: {  	vm15 =	vne.s32 v63, $0x7F;
	v9 =	vadd.s32 v9, v10;
	vm0 =	vmand vm0, vm1  }
0x1f3: {  	s6 =	simm.s32 $0x15E00;
	s8 =	sand.u32 $0x1F0, s4;
	v10 =	vadd.s32 s0, v4;
	v9 =	vadd.s32 $0xFFFFFF81, v9;
	vm0 =	vmand vm15, vm0  }
0x1f4: {  	s4 =	simm.s32 $0x14600;
	s7 =	simm.s32 $0x10;
	s0 =	simm.s32 $0x14400;
	v9 =	vnsel vm0, $0x0, v9;
	v10 =	vnsel vm0, $0x4000, v10  }
.LBB2_26:
0x1f5: {  	[tilespmem:s6+$0x0] =	vst v10;
	s6 =	sadd.s32 $0x10, s6;
	s0 =	sadd.s32 $0x10, s0;
	s4 =	sadd.s32 $0x10, s4  }
0x1f6: {  	p0 =	sne.s32 s7, $0x1F0;
	s1 =	smov.u32 s7;
	s7 =	sadd.s32 $0x10, s7;
	[tilespmem:s8+$0x18200] =	vst v9  }
0x1f7: {  	v9 =	vld [tilespmem:s0+$0x0]  }
0x1f8: {  	v10 =	vld [tilespmem:s4+$0x0];
	_ =	sdelay $0x2  }
0x1f9: {  	s8 =	sadd.s32 s1, s2  }
0x1fa: {  	v11 =	vmov s8;
	v12 =	vshll.u32 v9, $0x7  }
0x1fb: {  	v11 =	vadd.s32 $0xFFFFFF80, v11;
	v9 =	vadd.s32 $0xFFFFFFFF, v9;
	v13 =	vadd.s32 $0x1, v10  }
.Ltmp12:
0x1fc: {  	v14 =	vor.u32 s8, v0;
	vm0 =	vlt.u32 v11, $0x4000;
	v9 =	vor.u32 v9, v13;
	(pc) =	sbr.rel @p0 .LBB2_26-.Ltmp12, $4  }
0x1fd: {  	v11 =	vand.u32 $0x7F, v14;
	vm1 =	vlt.u32 v9, $0x80;
	v9 =	vadd.s32 v12, v10  }
0x1fe: {  	v10 =	vadd.s32 s8, v4;
	vm0 =	vmand vm0, vm1;
	vm1 =	vne.s32 v11, $0x7F  }
0x1ff: {  	v9 =	vadd.s32 $0xFFFFFF81, v9;
	vm0 =	vmand vm1, vm0  }
0x200: {  	s8 =	sand.u32 $0x1F0, s1;
	v9 =	vnsel vm0, $0x0, v9;
	v10 =	vnsel vm0, $0x4000, v10  }
0x201: {  	[tilespmem:s6+$0x0] =	vst v10  }
0x202: {  	[tilespmem:s8+$0x18200] =	vst v9  }
0x203: {  	v10 =	vld [tilespmem:s5+$0x0]  }
0x204: {  	v11 =	vld [tilespmem:s3+$0x0];
	_ =	sdelay $0x2  }
0x205: {  	s0 =	sadd.s32 $0x0, s2  }
0x206: {  	v12 =	vmov s0;
	v9 =	vor.u32 s0, v0;
	v10 =	vadd.s32 $0xFFFFFFFF, v10  }
0x207: {  	v13 =	vand.u32 $0x3F80, v12;
	v14 =	vand.u32 $0x7F, v9;
	v15 =	vor.u32 v11, v10  }
0x208: {  	s4 =	simm.s32 $0x16000;
	vm0 =	vlt.u32 v12, $0x4000;
	vm2 =	vne.s32 v14, $0x0;
	vm1 =	vlt.u32 v15, $0x80  }
0x209: {  	s6 =	simm.s32 $0x14410;
	s7 =	simm.s32 $0x14610;
	s0 =	simm.s32 $0x0;
	v62 =	vor.u32 v14, v13;
	v63 =	vshll.u32 v11, $0x7;
	vm1 =	vmand vm0, vm1  }
0x20a: {  	s8 =	simm.s32 $0x10;
	s3 =	sand.u32 $0x1F0, s0;
	s5 =	simm.s32 $0x16000;
	v11 =	vadd.s32 $0xFFFFFFFF, v62;
	v10 =	vadd.s32 v63, v10;
	vm1 =	vmand vm2, vm1  }
.LBB2_28:
0x20b: {  	s1 =	sand.u32 $0x1F0, s8  }
0x20c: {  	v11 =	vnsel vm1, $0x4000, v11;
	s4 =	sadd.s32 $0x10, s4;
	s9 =	smov.u32 s8;
	s23 =	sadd.s32 $0x10, s8  }
0x20d: {  	p0 =	sne.s32 s8, $0x1F0;
	v10 =	vnsel vm1, $0x0, v10;
	[tilespmem:s5+$0x0] =	vst v11;
	s5 =	smov.u32 s4  }
0x20e: {  	[tilespmem:s3+$0x18400] =	vst v10;
	s3 =	smov.u32 s1  }
0x20f: {  	v10 =	vld [tilespmem:s7+$0x0]  }
0x210: {  	v11 =	vld [tilespmem:s6+$0x0];
	_ =	sdelay $0x1  }
0x211: {  	s1 =	sadd.s32 s9, s2  }
0x212: {  	v12 =	vmov s1  }
.Ltmp13:
0x213: {  	v13 =	vor.u32 s1, v0;
	v14 =	vand.u32 $0x3F80, v12;
	v10 =	vadd.s32 $0xFFFFFFFF, v10;
	(pc) =	sbr.rel @p0 .LBB2_28-.Ltmp13, $4  }
0x214: {  	v13 =	vand.u32 $0x7F, v13;
	vm1 =	vlt.u32 v12, $0x4000;
	v15 =	vor.u32 v11, v10  }
0x215: {  	vm3 =	vne.s32 v13, $0x0;
	v12 =	vor.u32 v13, v14;
	vm2 =	vlt.u32 v15, $0x80  }
0x216: {  	v13 =	vshll.u32 v11, $0x7;
	v11 =	vadd.s32 $0xFFFFFFFF, v12;
	vm1 =	vmand vm1, vm2  }
0x217: {  	s8 =	smov.u32 s23;
	s7 =	sadd.s32 $0x10, s7;
	s6 =	sadd.s32 $0x10, s6;
	v10 =	vadd.s32 v13, v10;
	vm1 =	vmand vm3, vm1  }
0x218: {  	v11 =	vnsel vm1, $0x4000, v11  }
0x219: {  	v10 =	vnsel vm1, $0x0, v10;
	[tilespmem:s5+$0x0] =	vst v11  }
0x21a: {  	[tilespmem:s3+$0x18400] =	vst v10;
	s3 =	simm.s32 $0x14600  }
0x21b: {  	s4 =	simm.s32 $0x14400;
	v10 =	vld [tilespmem:s3+$0x0]  }
0x21c: {  	v11 =	vld [tilespmem:s4+$0x0];
	_ =	sdelay $0x4  }
0x21d: {  	v12 =	vor.u32 v11, v10  }
0x21e: {  	vm15 =	vlt.u32 v12, $0x80  }
0x21f: {  	v11 =	vshll.u32 v11, $0x7;
	vm0 =	vmand vm0, vm15  }
0x220: {  	s6 =	simm.s32 $0x10;
	s5 =	simm.s32 $0x16200;
	v10 =	vadd.s32 v10, v11;
	v11 =	vnsel vm0, $0x4000, v9  }
0x221: {  	s8 =	sand.u32 $0x1F0, s0;
	s0 =	simm.s32 $0x14400;
	s7 =	simm.s32 $0x14600;
	v9 =	vnsel vm0, $0x0, v10;
	[tilespmem:s5+$0x0] =	vst v11  }
.LBB2_30:
0x222: {  	[tilespmem:s8+$0x18600] =	vst v9;
	s5 =	sadd.s32 $0x10, s5;
	s0 =	sadd.s32 $0x10, s0;
	s7 =	sadd.s32 $0x10, s7  }
0x223: {  	p0 =	sne.s32 s6, $0x1F0;
	s1 =	smov.u32 s6;
	s6 =	sadd.s32 $0x10, s6;
	v9 =	vld [tilespmem:s7+$0x0]  }
0x224: {  	v10 =	vld [tilespmem:s0+$0x0];
	_ =	sdelay $0x3  }
0x225: {  	s8 =	sadd.s32 s1, s2  }
.Ltmp14:
0x226: {  	v11 =	vmov s8;
	v12 =	vor.u32 v10, v9;
	v10 =	vshll.u32 v10, $0x7;
	(pc) =	sbr.rel @p0 .LBB2_30-.Ltmp14, $4  }
0x227: {  	vm1 =	vlt.u32 v11, $0x4000;
	vm0 =	vlt.u32 v12, $0x80;
	v9 =	vadd.s32 v9, v10  }
0x228: {  	v10 =	vor.u32 s8, v0;
	vm0 =	vmand vm1, vm0  }
0x229: {  	v10 =	vnsel vm0, $0x4000, v10  }
0x22a: {  	s8 =	sand.u32 $0x1F0, s1;
	v9 =	vnsel vm0, $0x0, v9;
	[tilespmem:s5+$0x0] =	vst v10  }
0x22b: {  	[tilespmem:s8+$0x18600] =	vst v9  }
0x22c: {  	v10 =	vld [tilespmem:s3+$0x0]  }
0x22d: {  	v11 =	vld [tilespmem:s4+$0x0];
	_ =	sdelay $0x2  }
0x22e: {  	s4 =	sadd.s32 $0x0, s2  }
0x22f: {  	v9 =	vmov s4;
	v12 =	vor.u32 s4, v0;
	v13 =	vadd.s32 $0x1, v10  }
0x230: {  	v14 =	vand.u32 $0x3F80, v9;
	v10 =	vand.u32 $0x7F, v12;
	v12 =	vor.u32 v11, v13  }
0x231: {  	s5 =	simm.s32 $0x0;
	vm0 =	vlt.u32 v9, $0x4000;
	vm2 =	vne.s32 v10, $0x7F;
	vm1 =	vlt.u32 v12, $0x80  }
0x232: {  	s9 =	simm.s32 $0x10;
	s7 =	simm.s32 $0x14410;
	s8 =	simm.s32 $0x14610;
	v11 =	vshll.u32 v11, $0x7;
	v12 =	vor.u32 v14, v10;
	vm0 =	vmand vm0, vm1  }
0x233: {  	s6 =	simm.s32 $0x16400;
	s3 =	simm.s32 $0x16400;
	s0 =	sand.u32 $0x1F0, s5;
	v11 =	vadd.s32 v11, v13;
	v12 =	vadd.s32 $0x1, v12;
	vm0 =	vmand vm2, vm0  }
.LBB2_32:
0x234: {  	s1 =	sand.u32 $0x1F0, s9  }
0x235: {  	v12 =	vnsel vm0, $0x4000, v12;
	s3 =	sadd.s32 $0x10, s3;
	s23 =	smov.u32 s9;
	s31 =	sadd.s32 $0x10, s9  }
0x236: {  	p0 =	sne.s32 s9, $0x1F0;
	v11 =	vnsel vm0, $0x0, v11;
	[tilespmem:s6+$0x0] =	vst v12;
	s6 =	smov.u32 s3  }
0x237: {  	[tilespmem:s0+$0x18800] =	vst v11;
	s0 =	smov.u32 s1  }
0x238: {  	v11 =	vld [tilespmem:s8+$0x0]  }
0x239: {  	v12 =	vld [tilespmem:s7+$0x0];
	_ =	sdelay $0x1  }
0x23a: {  	s1 =	sadd.s32 s23, s2  }
0x23b: {  	v13 =	vmov s1  }
.Ltmp15:
0x23c: {  	v14 =	vor.u32 s1, v0;
	v15 =	vand.u32 $0x3F80, v13;
	v11 =	vadd.s32 $0x1, v11;
	(pc) =	sbr.rel @p0 .LBB2_32-.Ltmp15, $4  }
0x23d: {  	v14 =	vand.u32 $0x7F, v14;
	vm0 =	vlt.u32 v13, $0x4000;
	v16 =	vor.u32 v12, v11  }
0x23e: {  	vm2 =	vne.s32 v14, $0x7F;
	v13 =	vor.u32 v15, v14;
	vm1 =	vlt.u32 v16, $0x80  }
0x23f: {  	v14 =	vshll.u32 v12, $0x7;
	v12 =	vadd.s32 $0x1, v13;
	vm0 =	vmand vm0, vm1  }
0x240: {  	s9 =	smov.u32 s31;
	s8 =	sadd.s32 $0x10, s8;
	s7 =	sadd.s32 $0x10, s7;
	v11 =	vadd.s32 v14, v11;
	vm0 =	vmand vm2, vm0  }
0x241: {  	v12 =	vnsel vm0, $0x4000, v12  }
0x242: {  	v11 =	vnsel vm0, $0x0, v11;
	[tilespmem:s6+$0x0] =	vst v12  }
0x243: {  	[tilespmem:s0+$0x18800] =	vst v11;
	s0 =	simm.s32 $0x14400  }
0x244: {  	s3 =	simm.s32 $0x14600;
	v11 =	vld [tilespmem:s0+$0x0]  }
0x245: {  	v12 =	vld [tilespmem:s3+$0x0];
	_ =	sdelay $0x4  }
0x246: {  	v13 =	vadd.s32 $0x1, v11;
	v14 =	vadd.s32 $0xFFFFFFFF, v12  }
0x247: {  	v13 =	vor.u32 v13, v14  }
0x248: {  	vm14 =	vlt.u32 v9, $0x3F80;
	v11 =	vshll.u32 v11, $0x7;
	vm1 =	vlt.u32 v13, $0x80  }
0x249: {  	vm15 =	vne.s32 v10, $0x0;
	v9 =	vadd.s32 v11, v12;
	vm0 =	vmand vm14, vm1  }
0x24a: {  	s7 =	simm.s32 $0x10;
	v10 =	vadd.s32 s4, v5;
	s8 =	sand.u32 $0x1F0, s5;
	v9 =	vadd.s32 $0x7F, v9;
	vm0 =	vmand vm15, vm0  }
0x24b: {  	s4 =	simm.s32 $0x14400;
	s5 =	simm.s32 $0x14600;
	s6 =	simm.s32 $0x16600;
	v9 =	vnsel vm0, $0x0, v9;
	v10 =	vnsel vm0, $0x4000, v10  }
.LBB2_34:
0x24c: {  	[tilespmem:s6+$0x0] =	vst v10;
	s6 =	sadd.s32 $0x10, s6;
	s4 =	sadd.s32 $0x10, s4;
	s5 =	sadd.s32 $0x10, s5  }
0x24d: {  	p0 =	sne.s32 s7, $0x1F0;
	s1 =	smov.u32 s7;
	s7 =	sadd.s32 $0x10, s7;
	[tilespmem:s8+$0x18A00] =	vst v9  }
0x24e: {  	v9 =	vld [tilespmem:s4+$0x0]  }
0x24f: {  	v10 =	vld [tilespmem:s5+$0x0];
	_ =	sdelay $0x3  }
0x250: {  	s8 =	sadd.s32 s1, s2;
	v11 =	vshll.u32 v9, $0x7  }
0x251: {  	v12 =	vmov s8;
	v9 =	vadd.s32 $0x1, v9;
	v13 =	vadd.s32 $0xFFFFFFFF, v10  }
.Ltmp16:
0x252: {  	v14 =	vor.u32 s8, v0;
	vm0 =	vlt.u32 v12, $0x3F80;
	v9 =	vor.u32 v9, v13;
	(pc) =	sbr.rel @p0 .LBB2_34-.Ltmp16, $4  }
0x253: {  	v12 =	vand.u32 $0x7F, v14;
	vm1 =	vlt.u32 v9, $0x80;
	v9 =	vadd.s32 v11, v10  }
0x254: {  	v10 =	vadd.s32 s8, v5;
	vm0 =	vmand vm0, vm1;
	vm1 =	vne.s32 v12, $0x0  }
0x255: {  	v9 =	vadd.s32 $0x7F, v9;
	vm0 =	vmand vm1, vm0  }
0x256: {  	s8 =	sand.u32 $0x1F0, s1;
	v9 =	vnsel vm0, $0x0, v9;
	v10 =	vnsel vm0, $0x4000, v10  }
0x257: {  	[tilespmem:s6+$0x0] =	vst v10  }
0x258: {  	[tilespmem:s8+$0x18A00] =	vst v9  }
0x259: {  	v9 =	vld [tilespmem:s0+$0x0]  }
0x25a: {  	v10 =	vld [tilespmem:s3+$0x0];
	_ =	sdelay $0x2  }
0x25b: {  	s4 =	sadd.s32 $0x0, s2  }
0x25c: {  	v11 =	vmov s4;
	v12 =	vadd.s32 $0x1, v9  }
0x25d: {  	v13 =	vand.u32 $0x3FFF, v11;
	vm0 =	vlt.u32 v11, $0x3F80;
	v12 =	vor.u32 v10, v12  }
0x25e: {  	v13 =	vor.u32 v0, v13;
	v9 =	vshll.u32 v9, $0x7;
	vm1 =	vlt.u32 v12, $0x80  }
0x25f: {  	v9 =	vadd.s32 v10, v9;
	v10 =	vadd.s32 $0x80, v13;
	vm1 =	vmand vm0, vm1  }
0x260: {  	s5 =	simm.s32 $0x0;
	s6 =	simm.s32 $0x16800;
	s23 =	sld [smem:$0x7FA];
	v9 =	vadd.s32 $0x80, v9;
	v10 =	vnsel vm1, $0x4000, v10  }
0x261: {  	s7 =	simm.s32 $0x10;
	s9 =	sld [smem:$0x7FD];
	s8 =	sand.u32 $0x1F0, s5;
	v9 =	vnsel vm1, $0x0, v9;
	[tilespmem:s6+$0x0] =	vst v10  }
.LBB2_36:
0x262: {  	[tilespmem:s8+$0x18C00] =	vst v9;
	s6 =	sadd.s32 $0x10, s6;
	s0 =	sadd.s32 $0x10, s0;
	s3 =	sadd.s32 $0x10, s3  }
0x263: {  	p0 =	sne.s32 s7, $0x1F0;
	s1 =	smov.u32 s7;
	s7 =	sadd.s32 $0x10, s7;
	v9 =	vld [tilespmem:s0+$0x0]  }
0x264: {  	v10 =	vld [tilespmem:s3+$0x0];
	_ =	sdelay $0x2  }
0x265: {  	s8 =	sadd.s32 s1, s2  }
0x266: {  	v11 =	vmov s8;
	v12 =	vadd.s32 $0x1, v9;
	v9 =	vshll.u32 v9, $0x7  }
.Ltmp17:
0x267: {  	v13 =	vand.u32 $0x3FFF, v11;
	v12 =	vor.u32 v10, v12;
	v9 =	vadd.s32 v10, v9;
	(pc) =	sbr.rel @p0 .LBB2_36-.Ltmp17, $4  }
0x268: {  	vm2 =	vlt.u32 v11, $0x3F80;
	v10 =	vor.u32 v0, v13;
	vm1 =	vlt.u32 v12, $0x80  }
0x269: {  	v10 =	vadd.s32 $0x80, v10;
	vm1 =	vmand vm2, vm1  }
0x26a: {  	v9 =	vadd.s32 $0x80, v9;
	v10 =	vnsel vm1, $0x4000, v10  }
0x26b: {  	s8 =	sand.u32 $0x1F0, s1;
	v9 =	vnsel vm1, $0x0, v9;
	[tilespmem:s6+$0x0] =	vst v10  }
0x26c: {  	[tilespmem:s8+$0x18C00] =	vst v9;
	s0 =	simm.s32 $0x14400  }
0x26d: {  	s3 =	simm.s32 $0x14600;
	v9 =	vld [tilespmem:s0+$0x0]  }
0x26e: {  	v10 =	vld [tilespmem:s3+$0x0];
	_ =	sdelay $0x4  }
0x26f: {  	v11 =	vadd.s32 $0x1, v9;
	v12 =	vadd.s32 $0x1, v10  }
0x270: {  	v13 =	vor.u32 s4, v0;
	v11 =	vor.u32 v11, v12  }
0x271: {  	v63 =	vand.u32 $0x7F, v13;
	v9 =	vshll.u32 v9, $0x7;
	vm1 =	vlt.u32 v11, $0x80  }
0x272: {  	vm15 =	vne.s32 v63, $0x7F;
	v9 =	vadd.s32 v9, v10;
	vm0 =	vmand vm0, vm1  }
0x273: {  	v10 =	vadd.s32 s4, v6;
	v9 =	vadd.s32 $0x81, v9;
	vm0 =	vmand vm15, vm0  }
0x274: {  	s6 =	simm.s32 $0x10;
	s5 =	sand.u32 $0x1F0, s5;
	s4 =	simm.s32 $0x16A00;
	v9 =	vnsel vm0, $0x0, v9;
	v10 =	vnsel vm0, $0x4000, v10  }
.LBB2_38:
0x275: {  	[tilespmem:s4+$0x0] =	vst v10;
	s4 =	sadd.s32 $0x10, s4;
	s0 =	sadd.s32 $0x10, s0;
	s3 =	sadd.s32 $0x10, s3  }
0x276: {  	p0 =	sne.s32 s6, $0x1F0;
	s1 =	smov.u32 s6;
	s6 =	sadd.s32 $0x10, s6;
	[tilespmem:s5+$0x18E00] =	vst v9  }
0x277: {  	v9 =	vld [tilespmem:s0+$0x0]  }
0x278: {  	v10 =	vld [tilespmem:s3+$0x0];
	_ =	sdelay $0x3  }
0x279: {  	s5 =	sadd.s32 s1, s2;
	v11 =	vshll.u32 v9, $0x7  }
0x27a: {  	v12 =	vmov s5;
	v9 =	vadd.s32 $0x1, v9;
	v13 =	vadd.s32 $0x1, v10  }
.Ltmp18:
0x27b: {  	v14 =	vor.u32 s5, v0;
	vm0 =	vlt.u32 v12, $0x3F80;
	v9 =	vor.u32 v9, v13;
	(pc) =	sbr.rel @p0 .LBB2_38-.Ltmp18, $4  }
0x27c: {  	v12 =	vand.u32 $0x7F, v14;
	vm1 =	vlt.u32 v9, $0x80;
	v9 =	vadd.s32 v11, v10  }
0x27d: {  	v10 =	vadd.s32 s5, v6;
	vm0 =	vmand vm0, vm1;
	vm1 =	vne.s32 v12, $0x7F  }
0x27e: {  	v9 =	vadd.s32 $0x81, v9;
	vm0 =	vmand vm1, vm0  }
0x27f: {  	s5 =	sand.u32 $0x1F0, s1;
	v9 =	vnsel vm0, $0x0, v9;
	v10 =	vnsel vm0, $0x4000, v10  }
0x280: {  	[tilespmem:s4+$0x0] =	vst v10  }
0x281: {  	[tilespmem:s5+$0x18E00] =	vst v9  }
0x282: {  	[spmem:s22] =	stream.linear.scatter [tilespmem:s10], [sflag:$0x1], $0x2000, $0x38;
	[tilespmem:$0x1E080] =	vst v63  }
0x283: {  	_ =	swait.ge [sflag:s12], $0x2000  }
0x284: {  	s0 =	sld [smem:$0x7EA]  }
0x285: {  	[sflag:s12] =	ssyncset.done $0x0  }
0x286: {  	[sflag:s12] =	ssyncadd.s32 $0xFFFFE000  }
0x287: {  	[spmem:s0] =	stream.linear.scatter [tilespmem:s10], [sflag:$0x1], $0x2000, $0x38;
	[tilespmem:$0x1E080] =	vst v63  }
0x288: {  	_ =	swait.ge [sflag:s12], $0x2000  }
0x289: {  	s7 =	sld [smem:$0x7EB]  }
0x28a: {  	[sflag:s12] =	ssyncset.done $0x0  }
0x28b: {  	[sflag:s12] =	ssyncadd.s32 $0xFFFFE000  }
0x28c: {  	[spmem:s7] =	stream.linear.scatter [tilespmem:s10], [sflag:$0x1], $0x2000, $0x38;
	[tilespmem:$0x1E080] =	vst v63  }
0x28d: {  	_ =	swait.ge [sflag:s12], $0x2000  }
0x28e: {  	s8 =	sld [smem:$0x7EC]  }
0x28f: {  	[sflag:s12] =	ssyncset.done $0x0  }
0x290: {  	[sflag:s12] =	ssyncadd.s32 $0xFFFFE000  }
0x291: {  	[spmem:s8] =	stream.linear.scatter [tilespmem:s10], [sflag:$0x1], $0x2000, $0x38;
	[tilespmem:$0x1E080] =	vst v63  }
0x292: {  	_ =	swait.ge [sflag:s12], $0x2000  }
0x293: {  	s1 =	sld [smem:$0x7ED]  }
0x294: {  	[sflag:s12] =	ssyncset.done $0x0  }
0x295: {  	[sflag:s12] =	ssyncadd.s32 $0xFFFFE000  }
0x296: {  	[spmem:s1] =	stream.linear.scatter [tilespmem:s10], [sflag:$0x1], $0x2000, $0x38;
	[tilespmem:$0x1E080] =	vst v63  }
0x297: {  	_ =	swait.ge [sflag:s12], $0x2000  }
0x298: {  	s3 =	sld [smem:$0x7EE]  }
0x299: {  	[sflag:s12] =	ssyncset.done $0x0  }
0x29a: {  	[sflag:s12] =	ssyncadd.s32 $0xFFFFE000  }
0x29b: {  	[spmem:s3] =	stream.linear.scatter [tilespmem:s10], [sflag:$0x1], $0x2000, $0x38;
	[tilespmem:$0x1E080] =	vst v63  }
0x29c: {  	_ =	swait.ge [sflag:s12], $0x2000  }
0x29d: {  	s4 =	sld [smem:$0x7EF]  }
0x29e: {  	[sflag:s12] =	ssyncset.done $0x0  }
0x29f: {  	[sflag:s12] =	ssyncadd.s32 $0xFFFFE000  }
0x2a0: {  	[spmem:s4] =	stream.linear.scatter [tilespmem:s10], [sflag:$0x1], $0x2000, $0x38;
	[tilespmem:$0x1E080] =	vst v63  }
0x2a1: {  	_ =	swait.ge [sflag:s12], $0x2000  }
0x2a2: {  	s5 =	sld [smem:$0x7F0]  }
0x2a3: {  	[sflag:s12] =	ssyncset.done $0x0  }
0x2a4: {  	[sflag:s12] =	ssyncadd.s32 $0xFFFFE000  }
0x2a5: {  	[spmem:s5] =	stream.linear.scatter [tilespmem:s10], [sflag:$0x1], $0x2000, $0x38;
	[tilespmem:$0x1E080] =	vst v63  }
0x2a6: {  	_ =	swait.ge [sflag:s12], $0x2000  }
0x2a7: {  	s6 =	sld [smem:$0x7F7]  }
0x2a8: {  	[sflag:s12] =	ssyncset.done $0x0  }
0x2a9: {  	s1 =	simm.s32 $0x1D880;
	[sflag:s12] =	ssyncadd.s32 $0xFFFFE000  }
0x2aa: {  	[spmem:s6] =	stream.linear.scatter [tilespmem:s1], [sflag:$0x1], $0x800, $0x38;
	[tilespmem:$0x1E080] =	vst v63  }
0x2ab: {  	_ =	swait.ge [sflag:s12], $0x800  }
0x2ac: {  	s7 =	sld [smem:$0x7F1]  }
0x2ad: {  	[sflag:s12] =	ssyncset.done $0x0  }
0x2ae: {  	[sflag:s12] =	ssyncadd.s32 $0xFFFFF800  }
0x2af: {  	[spmem:s7] =	stream.linear.scatter [tilespmem:s1], [sflag:$0x1], $0x800, $0x38;
	[tilespmem:$0x1E080] =	vst v63  }
0x2b0: {  	_ =	swait.ge [sflag:s12], $0x800  }
0x2b1: {  	s8 =	sld [smem:$0x7F2]  }
0x2b2: {  	[sflag:s12] =	ssyncset.done $0x0  }
0x2b3: {  	[sflag:s12] =	ssyncadd.s32 $0xFFFFF800  }
0x2b4: {  	[spmem:s8] =	stream.linear.scatter [tilespmem:s1], [sflag:$0x1], $0x800, $0x38;
	[tilespmem:$0x1E080] =	vst v63  }
0x2b5: {  	_ =	swait.ge [sflag:s12], $0x800  }
0x2b6: {  	s3 =	sld [smem:$0x7F3]  }
0x2b7: {  	[sflag:s12] =	ssyncset.done $0x0  }
0x2b8: {  	[sflag:s12] =	ssyncadd.s32 $0xFFFFF800  }
0x2b9: {  	[spmem:s3] =	stream.linear.scatter [tilespmem:s1], [sflag:$0x1], $0x800, $0x38;
	[tilespmem:$0x1E080] =	vst v63  }
0x2ba: {  	_ =	swait.ge [sflag:s12], $0x800  }
0x2bb: {  	s4 =	sld [smem:$0x7F4]  }
0x2bc: {  	[sflag:s12] =	ssyncset.done $0x0  }
0x2bd: {  	[sflag:s12] =	ssyncadd.s32 $0xFFFFF800  }
0x2be: {  	[spmem:s4] =	stream.linear.scatter [tilespmem:s1], [sflag:$0x1], $0x800, $0x38;
	[tilespmem:$0x1E080] =	vst v63  }
0x2bf: {  	_ =	swait.ge [sflag:s12], $0x800  }
0x2c0: {  	s5 =	sld [smem:$0x7F5]  }
0x2c1: {  	[sflag:s12] =	ssyncset.done $0x0  }
0x2c2: {  	[sflag:s12] =	ssyncadd.s32 $0xFFFFF800  }
0x2c3: {  	[spmem:s5] =	stream.linear.scatter [tilespmem:s1], [sflag:$0x1], $0x800, $0x38;
	[tilespmem:$0x1E080] =	vst v63  }
0x2c4: {  	_ =	swait.ge [sflag:s12], $0x800  }
0x2c5: {  	s6 =	sld [smem:$0x7F6]  }
0x2c6: {  	[sflag:s12] =	ssyncset.done $0x0  }
0x2c7: {  	[sflag:s12] =	ssyncadd.s32 $0xFFFFF800  }
0x2c8: {  	[spmem:s6] =	stream.linear.scatter [tilespmem:s1], [sflag:$0x1], $0x800, $0x38;
	[tilespmem:$0x1E080] =	vst v63  }
0x2c9: {  	_ =	swait.ge [sflag:s12], $0x800  }
0x2ca: {  	s7 =	sld [smem:$0x7F8]  }
0x2cb: {  	[sflag:s12] =	ssyncset.done $0x0  }
0x2cc: {  	[sflag:s12] =	ssyncadd.s32 $0xFFFFF800  }
0x2cd: {  	[spmem:s7] =	stream.linear.scatter [tilespmem:s1], [sflag:$0x1], $0x800, $0x38;
	[tilespmem:$0x1E080] =	vst v63  }
0x2ce: {  	_ =	swait.ge [sflag:s12], $0x800  }
0x2cf: {  	[sflag:s12] =	ssyncset.done $0x0  }
0x2d0: {  	[sflag:s12] =	ssyncadd.s32 $0xFFFFF800  }
0x2d1: {  	s0 =	simm.s32 $0x0;
	[bflag:$0x0] =	sbarrier.arrive $0xFFFF  }
0x2d2: {  	v9 =	vld [tilespmem:s0+$0x14800];
	_ =	sdelay $0x4  }
0x2d3: {  	vm0 =	veq.s32 v9, $0x4000  }
0x2d4: {  	v9 =	vsel vm0, $0x1, v7  }
0x2d5: {  	[tilespmem:$0x19000] =	vst v9  }
0x2d6: {  	v9 =	vld [tilespmem:s0+$0x14810];
	_ =	sdelay $0x4  }
0x2d7: {  	vm9 =	veq.s32 v9, $0x4000  }
0x2d8: {  	v9 =	vsel vm9, $0x1, v7  }
0x2d9: {  	[tilespmem:$0x19010] =	vst v9  }
0x2da: {  	v9 =	vld [tilespmem:s0+$0x14820];
	_ =	sdelay $0x4  }
0x2db: {  	vm10 =	veq.s32 v9, $0x4000  }
0x2dc: {  	v9 =	vsel vm10, $0x1, v7  }
0x2dd: {  	[tilespmem:$0x19020] =	vst v9  }
0x2de: {  	v9 =	vld [tilespmem:s0+$0x14830];
	_ =	sdelay $0x4  }
0x2df: {  	vm11 =	veq.s32 v9, $0x4000  }
0x2e0: {  	v9 =	vsel vm11, $0x1, v7  }
0x2e1: {  	[tilespmem:$0x19030] =	vst v9  }
0x2e2: {  	v9 =	vld [tilespmem:s0+$0x14840];
	_ =	sdelay $0x4  }
0x2e3: {  	vm12 =	veq.s32 v9, $0x4000  }
0x2e4: {  	v9 =	vsel vm12, $0x1, v7  }
0x2e5: {  	[tilespmem:$0x19040] =	vst v9  }
0x2e6: {  	v9 =	vld [tilespmem:s0+$0x14850];
	_ =	sdelay $0x4  }
0x2e7: {  	vm13 =	veq.s32 v9, $0x4000  }
0x2e8: {  	v9 =	vsel vm13, $0x1, v7  }
0x2e9: {  	[tilespmem:$0x19050] =	vst v9  }
0x2ea: {  	v9 =	vld [tilespmem:s0+$0x14860];
	_ =	sdelay $0x4  }
0x2eb: {  	vm14 =	veq.s32 v9, $0x4000  }
0x2ec: {  	v9 =	vsel vm14, $0x1, v7  }
0x2ed: {  	[tilespmem:$0x19060] =	vst v9  }
0x2ee: {  	v9 =	vld [tilespmem:s0+$0x14870];
	_ =	sdelay $0x4  }
0x2ef: {  	vm15 =	veq.s32 v9, $0x4000  }
0x2f0: {  	v9 =	vsel vm15, $0x1, v7  }
0x2f1: {  	[tilespmem:$0x19070] =	vst v9  }
0x2f2: {  	[tilespmem:s28], [sflag:$0x1] =	stream.indirect.gather [hbm4b:s13+s25], $0x10, s26, s25, $0xb8;
	[tilespmem:$0x1E080] =	vst v63  }
0x2f3: {  	_ =	swait.ge [sflag:s12], $0x800  }
0x2f4: {  	[sflag:s12] =	ssyncset.done $0x0  }
0x2f5: {  	s31 =	simm.s32 $0x200;
	s8 =	simm.s32 $0x16C00;
	[sflag:s12] =	ssyncadd.s32 $0xFFFFF800  }
0x2f6: {  	[spmem:s18] =	stream.indirect.scatter.add.f32 [tilespmem:s28], [sflag:$0x1], $0x10, s8, s25, $0xb8;
	[tilespmem:$0x1E080] =	vst v63  }
0x2f7: {  	s3 =	simm.s32 $0x0;
	s4 =	simm.s32 $0x200;
	_ =	swait.ge [sflag:s12], $0x800  }
0x2f8: {  	s7 =	simm.s32 $0x400;
	[sflag:s12] =	ssyncset.done $0x0;
	s8 =	sld [smem:$0x7F9]  }
.LBB2_40:
0x2f9: {  	s6 =	sshra.s32 s4, $0x2  }
0x2fa: {  	[sflag:s12] =	ssyncadd.s32 $0xFFFFF800;
	s4 =	smov.u32 s7;
	s5 =	sadd.s32 $0x200, s7  }
0x2fb: {  	p0 =	sne.s32 s7, $0x4600;
	v9 =	vld [tilespmem:s6+$0x14800];
	_ =	sdelay $0x4  }
0x2fc: {  	vm0 =	veq.s32 v9, $0x4000  }
0x2fd: {  	v9 =	vsel vm0, $0x1, v7  }
0x2fe: {  	[tilespmem:$0x19000] =	vst v9  }
0x2ff: {  	v9 =	vld [tilespmem:s6+$0x14810];
	_ =	sdelay $0x4  }
0x300: {  	vm0 =	veq.s32 v9, $0x4000  }
0x301: {  	v9 =	vsel vm0, $0x1, v7  }
0x302: {  	[tilespmem:$0x19010] =	vst v9  }
0x303: {  	v9 =	vld [tilespmem:s6+$0x14820];
	_ =	sdelay $0x4  }
0x304: {  	vm0 =	veq.s32 v9, $0x4000  }
0x305: {  	v9 =	vsel vm0, $0x1, v7  }
0x306: {  	[tilespmem:$0x19020] =	vst v9  }
0x307: {  	v9 =	vld [tilespmem:s6+$0x14830];
	_ =	sdelay $0x4  }
0x308: {  	vm0 =	veq.s32 v9, $0x4000  }
0x309: {  	v9 =	vsel vm0, $0x1, v7  }
0x30a: {  	[tilespmem:$0x19030] =	vst v9  }
0x30b: {  	v9 =	vld [tilespmem:s6+$0x14840];
	_ =	sdelay $0x4  }
0x30c: {  	vm0 =	veq.s32 v9, $0x4000  }
0x30d: {  	v9 =	vsel vm0, $0x1, v7  }
0x30e: {  	[tilespmem:$0x19040] =	vst v9  }
0x30f: {  	v9 =	vld [tilespmem:s6+$0x14850];
	_ =	sdelay $0x4  }
0x310: {  	vm0 =	veq.s32 v9, $0x4000  }
0x311: {  	v9 =	vsel vm0, $0x1, v7  }
0x312: {  	[tilespmem:$0x19050] =	vst v9  }
0x313: {  	v9 =	vld [tilespmem:s6+$0x14860];
	_ =	sdelay $0x4  }
0x314: {  	vm0 =	veq.s32 v9, $0x4000  }
0x315: {  	v9 =	vsel vm0, $0x1, v7  }
0x316: {  	[tilespmem:$0x19060] =	vst v9  }
0x317: {  	v9 =	vld [tilespmem:s6+$0x14870];
	_ =	sdelay $0x4  }
0x318: {  	vm0 =	veq.s32 v9, $0x4000  }
0x319: {  	v9 =	vsel vm0, $0x1, v7  }
0x31a: {  	[tilespmem:$0x19070] =	vst v9  }
0x31b: {  	[tilespmem:s28], [sflag:$0x1] =	stream.indirect.gather [hbm4b:s13+s25], $0x10, s26, s25, $0xb8;
	[tilespmem:$0x1E080] =	vst v63  }
0x31c: {  	_ =	swait.ge [sflag:s12], $0x800  }
.Ltmp19:
0x31d: {  	[sflag:s12] =	ssyncset.done $0x0;
	(pc) =	sbr.rel @p0 .LBB2_40-.Ltmp19, $4  }
0x31e: {  	s1 =	sadd.s32 $0x16C00, s6;
	[sflag:s12] =	ssyncadd.s32 $0xFFFFF800  }
0x31f: {  	[spmem:s18] =	stream.indirect.scatter.add.f32 [tilespmem:s28], [sflag:$0x1], $0x10, s1, s25, $0xb8;
	[tilespmem:$0x1E080] =	vst v63  }
0x320: {  	_ =	swait.ge [sflag:s12], $0x800  }
0x321: {  	s7 =	smov.u32 s5;
	[sflag:s12] =	ssyncset.done $0x0  }
0x322: {  	s1 =	sshra.s32 s4, $0x2;
	[sflag:s12] =	ssyncadd.s32 $0xFFFFF800  }
0x323: {  	v9 =	vld [tilespmem:s1+$0x14800];
	_ =	sdelay $0x4  }
0x324: {  	vm0 =	veq.s32 v9, $0x4000  }
0x325: {  	v9 =	vsel vm0, $0x1, v7  }
0x326: {  	[tilespmem:$0x19000] =	vst v9  }
0x327: {  	v9 =	vld [tilespmem:s1+$0x14810];
	_ =	sdelay $0x4  }
0x328: {  	vm9 =	veq.s32 v9, $0x4000  }
0x329: {  	v9 =	vsel vm9, $0x1, v7  }
0x32a: {  	[tilespmem:$0x19010] =	vst v9  }
0x32b: {  	v9 =	vld [tilespmem:s1+$0x14820];
	_ =	sdelay $0x4  }
0x32c: {  	vm10 =	veq.s32 v9, $0x4000  }
0x32d: {  	v9 =	vsel vm10, $0x1, v7  }
0x32e: {  	[tilespmem:$0x19020] =	vst v9  }
0x32f: {  	v9 =	vld [tilespmem:s1+$0x14830];
	_ =	sdelay $0x4  }
0x330: {  	vm11 =	veq.s32 v9, $0x4000  }
0x331: {  	v9 =	vsel vm11, $0x1, v7  }
0x332: {  	[tilespmem:$0x19030] =	vst v9  }
0x333: {  	v9 =	vld [tilespmem:s1+$0x14840];
	_ =	sdelay $0x4  }
0x334: {  	vm12 =	veq.s32 v9, $0x4000  }
0x335: {  	v9 =	vsel vm12, $0x1, v7  }
0x336: {  	[tilespmem:$0x19040] =	vst v9  }
0x337: {  	v9 =	vld [tilespmem:s1+$0x14850];
	_ =	sdelay $0x4  }
0x338: {  	vm13 =	veq.s32 v9, $0x4000  }
0x339: {  	v9 =	vsel vm13, $0x1, v7  }
0x33a: {  	[tilespmem:$0x19050] =	vst v9  }
0x33b: {  	v9 =	vld [tilespmem:s1+$0x14860];
	_ =	sdelay $0x4  }
0x33c: {  	vm14 =	veq.s32 v9, $0x4000  }
0x33d: {  	v9 =	vsel vm14, $0x1, v7  }
0x33e: {  	[tilespmem:$0x19060] =	vst v9  }
0x33f: {  	v9 =	vld [tilespmem:s1+$0x14870];
	_ =	sdelay $0x4  }
0x340: {  	vm15 =	veq.s32 v9, $0x4000  }
0x341: {  	v9 =	vsel vm15, $0x1, v7  }
0x342: {  	[tilespmem:$0x19070] =	vst v9  }
0x343: {  	[tilespmem:s28], [sflag:$0x1] =	stream.indirect.gather [hbm4b:s13+s25], $0x10, s26, s25, $0xb8;
	[tilespmem:$0x1E080] =	vst v63  }
0x344: {  	_ =	swait.ge [sflag:s12], $0x800  }
0x345: {  	p1 =	por $0x0, $0x0;
	[sflag:s12] =	ssyncset.done $0x0  }
.Ltmp20:
0x346: {  	s1 =	sadd.s32 $0x16C00, s1;
	[sflag:s12] =	ssyncadd.s32 $0xFFFFF800;
	(pc) =	sbr.rel @p1 .LBB2_46-.Ltmp20, $4  }
0x347: {  	[spmem:s18] =	stream.indirect.scatter.add.f32 [tilespmem:s28], [sflag:$0x1], $0x10, s1, s25, $0xb8;
	[tilespmem:$0x1E080] =	vst v63  }
0x348: {  	_ =	swait.ge [sflag:s12], $0x800  }
0x349: {  	[sflag:s12] =	ssyncset.done $0x0;
	s6 =	sld [smem:$0x7FB]  }
0x34a: {  	p0 =	por $0x0, $0x0;
	s7 =	sld [smem:$0x7FC];
	[sflag:s12] =	ssyncadd.s32 $0xFFFFF800  }
0x34b: {  	v9 =	vld [tilespmem:s0+$0x15A00];
	_ =	sdelay $0x4  }
0x34c: {  	vm0 =	veq.s32 v9, $0x4000  }
0x34d: {  	v9 =	vsel vm0, $0x3, v8  }
0x34e: {  	[tilespmem:$0x19000] =	vst v9  }
0x34f: {  	v9 =	vld [tilespmem:s0+$0x15A10];
	_ =	sdelay $0x4  }
0x350: {  	vm9 =	veq.s32 v9, $0x4000  }
0x351: {  	v9 =	vsel vm9, $0x3, v8  }
0x352: {  	[tilespmem:$0x19010] =	vst v9  }
0x353: {  	v9 =	vld [tilespmem:s0+$0x15A20];
	_ =	sdelay $0x4  }
0x354: {  	vm10 =	veq.s32 v9, $0x4000  }
0x355: {  	v9 =	vsel vm10, $0x3, v8  }
0x356: {  	[tilespmem:$0x19020] =	vst v9  }
0x357: {  	v9 =	vld [tilespmem:s0+$0x15A30];
	_ =	sdelay $0x4  }
0x358: {  	vm11 =	veq.s32 v9, $0x4000  }
0x359: {  	v9 =	vsel vm11, $0x3, v8  }
0x35a: {  	[tilespmem:$0x19030] =	vst v9  }
0x35b: {  	v9 =	vld [tilespmem:s0+$0x15A40];
	_ =	sdelay $0x4  }
0x35c: {  	vm12 =	veq.s32 v9, $0x4000  }
0x35d: {  	v9 =	vsel vm12, $0x3, v8  }
0x35e: {  	[tilespmem:$0x19040] =	vst v9  }
0x35f: {  	v9 =	vld [tilespmem:s0+$0x15A50];
	_ =	sdelay $0x4  }
0x360: {  	vm13 =	veq.s32 v9, $0x4000  }
0x361: {  	v9 =	vsel vm13, $0x3, v8  }
0x362: {  	[tilespmem:$0x19050] =	vst v9  }
0x363: {  	v9 =	vld [tilespmem:s0+$0x15A60];
	_ =	sdelay $0x4  }
0x364: {  	vm14 =	veq.s32 v9, $0x4000  }
0x365: {  	v9 =	vsel vm14, $0x3, v8  }
0x366: {  	[tilespmem:$0x19060] =	vst v9  }
0x367: {  	v9 =	vld [tilespmem:s0+$0x15A70];
	_ =	sdelay $0x4  }
0x368: {  	vm15 =	veq.s32 v9, $0x4000  }
0x369: {  	v9 =	vsel vm15, $0x3, v8  }
0x36a: {  	[tilespmem:$0x19070] =	vst v9  }
0x36b: {  	[tilespmem:s28], [sflag:$0x1] =	stream.indirect.gather [hbm4b:s13+s25], $0x10, s26, s25, $0xb8;
	[tilespmem:$0x1E080] =	vst v63  }
0x36c: {  	p1 =	por $0x0, $0x0;
	_ =	swait.ge [sflag:s12], $0x800  }
.Ltmp21:
0x36d: {  	[sflag:s12] =	ssyncset.done $0x0;
	(pc) =	sbr.rel @p1 .LBB2_43-.Ltmp21, $4  }
0x36e: {  	s5 =	simm.s32 $0x17E00;
	[sflag:s12] =	ssyncadd.s32 $0xFFFFF800  }
0x36f: {  	[spmem:s18] =	stream.indirect.scatter.add.f32 [tilespmem:s28], [sflag:$0x1], $0x10, s5, s25, $0xb8;
	[tilespmem:$0x1E080] =	vst v63  }
0x370: {  	_ =	swait.ge [sflag:s12], $0x800  }
0x371: {  	s4 =	simm.s32 $0x400;
	p0 =	por $0x1, $0x1;
	[sflag:s12] =	ssyncset.done $0x0  }
.LBB2_44:
0x372: {  	s3 =	sshra.s32 s31, $0x2  }
0x373: {  	[sflag:s12] =	ssyncadd.s32 $0xFFFFF800;
	s31 =	smov.u32 s4;
	s0 =	sadd.s32 $0x200, s4  }
0x374: {  	p1 =	seq.s32 s4, $0x4600;
	v9 =	vld [tilespmem:s3+$0x15A00];
	_ =	sdelay $0x4  }
0x375: {  	vm0 =	veq.s32 v9, $0x4000  }
0x376: {  	v9 =	vsel vm0, $0x3, v8  }
0x377: {  	[tilespmem:$0x19000] =	vst v9  }
0x378: {  	v9 =	vld [tilespmem:s3+$0x15A10];
	_ =	sdelay $0x4  }
0x379: {  	vm0 =	veq.s32 v9, $0x4000  }
0x37a: {  	v9 =	vsel vm0, $0x3, v8  }
0x37b: {  	[tilespmem:$0x19010] =	vst v9  }
0x37c: {  	v9 =	vld [tilespmem:s3+$0x15A20];
	_ =	sdelay $0x4  }
0x37d: {  	vm0 =	veq.s32 v9, $0x4000  }
0x37e: {  	v9 =	vsel vm0, $0x3, v8  }
0x37f: {  	[tilespmem:$0x19020] =	vst v9  }
0x380: {  	v9 =	vld [tilespmem:s3+$0x15A30];
	_ =	sdelay $0x4  }
0x381: {  	vm0 =	veq.s32 v9, $0x4000  }
0x382: {  	v9 =	vsel vm0, $0x3, v8  }
0x383: {  	[tilespmem:$0x19030] =	vst v9  }
0x384: {  	v9 =	vld [tilespmem:s3+$0x15A40];
	_ =	sdelay $0x4  }
0x385: {  	vm0 =	veq.s32 v9, $0x4000  }
0x386: {  	v9 =	vsel vm0, $0x3, v8  }
0x387: {  	[tilespmem:$0x19040] =	vst v9  }
0x388: {  	v9 =	vld [tilespmem:s3+$0x15A50];
	_ =	sdelay $0x4  }
0x389: {  	vm0 =	veq.s32 v9, $0x4000  }
0x38a: {  	v9 =	vsel vm0, $0x3, v8  }
0x38b: {  	[tilespmem:$0x19050] =	vst v9  }
0x38c: {  	v9 =	vld [tilespmem:s3+$0x15A60];
	_ =	sdelay $0x4  }
0x38d: {  	vm0 =	veq.s32 v9, $0x4000  }
0x38e: {  	v9 =	vsel vm0, $0x3, v8  }
0x38f: {  	[tilespmem:$0x19060] =	vst v9  }
0x390: {  	v9 =	vld [tilespmem:s3+$0x15A70];
	_ =	sdelay $0x4  }
0x391: {  	vm0 =	veq.s32 v9, $0x4000  }
0x392: {  	v9 =	vsel vm0, $0x3, v8  }
0x393: {  	[tilespmem:$0x19070] =	vst v9  }
0x394: {  	[tilespmem:s28], [sflag:$0x1] =	stream.indirect.gather [hbm4b:s13+s25], $0x10, s26, s25, $0xb8;
	[tilespmem:$0x1E080] =	vst v63  }
0x395: {  	_ =	swait.ge [sflag:s12], $0x800  }
.Ltmp22:
0x396: {  	[sflag:s12] =	ssyncset.done $0x0;
	(pc) =	sbr.rel @!p1 .LBB2_44-.Ltmp22, $4  }
0x397: {  	s1 =	sadd.s32 $0x17E00, s3;
	[sflag:s12] =	ssyncadd.s32 $0xFFFFF800  }
0x398: {  	[spmem:s18] =	stream.indirect.scatter.add.f32 [tilespmem:s28], [sflag:$0x1], $0x10, s1, s25, $0xb8;
	[tilespmem:$0x1E080] =	vst v63  }
0x399: {  	_ =	swait.ge [sflag:s12], $0x800  }
0x39a: {  	s4 =	smov.u32 s0;
	[sflag:s12] =	ssyncset.done $0x0  }
0x39b: {  	s3 =	smov.u32 s31  }
.LBB2_46:
0x39c: {  	s0 =	sshra.s32 s3, $0x2;
	[sflag:s12] =	ssyncadd.s32 @p0 $0xFFFFF800  }
0x39d: {  	v9 =	vld [tilespmem:s0+$0x15A00];
	_ =	sdelay $0x4  }
0x39e: {  	vm0 =	veq.s32 v9, $0x4000  }
0x39f: {  	v9 =	vsel vm0, $0x3, v8  }
0x3a0: {  	[tilespmem:$0x19000] =	vst v9  }
0x3a1: {  	v9 =	vld [tilespmem:s0+$0x15A10];
	_ =	sdelay $0x4  }
0x3a2: {  	vm9 =	veq.s32 v9, $0x4000  }
0x3a3: {  	v9 =	vsel vm9, $0x3, v8  }
0x3a4: {  	[tilespmem:$0x19010] =	vst v9  }
0x3a5: {  	v9 =	vld [tilespmem:s0+$0x15A20];
	_ =	sdelay $0x4  }
0x3a6: {  	vm10 =	veq.s32 v9, $0x4000  }
0x3a7: {  	v9 =	vsel vm10, $0x3, v8  }
0x3a8: {  	[tilespmem:$0x19020] =	vst v9  }
0x3a9: {  	v9 =	vld [tilespmem:s0+$0x15A30];
	_ =	sdelay $0x4  }
0x3aa: {  	vm11 =	veq.s32 v9, $0x4000  }
0x3ab: {  	v9 =	vsel vm11, $0x3, v8  }
0x3ac: {  	[tilespmem:$0x19030] =	vst v9  }
0x3ad: {  	v9 =	vld [tilespmem:s0+$0x15A40];
	_ =	sdelay $0x4  }
0x3ae: {  	vm12 =	veq.s32 v9, $0x4000  }
0x3af: {  	v9 =	vsel vm12, $0x3, v8  }
0x3b0: {  	[tilespmem:$0x19040] =	vst v9  }
0x3b1: {  	v9 =	vld [tilespmem:s0+$0x15A50];
	_ =	sdelay $0x4  }
0x3b2: {  	vm13 =	veq.s32 v9, $0x4000  }
0x3b3: {  	v9 =	vsel vm13, $0x3, v8  }
0x3b4: {  	[tilespmem:$0x19050] =	vst v9  }
0x3b5: {  	v9 =	vld [tilespmem:s0+$0x15A60];
	_ =	sdelay $0x4  }
0x3b6: {  	vm14 =	veq.s32 v9, $0x4000  }
0x3b7: {  	v9 =	vsel vm14, $0x3, v8  }
0x3b8: {  	[tilespmem:$0x19060] =	vst v9  }
0x3b9: {  	v9 =	vld [tilespmem:s0+$0x15A70];
	_ =	sdelay $0x4  }
0x3ba: {  	vm15 =	veq.s32 v9, $0x4000  }
0x3bb: {  	v9 =	vsel vm15, $0x3, v8  }
0x3bc: {  	[tilespmem:$0x19070] =	vst v9  }
0x3bd: {  	[tilespmem:s28], [sflag:$0x1] =	stream.indirect.gather [hbm4b:s13+s25], $0x10, s26, s25, $0xb8;
	[tilespmem:$0x1E080] =	vst v63  }
0x3be: {  	_ =	swait.ge [sflag:s12], $0x800  }
0x3bf: {  	[sflag:s12] =	ssyncset.done $0x0  }
0x3c0: {  	s0 =	sadd.s32 $0x17E00, s0;
	[sflag:s12] =	ssyncadd.s32 $0xFFFFF800  }
0x3c1: {  	[spmem:s18] =	stream.indirect.scatter.add.f32 [tilespmem:s28], [sflag:$0x1], $0x10, s0, s25, $0xb8;
	[tilespmem:$0x1E080] =	vst v63  }
0x3c2: {  	_ =	swait.ge [sflag:s12], $0x800  }
0x3c3: {  	[sflag:s12] =	ssyncset.done $0x0  }
0x3c4: {  	s4 =	simm.s32 $0x14800;
	[sflag:s12] =	ssyncadd.s32 $0xFFFFF800  }
0x3c5: {  	[tilespmem:s29], [sflag:$0x1] =	stream.indirect.gather [hbm4b:s11+s25], $0x40, s4, s25, $0xb8;
	[tilespmem:$0x1E080] =	vst v63  }
0x3c6: {  	_ =	swait.ge [sflag:s12], $0x2000  }
0x3c7: {  	[sflag:s12] =	ssyncset.done $0x0  }
0x3c8: {  	s5 =	simm.s32 $0x16C00;
	[sflag:s12] =	ssyncadd.s32 $0xFFFFE000  }
0x3c9: {  	[spmem:s15] =	stream.indirect.scatter.add.f32 [tilespmem:s29], [sflag:$0x1], $0x40, s5, s25, $0xb8;
	[tilespmem:$0x1E080] =	vst v63  }
0x3ca: {  	s3 =	simm.s32 $0x400;
	_ =	swait.ge [sflag:s12], $0x2000  }
0x3cb: {  	s31 =	simm.s32 $0x0;
	s0 =	simm.s32 $0x80;
	[sflag:s12] =	ssyncset.done $0x0  }
.LBB2_47:
0x3cc: {  	s1 =	sadd.s32 $0x14800, s0  }
0x3cd: {  	[sflag:s12] =	ssyncadd.s32 $0xFFFFE000;
	s4 =	smov.u32 s3;
	s5 =	sadd.s32 $0x200, s3  }
0x3ce: {  	[tilespmem:s29], [sflag:$0x1] =	stream.indirect.gather [hbm4b:s11+s25], $0x40, s1, s25, $0xb8;
	[tilespmem:$0x1E080] =	vst v63  }
0x3cf: {  	p0 =	seq.s32 s3, $0x4600;
	_ =	swait.ge [sflag:s12], $0x2000  }
.Ltmp23:
0x3d0: {  	[sflag:s12] =	ssyncset.done $0x0;
	(pc) =	sbr.rel @!p0 .LBB2_47-.Ltmp23, $4  }
0x3d1: {  	s0 =	sadd.s32 $0x16C00, s0;
	[sflag:s12] =	ssyncadd.s32 $0xFFFFE000  }
0x3d2: {  	[spmem:s15] =	stream.indirect.scatter.add.f32 [tilespmem:s29], [sflag:$0x1], $0x40, s0, s25, $0xb8;
	[tilespmem:$0x1E080] =	vst v63  }
0x3d3: {  	_ =	swait.ge [sflag:s12], $0x2000  }
0x3d4: {  	s3 =	smov.u32 s5;
	s0 =	sshra.s32 s4, $0x2;
	[sflag:s12] =	ssyncset.done $0x0  }
0x3d5: {  	s1 =	sadd.s32 $0x14800, s0;
	[sflag:s12] =	ssyncadd.s32 $0xFFFFE000  }
0x3d6: {  	[tilespmem:s29], [sflag:$0x1] =	stream.indirect.gather [hbm4b:s11+s25], $0x40, s1, s25, $0xb8;
	[tilespmem:$0x1E080] =	vst v63  }
0x3d7: {  	_ =	swait.ge [sflag:s12], $0x2000  }
0x3d8: {  	[sflag:s12] =	ssyncset.done $0x0  }
0x3d9: {  	s3 =	sadd.s32 $0x16C00, s0;
	[sflag:s12] =	ssyncadd.s32 $0xFFFFE000  }
0x3da: {  	[spmem:s15] =	stream.indirect.scatter.add.f32 [tilespmem:s29], [sflag:$0x1], $0x40, s3, s25, $0xb8;
	[tilespmem:$0x1E080] =	vst v63  }
0x3db: {  	_ =	swait.ge [sflag:s12], $0x2000  }
0x3dc: {  	[sflag:s12] =	ssyncset.done $0x0  }
0x3dd: {  	s4 =	simm.s32 $0x15A00;
	[sflag:s12] =	ssyncadd.s32 $0xFFFFE000  }
0x3de: {  	[tilespmem:s29], [sflag:$0x1] =	stream.indirect.gather [hbm4b:s14+s25], $0x40, s4, s25, $0xb8;
	[tilespmem:$0x1E080] =	vst v63  }
0x3df: {  	_ =	swait.ge [sflag:s12], $0x2000  }
0x3e0: {  	[sflag:s12] =	ssyncset.done $0x0  }
0x3e1: {  	s5 =	simm.s32 $0x17E00;
	[sflag:s12] =	ssyncadd.s32 $0xFFFFE000  }
0x3e2: {  	[spmem:s15] =	stream.indirect.scatter.add.f32 [tilespmem:s29], [sflag:$0x1], $0x40, s5, s25, $0xb8;
	[tilespmem:$0x1E080] =	vst v63  }
0x3e3: {  	_ =	swait.ge [sflag:s12], $0x2000  }
0x3e4: {  	s0 =	simm.s32 $0x80;
	s3 =	simm.s32 $0x400;
	[sflag:s12] =	ssyncset.done $0x0  }
.LBB2_49:
0x3e5: {  	s1 =	sadd.s32 $0x15A00, s0  }
0x3e6: {  	[sflag:s12] =	ssyncadd.s32 $0xFFFFE000;
	s4 =	smov.u32 s3;
	s5 =	sadd.s32 $0x200, s3  }
0x3e7: {  	[tilespmem:s29], [sflag:$0x1] =	stream.indirect.gather [hbm4b:s14+s25], $0x40, s1, s25, $0xb8;
	[tilespmem:$0x1E080] =	vst v63  }
0x3e8: {  	p0 =	sne.s32 s3, $0x4600;
	_ =	swait.ge [sflag:s12], $0x2000  }
.Ltmp24:
0x3e9: {  	[sflag:s12] =	ssyncset.done $0x0;
	(pc) =	sbr.rel @p0 .LBB2_49-.Ltmp24, $4  }
0x3ea: {  	s0 =	sadd.s32 $0x17E00, s0;
	[sflag:s12] =	ssyncadd.s32 $0xFFFFE000  }
0x3eb: {  	[spmem:s15] =	stream.indirect.scatter.add.f32 [tilespmem:s29], [sflag:$0x1], $0x40, s0, s25, $0xb8;
	[tilespmem:$0x1E080] =	vst v63  }
0x3ec: {  	_ =	swait.ge [sflag:s12], $0x2000  }
0x3ed: {  	s3 =	smov.u32 s5;
	s0 =	sshra.s32 s4, $0x2;
	[sflag:s12] =	ssyncset.done $0x0  }
0x3ee: {  	s1 =	sadd.s32 $0x15A00, s0;
	[sflag:s12] =	ssyncadd.s32 $0xFFFFE000  }
0x3ef: {  	[tilespmem:s29], [sflag:$0x1] =	stream.indirect.gather [hbm4b:s14+s25], $0x40, s1, s25, $0xb8;
	[tilespmem:$0x1E080] =	vst v63  }
0x3f0: {  	_ =	swait.ge [sflag:s12], $0x2000  }
0x3f1: {  	[sflag:s12] =	ssyncset.done $0x0  }
0x3f2: {  	s1 =	sadd.s32 $0x17E00, s0;
	[sflag:s12] =	ssyncadd.s32 $0xFFFFE000  }
0x3f3: {  	[spmem:s15] =	stream.indirect.scatter.add.f32 [tilespmem:s29], [sflag:$0x1], $0x40, s1, s25, $0xb8;
	[tilespmem:$0x1E080] =	vst v63  }
0x3f4: {  	_ =	swait.ge [sflag:s12], $0x2000  }
0x3f5: {  	[sflag:s12] =	ssyncset.done $0x0  }
0x3f6: {  	[sflag:s12] =	ssyncadd.s32 $0xFFFFE000  }
0x3f7: {  	[bflag:$0x0] =	sbarrier.arrive $0xFFFF  }
0x3f8: {  	[tilespmem:s29], [sflag:$0x1] =	stream.linear.gather [spmem:s22], $0x2000, $0x38;
	[tilespmem:$0x1E080] =	vst v63  }
0x3f9: {  	_ =	swait.ge [sflag:s12], $0x2000  }
0x3fa: {  	[sflag:s12] =	ssyncset.done $0x0  }
0x3fb: {  	s0 =	simm.s32 $0x0;
	s3 =	rddreg [dreg:$0xf];
	[sflag:s12] =	ssyncadd.s32 $0xFFFFE000  }
0x3fc: {  	[hbm4b:s3+s0] =	stream.linear.scatter [tilespmem:s29], [sflag:$0x1], $0x2000, $0x38;
	[tilespmem:$0x1E080] =	vst v63  }
0x3fd: {  	_ =	swait.ge [sflag:s12], $0x2000  }
0x3fe: {  	[sflag:s12] =	ssyncset.done $0x0  }
0x3ff: {  	[sflag:s12] =	ssyncadd.s32 $0xFFFFE000  }
0x400: {  	[tilespmem:s29], [sflag:$0x1] =	stream.linear.gather [spmem:s8], $0x2000, $0x38;
	[tilespmem:$0x1E080] =	vst v63  }
0x401: {  	_ =	swait.ge [sflag:s12], $0x2000  }
0x402: {  	[sflag:s12] =	ssyncset.done $0x0  }
0x403: {  	s4 =	rddreg [dreg:$0x10];
	[sflag:s12] =	ssyncadd.s32 $0xFFFFE000  }
0x404: {  	[hbm4b:s4+s0] =	stream.linear.scatter [tilespmem:s29], [sflag:$0x1], $0x2000, $0x38;
	[tilespmem:$0x1E080] =	vst v63  }
0x405: {  	_ =	swait.ge [sflag:s12], $0x2000  }
0x406: {  	[sflag:s12] =	ssyncset.done $0x0  }
0x407: {  	[sflag:s12] =	ssyncadd.s32 $0xFFFFE000  }
0x408: {  	[tilespmem:s29], [sflag:$0x1] =	stream.linear.gather [spmem:s23], $0x2000, $0x38;
	[tilespmem:$0x1E080] =	vst v63  }
0x409: {  	_ =	swait.ge [sflag:s12], $0x2000  }
0x40a: {  	[sflag:s12] =	ssyncset.done $0x0  }
0x40b: {  	s5 =	rddreg [dreg:$0x11];
	[sflag:s12] =	ssyncadd.s32 $0xFFFFE000  }
0x40c: {  	[hbm4b:s5+s0] =	stream.linear.scatter [tilespmem:s29], [sflag:$0x1], $0x2000, $0x38;
	[tilespmem:$0x1E080] =	vst v63  }
0x40d: {  	_ =	swait.ge [sflag:s12], $0x2000  }
0x40e: {  	[sflag:s12] =	ssyncset.done $0x0  }
0x40f: {  	[sflag:s12] =	ssyncadd.s32 $0xFFFFE000  }
0x410: {  	[tilespmem:s29], [sflag:$0x1] =	stream.linear.gather [spmem:s6], $0x2000, $0x38;
	[tilespmem:$0x1E080] =	vst v63  }
0x411: {  	_ =	swait.ge [sflag:s12], $0x2000  }
0x412: {  	[sflag:s12] =	ssyncset.done $0x0  }
0x413: {  	s3 =	rddreg [dreg:$0x12];
	[sflag:s12] =	ssyncadd.s32 $0xFFFFE000  }
0x414: {  	[hbm4b:s3+s0] =	stream.linear.scatter [tilespmem:s29], [sflag:$0x1], $0x2000, $0x38;
	[tilespmem:$0x1E080] =	vst v63  }
0x415: {  	_ =	swait.ge [sflag:s12], $0x2000  }
0x416: {  	[sflag:s12] =	ssyncset.done $0x0  }
0x417: {  	[sflag:s12] =	ssyncadd.s32 $0xFFFFE000  }
0x418: {  	[tilespmem:s29], [sflag:$0x1] =	stream.linear.gather [spmem:s7], $0x2000, $0x38;
	[tilespmem:$0x1E080] =	vst v63  }
0x419: {  	_ =	swait.ge [sflag:s12], $0x2000  }
0x41a: {  	[sflag:s12] =	ssyncset.done $0x0  }
0x41b: {  	s4 =	rddreg [dreg:$0x13];
	[sflag:s12] =	ssyncadd.s32 $0xFFFFE000  }
0x41c: {  	[hbm4b:s4+s0] =	stream.linear.scatter [tilespmem:s29], [sflag:$0x1], $0x2000, $0x38;
	[tilespmem:$0x1E080] =	vst v63  }
0x41d: {  	_ =	swait.ge [sflag:s12], $0x2000  }
0x41e: {  	[sflag:s12] =	ssyncset.done $0x0  }
0x41f: {  	[sflag:s12] =	ssyncadd.s32 $0xFFFFE000  }
0x420: {  	[tilespmem:s29], [sflag:$0x1] =	stream.linear.gather [spmem:s9], $0x2000, $0x38;
	[tilespmem:$0x1E080] =	vst v63  }
0x421: {  	_ =	swait.ge [sflag:s12], $0x2000  }
0x422: {  	[sflag:s12] =	ssyncset.done $0x0  }
0x423: {  	s5 =	rddreg [dreg:$0x14];
	[sflag:s12] =	ssyncadd.s32 $0xFFFFE000  }
0x424: {  	[hbm4b:s5+s0] =	stream.linear.scatter [tilespmem:s29], [sflag:$0x1], $0x2000, $0x38;
	[tilespmem:$0x1E080] =	vst v63  }
0x425: {  	_ =	swait.ge [sflag:s12], $0x2000  }
0x426: {  	s3 =	sld [smem:$0x7DF]  }
0x427: {  	[sflag:s12] =	ssyncset.done $0x0  }
0x428: {  	[sflag:s12] =	ssyncadd.s32 $0xFFFFE000  }
0x429: {  	[tilespmem:s29], [sflag:$0x1] =	stream.linear.gather [spmem:s3], $0x2000, $0x38;
	[tilespmem:$0x1E080] =	vst v63  }
0x42a: {  	_ =	swait.ge [sflag:s12], $0x2000  }
0x42b: {  	[sflag:s12] =	ssyncset.done $0x0  }
0x42c: {  	s4 =	rddreg [dreg:$0x15];
	[sflag:s12] =	ssyncadd.s32 $0xFFFFE000  }
0x42d: {  	[hbm4b:s4+s0] =	stream.linear.scatter [tilespmem:s29], [sflag:$0x1], $0x2000, $0x38;
	[tilespmem:$0x1E080] =	vst v63  }
0x42e: {  	_ =	swait.ge [sflag:s12], $0x2000  }
0x42f: {  	s5 =	sld [smem:$0x7E0]  }
0x430: {  	[sflag:s12] =	ssyncset.done $0x0  }
0x431: {  	[sflag:s12] =	ssyncadd.s32 $0xFFFFE000  }
0x432: {  	[tilespmem:s29], [sflag:$0x1] =	stream.linear.gather [spmem:s5], $0x2000, $0x38;
	[tilespmem:$0x1E080] =	vst v63  }
0x433: {  	_ =	swait.ge [sflag:s12], $0x2000  }
0x434: {  	[sflag:s12] =	ssyncset.done $0x0  }
0x435: {  	s3 =	rddreg [dreg:$0x16];
	[sflag:s12] =	ssyncadd.s32 $0xFFFFE000  }
0x436: {  	[hbm4b:s3+s0] =	stream.linear.scatter [tilespmem:s29], [sflag:$0x1], $0x2000, $0x38;
	[tilespmem:$0x1E080] =	vst v63  }
0x437: {  	_ =	swait.ge [sflag:s12], $0x2000  }
0x438: {  	s4 =	sld [smem:$0x7E1]  }
0x439: {  	[sflag:s12] =	ssyncset.done $0x0  }
0x43a: {  	[sflag:s12] =	ssyncadd.s32 $0xFFFFE000  }
0x43b: {  	[tilespmem:s28], [sflag:$0x1] =	stream.linear.gather [spmem:s4], $0x800, $0x38;
	[tilespmem:$0x1E080] =	vst v63  }
0x43c: {  	_ =	swait.ge [sflag:s12], $0x800  }
0x43d: {  	[sflag:s12] =	ssyncset.done $0x0  }
0x43e: {  	s5 =	rddreg [dreg:$0x7];
	[sflag:s12] =	ssyncadd.s32 $0xFFFFF800  }
0x43f: {  	[hbm4b:s5+s0] =	stream.linear.scatter [tilespmem:s28], [sflag:$0x1], $0x800, $0x38;
	[tilespmem:$0x1E080] =	vst v63  }
0x440: {  	_ =	swait.ge [sflag:s12], $0x800  }
0x441: {  	s3 =	sld [smem:$0x7E2]  }
0x442: {  	[sflag:s12] =	ssyncset.done $0x0  }
0x443: {  	[sflag:s12] =	ssyncadd.s32 $0xFFFFF800  }
0x444: {  	[tilespmem:s28], [sflag:$0x1] =	stream.linear.gather [spmem:s3], $0x800, $0x38;
	[tilespmem:$0x1E080] =	vst v63  }
0x445: {  	_ =	swait.ge [sflag:s12], $0x800  }
0x446: {  	[sflag:s12] =	ssyncset.done $0x0  }
0x447: {  	s4 =	rddreg [dreg:$0x8];
	[sflag:s12] =	ssyncadd.s32 $0xFFFFF800  }
0x448: {  	[hbm4b:s4+s0] =	stream.linear.scatter [tilespmem:s28], [sflag:$0x1], $0x800, $0x38;
	[tilespmem:$0x1E080] =	vst v63  }
0x449: {  	_ =	swait.ge [sflag:s12], $0x800  }
0x44a: {  	s5 =	sld [smem:$0x7E3]  }
0x44b: {  	[sflag:s12] =	ssyncset.done $0x0  }
0x44c: {  	[sflag:s12] =	ssyncadd.s32 $0xFFFFF800  }
0x44d: {  	[tilespmem:s28], [sflag:$0x1] =	stream.linear.gather [spmem:s5], $0x800, $0x38;
	[tilespmem:$0x1E080] =	vst v63  }
0x44e: {  	_ =	swait.ge [sflag:s12], $0x800  }
0x44f: {  	[sflag:s12] =	ssyncset.done $0x0  }
0x450: {  	s3 =	rddreg [dreg:$0x9];
	[sflag:s12] =	ssyncadd.s32 $0xFFFFF800  }
0x451: {  	[hbm4b:s3+s0] =	stream.linear.scatter [tilespmem:s28], [sflag:$0x1], $0x800, $0x38;
	[tilespmem:$0x1E080] =	vst v63  }
0x452: {  	_ =	swait.ge [sflag:s12], $0x800  }
0x453: {  	s4 =	sld [smem:$0x7E4]  }
0x454: {  	[sflag:s12] =	ssyncset.done $0x0  }
0x455: {  	[sflag:s12] =	ssyncadd.s32 $0xFFFFF800  }
0x456: {  	[tilespmem:s28], [sflag:$0x1] =	stream.linear.gather [spmem:s4], $0x800, $0x38;
	[tilespmem:$0x1E080] =	vst v63  }
0x457: {  	_ =	swait.ge [sflag:s12], $0x800  }
0x458: {  	[sflag:s12] =	ssyncset.done $0x0  }
0x459: {  	s5 =	rddreg [dreg:$0xa];
	[sflag:s12] =	ssyncadd.s32 $0xFFFFF800  }
0x45a: {  	[hbm4b:s5+s0] =	stream.linear.scatter [tilespmem:s28], [sflag:$0x1], $0x800, $0x38;
	[tilespmem:$0x1E080] =	vst v63  }
0x45b: {  	_ =	swait.ge [sflag:s12], $0x800  }
0x45c: {  	s3 =	sld [smem:$0x7E5]  }
0x45d: {  	[sflag:s12] =	ssyncset.done $0x0  }
0x45e: {  	[sflag:s12] =	ssyncadd.s32 $0xFFFFF800  }
0x45f: {  	[tilespmem:s28], [sflag:$0x1] =	stream.linear.gather [spmem:s3], $0x800, $0x38;
	[tilespmem:$0x1E080] =	vst v63  }
0x460: {  	_ =	swait.ge [sflag:s12], $0x800  }
0x461: {  	[sflag:s12] =	ssyncset.done $0x0  }
0x462: {  	s4 =	rddreg [dreg:$0xb];
	[sflag:s12] =	ssyncadd.s32 $0xFFFFF800  }
0x463: {  	[hbm4b:s4+s0] =	stream.linear.scatter [tilespmem:s28], [sflag:$0x1], $0x800, $0x38;
	[tilespmem:$0x1E080] =	vst v63  }
0x464: {  	_ =	swait.ge [sflag:s12], $0x800  }
0x465: {  	s5 =	sld [smem:$0x7E6]  }
0x466: {  	[sflag:s12] =	ssyncset.done $0x0  }
0x467: {  	[sflag:s12] =	ssyncadd.s32 $0xFFFFF800  }
0x468: {  	[tilespmem:s28], [sflag:$0x1] =	stream.linear.gather [spmem:s5], $0x800, $0x38;
	[tilespmem:$0x1E080] =	vst v63  }
0x469: {  	_ =	swait.ge [sflag:s12], $0x800  }
0x46a: {  	[sflag:s12] =	ssyncset.done $0x0  }
0x46b: {  	s3 =	rddreg [dreg:$0xc];
	[sflag:s12] =	ssyncadd.s32 $0xFFFFF800  }
0x46c: {  	[hbm4b:s3+s0] =	stream.linear.scatter [tilespmem:s28], [sflag:$0x1], $0x800, $0x38;
	[tilespmem:$0x1E080] =	vst v63  }
0x46d: {  	_ =	swait.ge [sflag:s12], $0x800  }
0x46e: {  	s4 =	sld [smem:$0x7E7]  }
0x46f: {  	[sflag:s12] =	ssyncset.done $0x0  }
0x470: {  	[sflag:s12] =	ssyncadd.s32 $0xFFFFF800  }
0x471: {  	[tilespmem:s28], [sflag:$0x1] =	stream.linear.gather [spmem:s4], $0x800, $0x38;
	[tilespmem:$0x1E080] =	vst v63  }
0x472: {  	_ =	swait.ge [sflag:s12], $0x800  }
0x473: {  	[sflag:s12] =	ssyncset.done $0x0  }
0x474: {  	s5 =	rddreg [dreg:$0xd];
	[sflag:s12] =	ssyncadd.s32 $0xFFFFF800  }
0x475: {  	[hbm4b:s5+s0] =	stream.linear.scatter [tilespmem:s28], [sflag:$0x1], $0x800, $0x38;
	[tilespmem:$0x1E080] =	vst v63  }
0x476: {  	_ =	swait.ge [sflag:s12], $0x800  }
0x477: {  	s3 =	sld [smem:$0x7E8]  }
0x478: {  	[sflag:s12] =	ssyncset.done $0x0  }
0x479: {  	[sflag:s12] =	ssyncadd.s32 $0xFFFFF800  }
0x47a: {  	[tilespmem:s28], [sflag:$0x1] =	stream.linear.gather [spmem:s3], $0x800, $0x38;
	[tilespmem:$0x1E080] =	vst v63  }
0x47b: {  	_ =	swait.ge [sflag:s12], $0x800  }
0x47c: {  	[sflag:s12] =	ssyncset.done $0x0  }
0x47d: {  	s4 =	rddreg [dreg:$0xe];
	[sflag:s12] =	ssyncadd.s32 $0xFFFFF800  }
0x47e: {  	[hbm4b:s4+s0] =	stream.linear.scatter [tilespmem:s28], [sflag:$0x1], $0x800, $0x38;
	[tilespmem:$0x1E080] =	vst v63  }
0x47f: {  	_ =	swait.ge [sflag:s12], $0x800  }
0x480: {  	[sflag:s12] =	ssyncset.done $0x0  }
0x481: {  	[sflag:s12] =	ssyncadd.s32 $0xFFFFF800  }
0x482: {  	[spmem:s22] =	stream.linear.scatter [tilespmem:s10], [sflag:$0x1], $0x2000, $0x38;
	[tilespmem:$0x1E080] =	vst v63  }
0x483: {  	_ =	swait.ge [sflag:s12], $0x2000  }
0x484: {  	s5 =	sld [smem:$0x7EA]  }
0x485: {  	[sflag:s12] =	ssyncset.done $0x0  }
0x486: {  	[sflag:s12] =	ssyncadd.s32 $0xFFFFE000  }
0x487: {  	[spmem:s5] =	stream.linear.scatter [tilespmem:s10], [sflag:$0x1], $0x2000, $0x38;
	[tilespmem:$0x1E080] =	vst v63  }
0x488: {  	_ =	swait.ge [sflag:s12], $0x2000  }
0x489: {  	s1 =	sld [smem:$0x7EB]  }
0x48a: {  	[sflag:s12] =	ssyncset.done $0x0  }
0x48b: {  	[sflag:s12] =	ssyncadd.s32 $0xFFFFE000  }
0x48c: {  	[spmem:s1] =	stream.linear.scatter [tilespmem:s10], [sflag:$0x1], $0x2000, $0x38;
	[tilespmem:$0x1E080] =	vst v63  }
0x48d: {  	_ =	swait.ge [sflag:s12], $0x2000  }
0x48e: {  	s3 =	sld [smem:$0x7EC]  }
0x48f: {  	[sflag:s12] =	ssyncset.done $0x0  }
0x490: {  	[sflag:s12] =	ssyncadd.s32 $0xFFFFE000  }
0x491: {  	[spmem:s3] =	stream.linear.scatter [tilespmem:s10], [sflag:$0x1], $0x2000, $0x38;
	[tilespmem:$0x1E080] =	vst v63  }
0x492: {  	_ =	swait.ge [sflag:s12], $0x2000  }
0x493: {  	s4 =	sld [smem:$0x7ED]  }
0x494: {  	[sflag:s12] =	ssyncset.done $0x0  }
0x495: {  	[sflag:s12] =	ssyncadd.s32 $0xFFFFE000  }
0x496: {  	[spmem:s4] =	stream.linear.scatter [tilespmem:s10], [sflag:$0x1], $0x2000, $0x38;
	[tilespmem:$0x1E080] =	vst v63  }
0x497: {  	_ =	swait.ge [sflag:s12], $0x2000  }
0x498: {  	s5 =	sld [smem:$0x7EE]  }
0x499: {  	[sflag:s12] =	ssyncset.done $0x0  }
0x49a: {  	[sflag:s12] =	ssyncadd.s32 $0xFFFFE000  }
0x49b: {  	[spmem:s5] =	stream.linear.scatter [tilespmem:s10], [sflag:$0x1], $0x2000, $0x38;
	[tilespmem:$0x1E080] =	vst v63  }
0x49c: {  	_ =	swait.ge [sflag:s12], $0x2000  }
0x49d: {  	s1 =	sld [smem:$0x7EF]  }
0x49e: {  	[sflag:s12] =	ssyncset.done $0x0  }
0x49f: {  	[sflag:s12] =	ssyncadd.s32 $0xFFFFE000  }
0x4a0: {  	[spmem:s1] =	stream.linear.scatter [tilespmem:s10], [sflag:$0x1], $0x2000, $0x38;
	[tilespmem:$0x1E080] =	vst v63  }
0x4a1: {  	_ =	swait.ge [sflag:s12], $0x2000  }
0x4a2: {  	s3 =	sld [smem:$0x7F0]  }
0x4a3: {  	[sflag:s12] =	ssyncset.done $0x0  }
0x4a4: {  	[sflag:s12] =	ssyncadd.s32 $0xFFFFE000  }
0x4a5: {  	[spmem:s3] =	stream.linear.scatter [tilespmem:s10], [sflag:$0x1], $0x2000, $0x38;
	[tilespmem:$0x1E080] =	vst v63  }
0x4a6: {  	_ =	swait.ge [sflag:s12], $0x2000  }
0x4a7: {  	[sflag:s12] =	ssyncset.done $0x0  }
0x4a8: {  	[sflag:s12] =	ssyncadd.s32 $0xFFFFE000  }
0x4a9: {  	s4 =	simm.s32 $0x14800;
	[bflag:$0x0] =	sbarrier.arrive $0xFFFF  }
0x4aa: {  	[tilespmem:s29], [sflag:$0x1] =	stream.indirect.gather [hbm4b:s16+s25], $0x40, s4, s25, $0xb8;
	[tilespmem:$0x1E080] =	vst v63  }
0x4ab: {  	_ =	swait.ge [sflag:s12], $0x2000  }
0x4ac: {  	[sflag:s12] =	ssyncset.done $0x0  }
0x4ad: {  	s5 =	simm.s32 $0x16C00;
	[sflag:s12] =	ssyncadd.s32 $0xFFFFE000  }
0x4ae: {  	[spmem:s15] =	stream.indirect.scatter.add.f32 [tilespmem:s29], [sflag:$0x1], $0x40, s5, s25, $0xb8;
	[tilespmem:$0x1E080] =	vst v63  }
0x4af: {  	_ =	swait.ge [sflag:s12], $0x2000  }
0x4b0: {  	s0 =	simm.s32 $0x80;
	s3 =	simm.s32 $0x400;
	[sflag:s12] =	ssyncset.done $0x0  }
.LBB2_51:
0x4b1: {  	s1 =	sadd.s32 $0x14800, s0  }
0x4b2: {  	[sflag:s12] =	ssyncadd.s32 $0xFFFFE000;
	s4 =	smov.u32 s3;
	s5 =	sadd.s32 $0x200, s3  }
0x4b3: {  	[tilespmem:s29], [sflag:$0x1] =	stream.indirect.gather [hbm4b:s16+s25], $0x40, s1, s25, $0xb8;
	[tilespmem:$0x1E080] =	vst v63  }
0x4b4: {  	p0 =	seq.s32 s3, $0x4600;
	_ =	swait.ge [sflag:s12], $0x2000  }
.Ltmp25:
0x4b5: {  	[sflag:s12] =	ssyncset.done $0x0;
	(pc) =	sbr.rel @!p0 .LBB2_51-.Ltmp25, $4  }
0x4b6: {  	s0 =	sadd.s32 $0x16C00, s0;
	[sflag:s12] =	ssyncadd.s32 $0xFFFFE000  }
0x4b7: {  	[spmem:s15] =	stream.indirect.scatter.add.f32 [tilespmem:s29], [sflag:$0x1], $0x40, s0, s25, $0xb8;
	[tilespmem:$0x1E080] =	vst v63  }
0x4b8: {  	_ =	swait.ge [sflag:s12], $0x2000  }
0x4b9: {  	s3 =	smov.u32 s5;
	s0 =	sshra.s32 s4, $0x2;
	[sflag:s12] =	ssyncset.done $0x0  }
0x4ba: {  	s1 =	sadd.s32 $0x14800, s0;
	[sflag:s12] =	ssyncadd.s32 $0xFFFFE000  }
0x4bb: {  	[tilespmem:s29], [sflag:$0x1] =	stream.indirect.gather [hbm4b:s16+s25], $0x40, s1, s25, $0xb8;
	[tilespmem:$0x1E080] =	vst v63  }
0x4bc: {  	_ =	swait.ge [sflag:s12], $0x2000  }
0x4bd: {  	[sflag:s12] =	ssyncset.done $0x0  }
0x4be: {  	s3 =	sadd.s32 $0x16C00, s0;
	[sflag:s12] =	ssyncadd.s32 $0xFFFFE000  }
0x4bf: {  	[spmem:s15] =	stream.indirect.scatter.add.f32 [tilespmem:s29], [sflag:$0x1], $0x40, s3, s25, $0xb8;
	[tilespmem:$0x1E080] =	vst v63  }
0x4c0: {  	_ =	swait.ge [sflag:s12], $0x2000  }
0x4c1: {  	[sflag:s12] =	ssyncset.done $0x0  }
0x4c2: {  	s4 =	simm.s32 $0x15A00;
	[sflag:s12] =	ssyncadd.s32 $0xFFFFE000  }
0x4c3: {  	[tilespmem:s29], [sflag:$0x1] =	stream.indirect.gather [hbm4b:s17+s25], $0x40, s4, s25, $0xb8;
	[tilespmem:$0x1E080] =	vst v63  }
0x4c4: {  	_ =	swait.ge [sflag:s12], $0x2000  }
0x4c5: {  	[sflag:s12] =	ssyncset.done $0x0  }
0x4c6: {  	s5 =	simm.s32 $0x17E00;
	[sflag:s12] =	ssyncadd.s32 $0xFFFFE000  }
0x4c7: {  	[spmem:s15] =	stream.indirect.scatter.add.f32 [tilespmem:s29], [sflag:$0x1], $0x40, s5, s25, $0xb8;
	[tilespmem:$0x1E080] =	vst v63  }
0x4c8: {  	_ =	swait.ge [sflag:s12], $0x2000  }
0x4c9: {  	s0 =	simm.s32 $0x80;
	s3 =	simm.s32 $0x400;
	[sflag:s12] =	ssyncset.done $0x0  }
.LBB2_53:
0x4ca: {  	s1 =	sadd.s32 $0x15A00, s0  }
0x4cb: {  	[sflag:s12] =	ssyncadd.s32 $0xFFFFE000;
	s4 =	smov.u32 s3;
	s5 =	sadd.s32 $0x200, s3  }
0x4cc: {  	[tilespmem:s29], [sflag:$0x1] =	stream.indirect.gather [hbm4b:s17+s25], $0x40, s1, s25, $0xb8;
	[tilespmem:$0x1E080] =	vst v63  }
0x4cd: {  	p0 =	sne.s32 s3, $0x4600;
	_ =	swait.ge [sflag:s12], $0x2000  }
.Ltmp26:
0x4ce: {  	[sflag:s12] =	ssyncset.done $0x0;
	(pc) =	sbr.rel @p0 .LBB2_53-.Ltmp26, $4  }
0x4cf: {  	s0 =	sadd.s32 $0x17E00, s0;
	[sflag:s12] =	ssyncadd.s32 $0xFFFFE000  }
0x4d0: {  	[spmem:s15] =	stream.indirect.scatter.add.f32 [tilespmem:s29], [sflag:$0x1], $0x40, s0, s25, $0xb8;
	[tilespmem:$0x1E080] =	vst v63  }
0x4d1: {  	_ =	swait.ge [sflag:s12], $0x2000  }
0x4d2: {  	s3 =	smov.u32 s5;
	s0 =	sshra.s32 s4, $0x2;
	[sflag:s12] =	ssyncset.done $0x0  }
0x4d3: {  	s1 =	sadd.s32 $0x15A00, s0;
	[sflag:s12] =	ssyncadd.s32 $0xFFFFE000  }
0x4d4: {  	[tilespmem:s29], [sflag:$0x1] =	stream.indirect.gather [hbm4b:s17+s25], $0x40, s1, s25, $0xb8;
	[tilespmem:$0x1E080] =	vst v63  }
0x4d5: {  	_ =	swait.ge [sflag:s12], $0x2000  }
0x4d6: {  	[sflag:s12] =	ssyncset.done $0x0  }
0x4d7: {  	s3 =	sadd.s32 $0x17E00, s0;
	[sflag:s12] =	ssyncadd.s32 $0xFFFFE000  }
0x4d8: {  	[spmem:s15] =	stream.indirect.scatter.add.f32 [tilespmem:s29], [sflag:$0x1], $0x40, s3, s25, $0xb8;
	[tilespmem:$0x1E080] =	vst v63  }
0x4d9: {  	_ =	swait.ge [sflag:s12], $0x2000  }
0x4da: {  	[sflag:s12] =	ssyncset.done $0x0  }
0x4db: {  	[sflag:s12] =	ssyncadd.s32 $0xFFFFE000  }
0x4dc: {  	[bflag:$0x0] =	sbarrier.arrive $0xFFFF  }
0x4dd: {  	[tilespmem:s29], [sflag:$0x1] =	stream.linear.gather [spmem:s22], $0x2000, $0x38;
	[tilespmem:$0x1E080] =	vst v63  }
0x4de: {  	_ =	swait.ge [sflag:s12], $0x2000  }
0x4df: {  	[sflag:s12] =	ssyncset.done $0x0  }
0x4e0: {  	s0 =	simm.s32 $0x0;
	s4 =	rddreg [dreg:$0x17];
	[sflag:s12] =	ssyncadd.s32 $0xFFFFE000  }
0x4e1: {  	[hbm4b:s4+s0] =	stream.linear.scatter [tilespmem:s29], [sflag:$0x1], $0x2000, $0x38;
	[tilespmem:$0x1E080] =	vst v63  }
0x4e2: {  	_ =	swait.ge [sflag:s12], $0x2000  }
0x4e3: {  	[sflag:s12] =	ssyncset.done $0x0  }
0x4e4: {  	[sflag:s12] =	ssyncadd.s32 $0xFFFFE000  }
0x4e5: {  	[tilespmem:s29], [sflag:$0x1] =	stream.linear.gather [spmem:s8], $0x2000, $0x38;
	[tilespmem:$0x1E080] =	vst v63  }
0x4e6: {  	_ =	swait.ge [sflag:s12], $0x2000  }
0x4e7: {  	[sflag:s12] =	ssyncset.done $0x0  }
0x4e8: {  	s5 =	rddreg [dreg:$0x18];
	[sflag:s12] =	ssyncadd.s32 $0xFFFFE000  }
0x4e9: {  	[hbm4b:s5+s0] =	stream.linear.scatter [tilespmem:s29], [sflag:$0x1], $0x2000, $0x38;
	[tilespmem:$0x1E080] =	vst v63  }
0x4ea: {  	_ =	swait.ge [sflag:s12], $0x2000  }
0x4eb: {  	[sflag:s12] =	ssyncset.done $0x0  }
0x4ec: {  	[sflag:s12] =	ssyncadd.s32 $0xFFFFE000  }
0x4ed: {  	[tilespmem:s29], [sflag:$0x1] =	stream.linear.gather [spmem:s23], $0x2000, $0x38;
	[tilespmem:$0x1E080] =	vst v63  }
0x4ee: {  	_ =	swait.ge [sflag:s12], $0x2000  }
0x4ef: {  	[sflag:s12] =	ssyncset.done $0x0  }
0x4f0: {  	s3 =	rddreg [dreg:$0x19];
	[sflag:s12] =	ssyncadd.s32 $0xFFFFE000  }
0x4f1: {  	[hbm4b:s3+s0] =	stream.linear.scatter [tilespmem:s29], [sflag:$0x1], $0x2000, $0x38;
	[tilespmem:$0x1E080] =	vst v63  }
0x4f2: {  	_ =	swait.ge [sflag:s12], $0x2000  }
0x4f3: {  	[sflag:s12] =	ssyncset.done $0x0  }
0x4f4: {  	[sflag:s12] =	ssyncadd.s32 $0xFFFFE000  }
0x4f5: {  	[tilespmem:s29], [sflag:$0x1] =	stream.linear.gather [spmem:s6], $0x2000, $0x38;
	[tilespmem:$0x1E080] =	vst v63  }
0x4f6: {  	_ =	swait.ge [sflag:s12], $0x2000  }
0x4f7: {  	[sflag:s12] =	ssyncset.done $0x0  }
0x4f8: {  	s4 =	rddreg [dreg:$0x1a];
	[sflag:s12] =	ssyncadd.s32 $0xFFFFE000  }
0x4f9: {  	[hbm4b:s4+s0] =	stream.linear.scatter [tilespmem:s29], [sflag:$0x1], $0x2000, $0x38;
	[tilespmem:$0x1E080] =	vst v63  }
0x4fa: {  	_ =	swait.ge [sflag:s12], $0x2000  }
0x4fb: {  	[sflag:s12] =	ssyncset.done $0x0  }
0x4fc: {  	[sflag:s12] =	ssyncadd.s32 $0xFFFFE000  }
0x4fd: {  	[tilespmem:s29], [sflag:$0x1] =	stream.linear.gather [spmem:s7], $0x2000, $0x38;
	[tilespmem:$0x1E080] =	vst v63  }
0x4fe: {  	_ =	swait.ge [sflag:s12], $0x2000  }
0x4ff: {  	[sflag:s12] =	ssyncset.done $0x0  }
0x500: {  	s5 =	rddreg [dreg:$0x1b];
	[sflag:s12] =	ssyncadd.s32 $0xFFFFE000  }
0x501: {  	[hbm4b:s5+s0] =	stream.linear.scatter [tilespmem:s29], [sflag:$0x1], $0x2000, $0x38;
	[tilespmem:$0x1E080] =	vst v63  }
0x502: {  	_ =	swait.ge [sflag:s12], $0x2000  }
0x503: {  	[sflag:s12] =	ssyncset.done $0x0  }
0x504: {  	[sflag:s12] =	ssyncadd.s32 $0xFFFFE000  }
0x505: {  	[tilespmem:s29], [sflag:$0x1] =	stream.linear.gather [spmem:s9], $0x2000, $0x38;
	[tilespmem:$0x1E080] =	vst v63  }
0x506: {  	_ =	swait.ge [sflag:s12], $0x2000  }
0x507: {  	[sflag:s12] =	ssyncset.done $0x0  }
0x508: {  	s3 =	rddreg [dreg:$0x1c];
	[sflag:s12] =	ssyncadd.s32 $0xFFFFE000  }
0x509: {  	[hbm4b:s3+s0] =	stream.linear.scatter [tilespmem:s29], [sflag:$0x1], $0x2000, $0x38;
	[tilespmem:$0x1E080] =	vst v63  }
0x50a: {  	_ =	swait.ge [sflag:s12], $0x2000  }
0x50b: {  	s4 =	sld [smem:$0x7DF]  }
0x50c: {  	[sflag:s12] =	ssyncset.done $0x0  }
0x50d: {  	[sflag:s12] =	ssyncadd.s32 $0xFFFFE000  }
0x50e: {  	[tilespmem:s29], [sflag:$0x1] =	stream.linear.gather [spmem:s4], $0x2000, $0x38;
	[tilespmem:$0x1E080] =	vst v63  }
0x50f: {  	_ =	swait.ge [sflag:s12], $0x2000  }
0x510: {  	[sflag:s12] =	ssyncset.done $0x0  }
0x511: {  	s5 =	rddreg [dreg:$0x1d];
	[sflag:s12] =	ssyncadd.s32 $0xFFFFE000  }
0x512: {  	[hbm4b:s5+s0] =	stream.linear.scatter [tilespmem:s29], [sflag:$0x1], $0x2000, $0x38;
	[tilespmem:$0x1E080] =	vst v63  }
0x513: {  	_ =	swait.ge [sflag:s12], $0x2000  }
0x514: {  	s3 =	sld [smem:$0x7E0]  }
0x515: {  	[sflag:s12] =	ssyncset.done $0x0  }
0x516: {  	[sflag:s12] =	ssyncadd.s32 $0xFFFFE000  }
0x517: {  	[tilespmem:s29], [sflag:$0x1] =	stream.linear.gather [spmem:s3], $0x2000, $0x38;
	[tilespmem:$0x1E080] =	vst v63  }
0x518: {  	_ =	swait.ge [sflag:s12], $0x2000  }
0x519: {  	[sflag:s12] =	ssyncset.done $0x0  }
0x51a: {  	s4 =	rddreg [dreg:$0x1e];
	[sflag:s12] =	ssyncadd.s32 $0xFFFFE000  }
0x51b: {  	[hbm4b:s4+s0] =	stream.linear.scatter [tilespmem:s29], [sflag:$0x1], $0x2000, $0x38;
	[tilespmem:$0x1E080] =	vst v63  }
0x51c: {  	_ =	swait.ge [sflag:s12], $0x2000  }
0x51d: {  	[sflag:s12] =	ssyncset.done $0x0  }
0x51e: {  	[sflag:s12] =	ssyncadd.s32 $0xFFFFE000  }
0x51f: {  	[spmem:s22] =	stream.linear.scatter [tilespmem:s10], [sflag:$0x1], $0x2000, $0x38;
	[tilespmem:$0x1E080] =	vst v63  }
0x520: {  	_ =	swait.ge [sflag:s12], $0x2000  }
0x521: {  	s5 =	sld [smem:$0x7EA]  }
0x522: {  	[sflag:s12] =	ssyncset.done $0x0  }
0x523: {  	[sflag:s12] =	ssyncadd.s32 $0xFFFFE000  }
0x524: {  	[spmem:s5] =	stream.linear.scatter [tilespmem:s10], [sflag:$0x1], $0x2000, $0x38;
	[tilespmem:$0x1E080] =	vst v63  }
0x525: {  	_ =	swait.ge [sflag:s12], $0x2000  }
0x526: {  	s1 =	sld [smem:$0x7EB]  }
0x527: {  	[sflag:s12] =	ssyncset.done $0x0  }
0x528: {  	[sflag:s12] =	ssyncadd.s32 $0xFFFFE000  }
0x529: {  	[spmem:s1] =	stream.linear.scatter [tilespmem:s10], [sflag:$0x1], $0x2000, $0x38;
	[tilespmem:$0x1E080] =	vst v63  }
0x52a: {  	_ =	swait.ge [sflag:s12], $0x2000  }
0x52b: {  	s3 =	sld [smem:$0x7EC]  }
0x52c: {  	[sflag:s12] =	ssyncset.done $0x0  }
0x52d: {  	[sflag:s12] =	ssyncadd.s32 $0xFFFFE000  }
0x52e: {  	[spmem:s3] =	stream.linear.scatter [tilespmem:s10], [sflag:$0x1], $0x2000, $0x38;
	[tilespmem:$0x1E080] =	vst v63  }
0x52f: {  	_ =	swait.ge [sflag:s12], $0x2000  }
0x530: {  	s4 =	sld [smem:$0x7ED]  }
0x531: {  	[sflag:s12] =	ssyncset.done $0x0  }
0x532: {  	[sflag:s12] =	ssyncadd.s32 $0xFFFFE000  }
0x533: {  	[spmem:s4] =	stream.linear.scatter [tilespmem:s10], [sflag:$0x1], $0x2000, $0x38;
	[tilespmem:$0x1E080] =	vst v63  }
0x534: {  	_ =	swait.ge [sflag:s12], $0x2000  }
0x535: {  	s5 =	sld [smem:$0x7EE]  }
0x536: {  	[sflag:s12] =	ssyncset.done $0x0  }
0x537: {  	[sflag:s12] =	ssyncadd.s32 $0xFFFFE000  }
0x538: {  	[spmem:s5] =	stream.linear.scatter [tilespmem:s10], [sflag:$0x1], $0x2000, $0x38;
	[tilespmem:$0x1E080] =	vst v63  }
0x539: {  	_ =	swait.ge [sflag:s12], $0x2000  }
0x53a: {  	s1 =	sld [smem:$0x7EF]  }
0x53b: {  	[sflag:s12] =	ssyncset.done $0x0  }
0x53c: {  	[sflag:s12] =	ssyncadd.s32 $0xFFFFE000  }
0x53d: {  	[spmem:s1] =	stream.linear.scatter [tilespmem:s10], [sflag:$0x1], $0x2000, $0x38;
	[tilespmem:$0x1E080] =	vst v63  }
0x53e: {  	_ =	swait.ge [sflag:s12], $0x2000  }
0x53f: {  	s3 =	sld [smem:$0x7F0]  }
0x540: {  	[sflag:s12] =	ssyncset.done $0x0  }
0x541: {  	[sflag:s12] =	ssyncadd.s32 $0xFFFFE000  }
0x542: {  	[spmem:s3] =	stream.linear.scatter [tilespmem:s10], [sflag:$0x1], $0x2000, $0x38;
	[tilespmem:$0x1E080] =	vst v63  }
0x543: {  	_ =	swait.ge [sflag:s12], $0x2000  }
0x544: {  	[sflag:s12] =	ssyncset.done $0x0  }
0x545: {  	[sflag:s12] =	ssyncadd.s32 $0xFFFFE000  }
0x546: {  	s4 =	simm.s32 $0x14800;
	[bflag:$0x0] =	sbarrier.arrive $0xFFFF  }
0x547: {  	[tilespmem:s29], [sflag:$0x1] =	stream.indirect.gather [hbm4b:s19+s25], $0x40, s4, s25, $0xb8;
	[tilespmem:$0x1E080] =	vst v63  }
0x548: {  	_ =	swait.ge [sflag:s12], $0x2000  }
0x549: {  	[sflag:s12] =	ssyncset.done $0x0  }
0x54a: {  	s5 =	simm.s32 $0x16C00;
	[sflag:s12] =	ssyncadd.s32 $0xFFFFE000  }
0x54b: {  	[spmem:s15] =	stream.indirect.scatter.add.f32 [tilespmem:s29], [sflag:$0x1], $0x40, s5, s25, $0xb8;
	[tilespmem:$0x1E080] =	vst v63  }
0x54c: {  	_ =	swait.ge [sflag:s12], $0x2000  }
0x54d: {  	s0 =	simm.s32 $0x80;
	s3 =	simm.s32 $0x400;
	[sflag:s12] =	ssyncset.done $0x0  }
.LBB2_55:
0x54e: {  	s1 =	sadd.s32 $0x14800, s0  }
0x54f: {  	[sflag:s12] =	ssyncadd.s32 $0xFFFFE000;
	s4 =	smov.u32 s3;
	s5 =	sadd.s32 $0x200, s3  }
0x550: {  	[tilespmem:s29], [sflag:$0x1] =	stream.indirect.gather [hbm4b:s19+s25], $0x40, s1, s25, $0xb8;
	[tilespmem:$0x1E080] =	vst v63  }
0x551: {  	p0 =	seq.s32 s3, $0x4600;
	_ =	swait.ge [sflag:s12], $0x2000  }
.Ltmp27:
0x552: {  	[sflag:s12] =	ssyncset.done $0x0;
	(pc) =	sbr.rel @!p0 .LBB2_55-.Ltmp27, $4  }
0x553: {  	s0 =	sadd.s32 $0x16C00, s0;
	[sflag:s12] =	ssyncadd.s32 $0xFFFFE000  }
0x554: {  	[spmem:s15] =	stream.indirect.scatter.add.f32 [tilespmem:s29], [sflag:$0x1], $0x40, s0, s25, $0xb8;
	[tilespmem:$0x1E080] =	vst v63  }
0x555: {  	_ =	swait.ge [sflag:s12], $0x2000  }
0x556: {  	s3 =	smov.u32 s5;
	s0 =	sshra.s32 s4, $0x2;
	[sflag:s12] =	ssyncset.done $0x0  }
0x557: {  	s1 =	sadd.s32 $0x14800, s0;
	[sflag:s12] =	ssyncadd.s32 $0xFFFFE000  }
0x558: {  	[tilespmem:s29], [sflag:$0x1] =	stream.indirect.gather [hbm4b:s19+s25], $0x40, s1, s25, $0xb8;
	[tilespmem:$0x1E080] =	vst v63  }
0x559: {  	_ =	swait.ge [sflag:s12], $0x2000  }
0x55a: {  	[sflag:s12] =	ssyncset.done $0x0  }
0x55b: {  	s3 =	sadd.s32 $0x16C00, s0;
	[sflag:s12] =	ssyncadd.s32 $0xFFFFE000  }
0x55c: {  	[spmem:s15] =	stream.indirect.scatter.add.f32 [tilespmem:s29], [sflag:$0x1], $0x40, s3, s25, $0xb8;
	[tilespmem:$0x1E080] =	vst v63  }
0x55d: {  	_ =	swait.ge [sflag:s12], $0x2000  }
0x55e: {  	[sflag:s12] =	ssyncset.done $0x0  }
0x55f: {  	s4 =	simm.s32 $0x15A00;
	[sflag:s12] =	ssyncadd.s32 $0xFFFFE000  }
0x560: {  	[tilespmem:s29], [sflag:$0x1] =	stream.indirect.gather [hbm4b:s20+s25], $0x40, s4, s25, $0xb8;
	[tilespmem:$0x1E080] =	vst v63  }
0x561: {  	_ =	swait.ge [sflag:s12], $0x2000  }
0x562: {  	[sflag:s12] =	ssyncset.done $0x0  }
0x563: {  	s5 =	simm.s32 $0x17E00;
	[sflag:s12] =	ssyncadd.s32 $0xFFFFE000  }
0x564: {  	[spmem:s15] =	stream.indirect.scatter.add.f32 [tilespmem:s29], [sflag:$0x1], $0x40, s5, s25, $0xb8;
	[tilespmem:$0x1E080] =	vst v63  }
0x565: {  	_ =	swait.ge [sflag:s12], $0x2000  }
0x566: {  	s0 =	simm.s32 $0x80;
	s3 =	simm.s32 $0x400;
	[sflag:s12] =	ssyncset.done $0x0  }
.LBB2_57:
0x567: {  	s1 =	sadd.s32 $0x15A00, s0  }
0x568: {  	[sflag:s12] =	ssyncadd.s32 $0xFFFFE000;
	s4 =	smov.u32 s3;
	s5 =	sadd.s32 $0x200, s3  }
0x569: {  	[tilespmem:s29], [sflag:$0x1] =	stream.indirect.gather [hbm4b:s20+s25], $0x40, s1, s25, $0xb8;
	[tilespmem:$0x1E080] =	vst v63  }
0x56a: {  	p0 =	sne.s32 s3, $0x4600;
	_ =	swait.ge [sflag:s12], $0x2000  }
.Ltmp28:
0x56b: {  	[sflag:s12] =	ssyncset.done $0x0;
	(pc) =	sbr.rel @p0 .LBB2_57-.Ltmp28, $4  }
0x56c: {  	s0 =	sadd.s32 $0x17E00, s0;
	[sflag:s12] =	ssyncadd.s32 $0xFFFFE000  }
0x56d: {  	[spmem:s15] =	stream.indirect.scatter.add.f32 [tilespmem:s29], [sflag:$0x1], $0x40, s0, s25, $0xb8;
	[tilespmem:$0x1E080] =	vst v63  }
0x56e: {  	_ =	swait.ge [sflag:s12], $0x2000  }
0x56f: {  	s3 =	smov.u32 s5;
	s0 =	sshra.s32 s4, $0x2;
	[sflag:s12] =	ssyncset.done $0x0  }
0x570: {  	s1 =	sadd.s32 $0x15A00, s0;
	[sflag:s12] =	ssyncadd.s32 $0xFFFFE000  }
0x571: {  	[tilespmem:s29], [sflag:$0x1] =	stream.indirect.gather [hbm4b:s20+s25], $0x40, s1, s25, $0xb8;
	[tilespmem:$0x1E080] =	vst v63  }
0x572: {  	_ =	swait.ge [sflag:s12], $0x2000  }
0x573: {  	[sflag:s12] =	ssyncset.done $0x0  }
0x574: {  	s3 =	sadd.s32 $0x17E00, s0;
	[sflag:s12] =	ssyncadd.s32 $0xFFFFE000  }
0x575: {  	[spmem:s15] =	stream.indirect.scatter.add.f32 [tilespmem:s29], [sflag:$0x1], $0x40, s3, s25, $0xb8;
	[tilespmem:$0x1E080] =	vst v63  }
0x576: {  	_ =	swait.ge [sflag:s12], $0x2000  }
0x577: {  	[sflag:s12] =	ssyncset.done $0x0  }
0x578: {  	[sflag:s12] =	ssyncadd.s32 $0xFFFFE000  }
0x579: {  	[bflag:$0x0] =	sbarrier.arrive $0xFFFF  }
0x57a: {  	[tilespmem:s29], [sflag:$0x1] =	stream.linear.gather [spmem:s22], $0x2000, $0x38;
	[tilespmem:$0x1E080] =	vst v63  }
0x57b: {  	_ =	swait.ge [sflag:s12], $0x2000  }
0x57c: {  	[sflag:s12] =	ssyncset.done $0x0  }
0x57d: {  	s0 =	simm.s32 $0x0;
	s4 =	rddreg [dreg:$0x1f];
	[sflag:s12] =	ssyncadd.s32 $0xFFFFE000  }
0x57e: {  	[hbm4b:s4+s0] =	stream.linear.scatter [tilespmem:s29], [sflag:$0x1], $0x2000, $0x38;
	[tilespmem:$0x1E080] =	vst v63  }
0x57f: {  	_ =	swait.ge [sflag:s12], $0x2000  }
0x580: {  	[sflag:s12] =	ssyncset.done $0x0  }
0x581: {  	[sflag:s12] =	ssyncadd.s32 $0xFFFFE000  }
0x582: {  	[tilespmem:s29], [sflag:$0x1] =	stream.linear.gather [spmem:s8], $0x2000, $0x38;
	[tilespmem:$0x1E080] =	vst v63  }
0x583: {  	_ =	swait.ge [sflag:s12], $0x2000  }
0x584: {  	s5 =	sld [smem:$0x7CB]  }
0x585: {  	[sflag:s12] =	ssyncset.done $0x0  }
0x586: {  	[sflag:s12] =	ssyncadd.s32 $0xFFFFE000  }
0x587: {  	[hbm4b:s5+s0] =	stream.linear.scatter [tilespmem:s29], [sflag:$0x1], $0x2000, $0x38;
	[tilespmem:$0x1E080] =	vst v63  }
0x588: {  	_ =	swait.ge [sflag:s12], $0x2000  }
0x589: {  	[sflag:s12] =	ssyncset.done $0x0  }
0x58a: {  	[sflag:s12] =	ssyncadd.s32 $0xFFFFE000  }
0x58b: {  	[tilespmem:s29], [sflag:$0x1] =	stream.linear.gather [spmem:s23], $0x2000, $0x38;
	[tilespmem:$0x1E080] =	vst v63  }
0x58c: {  	_ =	swait.ge [sflag:s12], $0x2000  }
0x58d: {  	s3 =	sld [smem:$0x7CC]  }
0x58e: {  	[sflag:s12] =	ssyncset.done $0x0  }
0x58f: {  	[sflag:s12] =	ssyncadd.s32 $0xFFFFE000  }
0x590: {  	[hbm4b:s3+s0] =	stream.linear.scatter [tilespmem:s29], [sflag:$0x1], $0x2000, $0x38;
	[tilespmem:$0x1E080] =	vst v63  }
0x591: {  	_ =	swait.ge [sflag:s12], $0x2000  }
0x592: {  	[sflag:s12] =	ssyncset.done $0x0  }
0x593: {  	[sflag:s12] =	ssyncadd.s32 $0xFFFFE000  }
0x594: {  	[tilespmem:s29], [sflag:$0x1] =	stream.linear.gather [spmem:s6], $0x2000, $0x38;
	[tilespmem:$0x1E080] =	vst v63  }
0x595: {  	_ =	swait.ge [sflag:s12], $0x2000  }
0x596: {  	s4 =	sld [smem:$0x7CD]  }
0x597: {  	[sflag:s12] =	ssyncset.done $0x0  }
0x598: {  	[sflag:s12] =	ssyncadd.s32 $0xFFFFE000  }
0x599: {  	[hbm4b:s4+s0] =	stream.linear.scatter [tilespmem:s29], [sflag:$0x1], $0x2000, $0x38;
	[tilespmem:$0x1E080] =	vst v63  }
0x59a: {  	_ =	swait.ge [sflag:s12], $0x2000  }
0x59b: {  	[sflag:s12] =	ssyncset.done $0x0  }
0x59c: {  	[sflag:s12] =	ssyncadd.s32 $0xFFFFE000  }
0x59d: {  	[tilespmem:s29], [sflag:$0x1] =	stream.linear.gather [spmem:s7], $0x2000, $0x38;
	[tilespmem:$0x1E080] =	vst v63  }
0x59e: {  	_ =	swait.ge [sflag:s12], $0x2000  }
0x59f: {  	s5 =	sld [smem:$0x7CE]  }
0x5a0: {  	[sflag:s12] =	ssyncset.done $0x0  }
0x5a1: {  	[sflag:s12] =	ssyncadd.s32 $0xFFFFE000  }
0x5a2: {  	[hbm4b:s5+s0] =	stream.linear.scatter [tilespmem:s29], [sflag:$0x1], $0x2000, $0x38;
	[tilespmem:$0x1E080] =	vst v63  }
0x5a3: {  	_ =	swait.ge [sflag:s12], $0x2000  }
0x5a4: {  	[sflag:s12] =	ssyncset.done $0x0  }
0x5a5: {  	[sflag:s12] =	ssyncadd.s32 $0xFFFFE000  }
0x5a6: {  	[tilespmem:s29], [sflag:$0x1] =	stream.linear.gather [spmem:s9], $0x2000, $0x38;
	[tilespmem:$0x1E080] =	vst v63  }
0x5a7: {  	_ =	swait.ge [sflag:s12], $0x2000  }
0x5a8: {  	s3 =	sld [smem:$0x7CF]  }
0x5a9: {  	[sflag:s12] =	ssyncset.done $0x0  }
0x5aa: {  	[sflag:s12] =	ssyncadd.s32 $0xFFFFE000  }
0x5ab: {  	[hbm4b:s3+s0] =	stream.linear.scatter [tilespmem:s29], [sflag:$0x1], $0x2000, $0x38;
	[tilespmem:$0x1E080] =	vst v63  }
0x5ac: {  	_ =	swait.ge [sflag:s12], $0x2000  }
0x5ad: {  	s4 =	sld [smem:$0x7DF]  }
0x5ae: {  	[sflag:s12] =	ssyncset.done $0x0  }
0x5af: {  	[sflag:s12] =	ssyncadd.s32 $0xFFFFE000  }
0x5b0: {  	[tilespmem:s29], [sflag:$0x1] =	stream.linear.gather [spmem:s4], $0x2000, $0x38;
	[tilespmem:$0x1E080] =	vst v63  }
0x5b1: {  	_ =	swait.ge [sflag:s12], $0x2000  }
0x5b2: {  	s5 =	sld [smem:$0x7D0]  }
0x5b3: {  	[sflag:s12] =	ssyncset.done $0x0  }
0x5b4: {  	[sflag:s12] =	ssyncadd.s32 $0xFFFFE000  }
0x5b5: {  	[hbm4b:s5+s0] =	stream.linear.scatter [tilespmem:s29], [sflag:$0x1], $0x2000, $0x38;
	[tilespmem:$0x1E080] =	vst v63  }
0x5b6: {  	_ =	swait.ge [sflag:s12], $0x2000  }
0x5b7: {  	s3 =	sld [smem:$0x7E0]  }
0x5b8: {  	[sflag:s12] =	ssyncset.done $0x0  }
0x5b9: {  	[sflag:s12] =	ssyncadd.s32 $0xFFFFE000  }
0x5ba: {  	[tilespmem:s29], [sflag:$0x1] =	stream.linear.gather [spmem:s3], $0x2000, $0x38;
	[tilespmem:$0x1E080] =	vst v63  }
0x5bb: {  	_ =	swait.ge [sflag:s12], $0x2000  }
0x5bc: {  	s4 =	sld [smem:$0x7D1]  }
0x5bd: {  	[sflag:s12] =	ssyncset.done $0x0  }
0x5be: {  	[sflag:s12] =	ssyncadd.s32 $0xFFFFE000  }
0x5bf: {  	[hbm4b:s4+s0] =	stream.linear.scatter [tilespmem:s29], [sflag:$0x1], $0x2000, $0x38;
	[tilespmem:$0x1E080] =	vst v63  }
0x5c0: {  	_ =	swait.ge [sflag:s12], $0x2000  }
0x5c1: {  	[sflag:s12] =	ssyncset.done $0x0  }
0x5c2: {  	[sflag:s12] =	ssyncadd.s32 $0xFFFFE000  }
0x5c3: {  	[spmem:s22] =	stream.linear.scatter [tilespmem:s10], [sflag:$0x1], $0x2000, $0x38;
	[tilespmem:$0x1E080] =	vst v63  }
0x5c4: {  	_ =	swait.ge [sflag:s12], $0x2000  }
0x5c5: {  	s5 =	sld [smem:$0x7EA]  }
0x5c6: {  	[sflag:s12] =	ssyncset.done $0x0  }
0x5c7: {  	[sflag:s12] =	ssyncadd.s32 $0xFFFFE000  }
0x5c8: {  	[spmem:s5] =	stream.linear.scatter [tilespmem:s10], [sflag:$0x1], $0x2000, $0x38;
	[tilespmem:$0x1E080] =	vst v63  }
0x5c9: {  	_ =	swait.ge [sflag:s12], $0x2000  }
0x5ca: {  	s1 =	sld [smem:$0x7EB]  }
0x5cb: {  	[sflag:s12] =	ssyncset.done $0x0  }
0x5cc: {  	[sflag:s12] =	ssyncadd.s32 $0xFFFFE000  }
0x5cd: {  	[spmem:s1] =	stream.linear.scatter [tilespmem:s10], [sflag:$0x1], $0x2000, $0x38;
	[tilespmem:$0x1E080] =	vst v63  }
0x5ce: {  	_ =	swait.ge [sflag:s12], $0x2000  }
0x5cf: {  	s3 =	sld [smem:$0x7EC]  }
0x5d0: {  	[sflag:s12] =	ssyncset.done $0x0  }
0x5d1: {  	[sflag:s12] =	ssyncadd.s32 $0xFFFFE000  }
0x5d2: {  	[spmem:s3] =	stream.linear.scatter [tilespmem:s10], [sflag:$0x1], $0x2000, $0x38;
	[tilespmem:$0x1E080] =	vst v63  }
0x5d3: {  	_ =	swait.ge [sflag:s12], $0x2000  }
0x5d4: {  	s4 =	sld [smem:$0x7ED]  }
0x5d5: {  	[sflag:s12] =	ssyncset.done $0x0  }
0x5d6: {  	[sflag:s12] =	ssyncadd.s32 $0xFFFFE000  }
0x5d7: {  	[spmem:s4] =	stream.linear.scatter [tilespmem:s10], [sflag:$0x1], $0x2000, $0x38;
	[tilespmem:$0x1E080] =	vst v63  }
0x5d8: {  	_ =	swait.ge [sflag:s12], $0x2000  }
0x5d9: {  	s5 =	sld [smem:$0x7EE]  }
0x5da: {  	[sflag:s12] =	ssyncset.done $0x0  }
0x5db: {  	[sflag:s12] =	ssyncadd.s32 $0xFFFFE000  }
0x5dc: {  	[spmem:s5] =	stream.linear.scatter [tilespmem:s10], [sflag:$0x1], $0x2000, $0x38;
	[tilespmem:$0x1E080] =	vst v63  }
0x5dd: {  	_ =	swait.ge [sflag:s12], $0x2000  }
0x5de: {  	s1 =	sld [smem:$0x7EF]  }
0x5df: {  	[sflag:s12] =	ssyncset.done $0x0  }
0x5e0: {  	[sflag:s12] =	ssyncadd.s32 $0xFFFFE000  }
0x5e1: {  	[spmem:s1] =	stream.linear.scatter [tilespmem:s10], [sflag:$0x1], $0x2000, $0x38;
	[tilespmem:$0x1E080] =	vst v63  }
0x5e2: {  	_ =	swait.ge [sflag:s12], $0x2000  }
0x5e3: {  	s3 =	sld [smem:$0x7F0]  }
0x5e4: {  	[sflag:s12] =	ssyncset.done $0x0  }
0x5e5: {  	[sflag:s12] =	ssyncadd.s32 $0xFFFFE000  }
0x5e6: {  	[spmem:s3] =	stream.linear.scatter [tilespmem:s10], [sflag:$0x1], $0x2000, $0x38;
	[tilespmem:$0x1E080] =	vst v63  }
0x5e7: {  	_ =	swait.ge [sflag:s12], $0x2000  }
0x5e8: {  	[sflag:s12] =	ssyncset.done $0x0  }
0x5e9: {  	[sflag:s12] =	ssyncadd.s32 $0xFFFFE000  }
0x5ea: {  	s4 =	simm.s32 $0x14800;
	[bflag:$0x0] =	sbarrier.arrive $0xFFFF  }
0x5eb: {  	[tilespmem:s29], [sflag:$0x1] =	stream.indirect.gather [hbm4b:s21+s25], $0x40, s4, s25, $0xb8;
	[tilespmem:$0x1E080] =	vst v63  }
0x5ec: {  	_ =	swait.ge [sflag:s12], $0x2000  }
0x5ed: {  	[sflag:s12] =	ssyncset.done $0x0  }
0x5ee: {  	s5 =	simm.s32 $0x16C00;
	[sflag:s12] =	ssyncadd.s32 $0xFFFFE000  }
0x5ef: {  	[spmem:s15] =	stream.indirect.scatter.add.f32 [tilespmem:s29], [sflag:$0x1], $0x40, s5, s25, $0xb8;
	[tilespmem:$0x1E080] =	vst v63  }
0x5f0: {  	_ =	swait.ge [sflag:s12], $0x2000  }
0x5f1: {  	s0 =	simm.s32 $0x80;
	s3 =	simm.s32 $0x400;
	[sflag:s12] =	ssyncset.done $0x0  }
.LBB2_59:
0x5f2: {  	s1 =	sadd.s32 $0x14800, s0  }
0x5f3: {  	[sflag:s12] =	ssyncadd.s32 $0xFFFFE000;
	s4 =	smov.u32 s3;
	s5 =	sadd.s32 $0x200, s3  }
0x5f4: {  	[tilespmem:s29], [sflag:$0x1] =	stream.indirect.gather [hbm4b:s21+s25], $0x40, s1, s25, $0xb8;
	[tilespmem:$0x1E080] =	vst v63  }
0x5f5: {  	p0 =	seq.s32 s3, $0x4600;
	_ =	swait.ge [sflag:s12], $0x2000  }
.Ltmp29:
0x5f6: {  	[sflag:s12] =	ssyncset.done $0x0;
	(pc) =	sbr.rel @!p0 .LBB2_59-.Ltmp29, $4  }
0x5f7: {  	s0 =	sadd.s32 $0x16C00, s0;
	[sflag:s12] =	ssyncadd.s32 $0xFFFFE000  }
0x5f8: {  	[spmem:s15] =	stream.indirect.scatter.add.f32 [tilespmem:s29], [sflag:$0x1], $0x40, s0, s25, $0xb8;
	[tilespmem:$0x1E080] =	vst v63  }
0x5f9: {  	_ =	swait.ge [sflag:s12], $0x2000  }
0x5fa: {  	s3 =	smov.u32 s5;
	s0 =	sshra.s32 s4, $0x2;
	[sflag:s12] =	ssyncset.done $0x0  }
0x5fb: {  	s1 =	sadd.s32 $0x14800, s0;
	[sflag:s12] =	ssyncadd.s32 $0xFFFFE000  }
0x5fc: {  	[tilespmem:s29], [sflag:$0x1] =	stream.indirect.gather [hbm4b:s21+s25], $0x40, s1, s25, $0xb8;
	[tilespmem:$0x1E080] =	vst v63  }
0x5fd: {  	_ =	swait.ge [sflag:s12], $0x2000  }
0x5fe: {  	[sflag:s12] =	ssyncset.done $0x0  }
0x5ff: {  	s3 =	sadd.s32 $0x16C00, s0;
	[sflag:s12] =	ssyncadd.s32 $0xFFFFE000  }
0x600: {  	[spmem:s15] =	stream.indirect.scatter.add.f32 [tilespmem:s29], [sflag:$0x1], $0x40, s3, s25, $0xb8;
	[tilespmem:$0x1E080] =	vst v63  }
0x601: {  	_ =	swait.ge [sflag:s12], $0x2000  }
0x602: {  	[sflag:s12] =	ssyncset.done $0x0  }
0x603: {  	s4 =	simm.s32 $0x15A00;
	[sflag:s12] =	ssyncadd.s32 $0xFFFFE000  }
0x604: {  	[tilespmem:s29], [sflag:$0x1] =	stream.indirect.gather [hbm4b:s24+s25], $0x40, s4, s25, $0xb8;
	[tilespmem:$0x1E080] =	vst v63  }
0x605: {  	_ =	swait.ge [sflag:s12], $0x2000  }
0x606: {  	[sflag:s12] =	ssyncset.done $0x0  }
0x607: {  	s5 =	simm.s32 $0x17E00;
	[sflag:s12] =	ssyncadd.s32 $0xFFFFE000  }
0x608: {  	[spmem:s15] =	stream.indirect.scatter.add.f32 [tilespmem:s29], [sflag:$0x1], $0x40, s5, s25, $0xb8;
	[tilespmem:$0x1E080] =	vst v63  }
0x609: {  	_ =	swait.ge [sflag:s12], $0x2000  }
0x60a: {  	s0 =	simm.s32 $0x80;
	s3 =	simm.s32 $0x400;
	[sflag:s12] =	ssyncset.done $0x0  }
.LBB2_61:
0x60b: {  	s1 =	sadd.s32 $0x15A00, s0  }
0x60c: {  	[sflag:s12] =	ssyncadd.s32 $0xFFFFE000;
	s4 =	smov.u32 s3;
	s5 =	sadd.s32 $0x200, s3  }
0x60d: {  	[tilespmem:s29], [sflag:$0x1] =	stream.indirect.gather [hbm4b:s24+s25], $0x40, s1, s25, $0xb8;
	[tilespmem:$0x1E080] =	vst v63  }
0x60e: {  	p0 =	sne.s32 s3, $0x4600;
	_ =	swait.ge [sflag:s12], $0x2000  }
.Ltmp30:
0x60f: {  	[sflag:s12] =	ssyncset.done $0x0;
	(pc) =	sbr.rel @p0 .LBB2_61-.Ltmp30, $4  }
0x610: {  	s0 =	sadd.s32 $0x17E00, s0;
	[sflag:s12] =	ssyncadd.s32 $0xFFFFE000  }
0x611: {  	[spmem:s15] =	stream.indirect.scatter.add.f32 [tilespmem:s29], [sflag:$0x1], $0x40, s0, s25, $0xb8;
	[tilespmem:$0x1E080] =	vst v63  }
0x612: {  	_ =	swait.ge [sflag:s12], $0x2000  }
0x613: {  	s3 =	smov.u32 s5;
	s0 =	sshra.s32 s4, $0x2;
	[sflag:s12] =	ssyncset.done $0x0  }
0x614: {  	s1 =	sadd.s32 $0x15A00, s0;
	[sflag:s12] =	ssyncadd.s32 $0xFFFFE000  }
0x615: {  	[tilespmem:s29], [sflag:$0x1] =	stream.indirect.gather [hbm4b:s24+s25], $0x40, s1, s25, $0xb8;
	[tilespmem:$0x1E080] =	vst v63  }
0x616: {  	_ =	swait.ge [sflag:s12], $0x2000  }
0x617: {  	[sflag:s12] =	ssyncset.done $0x0  }
0x618: {  	s4 =	sadd.s32 $0x17E00, s0;
	[sflag:s12] =	ssyncadd.s32 $0xFFFFE000  }
0x619: {  	[spmem:s15] =	stream.indirect.scatter.add.f32 [tilespmem:s29], [sflag:$0x1], $0x40, s4, s25, $0xb8;
	[tilespmem:$0x1E080] =	vst v63  }
0x61a: {  	_ =	swait.ge [sflag:s12], $0x2000  }
0x61b: {  	[sflag:s12] =	ssyncset.done $0x0  }
0x61c: {  	[sflag:s12] =	ssyncadd.s32 $0xFFFFE000  }
0x61d: {  	[bflag:$0x0] =	sbarrier.arrive $0xFFFF  }
0x61e: {  	[tilespmem:s29], [sflag:$0x1] =	stream.linear.gather [spmem:s22], $0x2000, $0x38;
	[tilespmem:$0x1E080] =	vst v63  }
0x61f: {  	_ =	swait.ge [sflag:s12], $0x2000  }
0x620: {  	s5 =	sld [smem:$0x7D2]  }
0x621: {  	[sflag:s12] =	ssyncset.done $0x0  }
0x622: {  	[sflag:s12] =	ssyncadd.s32 $0xFFFFE000  }
0x623: {  	[hbm4b:s5+s31] =	stream.linear.scatter [tilespmem:s29], [sflag:$0x1], $0x2000, $0x38;
	[tilespmem:$0x1E080] =	vst v63  }
0x624: {  	_ =	swait.ge [sflag:s12], $0x2000  }
0x625: {  	[sflag:s12] =	ssyncset.done $0x0  }
0x626: {  	[sflag:s12] =	ssyncadd.s32 $0xFFFFE000  }
0x627: {  	[tilespmem:s29], [sflag:$0x1] =	stream.linear.gather [spmem:s8], $0x2000, $0x38;
	[tilespmem:$0x1E080] =	vst v63  }
0x628: {  	_ =	swait.ge [sflag:s12], $0x2000  }
0x629: {  	s8 =	sld [smem:$0x7D3]  }
0x62a: {  	[sflag:s12] =	ssyncset.done $0x0  }
0x62b: {  	[sflag:s12] =	ssyncadd.s32 $0xFFFFE000  }
0x62c: {  	[hbm4b:s8+s31] =	stream.linear.scatter [tilespmem:s29], [sflag:$0x1], $0x2000, $0x38;
	[tilespmem:$0x1E080] =	vst v63  }
0x62d: {  	_ =	swait.ge [sflag:s12], $0x2000  }
0x62e: {  	[sflag:s12] =	ssyncset.done $0x0  }
0x62f: {  	[sflag:s12] =	ssyncadd.s32 $0xFFFFE000  }
0x630: {  	[tilespmem:s29], [sflag:$0x1] =	stream.linear.gather [spmem:s23], $0x2000, $0x38;
	[tilespmem:$0x1E080] =	vst v63  }
0x631: {  	_ =	swait.ge [sflag:s12], $0x2000  }
0x632: {  	s1 =	sld [smem:$0x7D4]  }
0x633: {  	[sflag:s12] =	ssyncset.done $0x0  }
0x634: {  	[sflag:s12] =	ssyncadd.s32 $0xFFFFE000  }
0x635: {  	[hbm4b:s1+s31] =	stream.linear.scatter [tilespmem:s29], [sflag:$0x1], $0x2000, $0x38;
	[tilespmem:$0x1E080] =	vst v63  }
0x636: {  	_ =	swait.ge [sflag:s12], $0x2000  }
0x637: {  	[sflag:s12] =	ssyncset.done $0x0  }
0x638: {  	[sflag:s12] =	ssyncadd.s32 $0xFFFFE000  }
0x639: {  	[tilespmem:s29], [sflag:$0x1] =	stream.linear.gather [spmem:s6], $0x2000, $0x38;
	[tilespmem:$0x1E080] =	vst v63  }
0x63a: {  	_ =	swait.ge [sflag:s12], $0x2000  }
0x63b: {  	s3 =	sld [smem:$0x7D5]  }
0x63c: {  	[sflag:s12] =	ssyncset.done $0x0  }
0x63d: {  	[sflag:s12] =	ssyncadd.s32 $0xFFFFE000  }
0x63e: {  	[hbm4b:s3+s31] =	stream.linear.scatter [tilespmem:s29], [sflag:$0x1], $0x2000, $0x38;
	[tilespmem:$0x1E080] =	vst v63  }
0x63f: {  	_ =	swait.ge [sflag:s12], $0x2000  }
0x640: {  	[sflag:s12] =	ssyncset.done $0x0  }
0x641: {  	[sflag:s12] =	ssyncadd.s32 $0xFFFFE000  }
0x642: {  	[tilespmem:s29], [sflag:$0x1] =	stream.linear.gather [spmem:s7], $0x2000, $0x38;
	[tilespmem:$0x1E080] =	vst v63  }
0x643: {  	_ =	swait.ge [sflag:s12], $0x2000  }
0x644: {  	s4 =	sld [smem:$0x7D6]  }
0x645: {  	[sflag:s12] =	ssyncset.done $0x0  }
0x646: {  	[sflag:s12] =	ssyncadd.s32 $0xFFFFE000  }
0x647: {  	[hbm4b:s4+s31] =	stream.linear.scatter [tilespmem:s29], [sflag:$0x1], $0x2000, $0x38;
	[tilespmem:$0x1E080] =	vst v63  }
0x648: {  	_ =	swait.ge [sflag:s12], $0x2000  }
0x649: {  	[sflag:s12] =	ssyncset.done $0x0  }
0x64a: {  	[sflag:s12] =	ssyncadd.s32 $0xFFFFE000  }
0x64b: {  	[tilespmem:s29], [sflag:$0x1] =	stream.linear.gather [spmem:s9], $0x2000, $0x38;
	[tilespmem:$0x1E080] =	vst v63  }
0x64c: {  	_ =	swait.ge [sflag:s12], $0x2000  }
0x64d: {  	s5 =	sld [smem:$0x7D7]  }
0x64e: {  	[sflag:s12] =	ssyncset.done $0x0  }
0x64f: {  	[sflag:s12] =	ssyncadd.s32 $0xFFFFE000  }
0x650: {  	[hbm4b:s5+s31] =	stream.linear.scatter [tilespmem:s29], [sflag:$0x1], $0x2000, $0x38;
	[tilespmem:$0x1E080] =	vst v63  }
0x651: {  	_ =	swait.ge [sflag:s12], $0x2000  }
0x652: {  	s6 =	sld [smem:$0x7DF]  }
0x653: {  	[sflag:s12] =	ssyncset.done $0x0  }
0x654: {  	[sflag:s12] =	ssyncadd.s32 $0xFFFFE000  }
0x655: {  	[tilespmem:s29], [sflag:$0x1] =	stream.linear.gather [spmem:s6], $0x2000, $0x38;
	[tilespmem:$0x1E080] =	vst v63  }
0x656: {  	_ =	swait.ge [sflag:s12], $0x2000  }
0x657: {  	s7 =	sld [smem:$0x7D8]  }
0x658: {  	[sflag:s12] =	ssyncset.done $0x0  }
0x659: {  	[sflag:s12] =	ssyncadd.s32 $0xFFFFE000  }
0x65a: {  	[hbm4b:s7+s31] =	stream.linear.scatter [tilespmem:s29], [sflag:$0x1], $0x2000, $0x38;
	[tilespmem:$0x1E080] =	vst v63  }
0x65b: {  	_ =	swait.ge [sflag:s12], $0x2000  }
0x65c: {  	s8 =	sld [smem:$0x7E0]  }
0x65d: {  	[sflag:s12] =	ssyncset.done $0x0  }
0x65e: {  	[sflag:s12] =	ssyncadd.s32 $0xFFFFE000  }
0x65f: {  	[tilespmem:s29], [sflag:$0x1] =	stream.linear.gather [spmem:s8], $0x2000, $0x38;
	[tilespmem:$0x1E080] =	vst v63  }
0x660: {  	_ =	swait.ge [sflag:s12], $0x2000  }
0x661: {  	s9 =	sld [smem:$0x7D9]  }
0x662: {  	[sflag:s12] =	ssyncset.done $0x0  }
0x663: {  	[sflag:s12] =	ssyncadd.s32 $0xFFFFE000  }
0x664: {  	[hbm4b:s9+s31] =	stream.linear.scatter [tilespmem:s29], [sflag:$0x1], $0x2000, $0x38;
	[tilespmem:$0x1E080] =	vst v63  }
0x665: {  	_ =	swait.ge [sflag:s12], $0x2000  }
0x666: {  	s23 =	sld [smem:$0x7DE];
	_ =	sdelay $0x1  }
0x667: {  	s30 =	sadd.s32 $0x1, s30  }
0x668: {  	p0 =	sne.s32 s30, s23  }
.Ltmp31:
0x669: {  	_ = 	snop;
	(pc) =	sbr.rel @p0 .LBB2_1-.Ltmp31, $4  }
.Ltmp32:
0x66a: {  	_ = 	snop;
	(pc) =	sbr.rel @!p0 .LBB2_63-.Ltmp32, $4  }
0x66b: {  	_ = 	snop  }
0x66c: {  	[sflag:s12] =	ssyncset.done $0x0  }
0x66d: {  	[sflag:s12] =	ssyncadd.s32 $0xFFFFE000  }
0x66e: {  	_ = 	snop  }
.LBB2_43:
.Ltmp33:
0x66f: {  	(pc) =	sbr.rel .LBB2_46-.Ltmp33, $2  }
0x670: {  	_ =	sdelay $0x2  }
0x671: {  	s3 =	simm.s32 $0x200  }
.LBB2_63:
0x672: {  	_ =	sfence.sel $0x180000  }
0x673: {  	[bflag:$0x0] =	sbarrier.arrive $0xFFFF  }
0x674: {  	_ =	strace $0x90000047  }
0x675: {  	s0 =	stileid.u32;
	[bflag:$0x2] =	sbarrier.arrive $0xFFFF  }
0x676: {  	p0 =	sne.s32 s0, $0x0;
	s0 =	rddreg [dreg:$0x6]  }
0x677: {  	s0 =	sadd.s32 @!p0 $0x100000, s0  }
0x678: {  	[sflag:s0] =	ssyncadd.tile.s32 @!p0 $0x1;
	_ =	shalt  }
.Lfunc_end2:
_tile_overlayer_lowered:
.L_overlay_start_2:
0x679: {  	(tag) =	ssettag $0x2  }
0x67a: {  	s0 =	rddreg [dreg:$0x0];
	s2 =	stileid.u32  }
0x67b: {  	s1 =	rddreg [dreg:$0x1];
	p0 =	sne.s32 s2, $0x0  }
0x67c: {  	s3 =	rddreg [dreg:$0x2];
	[bflag:$0x3] =	sbarrier.arrive $0xFFFF;
	s2 =	simm.s32 @!p0 $0x1C01  }
0x67d: {  	[timem:s3], [sflag:s2] =	dma.local @!p0 [hbm:s0], s1  }
0x67e: {  	s0 =	simm.s32 @!p0 $0x1  }
0x67f: {  	_ =	swait.ge @!p0 [sflag:s0], s1  }
0x680: {  	s1 =	ssub.s32 @!p0 $0x0, s1;
	[sflag:s0] =	ssyncset.done @!p0 $0x0  }
0x681: {  	[sflag:s0] =	ssyncadd.s32 @!p0 s1  }
0x682: {  	[bflag:$0x3] =	sbarrier.arrive $0xFFFF  }
0x683: {  	_ =	shalt  }

</sc_bundles>
